<compile_context>
chip_gen: v7x
topology: tpu7x:2x2x1
jax: 0.10.2.dev20260603
libtpu: 0.0.44.dev20260713+nightly
codegen_flags: <defaults>
</compile_context>

<pallas_src>
import functools

import numpy as np
import jax
import jax.numpy as jnp
from jax import lax
from jax.experimental import pallas as pl
from jax.experimental.pallas import tpu as pltpu
from jax.experimental.pallas import tpu_sc as plsc

N = 10000
E = 320000
F = 128
H = 128
C = 32
L = 16

NC, NS = 2, 16
NW = NC * NS
E_PAD = 327680
NP = 10112

ROWS_SUB = NP // NS


def _sc_mesh():
    return plsc.VectorSubcoreMesh(
        core_axis_name="c", subcore_axis_name="s", num_cores=NC, num_subcores=NS
    )


def _make_seg(width, k, with_deg, dtype=jnp.float32, nb=2):
    chunks = E_PAD // (NW * k)
    out_type = [jax.ShapeDtypeStruct((NC, NP, width), dtype)]
    scratch = [
        pltpu.VMEM((chunks * k,), jnp.int32),
        pltpu.VMEM((chunks, k), jnp.int32),
        pltpu.VMEM((nb, k, width), dtype),
        pltpu.VMEM_SHARED((NP, width), dtype),
        pltpu.SemaphoreType.DMA,
    ]
    if with_deg:
        out_type.append(jax.ShapeDtypeStruct((NW, NP), jnp.float32))
        scratch.append(pltpu.VMEM((NP,), jnp.float32))

    @functools.partial(
        pl.kernel,
        out_type=out_type,
        mesh=_sc_mesh(),
        compiler_params=pltpu.CompilerParams(
            use_tc_tiling_on_sc=False, needs_layout_passes=False
        ),
        scratch_types=scratch,
    )
    def seg(table, srcp, dstp, zrows, *rest):
        if with_deg:
            out, deg_out, idx_s, idx_d, rows, acc, sem, deg_l = rest
        else:
            out, idx_s, idx_d, rows, acc, sem = rest
        c = lax.axis_index("c")
        s = lax.axis_index("s")
        w = c * NS + s
        stage = rows.at[0]

        zbase = s * ROWS_SUB
        pltpu.sync_copy(zrows, stage)
        nz = ROWS_SUB // k
        for i in range(nz):
            pltpu.sync_copy(stage, acc.at[pl.ds(zbase + i * k, k)])
        rem = ROWS_SUB % k
        if rem:
            pltpu.sync_copy(
                stage.at[pl.ds(0, rem)],
                acc.at[pl.ds(zbase + nz * k, rem)],
            )
        if with_deg:
            zs = jnp.zeros((L,), jnp.float32)

            def zero_deg(i, carry):
                deg_l[pl.ds(i * L, L)] = zs
                return carry

            lax.fori_loop(0, NP // L, zero_deg, 0)
        plsc.subcore_barrier()

        pltpu.sync_copy(srcp.at[pl.ds(w * chunks * k, chunks * k)], idx_s)
        pltpu.sync_copy(dstp.at[pl.ds(w * chunks, chunks)], idx_d)

        def gather(j, buf):
            pltpu.async_copy(table.at[idx_s.at[pl.ds(j * k, k)]], rows.at[buf], sem)

        for b in range(nb - 1):
            gather(b, b)
        ones = jnp.full((L,), 1.0, jnp.float32)

        def body(t, carry):
            for b in range(nb):
                j = nb * t + b
                pltpu.make_async_copy(table.at[pl.ds(0, k)], rows.at[b], sem).wait()
                gather((j + nb - 1) % chunks, (j + nb - 1) % nb)
                pltpu.sync_copy(rows.at[b], acc.at[idx_d.at[j]], add=True)
                if with_deg:
                    for m in range(k // L):
                        dv = idx_d[j, pl.ds(m * L, L)]
                        plsc.addupdate_scatter(deg_l, [dv], ones)
            return carry

        lax.fori_loop(0, chunks // nb, body, 0)
        for b in range(nb - 1):
            pltpu.make_async_copy(table.at[pl.ds(0, k)], rows.at[b], sem).wait()
        plsc.subcore_barrier()

        pltpu.sync_copy(
            acc.at[pl.ds(zbase, ROWS_SUB)], out.at[c, pl.ds(zbase, ROWS_SUB)]
        )
        if with_deg:
            pltpu.sync_copy(deg_l, deg_out.at[w])

    return seg


_make_seg = functools.lru_cache(maxsize=None)(_make_seg)

_DOT = dict(preferred_element_type=jnp.float32)


def _tc_head(x, agg, degs, ws1, wn1, b1, ws2, wn2, b2):
    R = 2000

    def body(x_ref, a_ref, d_ref, ws1_ref, wn1_ref, b1_ref, ws2_ref, wn2_ref,
             b2_ref, p_ref, q_ref, inv_ref):
        agg_v = a_ref[0].astype(jnp.float32) + a_ref[1].astype(jnp.float32)
        deg = jnp.sum(d_ref[...], axis=1, keepdims=True)
        inv = 1.0 / jnp.maximum(deg, 1.0)
        hn = agg_v * inv
        xv = x_ref[...]
        h = (jnp.dot(xv, ws1_ref[...], **_DOT)
             + jnp.dot(hn, wn1_ref[...], **_DOT) + b1_ref[...])
        h = jnp.maximum(h, 0.0)
        p_ref[...] = jnp.dot(h, wn2_ref[...], **_DOT)
        q_ref[...] = jnp.dot(h, ws2_ref[...], **_DOT) + b2_ref[...]
        inv_ref[...] = jnp.broadcast_to(inv, (R, 8))

    fixed = lambda shape: pl.BlockSpec(shape, lambda i: (0,) * len(shape))
    return pl.pallas_call(
        body,
        grid=(N // R,),
        in_specs=[
            pl.BlockSpec((R, F), lambda i: (i, 0)),
            pl.BlockSpec((NC, R, F), lambda i: (0, i, 0)),
            pl.BlockSpec((R, NW), lambda i: (i, 0)),
            fixed((F, H)),
            fixed((F, H)),
            fixed((1, H)),
            fixed((H, C)),
            fixed((H, C)),
            fixed((1, C)),
        ],
        out_specs=[
            pl.BlockSpec((R, C), lambda i: (i, 0)),
            pl.BlockSpec((R, C), lambda i: (i, 0)),
            pl.BlockSpec((R, 8), lambda i: (i, 0)),
        ],
        out_shape=[
            jax.ShapeDtypeStruct((N, C), jnp.float32),
            jax.ShapeDtypeStruct((N, C), jnp.float32),
            jax.ShapeDtypeStruct((N, 8), jnp.float32),
        ],
    )(x, agg, degs, ws1, wn1, b1, ws2, wn2, b2)


def _tc_tail(q, agg2, inv8):
    R = 2000

    def body(q_ref, a_ref, inv_ref, o_ref):
        a = a_ref[0] + a_ref[1]
        o_ref[...] = q_ref[...] + a * inv_ref[:, 0:1]

    return pl.pallas_call(
        body,
        grid=(N // R,),
        in_specs=[
            pl.BlockSpec((R, C), lambda i: (i, 0)),
            pl.BlockSpec((NC, R, C), lambda i: (0, i, 0)),
            pl.BlockSpec((R, 8), lambda i: (i, 0)),
        ],
        out_specs=pl.BlockSpec((R, C), lambda i: (i, 0)),
        out_shape=jax.ShapeDtypeStruct((N, C), jnp.float32),
    )(q, agg2, inv8)


def kernel(features, edge_index, W_self1, W_neigh1, b1, W_self2, W_neigh2, b2):
    x = features.astype(jnp.float32)
    src = edge_index[0].astype(jnp.int32)
    dst = edge_index[1].astype(jnp.int32)

    npad = E_PAD - E
    pad_src = jnp.asarray(np.arange(npad, dtype=np.int32) % 64)
    pad_dst = jnp.asarray(N + (np.arange(npad, dtype=np.int32) % (NP - N)))
    srcp = jnp.concatenate([src, pad_src])
    dstp = jnp.concatenate([dst, pad_dst])

    kw, kn = 64, 128
    xb = x.astype(jnp.bfloat16)
    agg, degs = _make_seg(F, kw, True, jnp.bfloat16, nb=8)(
        xb, srcp, dstp.reshape(E_PAD // kw, kw), jnp.zeros((kw, F), jnp.bfloat16))
    p, q, inv8 = _tc_head(x, agg, degs.T, W_self1, W_neigh1,
                          b1.reshape(1, H), W_self2, W_neigh2, b2.reshape(1, C))
    agg2 = _make_seg(C, kn, False, nb=8)(p, srcp, dstp.reshape(E_PAD // kn, kn),
                                         jnp.zeros((kn, C), jnp.float32))[0]
    return _tc_tail(q, agg2, inv8)

# --- scband reference (transcript-rebuilt; emitter-appended) ---
"""Pipeline reference for scband-drug-gnn-20426864459786 (READ-ONLY COPY).

The authoritative reference and input builder live on the scoring server;
editing this copy changes nothing except your own understanding.
"""

import jax, jax.numpy as jnp
import numpy as np

N_NODES = 10000
N_EDGES = 320000
IN_FEATS = 128
HIDDEN_FEATS = 128
NUM_CLASSES = 32


def _sage_conv(x, src, dst, w_self, w_neigh, b, n_nodes):
    # DGL SAGEConv with aggregator_type='mean':
    #   h_neigh = mean_{u in N(v)} x_u   (zero-in-degree nodes get 0)
    #   rst = fc_self(h_v) + fc_neigh(h_neigh) + bias
    msg = jnp.take(x, src, axis=0)
    agg = jax.ops.segment_sum(msg, dst, num_segments=n_nodes)
    deg = jax.ops.segment_sum(jnp.ones((src.shape[0],), dtype=x.dtype), dst, num_segments=n_nodes)
    deg = jnp.clip(deg, 1.0, None)[:, None]
    h_neigh = agg / deg
    return x @ w_self + h_neigh @ w_neigh + b


def setup_inputs(seed: int = 0) -> dict:
    key = jax.random.key(seed)
    k1, k2, k3, k4, k5, k6, k7, k8 = jax.random.split(key, 8)
    features = jax.random.normal(k1, (N_NODES, IN_FEATS), dtype=jnp.float32)
    edge_index = jax.random.randint(k2, (2, N_EDGES), 0, N_NODES, dtype=jnp.int64)
    s1 = 1.0 / np.sqrt(IN_FEATS)
    s2 = 1.0 / np.sqrt(HIDDEN_FEATS)
    W_self1 = jax.random.uniform(k3, (IN_FEATS, HIDDEN_FEATS), jnp.float32, -s1, s1)
    W_neigh1 = jax.random.uniform(k4, (IN_FEATS, HIDDEN_FEATS), jnp.float32, -s1, s1)
    b1 = jnp.zeros((HIDDEN_FEATS,), dtype=jnp.float32)
    W_self2 = jax.random.uniform(k5, (HIDDEN_FEATS, NUM_CLASSES), jnp.float32, -s2, s2)
    W_neigh2 = jax.random.uniform(k6, (HIDDEN_FEATS, NUM_CLASSES), jnp.float32, -s2, s2)
    b2 = jnp.zeros((NUM_CLASSES,), dtype=jnp.float32)
    return {
        "features": features,
        "edge_index": edge_index,
        "W_self1": W_self1,
        "W_neigh1": W_neigh1,
        "b1": b1,
        "W_self2": W_self2,
        "W_neigh2": W_neigh2,
        "b2": b2,
    }


def reference(features, edge_index, W_self1, W_neigh1, b1, W_self2, W_neigh2, b2):
    n = features.shape[0]
    src = edge_index[0]
    dst = edge_index[1]
    h = _sage_conv(features, src, dst, W_self1, W_neigh1, b1, n)
    h = jax.nn.relu(h)
    h = _sage_conv(h, src, dst, W_self2, W_neigh2, b2, n)
    return h

if __name__ == "__main__":
    import jax
    _d = setup_inputs()
    print(jax.jit(kernel)(*tuple(_d.values())))

</pallas_src>

<mosaic_0001>
#map = affine_map<(d0, d1) -> (0, 0)>
#map1 = affine_map<(d0, d1) -> (0)>
#map2 = affine_map<(d0, d1) -> (0, 0, 0)>
module attributes {stable_mosaic.version = 14 : i64} {
  func.func @seg(%arg0: i32, %arg1: i32, %arg2: memref<10000x32xf32, #tpu.memory_space<hbm>>, %arg3: memref<327680xi32, #tpu.memory_space<hbm>>, %arg4: memref<2560x128xi32, #tpu.memory_space<hbm>>, %arg5: memref<128x32xf32, #tpu.memory_space<hbm>>, %arg6: memref<2x10112x32xf32, #tpu.memory_space<hbm>>, %arg7: memref<10240xi32, #tpu.memory_space<vmem>>, %arg8: memref<80x128xi32, #tpu.memory_space<vmem>>, %arg9: memref<8x128x32xf32, #tpu.memory_space<vmem>>, %arg10: memref<10112x32xf32, #tpu.memory_space<vmem_shared>>, %arg11: memref<!tpu.dma_semaphore, #tpu.memory_space<semaphore_mem>>) attributes {dimension_semantics = [#tpu.dimension_semantics<core_parallel>, #tpu.dimension_semantics<subcore_parallel>], iteration_bounds = array<i64: 2, 16>, scalar_prefetch = 0 : i64, scratch_operands = 5 : i64, tpu.core_type = #tpu.core_type<sc_vector_subcore>, window_params = [{transform_indices = #map}, {transform_indices = #map1}, {transform_indices = #map}, {transform_indices = #map}, {transform_indices = #map2}]} {
    %mul3A = arith.constant 16 : i32
    %mul3A_0 = arith.muli %arg0, %mul3A : i32
    %add3A = arith.addi %mul3A_0, %arg1 : i32
    %mul3A_1 = arith.constant 632 : i32
    %mul3A_2 = arith.muli %arg1, %mul3A_1 : i32
    %run_scoped3A = arith.constant 0 : i32
    "tpu.region"() ({
      %run_scoped3A_204 = tpu.sem_alloc : memref<!tpu.dma_semaphore, #tpu.memory_space<semaphore_mem>>
      %dma_start3A_205 = arith.constant 0 : i32
      %dma_start3A_206 = arith.constant 0 : i32
      %dma_start3A_207 = tpu.memref_slice %arg9[%run_scoped3A, %dma_start3A_205, %dma_start3A_206] : memref<8x128x32xf32, #tpu.memory_space<vmem>> -> memref<1x128x32xf32, #tpu.memory_space<vmem>>
      %dma_start3A_208 = tpu.memref_squeeze %dma_start3A_207 : memref<1x128x32xf32, #tpu.memory_space<vmem>> -> memref<128x32xf32, #tpu.memory_space<vmem>>
      %dma_start3A_209 = arith.constant 0 : i32
      %dma_start3A_210 = arith.constant 0 : i32
      %dma_start3A_211 = tpu.memref_slice %arg9[%run_scoped3A, %dma_start3A_209, %dma_start3A_210] : memref<8x128x32xf32, #tpu.memory_space<vmem>> -> memref<1x128x32xf32, #tpu.memory_space<vmem>>
      %dma_start3A_212 = tpu.memref_squeeze %dma_start3A_211 : memref<1x128x32xf32, #tpu.memory_space<vmem>> -> memref<128x32xf32, #tpu.memory_space<vmem>>
      tpu.enqueue_dma source(%arg5 : memref<128x32xf32, #tpu.memory_space<hbm>>) target(%dma_start3A_212 : memref<128x32xf32, #tpu.memory_space<vmem>>) target_semaphore(%run_scoped3A_204 : memref<!tpu.dma_semaphore, #tpu.memory_space<semaphore_mem>>)
      %dma_wait3A_213 = arith.constant 0 : i32
      %dma_wait3A_214 = arith.constant 0 : i32
      %dma_wait3A_215 = tpu.memref_slice %arg9[%run_scoped3A, %dma_wait3A_213, %dma_wait3A_214] : memref<8x128x32xf32, #tpu.memory_space<vmem>> -> memref<1x128x32xf32, #tpu.memory_space<vmem>>
      %dma_wait3A_216 = tpu.memref_squeeze %dma_wait3A_215 : memref<1x128x32xf32, #tpu.memory_space<vmem>> -> memref<128x32xf32, #tpu.memory_space<vmem>>
      %dma_wait3A_217 = arith.constant 0 : i32
      %dma_wait3A_218 = arith.constant 0 : i32
      %dma_wait3A_219 = tpu.memref_slice %arg9[%run_scoped3A, %dma_wait3A_217, %dma_wait3A_218] : memref<8x128x32xf32, #tpu.memory_space<vmem>> -> memref<1x128x32xf32, #tpu.memory_space<vmem>>
      %dma_wait3A_220 = tpu.memref_squeeze %dma_wait3A_219 : memref<1x128x32xf32, #tpu.memory_space<vmem>> -> memref<128x32xf32, #tpu.memory_space<vmem>>
      tpu.wait_dma2 semaphore(%run_scoped3A_204 : memref<!tpu.dma_semaphore, #tpu.memory_space<semaphore_mem>>) src(%arg5 : memref<128x32xf32, #tpu.memory_space<hbm>>) dst(%dma_wait3A_220 : memref<128x32xf32, #tpu.memory_space<vmem>>)
      tpu.yield
    }) : () -> ()
    %add3A_3 = arith.constant 0 : i32
    %add3A_4 = arith.addi %mul3A_2, %add3A_3 : i32
    %run_scoped3A_5 = arith.constant 0 : i32
    "tpu.region"() ({
      %run_scoped3A_204 = tpu.sem_alloc : memref<!tpu.dma_semaphore, #tpu.memory_space<semaphore_mem>>
      %dma_start3A_205 = arith.constant 0 : i32
      %dma_start3A_206 = arith.constant 0 : i32
      %dma_start3A_207 = tpu.memref_slice %arg9[%run_scoped3A_5, %dma_start3A_205, %dma_start3A_206] : memref<8x128x32xf32, #tpu.memory_space<vmem>> -> memref<1x128x32xf32, #tpu.memory_space<vmem>>
      %dma_start3A_208 = tpu.memref_squeeze %dma_start3A_207 : memref<1x128x32xf32, #tpu.memory_space<vmem>> -> memref<128x32xf32, #tpu.memory_space<vmem>>
      %dma_start3A_209 = arith.constant 0 : i32
      %dma_start3A_210 = tpu.memref_slice %arg10[%add3A_4, %dma_start3A_209] : memref<10112x32xf32, #tpu.memory_space<vmem_shared>> -> memref<128x32xf32, #tpu.memory_space<vmem_shared>>
      %dma_start3A_211 = arith.constant 0 : i32
      %dma_start3A_212 = tpu.memref_slice %arg10[%add3A_4, %dma_start3A_211] : memref<10112x32xf32, #tpu.memory_space<vmem_shared>> -> memref<128x32xf32, #tpu.memory_space<vmem_shared>>
      %dma_start3A_213 = arith.constant 0 : i32
      %dma_start3A_214 = arith.constant 0 : i32
      %dma_start3A_215 = tpu.memref_slice %arg9[%run_scoped3A_5, %dma_start3A_213, %dma_start3A_214] : memref<8x128x32xf32, #tpu.memory_space<vmem>> -> memref<1x128x32xf32, #tpu.memory_space<vmem>>
      %dma_start3A_216 = tpu.memref_squeeze %dma_start3A_215 : memref<1x128x32xf32, #tpu.memory_space<vmem>> -> memref<128x32xf32, #tpu.memory_space<vmem>>
      tpu.enqueue_dma source(%dma_start3A_216 : memref<128x32xf32, #tpu.memory_space<vmem>>) target(%dma_start3A_212 : memref<128x32xf32, #tpu.memory_space<vmem_shared>>) target_semaphore(%run_scoped3A_204 : memref<!tpu.dma_semaphore, #tpu.memory_space<semaphore_mem>>)
      %dma_wait3A_217 = arith.constant 0 : i32
      %dma_wait3A_218 = arith.constant 0 : i32
      %dma_wait3A_219 = tpu.memref_slice %arg9[%run_scoped3A_5, %dma_wait3A_217, %dma_wait3A_218] : memref<8x128x32xf32, #tpu.memory_space<vmem>> -> memref<1x128x32xf32, #tpu.memory_space<vmem>>
      %dma_wait3A_220 = tpu.memref_squeeze %dma_wait3A_219 : memref<1x128x32xf32, #tpu.memory_space<vmem>> -> memref<128x32xf32, #tpu.memory_space<vmem>>
      %dma_wait3A_221 = arith.constant 0 : i32
      %dma_wait3A_222 = tpu.memref_slice %arg10[%add3A_4, %dma_wait3A_221] : memref<10112x32xf32, #tpu.memory_space<vmem_shared>> -> memref<128x32xf32, #tpu.memory_space<vmem_shared>>
      %dma_wait3A_223 = arith.constant 0 : i32
      %dma_wait3A_224 = tpu.memref_slice %arg10[%add3A_4, %dma_wait3A_223] : memref<10112x32xf32, #tpu.memory_space<vmem_shared>> -> memref<128x32xf32, #tpu.memory_space<vmem_shared>>
      %dma_wait3A_225 = arith.constant 0 : i32
      %dma_wait3A_226 = arith.constant 0 : i32
      %dma_wait3A_227 = tpu.memref_slice %arg9[%run_scoped3A_5, %dma_wait3A_225, %dma_wait3A_226] : memref<8x128x32xf32, #tpu.memory_space<vmem>> -> memref<1x128x32xf32, #tpu.memory_space<vmem>>
      %dma_wait3A_228 = tpu.memref_squeeze %dma_wait3A_227 : memref<1x128x32xf32, #tpu.memory_space<vmem>> -> memref<128x32xf32, #tpu.memory_space<vmem>>
      tpu.wait_dma2 semaphore(%run_scoped3A_204 : memref<!tpu.dma_semaphore, #tpu.memory_space<semaphore_mem>>) src(%dma_wait3A_228 : memref<128x32xf32, #tpu.memory_space<vmem>>) dst(%dma_wait3A_224 : memref<128x32xf32, #tpu.memory_space<vmem_shared>>)
      tpu.yield
    }) : () -> ()
    %add3A_6 = arith.constant 128 : i32
    %add3A_7 = arith.addi %mul3A_2, %add3A_6 : i32
    %run_scoped3A_8 = arith.constant 0 : i32
    "tpu.region"() ({
      %run_scoped3A_204 = tpu.sem_alloc : memref<!tpu.dma_semaphore, #tpu.memory_space<semaphore_mem>>
      %dma_start3A_205 = arith.constant 0 : i32
      %dma_start3A_206 = arith.constant 0 : i32
      %dma_start3A_207 = tpu.memref_slice %arg9[%run_scoped3A_8, %dma_start3A_205, %dma_start3A_206] : memref<8x128x32xf32, #tpu.memory_space<vmem>> -> memref<1x128x32xf32, #tpu.memory_space<vmem>>
      %dma_start3A_208 = tpu.memref_squeeze %dma_start3A_207 : memref<1x128x32xf32, #tpu.memory_space<vmem>> -> memref<128x32xf32, #tpu.memory_space<vmem>>
      %dma_start3A_209 = arith.constant 0 : i32
      %dma_start3A_210 = tpu.memref_slice %arg10[%add3A_7, %dma_start3A_209] : memref<10112x32xf32, #tpu.memory_space<vmem_shared>> -> memref<128x32xf32, #tpu.memory_space<vmem_shared>>
      %dma_start3A_211 = arith.constant 0 : i32
      %dma_start3A_212 = tpu.memref_slice %arg10[%add3A_7, %dma_start3A_211] : memref<10112x32xf32, #tpu.memory_space<vmem_shared>> -> memref<128x32xf32, #tpu.memory_space<vmem_shared>>
      %dma_start3A_213 = arith.constant 0 : i32
      %dma_start3A_214 = arith.constant 0 : i32
      %dma_start3A_215 = tpu.memref_slice %arg9[%run_scoped3A_8, %dma_start3A_213, %dma_start3A_214] : memref<8x128x32xf32, #tpu.memory_space<vmem>> -> memref<1x128x32xf32, #tpu.memory_space<vmem>>
      %dma_start3A_216 = tpu.memref_squeeze %dma_start3A_215 : memref<1x128x32xf32, #tpu.memory_space<vmem>> -> memref<128x32xf32, #tpu.memory_space<vmem>>
      tpu.enqueue_dma source(%dma_start3A_216 : memref<128x32xf32, #tpu.memory_space<vmem>>) target(%dma_start3A_212 : memref<128x32xf32, #tpu.memory_space<vmem_shared>>) target_semaphore(%run_scoped3A_204 : memref<!tpu.dma_semaphore, #tpu.memory_space<semaphore_mem>>)
      %dma_wait3A_217 = arith.constant 0 : i32
      %dma_wait3A_218 = arith.constant 0 : i32
      %dma_wait3A_219 = tpu.memref_slice %arg9[%run_scoped3A_8, %dma_wait3A_217, %dma_wait3A_218] : memref<8x128x32xf32, #tpu.memory_space<vmem>> -> memref<1x128x32xf32, #tpu.memory_space<vmem>>
      %dma_wait3A_220 = tpu.memref_squeeze %dma_wait3A_219 : memref<1x128x32xf32, #tpu.memory_space<vmem>> -> memref<128x32xf32, #tpu.memory_space<vmem>>
      %dma_wait3A_221 = arith.constant 0 : i32
      %dma_wait3A_222 = tpu.memref_slice %arg10[%add3A_7, %dma_wait3A_221] : memref<10112x32xf32, #tpu.memory_space<vmem_shared>> -> memref<128x32xf32, #tpu.memory_space<vmem_shared>>
      %dma_wait3A_223 = arith.constant 0 : i32
      %dma_wait3A_224 = tpu.memref_slice %arg10[%add3A_7, %dma_wait3A_223] : memref<10112x32xf32, #tpu.memory_space<vmem_shared>> -> memref<128x32xf32, #tpu.memory_space<vmem_shared>>
      %dma_wait3A_225 = arith.constant 0 : i32
      %dma_wait3A_226 = arith.constant 0 : i32
      %dma_wait3A_227 = tpu.memref_slice %arg9[%run_scoped3A_8, %dma_wait3A_225, %dma_wait3A_226] : memref<8x128x32xf32, #tpu.memory_space<vmem>> -> memref<1x128x32xf32, #tpu.memory_space<vmem>>
      %dma_wait3A_228 = tpu.memref_squeeze %dma_wait3A_227 : memref<1x128x32xf32, #tpu.memory_space<vmem>> -> memref<128x32xf32, #tpu.memory_space<vmem>>
      tpu.wait_dma2 semaphore(%run_scoped3A_204 : memref<!tpu.dma_semaphore, #tpu.memory_space<semaphore_mem>>) src(%dma_wait3A_228 : memref<128x32xf32, #tpu.memory_space<vmem>>) dst(%dma_wait3A_224 : memref<128x32xf32, #tpu.memory_space<vmem_shared>>)
      tpu.yield
    }) : () -> ()
    %add3A_9 = arith.constant 256 : i32
    %add3A_10 = arith.addi %mul3A_2, %add3A_9 : i32
    %run_scoped3A_11 = arith.constant 0 : i32
    "tpu.region"() ({
      %run_scoped3A_204 = tpu.sem_alloc : memref<!tpu.dma_semaphore, #tpu.memory_space<semaphore_mem>>
      %dma_start3A_205 = arith.constant 0 : i32
      %dma_start3A_206 = arith.constant 0 : i32
      %dma_start3A_207 = tpu.memref_slice %arg9[%run_scoped3A_11, %dma_start3A_205, %dma_start3A_206] : memref<8x128x32xf32, #tpu.memory_space<vmem>> -> memref<1x128x32xf32, #tpu.memory_space<vmem>>
      %dma_start3A_208 = tpu.memref_squeeze %dma_start3A_207 : memref<1x128x32xf32, #tpu.memory_space<vmem>> -> memref<128x32xf32, #tpu.memory_space<vmem>>
      %dma_start3A_209 = arith.constant 0 : i32
      %dma_start3A_210 = tpu.memref_slice %arg10[%add3A_10, %dma_start3A_209] : memref<10112x32xf32, #tpu.memory_space<vmem_shared>> -> memref<128x32xf32, #tpu.memory_space<vmem_shared>>
      %dma_start3A_211 = arith.constant 0 : i32
      %dma_start3A_212 = tpu.memref_slice %arg10[%add3A_10, %dma_start3A_211] : memref<10112x32xf32, #tpu.memory_space<vmem_shared>> -> memref<128x32xf32, #tpu.memory_space<vmem_shared>>
      %dma_start3A_213 = arith.constant 0 : i32
      %dma_start3A_214 = arith.constant 0 : i32
      %dma_start3A_215 = tpu.memref_slice %arg9[%run_scoped3A_11, %dma_start3A_213, %dma_start3A_214] : memref<8x128x32xf32, #tpu.memory_space<vmem>> -> memref<1x128x32xf32, #tpu.memory_space<vmem>>
      %dma_start3A_216 = tpu.memref_squeeze %dma_start3A_215 : memref<1x128x32xf32, #tpu.memory_space<vmem>> -> memref<128x32xf32, #tpu.memory_space<vmem>>
      tpu.enqueue_dma source(%dma_start3A_216 : memref<128x32xf32, #tpu.memory_space<vmem>>) target(%dma_start3A_212 : memref<128x32xf32, #tpu.memory_space<vmem_shared>>) target_semaphore(%run_scoped3A_204 : memref<!tpu.dma_semaphore, #tpu.memory_space<semaphore_mem>>)
      %dma_wait3A_217 = arith.constant 0 : i32
      %dma_wait3A_218 = arith.constant 0 : i32
      %dma_wait3A_219 = tpu.memref_slice %arg9[%run_scoped3A_11, %dma_wait3A_217, %dma_wait3A_218] : memref<8x128x32xf32, #tpu.memory_space<vmem>> -> memref<1x128x32xf32, #tpu.memory_space<vmem>>
      %dma_wait3A_220 = tpu.memref_squeeze %dma_wait3A_219 : memref<1x128x32xf32, #tpu.memory_space<vmem>> -> memref<128x32xf32, #tpu.memory_space<vmem>>
      %dma_wait3A_221 = arith.constant 0 : i32
      %dma_wait3A_222 = tpu.memref_slice %arg10[%add3A_10, %dma_wait3A_221] : memref<10112x32xf32, #tpu.memory_space<vmem_shared>> -> memref<128x32xf32, #tpu.memory_space<vmem_shared>>
      %dma_wait3A_223 = arith.constant 0 : i32
      %dma_wait3A_224 = tpu.memref_slice %arg10[%add3A_10, %dma_wait3A_223] : memref<10112x32xf32, #tpu.memory_space<vmem_shared>> -> memref<128x32xf32, #tpu.memory_space<vmem_shared>>
      %dma_wait3A_225 = arith.constant 0 : i32
      %dma_wait3A_226 = arith.constant 0 : i32
      %dma_wait3A_227 = tpu.memref_slice %arg9[%run_scoped3A_11, %dma_wait3A_225, %dma_wait3A_226] : memref<8x128x32xf32, #tpu.memory_space<vmem>> -> memref<1x128x32xf32, #tpu.memory_space<vmem>>
      %dma_wait3A_228 = tpu.memref_squeeze %dma_wait3A_227 : memref<1x128x32xf32, #tpu.memory_space<vmem>> -> memref<128x32xf32, #tpu.memory_space<vmem>>
      tpu.wait_dma2 semaphore(%run_scoped3A_204 : memref<!tpu.dma_semaphore, #tpu.memory_space<semaphore_mem>>) src(%dma_wait3A_228 : memref<128x32xf32, #tpu.memory_space<vmem>>) dst(%dma_wait3A_224 : memref<128x32xf32, #tpu.memory_space<vmem_shared>>)
      tpu.yield
    }) : () -> ()
    %add3A_12 = arith.constant 384 : i32
    %add3A_13 = arith.addi %mul3A_2, %add3A_12 : i32
    %run_scoped3A_14 = arith.constant 0 : i32
    "tpu.region"() ({
      %run_scoped3A_204 = tpu.sem_alloc : memref<!tpu.dma_semaphore, #tpu.memory_space<semaphore_mem>>
      %dma_start3A_205 = arith.constant 0 : i32
      %dma_start3A_206 = arith.constant 0 : i32
      %dma_start3A_207 = tpu.memref_slice %arg9[%run_scoped3A_14, %dma_start3A_205, %dma_start3A_206] : memref<8x128x32xf32, #tpu.memory_space<vmem>> -> memref<1x128x32xf32, #tpu.memory_space<vmem>>
      %dma_start3A_208 = tpu.memref_squeeze %dma_start3A_207 : memref<1x128x32xf32, #tpu.memory_space<vmem>> -> memref<128x32xf32, #tpu.memory_space<vmem>>
      %dma_start3A_209 = arith.constant 0 : i32
      %dma_start3A_210 = tpu.memref_slice %arg10[%add3A_13, %dma_start3A_209] : memref<10112x32xf32, #tpu.memory_space<vmem_shared>> -> memref<128x32xf32, #tpu.memory_space<vmem_shared>>
      %dma_start3A_211 = arith.constant 0 : i32
      %dma_start3A_212 = tpu.memref_slice %arg10[%add3A_13, %dma_start3A_211] : memref<10112x32xf32, #tpu.memory_space<vmem_shared>> -> memref<128x32xf32, #tpu.memory_space<vmem_shared>>
      %dma_start3A_213 = arith.constant 0 : i32
      %dma_start3A_214 = arith.constant 0 : i32
      %dma_start3A_215 = tpu.memref_slice %arg9[%run_scoped3A_14, %dma_start3A_213, %dma_start3A_214] : memref<8x128x32xf32, #tpu.memory_space<vmem>> -> memref<1x128x32xf32, #tpu.memory_space<vmem>>
      %dma_start3A_216 = tpu.memref_squeeze %dma_start3A_215 : memref<1x128x32xf32, #tpu.memory_space<vmem>> -> memref<128x32xf32, #tpu.memory_space<vmem>>
      tpu.enqueue_dma source(%dma_start3A_216 : memref<128x32xf32, #tpu.memory_space<vmem>>) target(%dma_start3A_212 : memref<128x32xf32, #tpu.memory_space<vmem_shared>>) target_semaphore(%run_scoped3A_204 : memref<!tpu.dma_semaphore, #tpu.memory_space<semaphore_mem>>)
      %dma_wait3A_217 = arith.constant 0 : i32
      %dma_wait3A_218 = arith.constant 0 : i32
      %dma_wait3A_219 = tpu.memref_slice %arg9[%run_scoped3A_14, %dma_wait3A_217, %dma_wait3A_218] : memref<8x128x32xf32, #tpu.memory_space<vmem>> -> memref<1x128x32xf32, #tpu.memory_space<vmem>>
      %dma_wait3A_220 = tpu.memref_squeeze %dma_wait3A_219 : memref<1x128x32xf32, #tpu.memory_space<vmem>> -> memref<128x32xf32, #tpu.memory_space<vmem>>
      %dma_wait3A_221 = arith.constant 0 : i32
      %dma_wait3A_222 = tpu.memref_slice %arg10[%add3A_13, %dma_wait3A_221] : memref<10112x32xf32, #tpu.memory_space<vmem_shared>> -> memref<128x32xf32, #tpu.memory_space<vmem_shared>>
      %dma_wait3A_223 = arith.constant 0 : i32
      %dma_wait3A_224 = tpu.memref_slice %arg10[%add3A_13, %dma_wait3A_223] : memref<10112x32xf32, #tpu.memory_space<vmem_shared>> -> memref<128x32xf32, #tpu.memory_space<vmem_shared>>
      %dma_wait3A_225 = arith.constant 0 : i32
      %dma_wait3A_226 = arith.constant 0 : i32
      %dma_wait3A_227 = tpu.memref_slice %arg9[%run_scoped3A_14, %dma_wait3A_225, %dma_wait3A_226] : memref<8x128x32xf32, #tpu.memory_space<vmem>> -> memref<1x128x32xf32, #tpu.memory_space<vmem>>
      %dma_wait3A_228 = tpu.memref_squeeze %dma_wait3A_227 : memref<1x128x32xf32, #tpu.memory_space<vmem>> -> memref<128x32xf32, #tpu.memory_space<vmem>>
      tpu.wait_dma2 semaphore(%run_scoped3A_204 : memref<!tpu.dma_semaphore, #tpu.memory_space<semaphore_mem>>) src(%dma_wait3A_228 : memref<128x32xf32, #tpu.memory_space<vmem>>) dst(%dma_wait3A_224 : memref<128x32xf32, #tpu.memory_space<vmem_shared>>)
      tpu.yield
    }) : () -> ()
    %add3A_15 = arith.constant 512 : i32
    %add3A_16 = arith.addi %mul3A_2, %add3A_15 : i32
    %run_scoped3A_17 = arith.constant 0 : i32
    "tpu.region"() ({
      %run_scoped3A_204 = tpu.sem_alloc : memref<!tpu.dma_semaphore, #tpu.memory_space<semaphore_mem>>
      %dma_start3A_205 = arith.constant 0 : i32
      %dma_start3A_206 = arith.constant 0 : i32
      %dma_start3A_207 = tpu.memref_slice %arg9[%run_scoped3A_17, %dma_start3A_205, %dma_start3A_206] : memref<8x128x32xf32, #tpu.memory_space<vmem>> -> memref<1x128x32xf32, #tpu.memory_space<vmem>>
      %dma_start3A_208 = tpu.memref_squeeze %dma_start3A_207 : memref<1x128x32xf32, #tpu.memory_space<vmem>> -> memref<128x32xf32, #tpu.memory_space<vmem>>
      %dma_start3A_209 = arith.constant 0 : i32
      %dma_start3A_210 = arith.constant 0 : i32
      %dma_start3A_211 = tpu.memref_slice %dma_start3A_208[%dma_start3A_209, %dma_start3A_210] : memref<128x32xf32, #tpu.memory_space<vmem>> -> memref<120x32xf32, #tpu.memory_space<vmem>>
      %dma_start3A_212 = arith.constant 0 : i32
      %dma_start3A_213 = tpu.memref_slice %arg10[%add3A_16, %dma_start3A_212] : memref<10112x32xf32, #tpu.memory_space<vmem_shared>> -> memref<120x32xf32, #tpu.memory_space<vmem_shared>>
      %dma_start3A_214 = arith.constant 0 : i32
      %dma_start3A_215 = tpu.memref_slice %arg10[%add3A_16, %dma_start3A_214] : memref<10112x32xf32, #tpu.memory_space<vmem_shared>> -> memref<120x32xf32, #tpu.memory_space<vmem_shared>>
      %dma_start3A_216 = arith.constant 0 : i32
      %dma_start3A_217 = arith.constant 0 : i32
      %dma_start3A_218 = tpu.memref_slice %arg9[%run_scoped3A_17, %dma_start3A_216, %dma_start3A_217] : memref<8x128x32xf32, #tpu.memory_space<vmem>> -> memref<1x128x32xf32, #tpu.memory_space<vmem>>
      %dma_start3A_219 = tpu.memref_squeeze %dma_start3A_218 : memref<1x128x32xf32, #tpu.memory_space<vmem>> -> memref<128x32xf32, #tpu.memory_space<vmem>>
      %dma_start3A_220 = arith.constant 0 : i32
      %dma_start3A_221 = arith.constant 0 : i32
      %dma_start3A_222 = tpu.memref_slice %dma_start3A_219[%dma_start3A_220, %dma_start3A_221] : memref<128x32xf32, #tpu.memory_space<vmem>> -> memref<120x32xf32, #tpu.memory_space<vmem>>
      tpu.enqueue_dma source(%dma_start3A_222 : memref<120x32xf32, #tpu.memory_space<vmem>>) target(%dma_start3A_215 : memref<120x32xf32, #tpu.memory_space<vmem_shared>>) target_semaphore(%run_scoped3A_204 : memref<!tpu.dma_semaphore, #tpu.memory_space<semaphore_mem>>)
      %dma_wait3A_223 = arith.constant 0 : i32
      %dma_wait3A_224 = arith.constant 0 : i32
      %dma_wait3A_225 = tpu.memref_slice %arg9[%run_scoped3A_17, %dma_wait3A_223, %dma_wait3A_224] : memref<8x128x32xf32, #tpu.memory_space<vmem>> -> memref<1x128x32xf32, #tpu.memory_space<vmem>>
      %dma_wait3A_226 = tpu.memref_squeeze %dma_wait3A_225 : memref<1x128x32xf32, #tpu.memory_space<vmem>> -> memref<128x32xf32, #tpu.memory_space<vmem>>
      %dma_wait3A_227 = arith.constant 0 : i32
      %dma_wait3A_228 = arith.constant 0 : i32
      %dma_wait3A_229 = tpu.memref_slice %dma_wait3A_226[%dma_wait3A_227, %dma_wait3A_228] : memref<128x32xf32, #tpu.memory_space<vmem>> -> memref<120x32xf32, #tpu.memory_space<vmem>>
      %dma_wait3A_230 = arith.constant 0 : i32
      %dma_wait3A_231 = tpu.memref_slice %arg10[%add3A_16, %dma_wait3A_230] : memref<10112x32xf32, #tpu.memory_space<vmem_shared>> -> memref<120x32xf32, #tpu.memory_space<vmem_shared>>
      %dma_wait3A_232 = arith.constant 0 : i32
      %dma_wait3A_233 = tpu.memref_slice %arg10[%add3A_16, %dma_wait3A_232] : memref<10112x32xf32, #tpu.memory_space<vmem_shared>> -> memref<120x32xf32, #tpu.memory_space<vmem_shared>>
      %dma_wait3A_234 = arith.constant 0 : i32
      %dma_wait3A_235 = arith.constant 0 : i32
      %dma_wait3A_236 = tpu.memref_slice %arg9[%run_scoped3A_17, %dma_wait3A_234, %dma_wait3A_235] : memref<8x128x32xf32, #tpu.memory_space<vmem>> -> memref<1x128x32xf32, #tpu.memory_space<vmem>>
      %dma_wait3A_237 = tpu.memref_squeeze %dma_wait3A_236 : memref<1x128x32xf32, #tpu.memory_space<vmem>> -> memref<128x32xf32, #tpu.memory_space<vmem>>
      %dma_wait3A_238 = arith.constant 0 : i32
      %dma_wait3A_239 = arith.constant 0 : i32
      %dma_wait3A_240 = tpu.memref_slice %dma_wait3A_237[%dma_wait3A_238, %dma_wait3A_239] : memref<128x32xf32, #tpu.memory_space<vmem>> -> memref<120x32xf32, #tpu.memory_space<vmem>>
      tpu.wait_dma2 semaphore(%run_scoped3A_204 : memref<!tpu.dma_semaphore, #tpu.memory_space<semaphore_mem>>) src(%dma_wait3A_240 : memref<120x32xf32, #tpu.memory_space<vmem>>) dst(%dma_wait3A_233 : memref<120x32xf32, #tpu.memory_space<vmem_shared>>)
      tpu.yield
    }) : () -> ()
    %barrier3A = arith.constant 0 : index
    tpu.barrier barrier_id(%barrier3A)
    %mul3A_18 = arith.constant 80 : i32
    %mul3A_19 = arith.muli %add3A, %mul3A_18 : i32
    %mul3A_20 = arith.constant 128 : i32
    %mul3A_21 = arith.muli %mul3A_19, %mul3A_20 : i32
    "tpu.region"() ({
      %run_scoped3A_204 = tpu.sem_alloc : memref<!tpu.dma_semaphore, #tpu.memory_space<semaphore_mem>>
      %dma_start3A_205 = tpu.memref_slice %arg3[%mul3A_21] : memref<327680xi32, #tpu.memory_space<hbm>> -> memref<10240xi32, #tpu.memory_space<hbm>>
      %dma_start3A_206 = tpu.memref_slice %arg3[%mul3A_21] : memref<327680xi32, #tpu.memory_space<hbm>> -> memref<10240xi32, #tpu.memory_space<hbm>>
      tpu.enqueue_dma source(%dma_start3A_206 : memref<10240xi32, #tpu.memory_space<hbm>>) target(%arg7 : memref<10240xi32, #tpu.memory_space<vmem>>) target_semaphore(%run_scoped3A_204 : memref<!tpu.dma_semaphore, #tpu.memory_space<semaphore_mem>>)
      %dma_wait3A_207 = tpu.memref_slice %arg3[%mul3A_21] : memref<327680xi32, #tpu.memory_space<hbm>> -> memref<10240xi32, #tpu.memory_space<hbm>>
      %dma_wait3A_208 = tpu.memref_slice %arg3[%mul3A_21] : memref<327680xi32, #tpu.memory_space<hbm>> -> memref<10240xi32, #tpu.memory_space<hbm>>
      tpu.wait_dma2 semaphore(%run_scoped3A_204 : memref<!tpu.dma_semaphore, #tpu.memory_space<semaphore_mem>>) src(%dma_wait3A_208 : memref<10240xi32, #tpu.memory_space<hbm>>) dst(%arg7 : memref<10240xi32, #tpu.memory_space<vmem>>)
      tpu.yield
    }) : () -> ()
    %mul3A_22 = arith.constant 80 : i32
    %mul3A_23 = arith.muli %add3A, %mul3A_22 : i32
    "tpu.region"() ({
      %run_scoped3A_204 = tpu.sem_alloc : memref<!tpu.dma_semaphore, #tpu.memory_space<semaphore_mem>>
      %dma_start3A_205 = arith.constant 0 : i32
      %dma_start3A_206 = tpu.memref_slice %arg4[%mul3A_23, %dma_start3A_205] : memref<2560x128xi32, #tpu.memory_space<hbm>> -> memref<80x128xi32, #tpu.memory_space<hbm>>
      %dma_start3A_207 = arith.constant 0 : i32
      %dma_start3A_208 = tpu.memref_slice %arg4[%mul3A_23, %dma_start3A_207] : memref<2560x128xi32, #tpu.memory_space<hbm>> -> memref<80x128xi32, #tpu.memory_space<hbm>>
      tpu.enqueue_dma source(%dma_start3A_208 : memref<80x128xi32, #tpu.memory_space<hbm>>) target(%arg8 : memref<80x128xi32, #tpu.memory_space<vmem>>) target_semaphore(%run_scoped3A_204 : memref<!tpu.dma_semaphore, #tpu.memory_space<semaphore_mem>>)
      %dma_wait3A_209 = arith.constant 0 : i32
      %dma_wait3A_210 = tpu.memref_slice %arg4[%mul3A_23, %dma_wait3A_209] : memref<2560x128xi32, #tpu.memory_space<hbm>> -> memref<80x128xi32, #tpu.memory_space<hbm>>
      %dma_wait3A_211 = arith.constant 0 : i32
      %dma_wait3A_212 = tpu.memref_slice %arg4[%mul3A_23, %dma_wait3A_211] : memref<2560x128xi32, #tpu.memory_space<hbm>> -> memref<80x128xi32, #tpu.memory_space<hbm>>
      tpu.wait_dma2 semaphore(%run_scoped3A_204 : memref<!tpu.dma_semaphore, #tpu.memory_space<semaphore_mem>>) src(%dma_wait3A_212 : memref<80x128xi32, #tpu.memory_space<hbm>>) dst(%arg8 : memref<80x128xi32, #tpu.memory_space<vmem>>)
      tpu.yield
    }) : () -> ()
    %dma_start3A = arith.constant 0 : i32
    %dma_start3A_24 = arith.constant 0 : i32
    %dma_start3A_25 = arith.constant 0 : i32
    %dma_start3A_26 = tpu.memref_slice %arg9[%dma_start3A, %dma_start3A_24, %dma_start3A_25] : memref<8x128x32xf32, #tpu.memory_space<vmem>> -> memref<1x128x32xf32, #tpu.memory_space<vmem>>
    %dma_start3A_27 = tpu.memref_squeeze %dma_start3A_26 : memref<1x128x32xf32, #tpu.memory_space<vmem>> -> memref<128x32xf32, #tpu.memory_space<vmem>>
    %dma_start3A_28 = arith.constant 0 : i32
    %dma_start3A_29 = tpu.memref_slice %arg7[%dma_start3A_28] : memref<10240xi32, #tpu.memory_space<vmem>> -> memref<128xi32, #tpu.memory_space<vmem>>
    %dma_start3A_30 = arith.constant 0 : i32
    %dma_start3A_31 = arith.constant 0 : i32
    %dma_start3A_32 = tpu.memref_slice %arg2[%dma_start3A_30, %dma_start3A_31] : memref<10000x32xf32, #tpu.memory_space<hbm>> -> memref<10000x32xf32, #tpu.memory_space<hbm>>
    tpu.enqueue_indirect_dma source(%dma_start3A_32 : memref<10000x32xf32, #tpu.memory_space<hbm>>) target(%dma_start3A_27 : memref<128x32xf32, #tpu.memory_space<vmem>>) offsets(%dma_start3A_29 : memref<128xi32, #tpu.memory_space<vmem>>) semaphore(%arg11 : memref<!tpu.dma_semaphore, #tpu.memory_space<semaphore_mem>>)
    %dma_start3A_33 = arith.constant 1 : i32
    %dma_start3A_34 = arith.constant 0 : i32
    %dma_start3A_35 = arith.constant 0 : i32
    %dma_start3A_36 = tpu.memref_slice %arg9[%dma_start3A_33, %dma_start3A_34, %dma_start3A_35] : memref<8x128x32xf32, #tpu.memory_space<vmem>> -> memref<1x128x32xf32, #tpu.memory_space<vmem>>
    %dma_start3A_37 = tpu.memref_squeeze %dma_start3A_36 : memref<1x128x32xf32, #tpu.memory_space<vmem>> -> memref<128x32xf32, #tpu.memory_space<vmem>>
    %dma_start3A_38 = arith.constant 128 : i32
    %dma_start3A_39 = tpu.memref_slice %arg7[%dma_start3A_38] : memref<10240xi32, #tpu.memory_space<vmem>> -> memref<128xi32, #tpu.memory_space<vmem>>
    %dma_start3A_40 = arith.constant 0 : i32
    %dma_start3A_41 = arith.constant 0 : i32
    %dma_start3A_42 = tpu.memref_slice %arg2[%dma_start3A_40, %dma_start3A_41] : memref<10000x32xf32, #tpu.memory_space<hbm>> -> memref<10000x32xf32, #tpu.memory_space<hbm>>
    tpu.enqueue_indirect_dma source(%dma_start3A_42 : memref<10000x32xf32, #tpu.memory_space<hbm>>) target(%dma_start3A_37 : memref<128x32xf32, #tpu.memory_space<vmem>>) offsets(%dma_start3A_39 : memref<128xi32, #tpu.memory_space<vmem>>) semaphore(%arg11 : memref<!tpu.dma_semaphore, #tpu.memory_space<semaphore_mem>>)
    %dma_start3A_43 = arith.constant 2 : i32
    %dma_start3A_44 = arith.constant 0 : i32
    %dma_start3A_45 = arith.constant 0 : i32
    %dma_start3A_46 = tpu.memref_slice %arg9[%dma_start3A_43, %dma_start3A_44, %dma_start3A_45] : memref<8x128x32xf32, #tpu.memory_space<vmem>> -> memref<1x128x32xf32, #tpu.memory_space<vmem>>
    %dma_start3A_47 = tpu.memref_squeeze %dma_start3A_46 : memref<1x128x32xf32, #tpu.memory_space<vmem>> -> memref<128x32xf32, #tpu.memory_space<vmem>>
    %dma_start3A_48 = arith.constant 256 : i32
    %dma_start3A_49 = tpu.memref_slice %arg7[%dma_start3A_48] : memref<10240xi32, #tpu.memory_space<vmem>> -> memref<128xi32, #tpu.memory_space<vmem>>
    %dma_start3A_50 = arith.constant 0 : i32
    %dma_start3A_51 = arith.constant 0 : i32
    %dma_start3A_52 = tpu.memref_slice %arg2[%dma_start3A_50, %dma_start3A_51] : memref<10000x32xf32, #tpu.memory_space<hbm>> -> memref<10000x32xf32, #tpu.memory_space<hbm>>
    tpu.enqueue_indirect_dma source(%dma_start3A_52 : memref<10000x32xf32, #tpu.memory_space<hbm>>) target(%dma_start3A_47 : memref<128x32xf32, #tpu.memory_space<vmem>>) offsets(%dma_start3A_49 : memref<128xi32, #tpu.memory_space<vmem>>) semaphore(%arg11 : memref<!tpu.dma_semaphore, #tpu.memory_space<semaphore_mem>>)
    %dma_start3A_53 = arith.constant 3 : i32
    %dma_start3A_54 = arith.constant 0 : i32
    %dma_start3A_55 = arith.constant 0 : i32
    %dma_start3A_56 = tpu.memref_slice %arg9[%dma_start3A_53, %dma_start3A_54, %dma_start3A_55] : memref<8x128x32xf32, #tpu.memory_space<vmem>> -> memref<1x128x32xf32, #tpu.memory_space<vmem>>
    %dma_start3A_57 = tpu.memref_squeeze %dma_start3A_56 : memref<1x128x32xf32, #tpu.memory_space<vmem>> -> memref<128x32xf32, #tpu.memory_space<vmem>>
    %dma_start3A_58 = arith.constant 384 : i32
    %dma_start3A_59 = tpu.memref_slice %arg7[%dma_start3A_58] : memref<10240xi32, #tpu.memory_space<vmem>> -> memref<128xi32, #tpu.memory_space<vmem>>
    %dma_start3A_60 = arith.constant 0 : i32
    %dma_start3A_61 = arith.constant 0 : i32
    %dma_start3A_62 = tpu.memref_slice %arg2[%dma_start3A_60, %dma_start3A_61] : memref<10000x32xf32, #tpu.memory_space<hbm>> -> memref<10000x32xf32, #tpu.memory_space<hbm>>
    tpu.enqueue_indirect_dma source(%dma_start3A_62 : memref<10000x32xf32, #tpu.memory_space<hbm>>) target(%dma_start3A_57 : memref<128x32xf32, #tpu.memory_space<vmem>>) offsets(%dma_start3A_59 : memref<128xi32, #tpu.memory_space<vmem>>) semaphore(%arg11 : memref<!tpu.dma_semaphore, #tpu.memory_space<semaphore_mem>>)
    %dma_start3A_63 = arith.constant 4 : i32
    %dma_start3A_64 = arith.constant 0 : i32
    %dma_start3A_65 = arith.constant 0 : i32
    %dma_start3A_66 = tpu.memref_slice %arg9[%dma_start3A_63, %dma_start3A_64, %dma_start3A_65] : memref<8x128x32xf32, #tpu.memory_space<vmem>> -> memref<1x128x32xf32, #tpu.memory_space<vmem>>
    %dma_start3A_67 = tpu.memref_squeeze %dma_start3A_66 : memref<1x128x32xf32, #tpu.memory_space<vmem>> -> memref<128x32xf32, #tpu.memory_space<vmem>>
    %dma_start3A_68 = arith.constant 512 : i32
    %dma_start3A_69 = tpu.memref_slice %arg7[%dma_start3A_68] : memref<10240xi32, #tpu.memory_space<vmem>> -> memref<128xi32, #tpu.memory_space<vmem>>
    %dma_start3A_70 = arith.constant 0 : i32
    %dma_start3A_71 = arith.constant 0 : i32
    %dma_start3A_72 = tpu.memref_slice %arg2[%dma_start3A_70, %dma_start3A_71] : memref<10000x32xf32, #tpu.memory_space<hbm>> -> memref<10000x32xf32, #tpu.memory_space<hbm>>
    tpu.enqueue_indirect_dma source(%dma_start3A_72 : memref<10000x32xf32, #tpu.memory_space<hbm>>) target(%dma_start3A_67 : memref<128x32xf32, #tpu.memory_space<vmem>>) offsets(%dma_start3A_69 : memref<128xi32, #tpu.memory_space<vmem>>) semaphore(%arg11 : memref<!tpu.dma_semaphore, #tpu.memory_space<semaphore_mem>>)
    %dma_start3A_73 = arith.constant 5 : i32
    %dma_start3A_74 = arith.constant 0 : i32
    %dma_start3A_75 = arith.constant 0 : i32
    %dma_start3A_76 = tpu.memref_slice %arg9[%dma_start3A_73, %dma_start3A_74, %dma_start3A_75] : memref<8x128x32xf32, #tpu.memory_space<vmem>> -> memref<1x128x32xf32, #tpu.memory_space<vmem>>
    %dma_start3A_77 = tpu.memref_squeeze %dma_start3A_76 : memref<1x128x32xf32, #tpu.memory_space<vmem>> -> memref<128x32xf32, #tpu.memory_space<vmem>>
    %dma_start3A_78 = arith.constant 640 : i32
    %dma_start3A_79 = tpu.memref_slice %arg7[%dma_start3A_78] : memref<10240xi32, #tpu.memory_space<vmem>> -> memref<128xi32, #tpu.memory_space<vmem>>
    %dma_start3A_80 = arith.constant 0 : i32
    %dma_start3A_81 = arith.constant 0 : i32
    %dma_start3A_82 = tpu.memref_slice %arg2[%dma_start3A_80, %dma_start3A_81] : memref<10000x32xf32, #tpu.memory_space<hbm>> -> memref<10000x32xf32, #tpu.memory_space<hbm>>
    tpu.enqueue_indirect_dma source(%dma_start3A_82 : memref<10000x32xf32, #tpu.memory_space<hbm>>) target(%dma_start3A_77 : memref<128x32xf32, #tpu.memory_space<vmem>>) offsets(%dma_start3A_79 : memref<128xi32, #tpu.memory_space<vmem>>) semaphore(%arg11 : memref<!tpu.dma_semaphore, #tpu.memory_space<semaphore_mem>>)
    %dma_start3A_83 = arith.constant 6 : i32
    %dma_start3A_84 = arith.constant 0 : i32
    %dma_start3A_85 = arith.constant 0 : i32
    %dma_start3A_86 = tpu.memref_slice %arg9[%dma_start3A_83, %dma_start3A_84, %dma_start3A_85] : memref<8x128x32xf32, #tpu.memory_space<vmem>> -> memref<1x128x32xf32, #tpu.memory_space<vmem>>
    %dma_start3A_87 = tpu.memref_squeeze %dma_start3A_86 : memref<1x128x32xf32, #tpu.memory_space<vmem>> -> memref<128x32xf32, #tpu.memory_space<vmem>>
    %dma_start3A_88 = arith.constant 768 : i32
    %dma_start3A_89 = tpu.memref_slice %arg7[%dma_start3A_88] : memref<10240xi32, #tpu.memory_space<vmem>> -> memref<128xi32, #tpu.memory_space<vmem>>
    %dma_start3A_90 = arith.constant 0 : i32
    %dma_start3A_91 = arith.constant 0 : i32
    %dma_start3A_92 = tpu.memref_slice %arg2[%dma_start3A_90, %dma_start3A_91] : memref<10000x32xf32, #tpu.memory_space<hbm>> -> memref<10000x32xf32, #tpu.memory_space<hbm>>
    tpu.enqueue_indirect_dma source(%dma_start3A_92 : memref<10000x32xf32, #tpu.memory_space<hbm>>) target(%dma_start3A_87 : memref<128x32xf32, #tpu.memory_space<vmem>>) offsets(%dma_start3A_89 : memref<128xi32, #tpu.memory_space<vmem>>) semaphore(%arg11 : memref<!tpu.dma_semaphore, #tpu.memory_space<semaphore_mem>>)
    %broadcast_in_dim3A = arith.constant 1.000000e+00 : f32
    %broadcast_in_dim3A_93 = vector.broadcast %broadcast_in_dim3A : f32 to vector<16xf32>
    %scan3A = arith.constant 0 : i32
    %scan3A_94 = arith.constant 0 : i32
    %scan3A_95 = arith.constant 10 : i32
    %scan3A_96 = arith.addi %scan3A_94, %scan3A_95 : i32
    %scan3A_97 = arith.constant 1 : i32
    scf.for %scan3A_204 = %scan3A_94 to %scan3A_96 step %scan3A_97  : i32 {
      %mul3A_205 = arith.constant 8 : i32
      %mul3A_206 = arith.muli %mul3A_205, %scan3A_204 : i32
      %add3A_207 = arith.constant 0 : i32
      %add3A_208 = arith.addi %mul3A_206, %add3A_207 : i32
      %dma_wait3A_209 = arith.constant 0 : i32
      %dma_wait3A_210 = arith.constant 0 : i32
      %dma_wait3A_211 = arith.constant 0 : i32
      %dma_wait3A_212 = tpu.memref_slice %arg9[%dma_wait3A_209, %dma_wait3A_210, %dma_wait3A_211] : memref<8x128x32xf32, #tpu.memory_space<vmem>> -> memref<1x128x32xf32, #tpu.memory_space<vmem>>
      %dma_wait3A_213 = tpu.memref_squeeze %dma_wait3A_212 : memref<1x128x32xf32, #tpu.memory_space<vmem>> -> memref<128x32xf32, #tpu.memory_space<vmem>>
      %dma_wait3A_214 = arith.constant 0 : i32
      %dma_wait3A_215 = arith.constant 0 : i32
      %dma_wait3A_216 = tpu.memref_slice %arg2[%dma_wait3A_214, %dma_wait3A_215] : memref<10000x32xf32, #tpu.memory_space<hbm>> -> memref<128x32xf32, #tpu.memory_space<hbm>>
      %dma_wait3A_217 = arith.constant 0 : i32
      %dma_wait3A_218 = arith.constant 0 : i32
      %dma_wait3A_219 = tpu.memref_slice %arg9[%dma_wait3A_209, %dma_wait3A_217, %dma_wait3A_218] : memref<8x128x32xf32, #tpu.memory_space<vmem>> -> memref<1x128x32xf32, #tpu.memory_space<vmem>>
      %dma_wait3A_220 = tpu.memref_squeeze %dma_wait3A_219 : memref<1x128x32xf32, #tpu.memory_space<vmem>> -> memref<128x32xf32, #tpu.memory_space<vmem>>
      %dma_wait3A_221 = arith.constant 0 : i32
      %dma_wait3A_222 = arith.constant 0 : i32
      %dma_wait3A_223 = tpu.memref_slice %arg2[%dma_wait3A_221, %dma_wait3A_222] : memref<10000x32xf32, #tpu.memory_space<hbm>> -> memref<128x32xf32, #tpu.memory_space<hbm>>
      tpu.wait_dma2 semaphore(%arg11 : memref<!tpu.dma_semaphore, #tpu.memory_space<semaphore_mem>>) src(%dma_wait3A_223 : memref<128x32xf32, #tpu.memory_space<hbm>>) dst(%dma_wait3A_220 : memref<128x32xf32, #tpu.memory_space<vmem>>)
      %add3A_224 = arith.constant 8 : i32
      %add3A_225 = arith.addi %add3A_208, %add3A_224 : i32
      %sub3A = arith.constant 1 : i32
      %sub3A_226 = arith.subi %add3A_225, %sub3A : i32
      %jit3A = arith.constant 80 : i32
      %eq3A = arith.constant 0 : i32
      %eq3A_227 = arith.cmpi eq, %jit3A, %eq3A : i32
      %jit3A_228 = arith.constant 1 : i32
      %select_n3A = arith.select %eq3A_227, %jit3A_228, %jit3A : i32
      %rem3A = arith.remsi %sub3A_226, %select_n3A : i32
      %ne3A = arith.constant 0 : i32
      %ne3A_229 = arith.cmpi ne, %rem3A, %ne3A : i32
      %lt3A = arith.constant 0 : i32
      %lt3A_230 = arith.cmpi slt, %rem3A, %lt3A : i32
      %lt3A_231 = arith.constant 0 : i32
      %lt3A_232 = arith.cmpi slt, %select_n3A, %lt3A_231 : i32
      %ne3A_233 = arith.xori %lt3A_230, %lt3A_232 : i1
      %and3A = arith.andi %ne3A_233, %ne3A_229 : i1
      %add3A_234 = arith.addi %rem3A, %select_n3A : i32
      %select_n3A_235 = arith.select %and3A, %add3A_234, %rem3A : i32
      %add3A_236 = arith.constant 8 : i32
      %add3A_237 = arith.addi %add3A_208, %add3A_236 : i32
      %sub3A_238 = arith.constant 1 : i32
      %sub3A_239 = arith.subi %add3A_237, %sub3A_238 : i32
      %jit3A_240 = arith.constant 8 : i32
      %eq3A_241 = arith.constant 0 : i32
      %eq3A_242 = arith.cmpi eq, %jit3A_240, %eq3A_241 : i32
      %jit3A_243 = arith.constant 1 : i32
      %select_n3A_244 = arith.select %eq3A_242, %jit3A_243, %jit3A_240 : i32
      %rem3A_245 = arith.remsi %sub3A_239, %select_n3A_244 : i32
      %ne3A_246 = arith.constant 0 : i32
      %ne3A_247 = arith.cmpi ne, %rem3A_245, %ne3A_246 : i32
      %lt3A_248 = arith.constant 0 : i32
      %lt3A_249 = arith.cmpi slt, %rem3A_245, %lt3A_248 : i32
      %lt3A_250 = arith.constant 0 : i32
      %lt3A_251 = arith.cmpi slt, %select_n3A_244, %lt3A_250 : i32
      %ne3A_252 = arith.xori %lt3A_249, %lt3A_251 : i1
      %and3A_253 = arith.andi %ne3A_252, %ne3A_247 : i1
      %add3A_254 = arith.addi %rem3A_245, %select_n3A_244 : i32
      %select_n3A_255 = arith.select %and3A_253, %add3A_254, %rem3A_245 : i32
      %mul3A_256 = arith.constant 128 : i32
      %mul3A_257 = arith.muli %select_n3A_235, %mul3A_256 : i32
      %dma_start3A_258 = arith.constant 0 : i32
      %dma_start3A_259 = arith.constant 0 : i32
      %dma_start3A_260 = tpu.memref_slice %arg9[%select_n3A_255, %dma_start3A_258, %dma_start3A_259] : memref<8x128x32xf32, #tpu.memory_space<vmem>> -> memref<1x128x32xf32, #tpu.memory_space<vmem>>
      %dma_start3A_261 = tpu.memref_squeeze %dma_start3A_260 : memref<1x128x32xf32, #tpu.memory_space<vmem>> -> memref<128x32xf32, #tpu.memory_space<vmem>>
      %dma_start3A_262 = tpu.memref_slice %arg7[%mul3A_257] : memref<10240xi32, #tpu.memory_space<vmem>> -> memref<128xi32, #tpu.memory_space<vmem>>
      %dma_start3A_263 = arith.constant 0 : i32
      %dma_start3A_264 = arith.constant 0 : i32
      %dma_start3A_265 = tpu.memref_slice %arg2[%dma_start3A_263, %dma_start3A_264] : memref<10000x32xf32, #tpu.memory_space<hbm>> -> memref<10000x32xf32, #tpu.memory_space<hbm>>
      tpu.enqueue_indirect_dma source(%dma_start3A_265 : memref<10000x32xf32, #tpu.memory_space<hbm>>) target(%dma_start3A_261 : memref<128x32xf32, #tpu.memory_space<vmem>>) offsets(%dma_start3A_262 : memref<128xi32, #tpu.memory_space<vmem>>) semaphore(%arg11 : memref<!tpu.dma_semaphore, #tpu.memory_space<semaphore_mem>>)
      %run_scoped3A_266 = arith.constant 0 : i32
      "tpu.region"() ({
        %run_scoped3A_757 = tpu.sem_alloc : memref<!tpu.dma_semaphore, #tpu.memory_space<semaphore_mem>>
        %dma_start3A_758 = arith.constant 0 : i32
        %dma_start3A_759 = arith.constant 0 : i32
        %dma_start3A_760 = tpu.memref_slice %arg9[%run_scoped3A_266, %dma_start3A_758, %dma_start3A_759] : memref<8x128x32xf32, #tpu.memory_space<vmem>> -> memref<1x128x32xf32, #tpu.memory_space<vmem>>
        %dma_start3A_761 = tpu.memref_squeeze %dma_start3A_760 : memref<1x128x32xf32, #tpu.memory_space<vmem>> -> memref<128x32xf32, #tpu.memory_space<vmem>>
        %dma_start3A_762 = arith.constant 0 : i32
        %dma_start3A_763 = tpu.memref_slice %arg8[%add3A_208, %dma_start3A_762] : memref<80x128xi32, #tpu.memory_space<vmem>> -> memref<1x128xi32, #tpu.memory_space<vmem>>
        %dma_start3A_764 = tpu.memref_squeeze %dma_start3A_763 : memref<1x128xi32, #tpu.memory_space<vmem>> -> memref<128xi32, #tpu.memory_space<vmem>>
        %dma_start3A_765 = arith.constant 0 : i32
        %dma_start3A_766 = arith.constant 0 : i32
        %dma_start3A_767 = tpu.memref_slice %arg10[%dma_start3A_765, %dma_start3A_766] : memref<10112x32xf32, #tpu.memory_space<vmem_shared>> -> memref<10112x32xf32, #tpu.memory_space<vmem_shared>>
        tpu.enqueue_indirect_dma source(%dma_start3A_761 : memref<128x32xf32, #tpu.memory_space<vmem>>) target(%dma_start3A_767 : memref<10112x32xf32, #tpu.memory_space<vmem_shared>>) offsets(%dma_start3A_764 : memref<128xi32, #tpu.memory_space<vmem>>) semaphore(%run_scoped3A_757 : memref<!tpu.dma_semaphore, #tpu.memory_space<semaphore_mem>>) {add = true}
        %dma_wait3A_768 = arith.constant 0 : i32
        %dma_wait3A_769 = arith.constant 0 : i32
        %dma_wait3A_770 = tpu.memref_slice %arg9[%run_scoped3A_266, %dma_wait3A_768, %dma_wait3A_769] : memref<8x128x32xf32, #tpu.memory_space<vmem>> -> memref<1x128x32xf32, #tpu.memory_space<vmem>>
        %dma_wait3A_771 = tpu.memref_squeeze %dma_wait3A_770 : memref<1x128x32xf32, #tpu.memory_space<vmem>> -> memref<128x32xf32, #tpu.memory_space<vmem>>
        %dma_wait3A_772 = arith.constant 0 : i32
        %dma_wait3A_773 = tpu.memref_slice %arg8[%add3A_208, %dma_wait3A_772] : memref<80x128xi32, #tpu.memory_space<vmem>> -> memref<1x128xi32, #tpu.memory_space<vmem>>
        %dma_wait3A_774 = tpu.memref_squeeze %dma_wait3A_773 : memref<1x128xi32, #tpu.memory_space<vmem>> -> memref<128xi32, #tpu.memory_space<vmem>>
        %dma_wait3A_775 = arith.constant 0 : i32
        %dma_wait3A_776 = arith.constant 0 : i32
        %dma_wait3A_777 = tpu.memref_slice %arg10[%dma_wait3A_775, %dma_wait3A_776] : memref<10112x32xf32, #tpu.memory_space<vmem_shared>> -> memref<10112x32xf32, #tpu.memory_space<vmem_shared>>
        tpu.wait_indirect_dma semaphore(%run_scoped3A_757 : memref<!tpu.dma_semaphore, #tpu.memory_space<semaphore_mem>>) src(%dma_wait3A_771 : memref<128x32xf32, #tpu.memory_space<vmem>>) dst(%dma_wait3A_777 : memref<10112x32xf32, #tpu.memory_space<vmem_shared>>)
        tpu.yield
      }) : () -> ()
      %mul3A_267 = arith.constant 8 : i32
      %mul3A_268 = arith.muli %mul3A_267, %scan3A_204 : i32
      %add3A_269 = arith.constant 1 : i32
      %add3A_270 = arith.addi %mul3A_268, %add3A_269 : i32
      %dma_wait3A_271 = arith.constant 1 : i32
      %dma_wait3A_272 = arith.constant 0 : i32
      %dma_wait3A_273 = arith.constant 0 : i32
      %dma_wait3A_274 = tpu.memref_slice %arg9[%dma_wait3A_271, %dma_wait3A_272, %dma_wait3A_273] : memref<8x128x32xf32, #tpu.memory_space<vmem>> -> memref<1x128x32xf32, #tpu.memory_space<vmem>>
      %dma_wait3A_275 = tpu.memref_squeeze %dma_wait3A_274 : memref<1x128x32xf32, #tpu.memory_space<vmem>> -> memref<128x32xf32, #tpu.memory_space<vmem>>
      %dma_wait3A_276 = arith.constant 0 : i32
      %dma_wait3A_277 = arith.constant 0 : i32
      %dma_wait3A_278 = tpu.memref_slice %arg2[%dma_wait3A_276, %dma_wait3A_277] : memref<10000x32xf32, #tpu.memory_space<hbm>> -> memref<128x32xf32, #tpu.memory_space<hbm>>
      %dma_wait3A_279 = arith.constant 0 : i32
      %dma_wait3A_280 = arith.constant 0 : i32
      %dma_wait3A_281 = tpu.memref_slice %arg9[%dma_wait3A_271, %dma_wait3A_279, %dma_wait3A_280] : memref<8x128x32xf32, #tpu.memory_space<vmem>> -> memref<1x128x32xf32, #tpu.memory_space<vmem>>
      %dma_wait3A_282 = tpu.memref_squeeze %dma_wait3A_281 : memref<1x128x32xf32, #tpu.memory_space<vmem>> -> memref<128x32xf32, #tpu.memory_space<vmem>>
      %dma_wait3A_283 = arith.constant 0 : i32
      %dma_wait3A_284 = arith.constant 0 : i32
      %dma_wait3A_285 = tpu.memref_slice %arg2[%dma_wait3A_283, %dma_wait3A_284] : memref<10000x32xf32, #tpu.memory_space<hbm>> -> memref<128x32xf32, #tpu.memory_space<hbm>>
      tpu.wait_dma2 semaphore(%arg11 : memref<!tpu.dma_semaphore, #tpu.memory_space<semaphore_mem>>) src(%dma_wait3A_285 : memref<128x32xf32, #tpu.memory_space<hbm>>) dst(%dma_wait3A_282 : memref<128x32xf32, #tpu.memory_space<vmem>>)
      %add3A_286 = arith.constant 8 : i32
      %add3A_287 = arith.addi %add3A_270, %add3A_286 : i32
      %sub3A_288 = arith.constant 1 : i32
      %sub3A_289 = arith.subi %add3A_287, %sub3A_288 : i32
      %jit3A_290 = arith.constant 80 : i32
      %eq3A_291 = arith.constant 0 : i32
      %eq3A_292 = arith.cmpi eq, %jit3A_290, %eq3A_291 : i32
      %jit3A_293 = arith.constant 1 : i32
      %select_n3A_294 = arith.select %eq3A_292, %jit3A_293, %jit3A_290 : i32
      %rem3A_295 = arith.remsi %sub3A_289, %select_n3A_294 : i32
      %ne3A_296 = arith.constant 0 : i32
      %ne3A_297 = arith.cmpi ne, %rem3A_295, %ne3A_296 : i32
      %lt3A_298 = arith.constant 0 : i32
      %lt3A_299 = arith.cmpi slt, %rem3A_295, %lt3A_298 : i32
      %lt3A_300 = arith.constant 0 : i32
      %lt3A_301 = arith.cmpi slt, %select_n3A_294, %lt3A_300 : i32
      %ne3A_302 = arith.xori %lt3A_299, %lt3A_301 : i1
      %and3A_303 = arith.andi %ne3A_302, %ne3A_297 : i1
      %add3A_304 = arith.addi %rem3A_295, %select_n3A_294 : i32
      %select_n3A_305 = arith.select %and3A_303, %add3A_304, %rem3A_295 : i32
      %add3A_306 = arith.constant 8 : i32
      %add3A_307 = arith.addi %add3A_270, %add3A_306 : i32
      %sub3A_308 = arith.constant 1 : i32
      %sub3A_309 = arith.subi %add3A_307, %sub3A_308 : i32
      %jit3A_310 = arith.constant 8 : i32
      %eq3A_311 = arith.constant 0 : i32
      %eq3A_312 = arith.cmpi eq, %jit3A_310, %eq3A_311 : i32
      %jit3A_313 = arith.constant 1 : i32
      %select_n3A_314 = arith.select %eq3A_312, %jit3A_313, %jit3A_310 : i32
      %rem3A_315 = arith.remsi %sub3A_309, %select_n3A_314 : i32
      %ne3A_316 = arith.constant 0 : i32
      %ne3A_317 = arith.cmpi ne, %rem3A_315, %ne3A_316 : i32
      %lt3A_318 = arith.constant 0 : i32
      %lt3A_319 = arith.cmpi slt, %rem3A_315, %lt3A_318 : i32
      %lt3A_320 = arith.constant 0 : i32
      %lt3A_321 = arith.cmpi slt, %select_n3A_314, %lt3A_320 : i32
      %ne3A_322 = arith.xori %lt3A_319, %lt3A_321 : i1
      %and3A_323 = arith.andi %ne3A_322, %ne3A_317 : i1
      %add3A_324 = arith.addi %rem3A_315, %select_n3A_314 : i32
      %select_n3A_325 = arith.select %and3A_323, %add3A_324, %rem3A_315 : i32
      %mul3A_326 = arith.constant 128 : i32
      %mul3A_327 = arith.muli %select_n3A_305, %mul3A_326 : i32
      %dma_start3A_328 = arith.constant 0 : i32
      %dma_start3A_329 = arith.constant 0 : i32
      %dma_start3A_330 = tpu.memref_slice %arg9[%select_n3A_325, %dma_start3A_328, %dma_start3A_329] : memref<8x128x32xf32, #tpu.memory_space<vmem>> -> memref<1x128x32xf32, #tpu.memory_space<vmem>>
      %dma_start3A_331 = tpu.memref_squeeze %dma_start3A_330 : memref<1x128x32xf32, #tpu.memory_space<vmem>> -> memref<128x32xf32, #tpu.memory_space<vmem>>
      %dma_start3A_332 = tpu.memref_slice %arg7[%mul3A_327] : memref<10240xi32, #tpu.memory_space<vmem>> -> memref<128xi32, #tpu.memory_space<vmem>>
      %dma_start3A_333 = arith.constant 0 : i32
      %dma_start3A_334 = arith.constant 0 : i32
      %dma_start3A_335 = tpu.memref_slice %arg2[%dma_start3A_333, %dma_start3A_334] : memref<10000x32xf32, #tpu.memory_space<hbm>> -> memref<10000x32xf32, #tpu.memory_space<hbm>>
      tpu.enqueue_indirect_dma source(%dma_start3A_335 : memref<10000x32xf32, #tpu.memory_space<hbm>>) target(%dma_start3A_331 : memref<128x32xf32, #tpu.memory_space<vmem>>) offsets(%dma_start3A_332 : memref<128xi32, #tpu.memory_space<vmem>>) semaphore(%arg11 : memref<!tpu.dma_semaphore, #tpu.memory_space<semaphore_mem>>)
      %run_scoped3A_336 = arith.constant 1 : i32
      "tpu.region"() ({
        %run_scoped3A_757 = tpu.sem_alloc : memref<!tpu.dma_semaphore, #tpu.memory_space<semaphore_mem>>
        %dma_start3A_758 = arith.constant 0 : i32
        %dma_start3A_759 = arith.constant 0 : i32
        %dma_start3A_760 = tpu.memref_slice %arg9[%run_scoped3A_336, %dma_start3A_758, %dma_start3A_759] : memref<8x128x32xf32, #tpu.memory_space<vmem>> -> memref<1x128x32xf32, #tpu.memory_space<vmem>>
        %dma_start3A_761 = tpu.memref_squeeze %dma_start3A_760 : memref<1x128x32xf32, #tpu.memory_space<vmem>> -> memref<128x32xf32, #tpu.memory_space<vmem>>
        %dma_start3A_762 = arith.constant 0 : i32
        %dma_start3A_763 = tpu.memref_slice %arg8[%add3A_270, %dma_start3A_762] : memref<80x128xi32, #tpu.memory_space<vmem>> -> memref<1x128xi32, #tpu.memory_space<vmem>>
        %dma_start3A_764 = tpu.memref_squeeze %dma_start3A_763 : memref<1x128xi32, #tpu.memory_space<vmem>> -> memref<128xi32, #tpu.memory_space<vmem>>
        %dma_start3A_765 = arith.constant 0 : i32
        %dma_start3A_766 = arith.constant 0 : i32
        %dma_start3A_767 = tpu.memref_slice %arg10[%dma_start3A_765, %dma_start3A_766] : memref<10112x32xf32, #tpu.memory_space<vmem_shared>> -> memref<10112x32xf32, #tpu.memory_space<vmem_shared>>
        tpu.enqueue_indirect_dma source(%dma_start3A_761 : memref<128x32xf32, #tpu.memory_space<vmem>>) target(%dma_start3A_767 : memref<10112x32xf32, #tpu.memory_space<vmem_shared>>) offsets(%dma_start3A_764 : memref<128xi32, #tpu.memory_space<vmem>>) semaphore(%run_scoped3A_757 : memref<!tpu.dma_semaphore, #tpu.memory_space<semaphore_mem>>) {add = true}
        %dma_wait3A_768 = arith.constant 0 : i32
        %dma_wait3A_769 = arith.constant 0 : i32
        %dma_wait3A_770 = tpu.memref_slice %arg9[%run_scoped3A_336, %dma_wait3A_768, %dma_wait3A_769] : memref<8x128x32xf32, #tpu.memory_space<vmem>> -> memref<1x128x32xf32, #tpu.memory_space<vmem>>
        %dma_wait3A_771 = tpu.memref_squeeze %dma_wait3A_770 : memref<1x128x32xf32, #tpu.memory_space<vmem>> -> memref<128x32xf32, #tpu.memory_space<vmem>>
        %dma_wait3A_772 = arith.constant 0 : i32
        %dma_wait3A_773 = tpu.memref_slice %arg8[%add3A_270, %dma_wait3A_772] : memref<80x128xi32, #tpu.memory_space<vmem>> -> memref<1x128xi32, #tpu.memory_space<vmem>>
        %dma_wait3A_774 = tpu.memref_squeeze %dma_wait3A_773 : memref<1x128xi32, #tpu.memory_space<vmem>> -> memref<128xi32, #tpu.memory_space<vmem>>
        %dma_wait3A_775 = arith.constant 0 : i32
        %dma_wait3A_776 = arith.constant 0 : i32
        %dma_wait3A_777 = tpu.memref_slice %arg10[%dma_wait3A_775, %dma_wait3A_776] : memref<10112x32xf32, #tpu.memory_space<vmem_shared>> -> memref<10112x32xf32, #tpu.memory_space<vmem_shared>>
        tpu.wait_indirect_dma semaphore(%run_scoped3A_757 : memref<!tpu.dma_semaphore, #tpu.memory_space<semaphore_mem>>) src(%dma_wait3A_771 : memref<128x32xf32, #tpu.memory_space<vmem>>) dst(%dma_wait3A_777 : memref<10112x32xf32, #tpu.memory_space<vmem_shared>>)
        tpu.yield
      }) : () -> ()
      %mul3A_337 = arith.constant 8 : i32
      %mul3A_338 = arith.muli %mul3A_337, %scan3A_204 : i32
      %add3A_339 = arith.constant 2 : i32
      %add3A_340 = arith.addi %mul3A_338, %add3A_339 : i32
      %dma_wait3A_341 = arith.constant 2 : i32
      %dma_wait3A_342 = arith.constant 0 : i32
      %dma_wait3A_343 = arith.constant 0 : i32
      %dma_wait3A_344 = tpu.memref_slice %arg9[%dma_wait3A_341, %dma_wait3A_342, %dma_wait3A_343] : memref<8x128x32xf32, #tpu.memory_space<vmem>> -> memref<1x128x32xf32, #tpu.memory_space<vmem>>
      %dma_wait3A_345 = tpu.memref_squeeze %dma_wait3A_344 : memref<1x128x32xf32, #tpu.memory_space<vmem>> -> memref<128x32xf32, #tpu.memory_space<vmem>>
      %dma_wait3A_346 = arith.constant 0 : i32
      %dma_wait3A_347 = arith.constant 0 : i32
      %dma_wait3A_348 = tpu.memref_slice %arg2[%dma_wait3A_346, %dma_wait3A_347] : memref<10000x32xf32, #tpu.memory_space<hbm>> -> memref<128x32xf32, #tpu.memory_space<hbm>>
      %dma_wait3A_349 = arith.constant 0 : i32
      %dma_wait3A_350 = arith.constant 0 : i32
      %dma_wait3A_351 = tpu.memref_slice %arg9[%dma_wait3A_341, %dma_wait3A_349, %dma_wait3A_350] : memref<8x128x32xf32, #tpu.memory_space<vmem>> -> memref<1x128x32xf32, #tpu.memory_space<vmem>>
      %dma_wait3A_352 = tpu.memref_squeeze %dma_wait3A_351 : memref<1x128x32xf32, #tpu.memory_space<vmem>> -> memref<128x32xf32, #tpu.memory_space<vmem>>
      %dma_wait3A_353 = arith.constant 0 : i32
      %dma_wait3A_354 = arith.constant 0 : i32
      %dma_wait3A_355 = tpu.memref_slice %arg2[%dma_wait3A_353, %dma_wait3A_354] : memref<10000x32xf32, #tpu.memory_space<hbm>> -> memref<128x32xf32, #tpu.memory_space<hbm>>
      tpu.wait_dma2 semaphore(%arg11 : memref<!tpu.dma_semaphore, #tpu.memory_space<semaphore_mem>>) src(%dma_wait3A_355 : memref<128x32xf32, #tpu.memory_space<hbm>>) dst(%dma_wait3A_352 : memref<128x32xf32, #tpu.memory_space<vmem>>)
      %add3A_356 = arith.constant 8 : i32
      %add3A_357 = arith.addi %add3A_340, %add3A_356 : i32
      %sub3A_358 = arith.constant 1 : i32
      %sub3A_359 = arith.subi %add3A_357, %sub3A_358 : i32
      %jit3A_360 = arith.constant 80 : i32
      %eq3A_361 = arith.constant 0 : i32
      %eq3A_362 = arith.cmpi eq, %jit3A_360, %eq3A_361 : i32
      %jit3A_363 = arith.constant 1 : i32
      %select_n3A_364 = arith.select %eq3A_362, %jit3A_363, %jit3A_360 : i32
      %rem3A_365 = arith.remsi %sub3A_359, %select_n3A_364 : i32
      %ne3A_366 = arith.constant 0 : i32
      %ne3A_367 = arith.cmpi ne, %rem3A_365, %ne3A_366 : i32
      %lt3A_368 = arith.constant 0 : i32
      %lt3A_369 = arith.cmpi slt, %rem3A_365, %lt3A_368 : i32
      %lt3A_370 = arith.constant 0 : i32
      %lt3A_371 = arith.cmpi slt, %select_n3A_364, %lt3A_370 : i32
      %ne3A_372 = arith.xori %lt3A_369, %lt3A_371 : i1
      %and3A_373 = arith.andi %ne3A_372, %ne3A_367 : i1
      %add3A_374 = arith.addi %rem3A_365, %select_n3A_364 : i32
      %select_n3A_375 = arith.select %and3A_373, %add3A_374, %rem3A_365 : i32
      %add3A_376 = arith.constant 8 : i32
      %add3A_377 = arith.addi %add3A_340, %add3A_376 : i32
      %sub3A_378 = arith.constant 1 : i32
      %sub3A_379 = arith.subi %add3A_377, %sub3A_378 : i32
      %jit3A_380 = arith.constant 8 : i32
      %eq3A_381 = arith.constant 0 : i32
      %eq3A_382 = arith.cmpi eq, %jit3A_380, %eq3A_381 : i32
      %jit3A_383 = arith.constant 1 : i32
      %select_n3A_384 = arith.select %eq3A_382, %jit3A_383, %jit3A_380 : i32
      %rem3A_385 = arith.remsi %sub3A_379, %select_n3A_384 : i32
      %ne3A_386 = arith.constant 0 : i32
      %ne3A_387 = arith.cmpi ne, %rem3A_385, %ne3A_386 : i32
      %lt3A_388 = arith.constant 0 : i32
      %lt3A_389 = arith.cmpi slt, %rem3A_385, %lt3A_388 : i32
      %lt3A_390 = arith.constant 0 : i32
      %lt3A_391 = arith.cmpi slt, %select_n3A_384, %lt3A_390 : i32
      %ne3A_392 = arith.xori %lt3A_389, %lt3A_391 : i1
      %and3A_393 = arith.andi %ne3A_392, %ne3A_387 : i1
      %add3A_394 = arith.addi %rem3A_385, %select_n3A_384 : i32
      %select_n3A_395 = arith.select %and3A_393, %add3A_394, %rem3A_385 : i32
      %mul3A_396 = arith.constant 128 : i32
      %mul3A_397 = arith.muli %select_n3A_375, %mul3A_396 : i32
      %dma_start3A_398 = arith.constant 0 : i32
      %dma_start3A_399 = arith.constant 0 : i32
      %dma_start3A_400 = tpu.memref_slice %arg9[%select_n3A_395, %dma_start3A_398, %dma_start3A_399] : memref<8x128x32xf32, #tpu.memory_space<vmem>> -> memref<1x128x32xf32, #tpu.memory_space<vmem>>
      %dma_start3A_401 = tpu.memref_squeeze %dma_start3A_400 : memref<1x128x32xf32, #tpu.memory_space<vmem>> -> memref<128x32xf32, #tpu.memory_space<vmem>>
      %dma_start3A_402 = tpu.memref_slice %arg7[%mul3A_397] : memref<10240xi32, #tpu.memory_space<vmem>> -> memref<128xi32, #tpu.memory_space<vmem>>
      %dma_start3A_403 = arith.constant 0 : i32
      %dma_start3A_404 = arith.constant 0 : i32
      %dma_start3A_405 = tpu.memref_slice %arg2[%dma_start3A_403, %dma_start3A_404] : memref<10000x32xf32, #tpu.memory_space<hbm>> -> memref<10000x32xf32, #tpu.memory_space<hbm>>
      tpu.enqueue_indirect_dma source(%dma_start3A_405 : memref<10000x32xf32, #tpu.memory_space<hbm>>) target(%dma_start3A_401 : memref<128x32xf32, #tpu.memory_space<vmem>>) offsets(%dma_start3A_402 : memref<128xi32, #tpu.memory_space<vmem>>) semaphore(%arg11 : memref<!tpu.dma_semaphore, #tpu.memory_space<semaphore_mem>>)
      %run_scoped3A_406 = arith.constant 2 : i32
      "tpu.region"() ({
        %run_scoped3A_757 = tpu.sem_alloc : memref<!tpu.dma_semaphore, #tpu.memory_space<semaphore_mem>>
        %dma_start3A_758 = arith.constant 0 : i32
        %dma_start3A_759 = arith.constant 0 : i32
        %dma_start3A_760 = tpu.memref_slice %arg9[%run_scoped3A_406, %dma_start3A_758, %dma_start3A_759] : memref<8x128x32xf32, #tpu.memory_space<vmem>> -> memref<1x128x32xf32, #tpu.memory_space<vmem>>
        %dma_start3A_761 = tpu.memref_squeeze %dma_start3A_760 : memref<1x128x32xf32, #tpu.memory_space<vmem>> -> memref<128x32xf32, #tpu.memory_space<vmem>>
        %dma_start3A_762 = arith.constant 0 : i32
        %dma_start3A_763 = tpu.memref_slice %arg8[%add3A_340, %dma_start3A_762] : memref<80x128xi32, #tpu.memory_space<vmem>> -> memref<1x128xi32, #tpu.memory_space<vmem>>
        %dma_start3A_764 = tpu.memref_squeeze %dma_start3A_763 : memref<1x128xi32, #tpu.memory_space<vmem>> -> memref<128xi32, #tpu.memory_space<vmem>>
        %dma_start3A_765 = arith.constant 0 : i32
        %dma_start3A_766 = arith.constant 0 : i32
        %dma_start3A_767 = tpu.memref_slice %arg10[%dma_start3A_765, %dma_start3A_766] : memref<10112x32xf32, #tpu.memory_space<vmem_shared>> -> memref<10112x32xf32, #tpu.memory_space<vmem_shared>>
        tpu.enqueue_indirect_dma source(%dma_start3A_761 : memref<128x32xf32, #tpu.memory_space<vmem>>) target(%dma_start3A_767 : memref<10112x32xf32, #tpu.memory_space<vmem_shared>>) offsets(%dma_start3A_764 : memref<128xi32, #tpu.memory_space<vmem>>) semaphore(%run_scoped3A_757 : memref<!tpu.dma_semaphore, #tpu.memory_space<semaphore_mem>>) {add = true}
        %dma_wait3A_768 = arith.constant 0 : i32
        %dma_wait3A_769 = arith.constant 0 : i32
        %dma_wait3A_770 = tpu.memref_slice %arg9[%run_scoped3A_406, %dma_wait3A_768, %dma_wait3A_769] : memref<8x128x32xf32, #tpu.memory_space<vmem>> -> memref<1x128x32xf32, #tpu.memory_space<vmem>>
        %dma_wait3A_771 = tpu.memref_squeeze %dma_wait3A_770 : memref<1x128x32xf32, #tpu.memory_space<vmem>> -> memref<128x32xf32, #tpu.memory_space<vmem>>
        %dma_wait3A_772 = arith.constant 0 : i32
        %dma_wait3A_773 = tpu.memref_slice %arg8[%add3A_340, %dma_wait3A_772] : memref<80x128xi32, #tpu.memory_space<vmem>> -> memref<1x128xi32, #tpu.memory_space<vmem>>
        %dma_wait3A_774 = tpu.memref_squeeze %dma_wait3A_773 : memref<1x128xi32, #tpu.memory_space<vmem>> -> memref<128xi32, #tpu.memory_space<vmem>>
        %dma_wait3A_775 = arith.constant 0 : i32
        %dma_wait3A_776 = arith.constant 0 : i32
        %dma_wait3A_777 = tpu.memref_slice %arg10[%dma_wait3A_775, %dma_wait3A_776] : memref<10112x32xf32, #tpu.memory_space<vmem_shared>> -> memref<10112x32xf32, #tpu.memory_space<vmem_shared>>
        tpu.wait_indirect_dma semaphore(%run_scoped3A_757 : memref<!tpu.dma_semaphore, #tpu.memory_space<semaphore_mem>>) src(%dma_wait3A_771 : memref<128x32xf32, #tpu.memory_space<vmem>>) dst(%dma_wait3A_777 : memref<10112x32xf32, #tpu.memory_space<vmem_shared>>)
        tpu.yield
      }) : () -> ()
      %mul3A_407 = arith.constant 8 : i32
      %mul3A_408 = arith.muli %mul3A_407, %scan3A_204 : i32
      %add3A_409 = arith.constant 3 : i32
      %add3A_410 = arith.addi %mul3A_408, %add3A_409 : i32
      %dma_wait3A_411 = arith.constant 3 : i32
      %dma_wait3A_412 = arith.constant 0 : i32
      %dma_wait3A_413 = arith.constant 0 : i32
      %dma_wait3A_414 = tpu.memref_slice %arg9[%dma_wait3A_411, %dma_wait3A_412, %dma_wait3A_413] : memref<8x128x32xf32, #tpu.memory_space<vmem>> -> memref<1x128x32xf32, #tpu.memory_space<vmem>>
      %dma_wait3A_415 = tpu.memref_squeeze %dma_wait3A_414 : memref<1x128x32xf32, #tpu.memory_space<vmem>> -> memref<128x32xf32, #tpu.memory_space<vmem>>
      %dma_wait3A_416 = arith.constant 0 : i32
      %dma_wait3A_417 = arith.constant 0 : i32
      %dma_wait3A_418 = tpu.memref_slice %arg2[%dma_wait3A_416, %dma_wait3A_417] : memref<10000x32xf32, #tpu.memory_space<hbm>> -> memref<128x32xf32, #tpu.memory_space<hbm>>
      %dma_wait3A_419 = arith.constant 0 : i32
      %dma_wait3A_420 = arith.constant 0 : i32
      %dma_wait3A_421 = tpu.memref_slice %arg9[%dma_wait3A_411, %dma_wait3A_419, %dma_wait3A_420] : memref<8x128x32xf32, #tpu.memory_space<vmem>> -> memref<1x128x32xf32, #tpu.memory_space<vmem>>
      %dma_wait3A_422 = tpu.memref_squeeze %dma_wait3A_421 : memref<1x128x32xf32, #tpu.memory_space<vmem>> -> memref<128x32xf32, #tpu.memory_space<vmem>>
      %dma_wait3A_423 = arith.constant 0 : i32
      %dma_wait3A_424 = arith.constant 0 : i32
      %dma_wait3A_425 = tpu.memref_slice %arg2[%dma_wait3A_423, %dma_wait3A_424] : memref<10000x32xf32, #tpu.memory_space<hbm>> -> memref<128x32xf32, #tpu.memory_space<hbm>>
      tpu.wait_dma2 semaphore(%arg11 : memref<!tpu.dma_semaphore, #tpu.memory_space<semaphore_mem>>) src(%dma_wait3A_425 : memref<128x32xf32, #tpu.memory_space<hbm>>) dst(%dma_wait3A_422 : memref<128x32xf32, #tpu.memory_space<vmem>>)
      %add3A_426 = arith.constant 8 : i32
      %add3A_427 = arith.addi %add3A_410, %add3A_426 : i32
      %sub3A_428 = arith.constant 1 : i32
      %sub3A_429 = arith.subi %add3A_427, %sub3A_428 : i32
      %jit3A_430 = arith.constant 80 : i32
      %eq3A_431 = arith.constant 0 : i32
      %eq3A_432 = arith.cmpi eq, %jit3A_430, %eq3A_431 : i32
      %jit3A_433 = arith.constant 1 : i32
      %select_n3A_434 = arith.select %eq3A_432, %jit3A_433, %jit3A_430 : i32
      %rem3A_435 = arith.remsi %sub3A_429, %select_n3A_434 : i32
      %ne3A_436 = arith.constant 0 : i32
      %ne3A_437 = arith.cmpi ne, %rem3A_435, %ne3A_436 : i32
      %lt3A_438 = arith.constant 0 : i32
      %lt3A_439 = arith.cmpi slt, %rem3A_435, %lt3A_438 : i32
      %lt3A_440 = arith.constant 0 : i32
      %lt3A_441 = arith.cmpi slt, %select_n3A_434, %lt3A_440 : i32
      %ne3A_442 = arith.xori %lt3A_439, %lt3A_441 : i1
      %and3A_443 = arith.andi %ne3A_442, %ne3A_437 : i1
      %add3A_444 = arith.addi %rem3A_435, %select_n3A_434 : i32
      %select_n3A_445 = arith.select %and3A_443, %add3A_444, %rem3A_435 : i32
      %add3A_446 = arith.constant 8 : i32
      %add3A_447 = arith.addi %add3A_410, %add3A_446 : i32
      %sub3A_448 = arith.constant 1 : i32
      %sub3A_449 = arith.subi %add3A_447, %sub3A_448 : i32
      %jit3A_450 = arith.constant 8 : i32
      %eq3A_451 = arith.constant 0 : i32
      %eq3A_452 = arith.cmpi eq, %jit3A_450, %eq3A_451 : i32
      %jit3A_453 = arith.constant 1 : i32
      %select_n3A_454 = arith.select %eq3A_452, %jit3A_453, %jit3A_450 : i32
      %rem3A_455 = arith.remsi %sub3A_449, %select_n3A_454 : i32
      %ne3A_456 = arith.constant 0 : i32
      %ne3A_457 = arith.cmpi ne, %rem3A_455, %ne3A_456 : i32
      %lt3A_458 = arith.constant 0 : i32
      %lt3A_459 = arith.cmpi slt, %rem3A_455, %lt3A_458 : i32
      %lt3A_460 = arith.constant 0 : i32
      %lt3A_461 = arith.cmpi slt, %select_n3A_454, %lt3A_460 : i32
      %ne3A_462 = arith.xori %lt3A_459, %lt3A_461 : i1
      %and3A_463 = arith.andi %ne3A_462, %ne3A_457 : i1
      %add3A_464 = arith.addi %rem3A_455, %select_n3A_454 : i32
      %select_n3A_465 = arith.select %and3A_463, %add3A_464, %rem3A_455 : i32
      %mul3A_466 = arith.constant 128 : i32
      %mul3A_467 = arith.muli %select_n3A_445, %mul3A_466 : i32
      %dma_start3A_468 = arith.constant 0 : i32
      %dma_start3A_469 = arith.constant 0 : i32
      %dma_start3A_470 = tpu.memref_slice %arg9[%select_n3A_465, %dma_start3A_468, %dma_start3A_469] : memref<8x128x32xf32, #tpu.memory_space<vmem>> -> memref<1x128x32xf32, #tpu.memory_space<vmem>>
      %dma_start3A_471 = tpu.memref_squeeze %dma_start3A_470 : memref<1x128x32xf32, #tpu.memory_space<vmem>> -> memref<128x32xf32, #tpu.memory_space<vmem>>
      %dma_start3A_472 = tpu.memref_slice %arg7[%mul3A_467] : memref<10240xi32, #tpu.memory_space<vmem>> -> memref<128xi32, #tpu.memory_space<vmem>>
      %dma_start3A_473 = arith.constant 0 : i32
      %dma_start3A_474 = arith.constant 0 : i32
      %dma_start3A_475 = tpu.memref_slice %arg2[%dma_start3A_473, %dma_start3A_474] : memref<10000x32xf32, #tpu.memory_space<hbm>> -> memref<10000x32xf32, #tpu.memory_space<hbm>>
      tpu.enqueue_indirect_dma source(%dma_start3A_475 : memref<10000x32xf32, #tpu.memory_space<hbm>>) target(%dma_start3A_471 : memref<128x32xf32, #tpu.memory_space<vmem>>) offsets(%dma_start3A_472 : memref<128xi32, #tpu.memory_space<vmem>>) semaphore(%arg11 : memref<!tpu.dma_semaphore, #tpu.memory_space<semaphore_mem>>)
      %run_scoped3A_476 = arith.constant 3 : i32
      "tpu.region"() ({
        %run_scoped3A_757 = tpu.sem_alloc : memref<!tpu.dma_semaphore, #tpu.memory_space<semaphore_mem>>
        %dma_start3A_758 = arith.constant 0 : i32
        %dma_start3A_759 = arith.constant 0 : i32
        %dma_start3A_760 = tpu.memref_slice %arg9[%run_scoped3A_476, %dma_start3A_758, %dma_start3A_759] : memref<8x128x32xf32, #tpu.memory_space<vmem>> -> memref<1x128x32xf32, #tpu.memory_space<vmem>>
        %dma_start3A_761 = tpu.memref_squeeze %dma_start3A_760 : memref<1x128x32xf32, #tpu.memory_space<vmem>> -> memref<128x32xf32, #tpu.memory_space<vmem>>
        %dma_start3A_762 = arith.constant 0 : i32
        %dma_start3A_763 = tpu.memref_slice %arg8[%add3A_410, %dma_start3A_762] : memref<80x128xi32, #tpu.memory_space<vmem>> -> memref<1x128xi32, #tpu.memory_space<vmem>>
        %dma_start3A_764 = tpu.memref_squeeze %dma_start3A_763 : memref<1x128xi32, #tpu.memory_space<vmem>> -> memref<128xi32, #tpu.memory_space<vmem>>
        %dma_start3A_765 = arith.constant 0 : i32
        %dma_start3A_766 = arith.constant 0 : i32
        %dma_start3A_767 = tpu.memref_slice %arg10[%dma_start3A_765, %dma_start3A_766] : memref<10112x32xf32, #tpu.memory_space<vmem_shared>> -> memref<10112x32xf32, #tpu.memory_space<vmem_shared>>
        tpu.enqueue_indirect_dma source(%dma_start3A_761 : memref<128x32xf32, #tpu.memory_space<vmem>>) target(%dma_start3A_767 : memref<10112x32xf32, #tpu.memory_space<vmem_shared>>) offsets(%dma_start3A_764 : memref<128xi32, #tpu.memory_space<vmem>>) semaphore(%run_scoped3A_757 : memref<!tpu.dma_semaphore, #tpu.memory_space<semaphore_mem>>) {add = true}
        %dma_wait3A_768 = arith.constant 0 : i32
        %dma_wait3A_769 = arith.constant 0 : i32
        %dma_wait3A_770 = tpu.memref_slice %arg9[%run_scoped3A_476, %dma_wait3A_768, %dma_wait3A_769] : memref<8x128x32xf32, #tpu.memory_space<vmem>> -> memref<1x128x32xf32, #tpu.memory_space<vmem>>
        %dma_wait3A_771 = tpu.memref_squeeze %dma_wait3A_770 : memref<1x128x32xf32, #tpu.memory_space<vmem>> -> memref<128x32xf32, #tpu.memory_space<vmem>>
        %dma_wait3A_772 = arith.constant 0 : i32
        %dma_wait3A_773 = tpu.memref_slice %arg8[%add3A_410, %dma_wait3A_772] : memref<80x128xi32, #tpu.memory_space<vmem>> -> memref<1x128xi32, #tpu.memory_space<vmem>>
        %dma_wait3A_774 = tpu.memref_squeeze %dma_wait3A_773 : memref<1x128xi32, #tpu.memory_space<vmem>> -> memref<128xi32, #tpu.memory_space<vmem>>
        %dma_wait3A_775 = arith.constant 0 : i32
        %dma_wait3A_776 = arith.constant 0 : i32
        %dma_wait3A_777 = tpu.memref_slice %arg10[%dma_wait3A_775, %dma_wait3A_776] : memref<10112x32xf32, #tpu.memory_space<vmem_shared>> -> memref<10112x32xf32, #tpu.memory_space<vmem_shared>>
        tpu.wait_indirect_dma semaphore(%run_scoped3A_757 : memref<!tpu.dma_semaphore, #tpu.memory_space<semaphore_mem>>) src(%dma_wait3A_771 : memref<128x32xf32, #tpu.memory_space<vmem>>) dst(%dma_wait3A_777 : memref<10112x32xf32, #tpu.memory_space<vmem_shared>>)
        tpu.yield
      }) : () -> ()
      %mul3A_477 = arith.constant 8 : i32
      %mul3A_478 = arith.muli %mul3A_477, %scan3A_204 : i32
      %add3A_479 = arith.constant 4 : i32
      %add3A_480 = arith.addi %mul3A_478, %add3A_479 : i32
      %dma_wait3A_481 = arith.constant 4 : i32
      %dma_wait3A_482 = arith.constant 0 : i32
      %dma_wait3A_483 = arith.constant 0 : i32
      %dma_wait3A_484 = tpu.memref_slice %arg9[%dma_wait3A_481, %dma_wait3A_482, %dma_wait3A_483] : memref<8x128x32xf32, #tpu.memory_space<vmem>> -> memref<1x128x32xf32, #tpu.memory_space<vmem>>
      %dma_wait3A_485 = tpu.memref_squeeze %dma_wait3A_484 : memref<1x128x32xf32, #tpu.memory_space<vmem>> -> memref<128x32xf32, #tpu.memory_space<vmem>>
      %dma_wait3A_486 = arith.constant 0 : i32
      %dma_wait3A_487 = arith.constant 0 : i32
      %dma_wait3A_488 = tpu.memref_slice %arg2[%dma_wait3A_486, %dma_wait3A_487] : memref<10000x32xf32, #tpu.memory_space<hbm>> -> memref<128x32xf32, #tpu.memory_space<hbm>>
      %dma_wait3A_489 = arith.constant 0 : i32
      %dma_wait3A_490 = arith.constant 0 : i32
      %dma_wait3A_491 = tpu.memref_slice %arg9[%dma_wait3A_481, %dma_wait3A_489, %dma_wait3A_490] : memref<8x128x32xf32, #tpu.memory_space<vmem>> -> memref<1x128x32xf32, #tpu.memory_space<vmem>>
      %dma_wait3A_492 = tpu.memref_squeeze %dma_wait3A_491 : memref<1x128x32xf32, #tpu.memory_space<vmem>> -> memref<128x32xf32, #tpu.memory_space<vmem>>
      %dma_wait3A_493 = arith.constant 0 : i32
      %dma_wait3A_494 = arith.constant 0 : i32
      %dma_wait3A_495 = tpu.memref_slice %arg2[%dma_wait3A_493, %dma_wait3A_494] : memref<10000x32xf32, #tpu.memory_space<hbm>> -> memref<128x32xf32, #tpu.memory_space<hbm>>
      tpu.wait_dma2 semaphore(%arg11 : memref<!tpu.dma_semaphore, #tpu.memory_space<semaphore_mem>>) src(%dma_wait3A_495 : memref<128x32xf32, #tpu.memory_space<hbm>>) dst(%dma_wait3A_492 : memref<128x32xf32, #tpu.memory_space<vmem>>)
      %add3A_496 = arith.constant 8 : i32
      %add3A_497 = arith.addi %add3A_480, %add3A_496 : i32
      %sub3A_498 = arith.constant 1 : i32
      %sub3A_499 = arith.subi %add3A_497, %sub3A_498 : i32
      %jit3A_500 = arith.constant 80 : i32
      %eq3A_501 = arith.constant 0 : i32
      %eq3A_502 = arith.cmpi eq, %jit3A_500, %eq3A_501 : i32
      %jit3A_503 = arith.constant 1 : i32
      %select_n3A_504 = arith.select %eq3A_502, %jit3A_503, %jit3A_500 : i32
      %rem3A_505 = arith.remsi %sub3A_499, %select_n3A_504 : i32
      %ne3A_506 = arith.constant 0 : i32
      %ne3A_507 = arith.cmpi ne, %rem3A_505, %ne3A_506 : i32
      %lt3A_508 = arith.constant 0 : i32
      %lt3A_509 = arith.cmpi slt, %rem3A_505, %lt3A_508 : i32
      %lt3A_510 = arith.constant 0 : i32
      %lt3A_511 = arith.cmpi slt, %select_n3A_504, %lt3A_510 : i32
      %ne3A_512 = arith.xori %lt3A_509, %lt3A_511 : i1
      %and3A_513 = arith.andi %ne3A_512, %ne3A_507 : i1
      %add3A_514 = arith.addi %rem3A_505, %select_n3A_504 : i32
      %select_n3A_515 = arith.select %and3A_513, %add3A_514, %rem3A_505 : i32
      %add3A_516 = arith.constant 8 : i32
      %add3A_517 = arith.addi %add3A_480, %add3A_516 : i32
      %sub3A_518 = arith.constant 1 : i32
      %sub3A_519 = arith.subi %add3A_517, %sub3A_518 : i32
      %jit3A_520 = arith.constant 8 : i32
      %eq3A_521 = arith.constant 0 : i32
      %eq3A_522 = arith.cmpi eq, %jit3A_520, %eq3A_521 : i32
      %jit3A_523 = arith.constant 1 : i32
      %select_n3A_524 = arith.select %eq3A_522, %jit3A_523, %jit3A_520 : i32
      %rem3A_525 = arith.remsi %sub3A_519, %select_n3A_524 : i32
      %ne3A_526 = arith.constant 0 : i32
      %ne3A_527 = arith.cmpi ne, %rem3A_525, %ne3A_526 : i32
      %lt3A_528 = arith.constant 0 : i32
      %lt3A_529 = arith.cmpi slt, %rem3A_525, %lt3A_528 : i32
      %lt3A_530 = arith.constant 0 : i32
      %lt3A_531 = arith.cmpi slt, %select_n3A_524, %lt3A_530 : i32
      %ne3A_532 = arith.xori %lt3A_529, %lt3A_531 : i1
      %and3A_533 = arith.andi %ne3A_532, %ne3A_527 : i1
      %add3A_534 = arith.addi %rem3A_525, %select_n3A_524 : i32
      %select_n3A_535 = arith.select %and3A_533, %add3A_534, %rem3A_525 : i32
      %mul3A_536 = arith.constant 128 : i32
      %mul3A_537 = arith.muli %select_n3A_515, %mul3A_536 : i32
      %dma_start3A_538 = arith.constant 0 : i32
      %dma_start3A_539 = arith.constant 0 : i32
      %dma_start3A_540 = tpu.memref_slice %arg9[%select_n3A_535, %dma_start3A_538, %dma_start3A_539] : memref<8x128x32xf32, #tpu.memory_space<vmem>> -> memref<1x128x32xf32, #tpu.memory_space<vmem>>
      %dma_start3A_541 = tpu.memref_squeeze %dma_start3A_540 : memref<1x128x32xf32, #tpu.memory_space<vmem>> -> memref<128x32xf32, #tpu.memory_space<vmem>>
      %dma_start3A_542 = tpu.memref_slice %arg7[%mul3A_537] : memref<10240xi32, #tpu.memory_space<vmem>> -> memref<128xi32, #tpu.memory_space<vmem>>
      %dma_start3A_543 = arith.constant 0 : i32
      %dma_start3A_544 = arith.constant 0 : i32
      %dma_start3A_545 = tpu.memref_slice %arg2[%dma_start3A_543, %dma_start3A_544] : memref<10000x32xf32, #tpu.memory_space<hbm>> -> memref<10000x32xf32, #tpu.memory_space<hbm>>
      tpu.enqueue_indirect_dma source(%dma_start3A_545 : memref<10000x32xf32, #tpu.memory_space<hbm>>) target(%dma_start3A_541 : memref<128x32xf32, #tpu.memory_space<vmem>>) offsets(%dma_start3A_542 : memref<128xi32, #tpu.memory_space<vmem>>) semaphore(%arg11 : memref<!tpu.dma_semaphore, #tpu.memory_space<semaphore_mem>>)
      %run_scoped3A_546 = arith.constant 4 : i32
      "tpu.region"() ({
        %run_scoped3A_757 = tpu.sem_alloc : memref<!tpu.dma_semaphore, #tpu.memory_space<semaphore_mem>>
        %dma_start3A_758 = arith.constant 0 : i32
        %dma_start3A_759 = arith.constant 0 : i32
        %dma_start3A_760 = tpu.memref_slice %arg9[%run_scoped3A_546, %dma_start3A_758, %dma_start3A_759] : memref<8x128x32xf32, #tpu.memory_space<vmem>> -> memref<1x128x32xf32, #tpu.memory_space<vmem>>
        %dma_start3A_761 = tpu.memref_squeeze %dma_start3A_760 : memref<1x128x32xf32, #tpu.memory_space<vmem>> -> memref<128x32xf32, #tpu.memory_space<vmem>>
        %dma_start3A_762 = arith.constant 0 : i32
        %dma_start3A_763 = tpu.memref_slice %arg8[%add3A_480, %dma_start3A_762] : memref<80x128xi32, #tpu.memory_space<vmem>> -> memref<1x128xi32, #tpu.memory_space<vmem>>
        %dma_start3A_764 = tpu.memref_squeeze %dma_start3A_763 : memref<1x128xi32, #tpu.memory_space<vmem>> -> memref<128xi32, #tpu.memory_space<vmem>>
        %dma_start3A_765 = arith.constant 0 : i32
        %dma_start3A_766 = arith.constant 0 : i32
        %dma_start3A_767 = tpu.memref_slice %arg10[%dma_start3A_765, %dma_start3A_766] : memref<10112x32xf32, #tpu.memory_space<vmem_shared>> -> memref<10112x32xf32, #tpu.memory_space<vmem_shared>>
        tpu.enqueue_indirect_dma source(%dma_start3A_761 : memref<128x32xf32, #tpu.memory_space<vmem>>) target(%dma_start3A_767 : memref<10112x32xf32, #tpu.memory_space<vmem_shared>>) offsets(%dma_start3A_764 : memref<128xi32, #tpu.memory_space<vmem>>) semaphore(%run_scoped3A_757 : memref<!tpu.dma_semaphore, #tpu.memory_space<semaphore_mem>>) {add = true}
        %dma_wait3A_768 = arith.constant 0 : i32
        %dma_wait3A_769 = arith.constant 0 : i32
        %dma_wait3A_770 = tpu.memref_slice %arg9[%run_scoped3A_546, %dma_wait3A_768, %dma_wait3A_769] : memref<8x128x32xf32, #tpu.memory_space<vmem>> -> memref<1x128x32xf32, #tpu.memory_space<vmem>>
        %dma_wait3A_771 = tpu.memref_squeeze %dma_wait3A_770 : memref<1x128x32xf32, #tpu.memory_space<vmem>> -> memref<128x32xf32, #tpu.memory_space<vmem>>
        %dma_wait3A_772 = arith.constant 0 : i32
        %dma_wait3A_773 = tpu.memref_slice %arg8[%add3A_480, %dma_wait3A_772] : memref<80x128xi32, #tpu.memory_space<vmem>> -> memref<1x128xi32, #tpu.memory_space<vmem>>
        %dma_wait3A_774 = tpu.memref_squeeze %dma_wait3A_773 : memref<1x128xi32, #tpu.memory_space<vmem>> -> memref<128xi32, #tpu.memory_space<vmem>>
        %dma_wait3A_775 = arith.constant 0 : i32
        %dma_wait3A_776 = arith.constant 0 : i32
        %dma_wait3A_777 = tpu.memref_slice %arg10[%dma_wait3A_775, %dma_wait3A_776] : memref<10112x32xf32, #tpu.memory_space<vmem_shared>> -> memref<10112x32xf32, #tpu.memory_space<vmem_shared>>
        tpu.wait_indirect_dma semaphore(%run_scoped3A_757 : memref<!tpu.dma_semaphore, #tpu.memory_space<semaphore_mem>>) src(%dma_wait3A_771 : memref<128x32xf32, #tpu.memory_space<vmem>>) dst(%dma_wait3A_777 : memref<10112x32xf32, #tpu.memory_space<vmem_shared>>)
        tpu.yield
      }) : () -> ()
      %mul3A_547 = arith.constant 8 : i32
      %mul3A_548 = arith.muli %mul3A_547, %scan3A_204 : i32
      %add3A_549 = arith.constant 5 : i32
      %add3A_550 = arith.addi %mul3A_548, %add3A_549 : i32
      %dma_wait3A_551 = arith.constant 5 : i32
      %dma_wait3A_552 = arith.constant 0 : i32
      %dma_wait3A_553 = arith.constant 0 : i32
      %dma_wait3A_554 = tpu.memref_slice %arg9[%dma_wait3A_551, %dma_wait3A_552, %dma_wait3A_553] : memref<8x128x32xf32, #tpu.memory_space<vmem>> -> memref<1x128x32xf32, #tpu.memory_space<vmem>>
      %dma_wait3A_555 = tpu.memref_squeeze %dma_wait3A_554 : memref<1x128x32xf32, #tpu.memory_space<vmem>> -> memref<128x32xf32, #tpu.memory_space<vmem>>
      %dma_wait3A_556 = arith.constant 0 : i32
      %dma_wait3A_557 = arith.constant 0 : i32
      %dma_wait3A_558 = tpu.memref_slice %arg2[%dma_wait3A_556, %dma_wait3A_557] : memref<10000x32xf32, #tpu.memory_space<hbm>> -> memref<128x32xf32, #tpu.memory_space<hbm>>
      %dma_wait3A_559 = arith.constant 0 : i32
      %dma_wait3A_560 = arith.constant 0 : i32
      %dma_wait3A_561 = tpu.memref_slice %arg9[%dma_wait3A_551, %dma_wait3A_559, %dma_wait3A_560] : memref<8x128x32xf32, #tpu.memory_space<vmem>> -> memref<1x128x32xf32, #tpu.memory_space<vmem>>
      %dma_wait3A_562 = tpu.memref_squeeze %dma_wait3A_561 : memref<1x128x32xf32, #tpu.memory_space<vmem>> -> memref<128x32xf32, #tpu.memory_space<vmem>>
      %dma_wait3A_563 = arith.constant 0 : i32
      %dma_wait3A_564 = arith.constant 0 : i32
      %dma_wait3A_565 = tpu.memref_slice %arg2[%dma_wait3A_563, %dma_wait3A_564] : memref<10000x32xf32, #tpu.memory_space<hbm>> -> memref<128x32xf32, #tpu.memory_space<hbm>>
      tpu.wait_dma2 semaphore(%arg11 : memref<!tpu.dma_semaphore, #tpu.memory_space<semaphore_mem>>) src(%dma_wait3A_565 : memref<128x32xf32, #tpu.memory_space<hbm>>) dst(%dma_wait3A_562 : memref<128x32xf32, #tpu.memory_space<vmem>>)
      %add3A_566 = arith.constant 8 : i32
      %add3A_567 = arith.addi %add3A_550, %add3A_566 : i32
      %sub3A_568 = arith.constant 1 : i32
      %sub3A_569 = arith.subi %add3A_567, %sub3A_568 : i32
      %jit3A_570 = arith.constant 80 : i32
      %eq3A_571 = arith.constant 0 : i32
      %eq3A_572 = arith.cmpi eq, %jit3A_570, %eq3A_571 : i32
      %jit3A_573 = arith.constant 1 : i32
      %select_n3A_574 = arith.select %eq3A_572, %jit3A_573, %jit3A_570 : i32
      %rem3A_575 = arith.remsi %sub3A_569, %select_n3A_574 : i32
      %ne3A_576 = arith.constant 0 : i32
      %ne3A_577 = arith.cmpi ne, %rem3A_575, %ne3A_576 : i32
      %lt3A_578 = arith.constant 0 : i32
      %lt3A_579 = arith.cmpi slt, %rem3A_575, %lt3A_578 : i32
      %lt3A_580 = arith.constant 0 : i32
      %lt3A_581 = arith.cmpi slt, %select_n3A_574, %lt3A_580 : i32
      %ne3A_582 = arith.xori %lt3A_579, %lt3A_581 : i1
      %and3A_583 = arith.andi %ne3A_582, %ne3A_577 : i1
      %add3A_584 = arith.addi %rem3A_575, %select_n3A_574 : i32
      %select_n3A_585 = arith.select %and3A_583, %add3A_584, %rem3A_575 : i32
      %add3A_586 = arith.constant 8 : i32
      %add3A_587 = arith.addi %add3A_550, %add3A_586 : i32
      %sub3A_588 = arith.constant 1 : i32
      %sub3A_589 = arith.subi %add3A_587, %sub3A_588 : i32
      %jit3A_590 = arith.constant 8 : i32
      %eq3A_591 = arith.constant 0 : i32
      %eq3A_592 = arith.cmpi eq, %jit3A_590, %eq3A_591 : i32
      %jit3A_593 = arith.constant 1 : i32
      %select_n3A_594 = arith.select %eq3A_592, %jit3A_593, %jit3A_590 : i32
      %rem3A_595 = arith.remsi %sub3A_589, %select_n3A_594 : i32
      %ne3A_596 = arith.constant 0 : i32
      %ne3A_597 = arith.cmpi ne, %rem3A_595, %ne3A_596 : i32
      %lt3A_598 = arith.constant 0 : i32
      %lt3A_599 = arith.cmpi slt, %rem3A_595, %lt3A_598 : i32
      %lt3A_600 = arith.constant 0 : i32
      %lt3A_601 = arith.cmpi slt, %select_n3A_594, %lt3A_600 : i32
      %ne3A_602 = arith.xori %lt3A_599, %lt3A_601 : i1
      %and3A_603 = arith.andi %ne3A_602, %ne3A_597 : i1
      %add3A_604 = arith.addi %rem3A_595, %select_n3A_594 : i32
      %select_n3A_605 = arith.select %and3A_603, %add3A_604, %rem3A_595 : i32
      %mul3A_606 = arith.constant 128 : i32
      %mul3A_607 = arith.muli %select_n3A_585, %mul3A_606 : i32
      %dma_start3A_608 = arith.constant 0 : i32
      %dma_start3A_609 = arith.constant 0 : i32
      %dma_start3A_610 = tpu.memref_slice %arg9[%select_n3A_605, %dma_start3A_608, %dma_start3A_609] : memref<8x128x32xf32, #tpu.memory_space<vmem>> -> memref<1x128x32xf32, #tpu.memory_space<vmem>>
      %dma_start3A_611 = tpu.memref_squeeze %dma_start3A_610 : memref<1x128x32xf32, #tpu.memory_space<vmem>> -> memref<128x32xf32, #tpu.memory_space<vmem>>
      %dma_start3A_612 = tpu.memref_slice %arg7[%mul3A_607] : memref<10240xi32, #tpu.memory_space<vmem>> -> memref<128xi32, #tpu.memory_space<vmem>>
      %dma_start3A_613 = arith.constant 0 : i32
      %dma_start3A_614 = arith.constant 0 : i32
      %dma_start3A_615 = tpu.memref_slice %arg2[%dma_start3A_613, %dma_start3A_614] : memref<10000x32xf32, #tpu.memory_space<hbm>> -> memref<10000x32xf32, #tpu.memory_space<hbm>>
      tpu.enqueue_indirect_dma source(%dma_start3A_615 : memref<10000x32xf32, #tpu.memory_space<hbm>>) target(%dma_start3A_611 : memref<128x32xf32, #tpu.memory_space<vmem>>) offsets(%dma_start3A_612 : memref<128xi32, #tpu.memory_space<vmem>>) semaphore(%arg11 : memref<!tpu.dma_semaphore, #tpu.memory_space<semaphore_mem>>)
      %run_scoped3A_616 = arith.constant 5 : i32
      "tpu.region"() ({
        %run_scoped3A_757 = tpu.sem_alloc : memref<!tpu.dma_semaphore, #tpu.memory_space<semaphore_mem>>
        %dma_start3A_758 = arith.constant 0 : i32
        %dma_start3A_759 = arith.constant 0 : i32
        %dma_start3A_760 = tpu.memref_slice %arg9[%run_scoped3A_616, %dma_start3A_758, %dma_start3A_759] : memref<8x128x32xf32, #tpu.memory_space<vmem>> -> memref<1x128x32xf32, #tpu.memory_space<vmem>>
        %dma_start3A_761 = tpu.memref_squeeze %dma_start3A_760 : memref<1x128x32xf32, #tpu.memory_space<vmem>> -> memref<128x32xf32, #tpu.memory_space<vmem>>
        %dma_start3A_762 = arith.constant 0 : i32
        %dma_start3A_763 = tpu.memref_slice %arg8[%add3A_550, %dma_start3A_762] : memref<80x128xi32, #tpu.memory_space<vmem>> -> memref<1x128xi32, #tpu.memory_space<vmem>>
        %dma_start3A_764 = tpu.memref_squeeze %dma_start3A_763 : memref<1x128xi32, #tpu.memory_space<vmem>> -> memref<128xi32, #tpu.memory_space<vmem>>
        %dma_start3A_765 = arith.constant 0 : i32
        %dma_start3A_766 = arith.constant 0 : i32
        %dma_start3A_767 = tpu.memref_slice %arg10[%dma_start3A_765, %dma_start3A_766] : memref<10112x32xf32, #tpu.memory_space<vmem_shared>> -> memref<10112x32xf32, #tpu.memory_space<vmem_shared>>
        tpu.enqueue_indirect_dma source(%dma_start3A_761 : memref<128x32xf32, #tpu.memory_space<vmem>>) target(%dma_start3A_767 : memref<10112x32xf32, #tpu.memory_space<vmem_shared>>) offsets(%dma_start3A_764 : memref<128xi32, #tpu.memory_space<vmem>>) semaphore(%run_scoped3A_757 : memref<!tpu.dma_semaphore, #tpu.memory_space<semaphore_mem>>) {add = true}
        %dma_wait3A_768 = arith.constant 0 : i32
        %dma_wait3A_769 = arith.constant 0 : i32
        %dma_wait3A_770 = tpu.memref_slice %arg9[%run_scoped3A_616, %dma_wait3A_768, %dma_wait3A_769] : memref<8x128x32xf32, #tpu.memory_space<vmem>> -> memref<1x128x32xf32, #tpu.memory_space<vmem>>
        %dma_wait3A_771 = tpu.memref_squeeze %dma_wait3A_770 : memref<1x128x32xf32, #tpu.memory_space<vmem>> -> memref<128x32xf32, #tpu.memory_space<vmem>>
        %dma_wait3A_772 = arith.constant 0 : i32
        %dma_wait3A_773 = tpu.memref_slice %arg8[%add3A_550, %dma_wait3A_772] : memref<80x128xi32, #tpu.memory_space<vmem>> -> memref<1x128xi32, #tpu.memory_space<vmem>>
        %dma_wait3A_774 = tpu.memref_squeeze %dma_wait3A_773 : memref<1x128xi32, #tpu.memory_space<vmem>> -> memref<128xi32, #tpu.memory_space<vmem>>
        %dma_wait3A_775 = arith.constant 0 : i32
        %dma_wait3A_776 = arith.constant 0 : i32
        %dma_wait3A_777 = tpu.memref_slice %arg10[%dma_wait3A_775, %dma_wait3A_776] : memref<10112x32xf32, #tpu.memory_space<vmem_shared>> -> memref<10112x32xf32, #tpu.memory_space<vmem_shared>>
        tpu.wait_indirect_dma semaphore(%run_scoped3A_757 : memref<!tpu.dma_semaphore, #tpu.memory_space<semaphore_mem>>) src(%dma_wait3A_771 : memref<128x32xf32, #tpu.memory_space<vmem>>) dst(%dma_wait3A_777 : memref<10112x32xf32, #tpu.memory_space<vmem_shared>>)
        tpu.yield
      }) : () -> ()
      %mul3A_617 = arith.constant 8 : i32
      %mul3A_618 = arith.muli %mul3A_617, %scan3A_204 : i32
      %add3A_619 = arith.constant 6 : i32
      %add3A_620 = arith.addi %mul3A_618, %add3A_619 : i32
      %dma_wait3A_621 = arith.constant 6 : i32
      %dma_wait3A_622 = arith.constant 0 : i32
      %dma_wait3A_623 = arith.constant 0 : i32
      %dma_wait3A_624 = tpu.memref_slice %arg9[%dma_wait3A_621, %dma_wait3A_622, %dma_wait3A_623] : memref<8x128x32xf32, #tpu.memory_space<vmem>> -> memref<1x128x32xf32, #tpu.memory_space<vmem>>
      %dma_wait3A_625 = tpu.memref_squeeze %dma_wait3A_624 : memref<1x128x32xf32, #tpu.memory_space<vmem>> -> memref<128x32xf32, #tpu.memory_space<vmem>>
      %dma_wait3A_626 = arith.constant 0 : i32
      %dma_wait3A_627 = arith.constant 0 : i32
      %dma_wait3A_628 = tpu.memref_slice %arg2[%dma_wait3A_626, %dma_wait3A_627] : memref<10000x32xf32, #tpu.memory_space<hbm>> -> memref<128x32xf32, #tpu.memory_space<hbm>>
      %dma_wait3A_629 = arith.constant 0 : i32
      %dma_wait3A_630 = arith.constant 0 : i32
      %dma_wait3A_631 = tpu.memref_slice %arg9[%dma_wait3A_621, %dma_wait3A_629, %dma_wait3A_630] : memref<8x128x32xf32, #tpu.memory_space<vmem>> -> memref<1x128x32xf32, #tpu.memory_space<vmem>>
      %dma_wait3A_632 = tpu.memref_squeeze %dma_wait3A_631 : memref<1x128x32xf32, #tpu.memory_space<vmem>> -> memref<128x32xf32, #tpu.memory_space<vmem>>
      %dma_wait3A_633 = arith.constant 0 : i32
      %dma_wait3A_634 = arith.constant 0 : i32
      %dma_wait3A_635 = tpu.memref_slice %arg2[%dma_wait3A_633, %dma_wait3A_634] : memref<10000x32xf32, #tpu.memory_space<hbm>> -> memref<128x32xf32, #tpu.memory_space<hbm>>
      tpu.wait_dma2 semaphore(%arg11 : memref<!tpu.dma_semaphore, #tpu.memory_space<semaphore_mem>>) src(%dma_wait3A_635 : memref<128x32xf32, #tpu.memory_space<hbm>>) dst(%dma_wait3A_632 : memref<128x32xf32, #tpu.memory_space<vmem>>)
      %add3A_636 = arith.constant 8 : i32
      %add3A_637 = arith.addi %add3A_620, %add3A_636 : i32
      %sub3A_638 = arith.constant 1 : i32
      %sub3A_639 = arith.subi %add3A_637, %sub3A_638 : i32
      %jit3A_640 = arith.constant 80 : i32
      %eq3A_641 = arith.constant 0 : i32
      %eq3A_642 = arith.cmpi eq, %jit3A_640, %eq3A_641 : i32
      %jit3A_643 = arith.constant 1 : i32
      %select_n3A_644 = arith.select %eq3A_642, %jit3A_643, %jit3A_640 : i32
      %rem3A_645 = arith.remsi %sub3A_639, %select_n3A_644 : i32
      %ne3A_646 = arith.constant 0 : i32
      %ne3A_647 = arith.cmpi ne, %rem3A_645, %ne3A_646 : i32
      %lt3A_648 = arith.constant 0 : i32
      %lt3A_649 = arith.cmpi slt, %rem3A_645, %lt3A_648 : i32
      %lt3A_650 = arith.constant 0 : i32
      %lt3A_651 = arith.cmpi slt, %select_n3A_644, %lt3A_650 : i32
      %ne3A_652 = arith.xori %lt3A_649, %lt3A_651 : i1
      %and3A_653 = arith.andi %ne3A_652, %ne3A_647 : i1
      %add3A_654 = arith.addi %rem3A_645, %select_n3A_644 : i32
      %select_n3A_655 = arith.select %and3A_653, %add3A_654, %rem3A_645 : i32
      %add3A_656 = arith.constant 8 : i32
      %add3A_657 = arith.addi %add3A_620, %add3A_656 : i32
      %sub3A_658 = arith.constant 1 : i32
      %sub3A_659 = arith.subi %add3A_657, %sub3A_658 : i32
      %jit3A_660 = arith.constant 8 : i32
      %eq3A_661 = arith.constant 0 : i32
      %eq3A_662 = arith.cmpi eq, %jit3A_660, %eq3A_661 : i32
      %jit3A_663 = arith.constant 1 : i32
      %select_n3A_664 = arith.select %eq3A_662, %jit3A_663, %jit3A_660 : i32
      %rem3A_665 = arith.remsi %sub3A_659, %select_n3A_664 : i32
      %ne3A_666 = arith.constant 0 : i32
      %ne3A_667 = arith.cmpi ne, %rem3A_665, %ne3A_666 : i32
      %lt3A_668 = arith.constant 0 : i32
      %lt3A_669 = arith.cmpi slt, %rem3A_665, %lt3A_668 : i32
      %lt3A_670 = arith.constant 0 : i32
      %lt3A_671 = arith.cmpi slt, %select_n3A_664, %lt3A_670 : i32
      %ne3A_672 = arith.xori %lt3A_669, %lt3A_671 : i1
      %and3A_673 = arith.andi %ne3A_672, %ne3A_667 : i1
      %add3A_674 = arith.addi %rem3A_665, %select_n3A_664 : i32
      %select_n3A_675 = arith.select %and3A_673, %add3A_674, %rem3A_665 : i32
      %mul3A_676 = arith.constant 128 : i32
      %mul3A_677 = arith.muli %select_n3A_655, %mul3A_676 : i32
      %dma_start3A_678 = arith.constant 0 : i32
      %dma_start3A_679 = arith.constant 0 : i32
      %dma_start3A_680 = tpu.memref_slice %arg9[%select_n3A_675, %dma_start3A_678, %dma_start3A_679] : memref<8x128x32xf32, #tpu.memory_space<vmem>> -> memref<1x128x32xf32, #tpu.memory_space<vmem>>
      %dma_start3A_681 = tpu.memref_squeeze %dma_start3A_680 : memref<1x128x32xf32, #tpu.memory_space<vmem>> -> memref<128x32xf32, #tpu.memory_space<vmem>>
      %dma_start3A_682 = tpu.memref_slice %arg7[%mul3A_677] : memref<10240xi32, #tpu.memory_space<vmem>> -> memref<128xi32, #tpu.memory_space<vmem>>
      %dma_start3A_683 = arith.constant 0 : i32
      %dma_start3A_684 = arith.constant 0 : i32
      %dma_start3A_685 = tpu.memref_slice %arg2[%dma_start3A_683, %dma_start3A_684] : memref<10000x32xf32, #tpu.memory_space<hbm>> -> memref<10000x32xf32, #tpu.memory_space<hbm>>
      tpu.enqueue_indirect_dma source(%dma_start3A_685 : memref<10000x32xf32, #tpu.memory_space<hbm>>) target(%dma_start3A_681 : memref<128x32xf32, #tpu.memory_space<vmem>>) offsets(%dma_start3A_682 : memref<128xi32, #tpu.memory_space<vmem>>) semaphore(%arg11 : memref<!tpu.dma_semaphore, #tpu.memory_space<semaphore_mem>>)
      %run_scoped3A_686 = arith.constant 6 : i32
      "tpu.region"() ({
        %run_scoped3A_757 = tpu.sem_alloc : memref<!tpu.dma_semaphore, #tpu.memory_space<semaphore_mem>>
        %dma_start3A_758 = arith.constant 0 : i32
        %dma_start3A_759 = arith.constant 0 : i32
        %dma_start3A_760 = tpu.memref_slice %arg9[%run_scoped3A_686, %dma_start3A_758, %dma_start3A_759] : memref<8x128x32xf32, #tpu.memory_space<vmem>> -> memref<1x128x32xf32, #tpu.memory_space<vmem>>
        %dma_start3A_761 = tpu.memref_squeeze %dma_start3A_760 : memref<1x128x32xf32, #tpu.memory_space<vmem>> -> memref<128x32xf32, #tpu.memory_space<vmem>>
        %dma_start3A_762 = arith.constant 0 : i32
        %dma_start3A_763 = tpu.memref_slice %arg8[%add3A_620, %dma_start3A_762] : memref<80x128xi32, #tpu.memory_space<vmem>> -> memref<1x128xi32, #tpu.memory_space<vmem>>
        %dma_start3A_764 = tpu.memref_squeeze %dma_start3A_763 : memref<1x128xi32, #tpu.memory_space<vmem>> -> memref<128xi32, #tpu.memory_space<vmem>>
        %dma_start3A_765 = arith.constant 0 : i32
        %dma_start3A_766 = arith.constant 0 : i32
        %dma_start3A_767 = tpu.memref_slice %arg10[%dma_start3A_765, %dma_start3A_766] : memref<10112x32xf32, #tpu.memory_space<vmem_shared>> -> memref<10112x32xf32, #tpu.memory_space<vmem_shared>>
        tpu.enqueue_indirect_dma source(%dma_start3A_761 : memref<128x32xf32, #tpu.memory_space<vmem>>) target(%dma_start3A_767 : memref<10112x32xf32, #tpu.memory_space<vmem_shared>>) offsets(%dma_start3A_764 : memref<128xi32, #tpu.memory_space<vmem>>) semaphore(%run_scoped3A_757 : memref<!tpu.dma_semaphore, #tpu.memory_space<semaphore_mem>>) {add = true}
        %dma_wait3A_768 = arith.constant 0 : i32
        %dma_wait3A_769 = arith.constant 0 : i32
        %dma_wait3A_770 = tpu.memref_slice %arg9[%run_scoped3A_686, %dma_wait3A_768, %dma_wait3A_769] : memref<8x128x32xf32, #tpu.memory_space<vmem>> -> memref<1x128x32xf32, #tpu.memory_space<vmem>>
        %dma_wait3A_771 = tpu.memref_squeeze %dma_wait3A_770 : memref<1x128x32xf32, #tpu.memory_space<vmem>> -> memref<128x32xf32, #tpu.memory_space<vmem>>
        %dma_wait3A_772 = arith.constant 0 : i32
        %dma_wait3A_773 = tpu.memref_slice %arg8[%add3A_620, %dma_wait3A_772] : memref<80x128xi32, #tpu.memory_space<vmem>> -> memref<1x128xi32, #tpu.memory_space<vmem>>
        %dma_wait3A_774 = tpu.memref_squeeze %dma_wait3A_773 : memref<1x128xi32, #tpu.memory_space<vmem>> -> memref<128xi32, #tpu.memory_space<vmem>>
        %dma_wait3A_775 = arith.constant 0 : i32
        %dma_wait3A_776 = arith.constant 0 : i32
        %dma_wait3A_777 = tpu.memref_slice %arg10[%dma_wait3A_775, %dma_wait3A_776] : memref<10112x32xf32, #tpu.memory_space<vmem_shared>> -> memref<10112x32xf32, #tpu.memory_space<vmem_shared>>
        tpu.wait_indirect_dma semaphore(%run_scoped3A_757 : memref<!tpu.dma_semaphore, #tpu.memory_space<semaphore_mem>>) src(%dma_wait3A_771 : memref<128x32xf32, #tpu.memory_space<vmem>>) dst(%dma_wait3A_777 : memref<10112x32xf32, #tpu.memory_space<vmem_shared>>)
        tpu.yield
      }) : () -> ()
      %mul3A_687 = arith.constant 8 : i32
      %mul3A_688 = arith.muli %mul3A_687, %scan3A_204 : i32
      %add3A_689 = arith.constant 7 : i32
      %add3A_690 = arith.addi %mul3A_688, %add3A_689 : i32
      %dma_wait3A_691 = arith.constant 7 : i32
      %dma_wait3A_692 = arith.constant 0 : i32
      %dma_wait3A_693 = arith.constant 0 : i32
      %dma_wait3A_694 = tpu.memref_slice %arg9[%dma_wait3A_691, %dma_wait3A_692, %dma_wait3A_693] : memref<8x128x32xf32, #tpu.memory_space<vmem>> -> memref<1x128x32xf32, #tpu.memory_space<vmem>>
      %dma_wait3A_695 = tpu.memref_squeeze %dma_wait3A_694 : memref<1x128x32xf32, #tpu.memory_space<vmem>> -> memref<128x32xf32, #tpu.memory_space<vmem>>
      %dma_wait3A_696 = arith.constant 0 : i32
      %dma_wait3A_697 = arith.constant 0 : i32
      %dma_wait3A_698 = tpu.memref_slice %arg2[%dma_wait3A_696, %dma_wait3A_697] : memref<10000x32xf32, #tpu.memory_space<hbm>> -> memref<128x32xf32, #tpu.memory_space<hbm>>
      %dma_wait3A_699 = arith.constant 0 : i32
      %dma_wait3A_700 = arith.constant 0 : i32
      %dma_wait3A_701 = tpu.memref_slice %arg9[%dma_wait3A_691, %dma_wait3A_699, %dma_wait3A_700] : memref<8x128x32xf32, #tpu.memory_space<vmem>> -> memref<1x128x32xf32, #tpu.memory_space<vmem>>
      %dma_wait3A_702 = tpu.memref_squeeze %dma_wait3A_701 : memref<1x128x32xf32, #tpu.memory_space<vmem>> -> memref<128x32xf32, #tpu.memory_space<vmem>>
      %dma_wait3A_703 = arith.constant 0 : i32
      %dma_wait3A_704 = arith.constant 0 : i32
      %dma_wait3A_705 = tpu.memref_slice %arg2[%dma_wait3A_703, %dma_wait3A_704] : memref<10000x32xf32, #tpu.memory_space<hbm>> -> memref<128x32xf32, #tpu.memory_space<hbm>>
      tpu.wait_dma2 semaphore(%arg11 : memref<!tpu.dma_semaphore, #tpu.memory_space<semaphore_mem>>) src(%dma_wait3A_705 : memref<128x32xf32, #tpu.memory_space<hbm>>) dst(%dma_wait3A_702 : memref<128x32xf32, #tpu.memory_space<vmem>>)
      %add3A_706 = arith.constant 8 : i32
      %add3A_707 = arith.addi %add3A_690, %add3A_706 : i32
      %sub3A_708 = arith.constant 1 : i32
      %sub3A_709 = arith.subi %add3A_707, %sub3A_708 : i32
      %jit3A_710 = arith.constant 80 : i32
      %eq3A_711 = arith.constant 0 : i32
      %eq3A_712 = arith.cmpi eq, %jit3A_710, %eq3A_711 : i32
      %jit3A_713 = arith.constant 1 : i32
      %select_n3A_714 = arith.select %eq3A_712, %jit3A_713, %jit3A_710 : i32
      %rem3A_715 = arith.remsi %sub3A_709, %select_n3A_714 : i32
      %ne3A_716 = arith.constant 0 : i32
      %ne3A_717 = arith.cmpi ne, %rem3A_715, %ne3A_716 : i32
      %lt3A_718 = arith.constant 0 : i32
      %lt3A_719 = arith.cmpi slt, %rem3A_715, %lt3A_718 : i32
      %lt3A_720 = arith.constant 0 : i32
      %lt3A_721 = arith.cmpi slt, %select_n3A_714, %lt3A_720 : i32
      %ne3A_722 = arith.xori %lt3A_719, %lt3A_721 : i1
      %and3A_723 = arith.andi %ne3A_722, %ne3A_717 : i1
      %add3A_724 = arith.addi %rem3A_715, %select_n3A_714 : i32
      %select_n3A_725 = arith.select %and3A_723, %add3A_724, %rem3A_715 : i32
      %add3A_726 = arith.constant 8 : i32
      %add3A_727 = arith.addi %add3A_690, %add3A_726 : i32
      %sub3A_728 = arith.constant 1 : i32
      %sub3A_729 = arith.subi %add3A_727, %sub3A_728 : i32
      %jit3A_730 = arith.constant 8 : i32
      %eq3A_731 = arith.constant 0 : i32
      %eq3A_732 = arith.cmpi eq, %jit3A_730, %eq3A_731 : i32
      %jit3A_733 = arith.constant 1 : i32
      %select_n3A_734 = arith.select %eq3A_732, %jit3A_733, %jit3A_730 : i32
      %rem3A_735 = arith.remsi %sub3A_729, %select_n3A_734 : i32
      %ne3A_736 = arith.constant 0 : i32
      %ne3A_737 = arith.cmpi ne, %rem3A_735, %ne3A_736 : i32
      %lt3A_738 = arith.constant 0 : i32
      %lt3A_739 = arith.cmpi slt, %rem3A_735, %lt3A_738 : i32
      %lt3A_740 = arith.constant 0 : i32
      %lt3A_741 = arith.cmpi slt, %select_n3A_734, %lt3A_740 : i32
      %ne3A_742 = arith.xori %lt3A_739, %lt3A_741 : i1
      %and3A_743 = arith.andi %ne3A_742, %ne3A_737 : i1
      %add3A_744 = arith.addi %rem3A_735, %select_n3A_734 : i32
      %select_n3A_745 = arith.select %and3A_743, %add3A_744, %rem3A_735 : i32
      %mul3A_746 = arith.constant 128 : i32
      %mul3A_747 = arith.muli %select_n3A_725, %mul3A_746 : i32
      %dma_start3A_748 = arith.constant 0 : i32
      %dma_start3A_749 = arith.constant 0 : i32
      %dma_start3A_750 = tpu.memref_slice %arg9[%select_n3A_745, %dma_start3A_748, %dma_start3A_749] : memref<8x128x32xf32, #tpu.memory_space<vmem>> -> memref<1x128x32xf32, #tpu.memory_space<vmem>>
      %dma_start3A_751 = tpu.memref_squeeze %dma_start3A_750 : memref<1x128x32xf32, #tpu.memory_space<vmem>> -> memref<128x32xf32, #tpu.memory_space<vmem>>
      %dma_start3A_752 = tpu.memref_slice %arg7[%mul3A_747] : memref<10240xi32, #tpu.memory_space<vmem>> -> memref<128xi32, #tpu.memory_space<vmem>>
      %dma_start3A_753 = arith.constant 0 : i32
      %dma_start3A_754 = arith.constant 0 : i32
      %dma_start3A_755 = tpu.memref_slice %arg2[%dma_start3A_753, %dma_start3A_754] : memref<10000x32xf32, #tpu.memory_space<hbm>> -> memref<10000x32xf32, #tpu.memory_space<hbm>>
      tpu.enqueue_indirect_dma source(%dma_start3A_755 : memref<10000x32xf32, #tpu.memory_space<hbm>>) target(%dma_start3A_751 : memref<128x32xf32, #tpu.memory_space<vmem>>) offsets(%dma_start3A_752 : memref<128xi32, #tpu.memory_space<vmem>>) semaphore(%arg11 : memref<!tpu.dma_semaphore, #tpu.memory_space<semaphore_mem>>)
      %run_scoped3A_756 = arith.constant 7 : i32
      "tpu.region"() ({
        %run_scoped3A_757 = tpu.sem_alloc : memref<!tpu.dma_semaphore, #tpu.memory_space<semaphore_mem>>
        %dma_start3A_758 = arith.constant 0 : i32
        %dma_start3A_759 = arith.constant 0 : i32
        %dma_start3A_760 = tpu.memref_slice %arg9[%run_scoped3A_756, %dma_start3A_758, %dma_start3A_759] : memref<8x128x32xf32, #tpu.memory_space<vmem>> -> memref<1x128x32xf32, #tpu.memory_space<vmem>>
        %dma_start3A_761 = tpu.memref_squeeze %dma_start3A_760 : memref<1x128x32xf32, #tpu.memory_space<vmem>> -> memref<128x32xf32, #tpu.memory_space<vmem>>
        %dma_start3A_762 = arith.constant 0 : i32
        %dma_start3A_763 = tpu.memref_slice %arg8[%add3A_690, %dma_start3A_762] : memref<80x128xi32, #tpu.memory_space<vmem>> -> memref<1x128xi32, #tpu.memory_space<vmem>>
        %dma_start3A_764 = tpu.memref_squeeze %dma_start3A_763 : memref<1x128xi32, #tpu.memory_space<vmem>> -> memref<128xi32, #tpu.memory_space<vmem>>
        %dma_start3A_765 = arith.constant 0 : i32
        %dma_start3A_766 = arith.constant 0 : i32
        %dma_start3A_767 = tpu.memref_slice %arg10[%dma_start3A_765, %dma_start3A_766] : memref<10112x32xf32, #tpu.memory_space<vmem_shared>> -> memref<10112x32xf32, #tpu.memory_space<vmem_shared>>
        tpu.enqueue_indirect_dma source(%dma_start3A_761 : memref<128x32xf32, #tpu.memory_space<vmem>>) target(%dma_start3A_767 : memref<10112x32xf32, #tpu.memory_space<vmem_shared>>) offsets(%dma_start3A_764 : memref<128xi32, #tpu.memory_space<vmem>>) semaphore(%run_scoped3A_757 : memref<!tpu.dma_semaphore, #tpu.memory_space<semaphore_mem>>) {add = true}
        %dma_wait3A_768 = arith.constant 0 : i32
        %dma_wait3A_769 = arith.constant 0 : i32
        %dma_wait3A_770 = tpu.memref_slice %arg9[%run_scoped3A_756, %dma_wait3A_768, %dma_wait3A_769] : memref<8x128x32xf32, #tpu.memory_space<vmem>> -> memref<1x128x32xf32, #tpu.memory_space<vmem>>
        %dma_wait3A_771 = tpu.memref_squeeze %dma_wait3A_770 : memref<1x128x32xf32, #tpu.memory_space<vmem>> -> memref<128x32xf32, #tpu.memory_space<vmem>>
        %dma_wait3A_772 = arith.constant 0 : i32
        %dma_wait3A_773 = tpu.memref_slice %arg8[%add3A_690, %dma_wait3A_772] : memref<80x128xi32, #tpu.memory_space<vmem>> -> memref<1x128xi32, #tpu.memory_space<vmem>>
        %dma_wait3A_774 = tpu.memref_squeeze %dma_wait3A_773 : memref<1x128xi32, #tpu.memory_space<vmem>> -> memref<128xi32, #tpu.memory_space<vmem>>
        %dma_wait3A_775 = arith.constant 0 : i32
        %dma_wait3A_776 = arith.constant 0 : i32
        %dma_wait3A_777 = tpu.memref_slice %arg10[%dma_wait3A_775, %dma_wait3A_776] : memref<10112x32xf32, #tpu.memory_space<vmem_shared>> -> memref<10112x32xf32, #tpu.memory_space<vmem_shared>>
        tpu.wait_indirect_dma semaphore(%run_scoped3A_757 : memref<!tpu.dma_semaphore, #tpu.memory_space<semaphore_mem>>) src(%dma_wait3A_771 : memref<128x32xf32, #tpu.memory_space<vmem>>) dst(%dma_wait3A_777 : memref<10112x32xf32, #tpu.memory_space<vmem_shared>>)
        tpu.yield
      }) : () -> ()
    }
    %scan3A_98 = arith.constant 10 : i32
    %dma_wait3A = arith.constant 0 : i32
    %dma_wait3A_99 = arith.constant 0 : i32
    %dma_wait3A_100 = arith.constant 0 : i32
    %dma_wait3A_101 = tpu.memref_slice %arg9[%dma_wait3A, %dma_wait3A_99, %dma_wait3A_100] : memref<8x128x32xf32, #tpu.memory_space<vmem>> -> memref<1x128x32xf32, #tpu.memory_space<vmem>>
    %dma_wait3A_102 = tpu.memref_squeeze %dma_wait3A_101 : memref<1x128x32xf32, #tpu.memory_space<vmem>> -> memref<128x32xf32, #tpu.memory_space<vmem>>
    %dma_wait3A_103 = arith.constant 0 : i32
    %dma_wait3A_104 = arith.constant 0 : i32
    %dma_wait3A_105 = tpu.memref_slice %arg2[%dma_wait3A_103, %dma_wait3A_104] : memref<10000x32xf32, #tpu.memory_space<hbm>> -> memref<128x32xf32, #tpu.memory_space<hbm>>
    %dma_wait3A_106 = arith.constant 0 : i32
    %dma_wait3A_107 = arith.constant 0 : i32
    %dma_wait3A_108 = tpu.memref_slice %arg9[%dma_wait3A, %dma_wait3A_106, %dma_wait3A_107] : memref<8x128x32xf32, #tpu.memory_space<vmem>> -> memref<1x128x32xf32, #tpu.memory_space<vmem>>
    %dma_wait3A_109 = tpu.memref_squeeze %dma_wait3A_108 : memref<1x128x32xf32, #tpu.memory_space<vmem>> -> memref<128x32xf32, #tpu.memory_space<vmem>>
    %dma_wait3A_110 = arith.constant 0 : i32
    %dma_wait3A_111 = arith.constant 0 : i32
    %dma_wait3A_112 = tpu.memref_slice %arg2[%dma_wait3A_110, %dma_wait3A_111] : memref<10000x32xf32, #tpu.memory_space<hbm>> -> memref<128x32xf32, #tpu.memory_space<hbm>>
    tpu.wait_dma2 semaphore(%arg11 : memref<!tpu.dma_semaphore, #tpu.memory_space<semaphore_mem>>) src(%dma_wait3A_112 : memref<128x32xf32, #tpu.memory_space<hbm>>) dst(%dma_wait3A_109 : memref<128x32xf32, #tpu.memory_space<vmem>>)
    %dma_wait3A_113 = arith.constant 1 : i32
    %dma_wait3A_114 = arith.constant 0 : i32
    %dma_wait3A_115 = arith.constant 0 : i32
    %dma_wait3A_116 = tpu.memref_slice %arg9[%dma_wait3A_113, %dma_wait3A_114, %dma_wait3A_115] : memref<8x128x32xf32, #tpu.memory_space<vmem>> -> memref<1x128x32xf32, #tpu.memory_space<vmem>>
    %dma_wait3A_117 = tpu.memref_squeeze %dma_wait3A_116 : memref<1x128x32xf32, #tpu.memory_space<vmem>> -> memref<128x32xf32, #tpu.memory_space<vmem>>
    %dma_wait3A_118 = arith.constant 0 : i32
    %dma_wait3A_119 = arith.constant 0 : i32
    %dma_wait3A_120 = tpu.memref_slice %arg2[%dma_wait3A_118, %dma_wait3A_119] : memref<10000x32xf32, #tpu.memory_space<hbm>> -> memref<128x32xf32, #tpu.memory_space<hbm>>
    %dma_wait3A_121 = arith.constant 0 : i32
    %dma_wait3A_122 = arith.constant 0 : i32
    %dma_wait3A_123 = tpu.memref_slice %arg9[%dma_wait3A_113, %dma_wait3A_121, %dma_wait3A_122] : memref<8x128x32xf32, #tpu.memory_space<vmem>> -> memref<1x128x32xf32, #tpu.memory_space<vmem>>
    %dma_wait3A_124 = tpu.memref_squeeze %dma_wait3A_123 : memref<1x128x32xf32, #tpu.memory_space<vmem>> -> memref<128x32xf32, #tpu.memory_space<vmem>>
    %dma_wait3A_125 = arith.constant 0 : i32
    %dma_wait3A_126 = arith.constant 0 : i32
    %dma_wait3A_127 = tpu.memref_slice %arg2[%dma_wait3A_125, %dma_wait3A_126] : memref<10000x32xf32, #tpu.memory_space<hbm>> -> memref<128x32xf32, #tpu.memory_space<hbm>>
    tpu.wait_dma2 semaphore(%arg11 : memref<!tpu.dma_semaphore, #tpu.memory_space<semaphore_mem>>) src(%dma_wait3A_127 : memref<128x32xf32, #tpu.memory_space<hbm>>) dst(%dma_wait3A_124 : memref<128x32xf32, #tpu.memory_space<vmem>>)
    %dma_wait3A_128 = arith.constant 2 : i32
    %dma_wait3A_129 = arith.constant 0 : i32
    %dma_wait3A_130 = arith.constant 0 : i32
    %dma_wait3A_131 = tpu.memref_slice %arg9[%dma_wait3A_128, %dma_wait3A_129, %dma_wait3A_130] : memref<8x128x32xf32, #tpu.memory_space<vmem>> -> memref<1x128x32xf32, #tpu.memory_space<vmem>>
    %dma_wait3A_132 = tpu.memref_squeeze %dma_wait3A_131 : memref<1x128x32xf32, #tpu.memory_space<vmem>> -> memref<128x32xf32, #tpu.memory_space<vmem>>
    %dma_wait3A_133 = arith.constant 0 : i32
    %dma_wait3A_134 = arith.constant 0 : i32
    %dma_wait3A_135 = tpu.memref_slice %arg2[%dma_wait3A_133, %dma_wait3A_134] : memref<10000x32xf32, #tpu.memory_space<hbm>> -> memref<128x32xf32, #tpu.memory_space<hbm>>
    %dma_wait3A_136 = arith.constant 0 : i32
    %dma_wait3A_137 = arith.constant 0 : i32
    %dma_wait3A_138 = tpu.memref_slice %arg9[%dma_wait3A_128, %dma_wait3A_136, %dma_wait3A_137] : memref<8x128x32xf32, #tpu.memory_space<vmem>> -> memref<1x128x32xf32, #tpu.memory_space<vmem>>
    %dma_wait3A_139 = tpu.memref_squeeze %dma_wait3A_138 : memref<1x128x32xf32, #tpu.memory_space<vmem>> -> memref<128x32xf32, #tpu.memory_space<vmem>>
    %dma_wait3A_140 = arith.constant 0 : i32
    %dma_wait3A_141 = arith.constant 0 : i32
    %dma_wait3A_142 = tpu.memref_slice %arg2[%dma_wait3A_140, %dma_wait3A_141] : memref<10000x32xf32, #tpu.memory_space<hbm>> -> memref<128x32xf32, #tpu.memory_space<hbm>>
    tpu.wait_dma2 semaphore(%arg11 : memref<!tpu.dma_semaphore, #tpu.memory_space<semaphore_mem>>) src(%dma_wait3A_142 : memref<128x32xf32, #tpu.memory_space<hbm>>) dst(%dma_wait3A_139 : memref<128x32xf32, #tpu.memory_space<vmem>>)
    %dma_wait3A_143 = arith.constant 3 : i32
    %dma_wait3A_144 = arith.constant 0 : i32
    %dma_wait3A_145 = arith.constant 0 : i32
    %dma_wait3A_146 = tpu.memref_slice %arg9[%dma_wait3A_143, %dma_wait3A_144, %dma_wait3A_145] : memref<8x128x32xf32, #tpu.memory_space<vmem>> -> memref<1x128x32xf32, #tpu.memory_space<vmem>>
    %dma_wait3A_147 = tpu.memref_squeeze %dma_wait3A_146 : memref<1x128x32xf32, #tpu.memory_space<vmem>> -> memref<128x32xf32, #tpu.memory_space<vmem>>
    %dma_wait3A_148 = arith.constant 0 : i32
    %dma_wait3A_149 = arith.constant 0 : i32
    %dma_wait3A_150 = tpu.memref_slice %arg2[%dma_wait3A_148, %dma_wait3A_149] : memref<10000x32xf32, #tpu.memory_space<hbm>> -> memref<128x32xf32, #tpu.memory_space<hbm>>
    %dma_wait3A_151 = arith.constant 0 : i32
    %dma_wait3A_152 = arith.constant 0 : i32
    %dma_wait3A_153 = tpu.memref_slice %arg9[%dma_wait3A_143, %dma_wait3A_151, %dma_wait3A_152] : memref<8x128x32xf32, #tpu.memory_space<vmem>> -> memref<1x128x32xf32, #tpu.memory_space<vmem>>
    %dma_wait3A_154 = tpu.memref_squeeze %dma_wait3A_153 : memref<1x128x32xf32, #tpu.memory_space<vmem>> -> memref<128x32xf32, #tpu.memory_space<vmem>>
    %dma_wait3A_155 = arith.constant 0 : i32
    %dma_wait3A_156 = arith.constant 0 : i32
    %dma_wait3A_157 = tpu.memref_slice %arg2[%dma_wait3A_155, %dma_wait3A_156] : memref<10000x32xf32, #tpu.memory_space<hbm>> -> memref<128x32xf32, #tpu.memory_space<hbm>>
    tpu.wait_dma2 semaphore(%arg11 : memref<!tpu.dma_semaphore, #tpu.memory_space<semaphore_mem>>) src(%dma_wait3A_157 : memref<128x32xf32, #tpu.memory_space<hbm>>) dst(%dma_wait3A_154 : memref<128x32xf32, #tpu.memory_space<vmem>>)
    %dma_wait3A_158 = arith.constant 4 : i32
    %dma_wait3A_159 = arith.constant 0 : i32
    %dma_wait3A_160 = arith.constant 0 : i32
    %dma_wait3A_161 = tpu.memref_slice %arg9[%dma_wait3A_158, %dma_wait3A_159, %dma_wait3A_160] : memref<8x128x32xf32, #tpu.memory_space<vmem>> -> memref<1x128x32xf32, #tpu.memory_space<vmem>>
    %dma_wait3A_162 = tpu.memref_squeeze %dma_wait3A_161 : memref<1x128x32xf32, #tpu.memory_space<vmem>> -> memref<128x32xf32, #tpu.memory_space<vmem>>
    %dma_wait3A_163 = arith.constant 0 : i32
    %dma_wait3A_164 = arith.constant 0 : i32
    %dma_wait3A_165 = tpu.memref_slice %arg2[%dma_wait3A_163, %dma_wait3A_164] : memref<10000x32xf32, #tpu.memory_space<hbm>> -> memref<128x32xf32, #tpu.memory_space<hbm>>
    %dma_wait3A_166 = arith.constant 0 : i32
    %dma_wait3A_167 = arith.constant 0 : i32
    %dma_wait3A_168 = tpu.memref_slice %arg9[%dma_wait3A_158, %dma_wait3A_166, %dma_wait3A_167] : memref<8x128x32xf32, #tpu.memory_space<vmem>> -> memref<1x128x32xf32, #tpu.memory_space<vmem>>
    %dma_wait3A_169 = tpu.memref_squeeze %dma_wait3A_168 : memref<1x128x32xf32, #tpu.memory_space<vmem>> -> memref<128x32xf32, #tpu.memory_space<vmem>>
    %dma_wait3A_170 = arith.constant 0 : i32
    %dma_wait3A_171 = arith.constant 0 : i32
    %dma_wait3A_172 = tpu.memref_slice %arg2[%dma_wait3A_170, %dma_wait3A_171] : memref<10000x32xf32, #tpu.memory_space<hbm>> -> memref<128x32xf32, #tpu.memory_space<hbm>>
    tpu.wait_dma2 semaphore(%arg11 : memref<!tpu.dma_semaphore, #tpu.memory_space<semaphore_mem>>) src(%dma_wait3A_172 : memref<128x32xf32, #tpu.memory_space<hbm>>) dst(%dma_wait3A_169 : memref<128x32xf32, #tpu.memory_space<vmem>>)
    %dma_wait3A_173 = arith.constant 5 : i32
    %dma_wait3A_174 = arith.constant 0 : i32
    %dma_wait3A_175 = arith.constant 0 : i32
    %dma_wait3A_176 = tpu.memref_slice %arg9[%dma_wait3A_173, %dma_wait3A_174, %dma_wait3A_175] : memref<8x128x32xf32, #tpu.memory_space<vmem>> -> memref<1x128x32xf32, #tpu.memory_space<vmem>>
    %dma_wait3A_177 = tpu.memref_squeeze %dma_wait3A_176 : memref<1x128x32xf32, #tpu.memory_space<vmem>> -> memref<128x32xf32, #tpu.memory_space<vmem>>
    %dma_wait3A_178 = arith.constant 0 : i32
    %dma_wait3A_179 = arith.constant 0 : i32
    %dma_wait3A_180 = tpu.memref_slice %arg2[%dma_wait3A_178, %dma_wait3A_179] : memref<10000x32xf32, #tpu.memory_space<hbm>> -> memref<128x32xf32, #tpu.memory_space<hbm>>
    %dma_wait3A_181 = arith.constant 0 : i32
    %dma_wait3A_182 = arith.constant 0 : i32
    %dma_wait3A_183 = tpu.memref_slice %arg9[%dma_wait3A_173, %dma_wait3A_181, %dma_wait3A_182] : memref<8x128x32xf32, #tpu.memory_space<vmem>> -> memref<1x128x32xf32, #tpu.memory_space<vmem>>
    %dma_wait3A_184 = tpu.memref_squeeze %dma_wait3A_183 : memref<1x128x32xf32, #tpu.memory_space<vmem>> -> memref<128x32xf32, #tpu.memory_space<vmem>>
    %dma_wait3A_185 = arith.constant 0 : i32
    %dma_wait3A_186 = arith.constant 0 : i32
    %dma_wait3A_187 = tpu.memref_slice %arg2[%dma_wait3A_185, %dma_wait3A_186] : memref<10000x32xf32, #tpu.memory_space<hbm>> -> memref<128x32xf32, #tpu.memory_space<hbm>>
    tpu.wait_dma2 semaphore(%arg11 : memref<!tpu.dma_semaphore, #tpu.memory_space<semaphore_mem>>) src(%dma_wait3A_187 : memref<128x32xf32, #tpu.memory_space<hbm>>) dst(%dma_wait3A_184 : memref<128x32xf32, #tpu.memory_space<vmem>>)
    %dma_wait3A_188 = arith.constant 6 : i32
    %dma_wait3A_189 = arith.constant 0 : i32
    %dma_wait3A_190 = arith.constant 0 : i32
    %dma_wait3A_191 = tpu.memref_slice %arg9[%dma_wait3A_188, %dma_wait3A_189, %dma_wait3A_190] : memref<8x128x32xf32, #tpu.memory_space<vmem>> -> memref<1x128x32xf32, #tpu.memory_space<vmem>>
    %dma_wait3A_192 = tpu.memref_squeeze %dma_wait3A_191 : memref<1x128x32xf32, #tpu.memory_space<vmem>> -> memref<128x32xf32, #tpu.memory_space<vmem>>
    %dma_wait3A_193 = arith.constant 0 : i32
    %dma_wait3A_194 = arith.constant 0 : i32
    %dma_wait3A_195 = tpu.memref_slice %arg2[%dma_wait3A_193, %dma_wait3A_194] : memref<10000x32xf32, #tpu.memory_space<hbm>> -> memref<128x32xf32, #tpu.memory_space<hbm>>
    %dma_wait3A_196 = arith.constant 0 : i32
    %dma_wait3A_197 = arith.constant 0 : i32
    %dma_wait3A_198 = tpu.memref_slice %arg9[%dma_wait3A_188, %dma_wait3A_196, %dma_wait3A_197] : memref<8x128x32xf32, #tpu.memory_space<vmem>> -> memref<1x128x32xf32, #tpu.memory_space<vmem>>
    %dma_wait3A_199 = tpu.memref_squeeze %dma_wait3A_198 : memref<1x128x32xf32, #tpu.memory_space<vmem>> -> memref<128x32xf32, #tpu.memory_space<vmem>>
    %dma_wait3A_200 = arith.constant 0 : i32
    %dma_wait3A_201 = arith.constant 0 : i32
    %dma_wait3A_202 = tpu.memref_slice %arg2[%dma_wait3A_200, %dma_wait3A_201] : memref<10000x32xf32, #tpu.memory_space<hbm>> -> memref<128x32xf32, #tpu.memory_space<hbm>>
    tpu.wait_dma2 semaphore(%arg11 : memref<!tpu.dma_semaphore, #tpu.memory_space<semaphore_mem>>) src(%dma_wait3A_202 : memref<128x32xf32, #tpu.memory_space<hbm>>) dst(%dma_wait3A_199 : memref<128x32xf32, #tpu.memory_space<vmem>>)
    %barrier3A_203 = arith.constant 0 : index
    tpu.barrier barrier_id(%barrier3A_203)
    "tpu.region"() ({
      %run_scoped3A_204 = tpu.sem_alloc : memref<!tpu.dma_semaphore, #tpu.memory_space<semaphore_mem>>
      %dma_start3A_205 = arith.constant 0 : i32
      %dma_start3A_206 = tpu.memref_slice %arg6[%arg0, %mul3A_2, %dma_start3A_205] : memref<2x10112x32xf32, #tpu.memory_space<hbm>> -> memref<1x632x32xf32, #tpu.memory_space<hbm>>
      %dma_start3A_207 = tpu.memref_squeeze %dma_start3A_206 : memref<1x632x32xf32, #tpu.memory_space<hbm>> -> memref<632x32xf32, #tpu.memory_space<hbm>>
      %dma_start3A_208 = arith.constant 0 : i32
      %dma_start3A_209 = tpu.memref_slice %arg10[%mul3A_2, %dma_start3A_208] : memref<10112x32xf32, #tpu.memory_space<vmem_shared>> -> memref<632x32xf32, #tpu.memory_space<vmem_shared>>
      tpu.enqueue_dma source(%dma_start3A_209 : memref<632x32xf32, #tpu.memory_space<vmem_shared>>) target(%dma_start3A_207 : memref<632x32xf32, #tpu.memory_space<hbm>>) target_semaphore(%run_scoped3A_204 : memref<!tpu.dma_semaphore, #tpu.memory_space<semaphore_mem>>)
      %dma_wait3A_210 = arith.constant 0 : i32
      %dma_wait3A_211 = tpu.memref_slice %arg6[%arg0, %mul3A_2, %dma_wait3A_210] : memref<2x10112x32xf32, #tpu.memory_space<hbm>> -> memref<1x632x32xf32, #tpu.memory_space<hbm>>
      %dma_wait3A_212 = tpu.memref_squeeze %dma_wait3A_211 : memref<1x632x32xf32, #tpu.memory_space<hbm>> -> memref<632x32xf32, #tpu.memory_space<hbm>>
      %dma_wait3A_213 = arith.constant 0 : i32
      %dma_wait3A_214 = tpu.memref_slice %arg10[%mul3A_2, %dma_wait3A_213] : memref<10112x32xf32, #tpu.memory_space<vmem_shared>> -> memref<632x32xf32, #tpu.memory_space<vmem_shared>>
      tpu.wait_dma2 semaphore(%run_scoped3A_204 : memref<!tpu.dma_semaphore, #tpu.memory_space<semaphore_mem>>) src(%dma_wait3A_214 : memref<632x32xf32, #tpu.memory_space<vmem_shared>>) dst(%dma_wait3A_212 : memref<632x32xf32, #tpu.memory_space<hbm>>)
      tpu.yield
    }) : () -> ()
    return
  }
}

#map = affine_map<(d0, d1) -> (0, 0)>
#map1 = affine_map<(d0, d1) -> (0)>
#map2 = affine_map<(d0, d1) -> (0, 0, 0)>
module attributes {stable_mosaic.version = 14 : i64} {
  func.func @seg(%arg0: i32, %arg1: i32, %arg2: memref<10000x128xbf16, #tpu.memory_space<hbm>>, %arg3: memref<327680xi32, #tpu.memory_space<hbm>>, %arg4: memref<5120x64xi32, #tpu.memory_space<hbm>>, %arg5: memref<64x128xbf16, #tpu.memory_space<hbm>>, %arg6: memref<2x10112x128xbf16, #tpu.memory_space<hbm>>, %arg7: memref<32x10112xf32, #tpu.memory_space<hbm>>, %arg8: memref<10240xi32, #tpu.memory_space<vmem>>, %arg9: memref<160x64xi32, #tpu.memory_space<vmem>>, %arg10: memref<8x64x128xbf16, #tpu.memory_space<vmem>>, %arg11: memref<10112x128xbf16, #tpu.memory_space<vmem_shared>>, %arg12: memref<!tpu.dma_semaphore, #tpu.memory_space<semaphore_mem>>, %arg13: memref<10112xf32, #tpu.memory_space<vmem>>) attributes {dimension_semantics = [#tpu.dimension_semantics<core_parallel>, #tpu.dimension_semantics<subcore_parallel>], iteration_bounds = array<i64: 2, 16>, scalar_prefetch = 0 : i64, scratch_operands = 6 : i64, tpu.core_type = #tpu.core_type<sc_vector_subcore>, window_params = [{transform_indices = #map}, {transform_indices = #map1}, {transform_indices = #map}, {transform_indices = #map}, {transform_indices = #map2}, {transform_indices = #map}]} {
    %mul3A = arith.constant 16 : i32
    %mul3A_0 = arith.muli %arg0, %mul3A : i32
    %add3A = arith.addi %mul3A_0, %arg1 : i32
    %mul3A_1 = arith.constant 632 : i32
    %mul3A_2 = arith.muli %arg1, %mul3A_1 : i32
    %run_scoped3A = arith.constant 0 : i32
    "tpu.region"() ({
      %run_scoped3A_227 = tpu.sem_alloc : memref<!tpu.dma_semaphore, #tpu.memory_space<semaphore_mem>>
      %dma_start3A_228 = arith.constant 0 : i32
      %dma_start3A_229 = arith.constant 0 : i32
      %dma_start3A_230 = tpu.memref_slice %arg10[%run_scoped3A, %dma_start3A_228, %dma_start3A_229] : memref<8x64x128xbf16, #tpu.memory_space<vmem>> -> memref<1x64x128xbf16, #tpu.memory_space<vmem>>
      %dma_start3A_231 = tpu.memref_squeeze %dma_start3A_230 : memref<1x64x128xbf16, #tpu.memory_space<vmem>> -> memref<64x128xbf16, #tpu.memory_space<vmem>>
      %dma_start3A_232 = arith.constant 0 : i32
      %dma_start3A_233 = arith.constant 0 : i32
      %dma_start3A_234 = tpu.memref_slice %arg10[%run_scoped3A, %dma_start3A_232, %dma_start3A_233] : memref<8x64x128xbf16, #tpu.memory_space<vmem>> -> memref<1x64x128xbf16, #tpu.memory_space<vmem>>
      %dma_start3A_235 = tpu.memref_squeeze %dma_start3A_234 : memref<1x64x128xbf16, #tpu.memory_space<vmem>> -> memref<64x128xbf16, #tpu.memory_space<vmem>>
      tpu.enqueue_dma source(%arg5 : memref<64x128xbf16, #tpu.memory_space<hbm>>) target(%dma_start3A_235 : memref<64x128xbf16, #tpu.memory_space<vmem>>) target_semaphore(%run_scoped3A_227 : memref<!tpu.dma_semaphore, #tpu.memory_space<semaphore_mem>>)
      %dma_wait3A_236 = arith.constant 0 : i32
      %dma_wait3A_237 = arith.constant 0 : i32
      %dma_wait3A_238 = tpu.memref_slice %arg10[%run_scoped3A, %dma_wait3A_236, %dma_wait3A_237] : memref<8x64x128xbf16, #tpu.memory_space<vmem>> -> memref<1x64x128xbf16, #tpu.memory_space<vmem>>
      %dma_wait3A_239 = tpu.memref_squeeze %dma_wait3A_238 : memref<1x64x128xbf16, #tpu.memory_space<vmem>> -> memref<64x128xbf16, #tpu.memory_space<vmem>>
      %dma_wait3A_240 = arith.constant 0 : i32
      %dma_wait3A_241 = arith.constant 0 : i32
      %dma_wait3A_242 = tpu.memref_slice %arg10[%run_scoped3A, %dma_wait3A_240, %dma_wait3A_241] : memref<8x64x128xbf16, #tpu.memory_space<vmem>> -> memref<1x64x128xbf16, #tpu.memory_space<vmem>>
      %dma_wait3A_243 = tpu.memref_squeeze %dma_wait3A_242 : memref<1x64x128xbf16, #tpu.memory_space<vmem>> -> memref<64x128xbf16, #tpu.memory_space<vmem>>
      tpu.wait_dma2 semaphore(%run_scoped3A_227 : memref<!tpu.dma_semaphore, #tpu.memory_space<semaphore_mem>>) src(%arg5 : memref<64x128xbf16, #tpu.memory_space<hbm>>) dst(%dma_wait3A_243 : memref<64x128xbf16, #tpu.memory_space<vmem>>)
      tpu.yield
    }) : () -> ()
    %add3A_3 = arith.constant 0 : i32
    %add3A_4 = arith.addi %mul3A_2, %add3A_3 : i32
    %run_scoped3A_5 = arith.constant 0 : i32
    "tpu.region"() ({
      %run_scoped3A_227 = tpu.sem_alloc : memref<!tpu.dma_semaphore, #tpu.memory_space<semaphore_mem>>
      %dma_start3A_228 = arith.constant 0 : i32
      %dma_start3A_229 = arith.constant 0 : i32
      %dma_start3A_230 = tpu.memref_slice %arg10[%run_scoped3A_5, %dma_start3A_228, %dma_start3A_229] : memref<8x64x128xbf16, #tpu.memory_space<vmem>> -> memref<1x64x128xbf16, #tpu.memory_space<vmem>>
      %dma_start3A_231 = tpu.memref_squeeze %dma_start3A_230 : memref<1x64x128xbf16, #tpu.memory_space<vmem>> -> memref<64x128xbf16, #tpu.memory_space<vmem>>
      %dma_start3A_232 = arith.constant 0 : i32
      %dma_start3A_233 = tpu.memref_slice %arg11[%add3A_4, %dma_start3A_232] : memref<10112x128xbf16, #tpu.memory_space<vmem_shared>> -> memref<64x128xbf16, #tpu.memory_space<vmem_shared>>
      %dma_start3A_234 = arith.constant 0 : i32
      %dma_start3A_235 = tpu.memref_slice %arg11[%add3A_4, %dma_start3A_234] : memref<10112x128xbf16, #tpu.memory_space<vmem_shared>> -> memref<64x128xbf16, #tpu.memory_space<vmem_shared>>
      %dma_start3A_236 = arith.constant 0 : i32
      %dma_start3A_237 = arith.constant 0 : i32
      %dma_start3A_238 = tpu.memref_slice %arg10[%run_scoped3A_5, %dma_start3A_236, %dma_start3A_237] : memref<8x64x128xbf16, #tpu.memory_space<vmem>> -> memref<1x64x128xbf16, #tpu.memory_space<vmem>>
      %dma_start3A_239 = tpu.memref_squeeze %dma_start3A_238 : memref<1x64x128xbf16, #tpu.memory_space<vmem>> -> memref<64x128xbf16, #tpu.memory_space<vmem>>
      tpu.enqueue_dma source(%dma_start3A_239 : memref<64x128xbf16, #tpu.memory_space<vmem>>) target(%dma_start3A_235 : memref<64x128xbf16, #tpu.memory_space<vmem_shared>>) target_semaphore(%run_scoped3A_227 : memref<!tpu.dma_semaphore, #tpu.memory_space<semaphore_mem>>)
      %dma_wait3A_240 = arith.constant 0 : i32
      %dma_wait3A_241 = arith.constant 0 : i32
      %dma_wait3A_242 = tpu.memref_slice %arg10[%run_scoped3A_5, %dma_wait3A_240, %dma_wait3A_241] : memref<8x64x128xbf16, #tpu.memory_space<vmem>> -> memref<1x64x128xbf16, #tpu.memory_space<vmem>>
      %dma_wait3A_243 = tpu.memref_squeeze %dma_wait3A_242 : memref<1x64x128xbf16, #tpu.memory_space<vmem>> -> memref<64x128xbf16, #tpu.memory_space<vmem>>
      %dma_wait3A_244 = arith.constant 0 : i32
      %dma_wait3A_245 = tpu.memref_slice %arg11[%add3A_4, %dma_wait3A_244] : memref<10112x128xbf16, #tpu.memory_space<vmem_shared>> -> memref<64x128xbf16, #tpu.memory_space<vmem_shared>>
      %dma_wait3A_246 = arith.constant 0 : i32
      %dma_wait3A_247 = tpu.memref_slice %arg11[%add3A_4, %dma_wait3A_246] : memref<10112x128xbf16, #tpu.memory_space<vmem_shared>> -> memref<64x128xbf16, #tpu.memory_space<vmem_shared>>
      %dma_wait3A_248 = arith.constant 0 : i32
      %dma_wait3A_249 = arith.constant 0 : i32
      %dma_wait3A_250 = tpu.memref_slice %arg10[%run_scoped3A_5, %dma_wait3A_248, %dma_wait3A_249] : memref<8x64x128xbf16, #tpu.memory_space<vmem>> -> memref<1x64x128xbf16, #tpu.memory_space<vmem>>
      %dma_wait3A_251 = tpu.memref_squeeze %dma_wait3A_250 : memref<1x64x128xbf16, #tpu.memory_space<vmem>> -> memref<64x128xbf16, #tpu.memory_space<vmem>>
      tpu.wait_dma2 semaphore(%run_scoped3A_227 : memref<!tpu.dma_semaphore, #tpu.memory_space<semaphore_mem>>) src(%dma_wait3A_251 : memref<64x128xbf16, #tpu.memory_space<vmem>>) dst(%dma_wait3A_247 : memref<64x128xbf16, #tpu.memory_space<vmem_shared>>)
      tpu.yield
    }) : () -> ()
    %add3A_6 = arith.constant 64 : i32
    %add3A_7 = arith.addi %mul3A_2, %add3A_6 : i32
    %run_scoped3A_8 = arith.constant 0 : i32
    "tpu.region"() ({
      %run_scoped3A_227 = tpu.sem_alloc : memref<!tpu.dma_semaphore, #tpu.memory_space<semaphore_mem>>
      %dma_start3A_228 = arith.constant 0 : i32
      %dma_start3A_229 = arith.constant 0 : i32
      %dma_start3A_230 = tpu.memref_slice %arg10[%run_scoped3A_8, %dma_start3A_228, %dma_start3A_229] : memref<8x64x128xbf16, #tpu.memory_space<vmem>> -> memref<1x64x128xbf16, #tpu.memory_space<vmem>>
      %dma_start3A_231 = tpu.memref_squeeze %dma_start3A_230 : memref<1x64x128xbf16, #tpu.memory_space<vmem>> -> memref<64x128xbf16, #tpu.memory_space<vmem>>
      %dma_start3A_232 = arith.constant 0 : i32
      %dma_start3A_233 = tpu.memref_slice %arg11[%add3A_7, %dma_start3A_232] : memref<10112x128xbf16, #tpu.memory_space<vmem_shared>> -> memref<64x128xbf16, #tpu.memory_space<vmem_shared>>
      %dma_start3A_234 = arith.constant 0 : i32
      %dma_start3A_235 = tpu.memref_slice %arg11[%add3A_7, %dma_start3A_234] : memref<10112x128xbf16, #tpu.memory_space<vmem_shared>> -> memref<64x128xbf16, #tpu.memory_space<vmem_shared>>
      %dma_start3A_236 = arith.constant 0 : i32
      %dma_start3A_237 = arith.constant 0 : i32
      %dma_start3A_238 = tpu.memref_slice %arg10[%run_scoped3A_8, %dma_start3A_236, %dma_start3A_237] : memref<8x64x128xbf16, #tpu.memory_space<vmem>> -> memref<1x64x128xbf16, #tpu.memory_space<vmem>>
      %dma_start3A_239 = tpu.memref_squeeze %dma_start3A_238 : memref<1x64x128xbf16, #tpu.memory_space<vmem>> -> memref<64x128xbf16, #tpu.memory_space<vmem>>
      tpu.enqueue_dma source(%dma_start3A_239 : memref<64x128xbf16, #tpu.memory_space<vmem>>) target(%dma_start3A_235 : memref<64x128xbf16, #tpu.memory_space<vmem_shared>>) target_semaphore(%run_scoped3A_227 : memref<!tpu.dma_semaphore, #tpu.memory_space<semaphore_mem>>)
      %dma_wait3A_240 = arith.constant 0 : i32
      %dma_wait3A_241 = arith.constant 0 : i32
      %dma_wait3A_242 = tpu.memref_slice %arg10[%run_scoped3A_8, %dma_wait3A_240, %dma_wait3A_241] : memref<8x64x128xbf16, #tpu.memory_space<vmem>> -> memref<1x64x128xbf16, #tpu.memory_space<vmem>>
      %dma_wait3A_243 = tpu.memref_squeeze %dma_wait3A_242 : memref<1x64x128xbf16, #tpu.memory_space<vmem>> -> memref<64x128xbf16, #tpu.memory_space<vmem>>
      %dma_wait3A_244 = arith.constant 0 : i32
      %dma_wait3A_245 = tpu.memref_slice %arg11[%add3A_7, %dma_wait3A_244] : memref<10112x128xbf16, #tpu.memory_space<vmem_shared>> -> memref<64x128xbf16, #tpu.memory_space<vmem_shared>>
      %dma_wait3A_246 = arith.constant 0 : i32
      %dma_wait3A_247 = tpu.memref_slice %arg11[%add3A_7, %dma_wait3A_246] : memref<10112x128xbf16, #tpu.memory_space<vmem_shared>> -> memref<64x128xbf16, #tpu.memory_space<vmem_shared>>
      %dma_wait3A_248 = arith.constant 0 : i32
      %dma_wait3A_249 = arith.constant 0 : i32
      %dma_wait3A_250 = tpu.memref_slice %arg10[%run_scoped3A_8, %dma_wait3A_248, %dma_wait3A_249] : memref<8x64x128xbf16, #tpu.memory_space<vmem>> -> memref<1x64x128xbf16, #tpu.memory_space<vmem>>
      %dma_wait3A_251 = tpu.memref_squeeze %dma_wait3A_250 : memref<1x64x128xbf16, #tpu.memory_space<vmem>> -> memref<64x128xbf16, #tpu.memory_space<vmem>>
      tpu.wait_dma2 semaphore(%run_scoped3A_227 : memref<!tpu.dma_semaphore, #tpu.memory_space<semaphore_mem>>) src(%dma_wait3A_251 : memref<64x128xbf16, #tpu.memory_space<vmem>>) dst(%dma_wait3A_247 : memref<64x128xbf16, #tpu.memory_space<vmem_shared>>)
      tpu.yield
    }) : () -> ()
    %add3A_9 = arith.constant 128 : i32
    %add3A_10 = arith.addi %mul3A_2, %add3A_9 : i32
    %run_scoped3A_11 = arith.constant 0 : i32
    "tpu.region"() ({
      %run_scoped3A_227 = tpu.sem_alloc : memref<!tpu.dma_semaphore, #tpu.memory_space<semaphore_mem>>
      %dma_start3A_228 = arith.constant 0 : i32
      %dma_start3A_229 = arith.constant 0 : i32
      %dma_start3A_230 = tpu.memref_slice %arg10[%run_scoped3A_11, %dma_start3A_228, %dma_start3A_229] : memref<8x64x128xbf16, #tpu.memory_space<vmem>> -> memref<1x64x128xbf16, #tpu.memory_space<vmem>>
      %dma_start3A_231 = tpu.memref_squeeze %dma_start3A_230 : memref<1x64x128xbf16, #tpu.memory_space<vmem>> -> memref<64x128xbf16, #tpu.memory_space<vmem>>
      %dma_start3A_232 = arith.constant 0 : i32
      %dma_start3A_233 = tpu.memref_slice %arg11[%add3A_10, %dma_start3A_232] : memref<10112x128xbf16, #tpu.memory_space<vmem_shared>> -> memref<64x128xbf16, #tpu.memory_space<vmem_shared>>
      %dma_start3A_234 = arith.constant 0 : i32
      %dma_start3A_235 = tpu.memref_slice %arg11[%add3A_10, %dma_start3A_234] : memref<10112x128xbf16, #tpu.memory_space<vmem_shared>> -> memref<64x128xbf16, #tpu.memory_space<vmem_shared>>
      %dma_start3A_236 = arith.constant 0 : i32
      %dma_start3A_237 = arith.constant 0 : i32
      %dma_start3A_238 = tpu.memref_slice %arg10[%run_scoped3A_11, %dma_start3A_236, %dma_start3A_237] : memref<8x64x128xbf16, #tpu.memory_space<vmem>> -> memref<1x64x128xbf16, #tpu.memory_space<vmem>>
      %dma_start3A_239 = tpu.memref_squeeze %dma_start3A_238 : memref<1x64x128xbf16, #tpu.memory_space<vmem>> -> memref<64x128xbf16, #tpu.memory_space<vmem>>
      tpu.enqueue_dma source(%dma_start3A_239 : memref<64x128xbf16, #tpu.memory_space<vmem>>) target(%dma_start3A_235 : memref<64x128xbf16, #tpu.memory_space<vmem_shared>>) target_semaphore(%run_scoped3A_227 : memref<!tpu.dma_semaphore, #tpu.memory_space<semaphore_mem>>)
      %dma_wait3A_240 = arith.constant 0 : i32
      %dma_wait3A_241 = arith.constant 0 : i32
      %dma_wait3A_242 = tpu.memref_slice %arg10[%run_scoped3A_11, %dma_wait3A_240, %dma_wait3A_241] : memref<8x64x128xbf16, #tpu.memory_space<vmem>> -> memref<1x64x128xbf16, #tpu.memory_space<vmem>>
      %dma_wait3A_243 = tpu.memref_squeeze %dma_wait3A_242 : memref<1x64x128xbf16, #tpu.memory_space<vmem>> -> memref<64x128xbf16, #tpu.memory_space<vmem>>
      %dma_wait3A_244 = arith.constant 0 : i32
      %dma_wait3A_245 = tpu.memref_slice %arg11[%add3A_10, %dma_wait3A_244] : memref<10112x128xbf16, #tpu.memory_space<vmem_shared>> -> memref<64x128xbf16, #tpu.memory_space<vmem_shared>>
      %dma_wait3A_246 = arith.constant 0 : i32
      %dma_wait3A_247 = tpu.memref_slice %arg11[%add3A_10, %dma_wait3A_246] : memref<10112x128xbf16, #tpu.memory_space<vmem_shared>> -> memref<64x128xbf16, #tpu.memory_space<vmem_shared>>
      %dma_wait3A_248 = arith.constant 0 : i32
      %dma_wait3A_249 = arith.constant 0 : i32
      %dma_wait3A_250 = tpu.memref_slice %arg10[%run_scoped3A_11, %dma_wait3A_248, %dma_wait3A_249] : memref<8x64x128xbf16, #tpu.memory_space<vmem>> -> memref<1x64x128xbf16, #tpu.memory_space<vmem>>
      %dma_wait3A_251 = tpu.memref_squeeze %dma_wait3A_250 : memref<1x64x128xbf16, #tpu.memory_space<vmem>> -> memref<64x128xbf16, #tpu.memory_space<vmem>>
      tpu.wait_dma2 semaphore(%run_scoped3A_227 : memref<!tpu.dma_semaphore, #tpu.memory_space<semaphore_mem>>) src(%dma_wait3A_251 : memref<64x128xbf16, #tpu.memory_space<vmem>>) dst(%dma_wait3A_247 : memref<64x128xbf16, #tpu.memory_space<vmem_shared>>)
      tpu.yield
    }) : () -> ()
    %add3A_12 = arith.constant 192 : i32
    %add3A_13 = arith.addi %mul3A_2, %add3A_12 : i32
    %run_scoped3A_14 = arith.constant 0 : i32
    "tpu.region"() ({
      %run_scoped3A_227 = tpu.sem_alloc : memref<!tpu.dma_semaphore, #tpu.memory_space<semaphore_mem>>
      %dma_start3A_228 = arith.constant 0 : i32
      %dma_start3A_229 = arith.constant 0 : i32
      %dma_start3A_230 = tpu.memref_slice %arg10[%run_scoped3A_14, %dma_start3A_228, %dma_start3A_229] : memref<8x64x128xbf16, #tpu.memory_space<vmem>> -> memref<1x64x128xbf16, #tpu.memory_space<vmem>>
      %dma_start3A_231 = tpu.memref_squeeze %dma_start3A_230 : memref<1x64x128xbf16, #tpu.memory_space<vmem>> -> memref<64x128xbf16, #tpu.memory_space<vmem>>
      %dma_start3A_232 = arith.constant 0 : i32
      %dma_start3A_233 = tpu.memref_slice %arg11[%add3A_13, %dma_start3A_232] : memref<10112x128xbf16, #tpu.memory_space<vmem_shared>> -> memref<64x128xbf16, #tpu.memory_space<vmem_shared>>
      %dma_start3A_234 = arith.constant 0 : i32
      %dma_start3A_235 = tpu.memref_slice %arg11[%add3A_13, %dma_start3A_234] : memref<10112x128xbf16, #tpu.memory_space<vmem_shared>> -> memref<64x128xbf16, #tpu.memory_space<vmem_shared>>
      %dma_start3A_236 = arith.constant 0 : i32
      %dma_start3A_237 = arith.constant 0 : i32
      %dma_start3A_238 = tpu.memref_slice %arg10[%run_scoped3A_14, %dma_start3A_236, %dma_start3A_237] : memref<8x64x128xbf16, #tpu.memory_space<vmem>> -> memref<1x64x128xbf16, #tpu.memory_space<vmem>>
      %dma_start3A_239 = tpu.memref_squeeze %dma_start3A_238 : memref<1x64x128xbf16, #tpu.memory_space<vmem>> -> memref<64x128xbf16, #tpu.memory_space<vmem>>
      tpu.enqueue_dma source(%dma_start3A_239 : memref<64x128xbf16, #tpu.memory_space<vmem>>) target(%dma_start3A_235 : memref<64x128xbf16, #tpu.memory_space<vmem_shared>>) target_semaphore(%run_scoped3A_227 : memref<!tpu.dma_semaphore, #tpu.memory_space<semaphore_mem>>)
      %dma_wait3A_240 = arith.constant 0 : i32
      %dma_wait3A_241 = arith.constant 0 : i32
      %dma_wait3A_242 = tpu.memref_slice %arg10[%run_scoped3A_14, %dma_wait3A_240, %dma_wait3A_241] : memref<8x64x128xbf16, #tpu.memory_space<vmem>> -> memref<1x64x128xbf16, #tpu.memory_space<vmem>>
      %dma_wait3A_243 = tpu.memref_squeeze %dma_wait3A_242 : memref<1x64x128xbf16, #tpu.memory_space<vmem>> -> memref<64x128xbf16, #tpu.memory_space<vmem>>
      %dma_wait3A_244 = arith.constant 0 : i32
      %dma_wait3A_245 = tpu.memref_slice %arg11[%add3A_13, %dma_wait3A_244] : memref<10112x128xbf16, #tpu.memory_space<vmem_shared>> -> memref<64x128xbf16, #tpu.memory_space<vmem_shared>>
      %dma_wait3A_246 = arith.constant 0 : i32
      %dma_wait3A_247 = tpu.memref_slice %arg11[%add3A_13, %dma_wait3A_246] : memref<10112x128xbf16, #tpu.memory_space<vmem_shared>> -> memref<64x128xbf16, #tpu.memory_space<vmem_shared>>
      %dma_wait3A_248 = arith.constant 0 : i32
      %dma_wait3A_249 = arith.constant 0 : i32
      %dma_wait3A_250 = tpu.memref_slice %arg10[%run_scoped3A_14, %dma_wait3A_248, %dma_wait3A_249] : memref<8x64x128xbf16, #tpu.memory_space<vmem>> -> memref<1x64x128xbf16, #tpu.memory_space<vmem>>
      %dma_wait3A_251 = tpu.memref_squeeze %dma_wait3A_250 : memref<1x64x128xbf16, #tpu.memory_space<vmem>> -> memref<64x128xbf16, #tpu.memory_space<vmem>>
      tpu.wait_dma2 semaphore(%run_scoped3A_227 : memref<!tpu.dma_semaphore, #tpu.memory_space<semaphore_mem>>) src(%dma_wait3A_251 : memref<64x128xbf16, #tpu.memory_space<vmem>>) dst(%dma_wait3A_247 : memref<64x128xbf16, #tpu.memory_space<vmem_shared>>)
      tpu.yield
    }) : () -> ()
    %add3A_15 = arith.constant 256 : i32
    %add3A_16 = arith.addi %mul3A_2, %add3A_15 : i32
    %run_scoped3A_17 = arith.constant 0 : i32
    "tpu.region"() ({
      %run_scoped3A_227 = tpu.sem_alloc : memref<!tpu.dma_semaphore, #tpu.memory_space<semaphore_mem>>
      %dma_start3A_228 = arith.constant 0 : i32
      %dma_start3A_229 = arith.constant 0 : i32
      %dma_start3A_230 = tpu.memref_slice %arg10[%run_scoped3A_17, %dma_start3A_228, %dma_start3A_229] : memref<8x64x128xbf16, #tpu.memory_space<vmem>> -> memref<1x64x128xbf16, #tpu.memory_space<vmem>>
      %dma_start3A_231 = tpu.memref_squeeze %dma_start3A_230 : memref<1x64x128xbf16, #tpu.memory_space<vmem>> -> memref<64x128xbf16, #tpu.memory_space<vmem>>
      %dma_start3A_232 = arith.constant 0 : i32
      %dma_start3A_233 = tpu.memref_slice %arg11[%add3A_16, %dma_start3A_232] : memref<10112x128xbf16, #tpu.memory_space<vmem_shared>> -> memref<64x128xbf16, #tpu.memory_space<vmem_shared>>
      %dma_start3A_234 = arith.constant 0 : i32
      %dma_start3A_235 = tpu.memref_slice %arg11[%add3A_16, %dma_start3A_234] : memref<10112x128xbf16, #tpu.memory_space<vmem_shared>> -> memref<64x128xbf16, #tpu.memory_space<vmem_shared>>
      %dma_start3A_236 = arith.constant 0 : i32
      %dma_start3A_237 = arith.constant 0 : i32
      %dma_start3A_238 = tpu.memref_slice %arg10[%run_scoped3A_17, %dma_start3A_236, %dma_start3A_237] : memref<8x64x128xbf16, #tpu.memory_space<vmem>> -> memref<1x64x128xbf16, #tpu.memory_space<vmem>>
      %dma_start3A_239 = tpu.memref_squeeze %dma_start3A_238 : memref<1x64x128xbf16, #tpu.memory_space<vmem>> -> memref<64x128xbf16, #tpu.memory_space<vmem>>
      tpu.enqueue_dma source(%dma_start3A_239 : memref<64x128xbf16, #tpu.memory_space<vmem>>) target(%dma_start3A_235 : memref<64x128xbf16, #tpu.memory_space<vmem_shared>>) target_semaphore(%run_scoped3A_227 : memref<!tpu.dma_semaphore, #tpu.memory_space<semaphore_mem>>)
      %dma_wait3A_240 = arith.constant 0 : i32
      %dma_wait3A_241 = arith.constant 0 : i32
      %dma_wait3A_242 = tpu.memref_slice %arg10[%run_scoped3A_17, %dma_wait3A_240, %dma_wait3A_241] : memref<8x64x128xbf16, #tpu.memory_space<vmem>> -> memref<1x64x128xbf16, #tpu.memory_space<vmem>>
      %dma_wait3A_243 = tpu.memref_squeeze %dma_wait3A_242 : memref<1x64x128xbf16, #tpu.memory_space<vmem>> -> memref<64x128xbf16, #tpu.memory_space<vmem>>
      %dma_wait3A_244 = arith.constant 0 : i32
      %dma_wait3A_245 = tpu.memref_slice %arg11[%add3A_16, %dma_wait3A_244] : memref<10112x128xbf16, #tpu.memory_space<vmem_shared>> -> memref<64x128xbf16, #tpu.memory_space<vmem_shared>>
      %dma_wait3A_246 = arith.constant 0 : i32
      %dma_wait3A_247 = tpu.memref_slice %arg11[%add3A_16, %dma_wait3A_246] : memref<10112x128xbf16, #tpu.memory_space<vmem_shared>> -> memref<64x128xbf16, #tpu.memory_space<vmem_shared>>
      %dma_wait3A_248 = arith.constant 0 : i32
      %dma_wait3A_249 = arith.constant 0 : i32
      %dma_wait3A_250 = tpu.memref_slice %arg10[%run_scoped3A_17, %dma_wait3A_248, %dma_wait3A_249] : memref<8x64x128xbf16, #tpu.memory_space<vmem>> -> memref<1x64x128xbf16, #tpu.memory_space<vmem>>
      %dma_wait3A_251 = tpu.memref_squeeze %dma_wait3A_250 : memref<1x64x128xbf16, #tpu.memory_space<vmem>> -> memref<64x128xbf16, #tpu.memory_space<vmem>>
      tpu.wait_dma2 semaphore(%run_scoped3A_227 : memref<!tpu.dma_semaphore, #tpu.memory_space<semaphore_mem>>) src(%dma_wait3A_251 : memref<64x128xbf16, #tpu.memory_space<vmem>>) dst(%dma_wait3A_247 : memref<64x128xbf16, #tpu.memory_space<vmem_shared>>)
      tpu.yield
    }) : () -> ()
    %add3A_18 = arith.constant 320 : i32
    %add3A_19 = arith.addi %mul3A_2, %add3A_18 : i32
    %run_scoped3A_20 = arith.constant 0 : i32
    "tpu.region"() ({
      %run_scoped3A_227 = tpu.sem_alloc : memref<!tpu.dma_semaphore, #tpu.memory_space<semaphore_mem>>
      %dma_start3A_228 = arith.constant 0 : i32
      %dma_start3A_229 = arith.constant 0 : i32
      %dma_start3A_230 = tpu.memref_slice %arg10[%run_scoped3A_20, %dma_start3A_228, %dma_start3A_229] : memref<8x64x128xbf16, #tpu.memory_space<vmem>> -> memref<1x64x128xbf16, #tpu.memory_space<vmem>>
      %dma_start3A_231 = tpu.memref_squeeze %dma_start3A_230 : memref<1x64x128xbf16, #tpu.memory_space<vmem>> -> memref<64x128xbf16, #tpu.memory_space<vmem>>
      %dma_start3A_232 = arith.constant 0 : i32
      %dma_start3A_233 = tpu.memref_slice %arg11[%add3A_19, %dma_start3A_232] : memref<10112x128xbf16, #tpu.memory_space<vmem_shared>> -> memref<64x128xbf16, #tpu.memory_space<vmem_shared>>
      %dma_start3A_234 = arith.constant 0 : i32
      %dma_start3A_235 = tpu.memref_slice %arg11[%add3A_19, %dma_start3A_234] : memref<10112x128xbf16, #tpu.memory_space<vmem_shared>> -> memref<64x128xbf16, #tpu.memory_space<vmem_shared>>
      %dma_start3A_236 = arith.constant 0 : i32
      %dma_start3A_237 = arith.constant 0 : i32
      %dma_start3A_238 = tpu.memref_slice %arg10[%run_scoped3A_20, %dma_start3A_236, %dma_start3A_237] : memref<8x64x128xbf16, #tpu.memory_space<vmem>> -> memref<1x64x128xbf16, #tpu.memory_space<vmem>>
      %dma_start3A_239 = tpu.memref_squeeze %dma_start3A_238 : memref<1x64x128xbf16, #tpu.memory_space<vmem>> -> memref<64x128xbf16, #tpu.memory_space<vmem>>
      tpu.enqueue_dma source(%dma_start3A_239 : memref<64x128xbf16, #tpu.memory_space<vmem>>) target(%dma_start3A_235 : memref<64x128xbf16, #tpu.memory_space<vmem_shared>>) target_semaphore(%run_scoped3A_227 : memref<!tpu.dma_semaphore, #tpu.memory_space<semaphore_mem>>)
      %dma_wait3A_240 = arith.constant 0 : i32
      %dma_wait3A_241 = arith.constant 0 : i32
      %dma_wait3A_242 = tpu.memref_slice %arg10[%run_scoped3A_20, %dma_wait3A_240, %dma_wait3A_241] : memref<8x64x128xbf16, #tpu.memory_space<vmem>> -> memref<1x64x128xbf16, #tpu.memory_space<vmem>>
      %dma_wait3A_243 = tpu.memref_squeeze %dma_wait3A_242 : memref<1x64x128xbf16, #tpu.memory_space<vmem>> -> memref<64x128xbf16, #tpu.memory_space<vmem>>
      %dma_wait3A_244 = arith.constant 0 : i32
      %dma_wait3A_245 = tpu.memref_slice %arg11[%add3A_19, %dma_wait3A_244] : memref<10112x128xbf16, #tpu.memory_space<vmem_shared>> -> memref<64x128xbf16, #tpu.memory_space<vmem_shared>>
      %dma_wait3A_246 = arith.constant 0 : i32
      %dma_wait3A_247 = tpu.memref_slice %arg11[%add3A_19, %dma_wait3A_246] : memref<10112x128xbf16, #tpu.memory_space<vmem_shared>> -> memref<64x128xbf16, #tpu.memory_space<vmem_shared>>
      %dma_wait3A_248 = arith.constant 0 : i32
      %dma_wait3A_249 = arith.constant 0 : i32
      %dma_wait3A_250 = tpu.memref_slice %arg10[%run_scoped3A_20, %dma_wait3A_248, %dma_wait3A_249] : memref<8x64x128xbf16, #tpu.memory_space<vmem>> -> memref<1x64x128xbf16, #tpu.memory_space<vmem>>
      %dma_wait3A_251 = tpu.memref_squeeze %dma_wait3A_250 : memref<1x64x128xbf16, #tpu.memory_space<vmem>> -> memref<64x128xbf16, #tpu.memory_space<vmem>>
      tpu.wait_dma2 semaphore(%run_scoped3A_227 : memref<!tpu.dma_semaphore, #tpu.memory_space<semaphore_mem>>) src(%dma_wait3A_251 : memref<64x128xbf16, #tpu.memory_space<vmem>>) dst(%dma_wait3A_247 : memref<64x128xbf16, #tpu.memory_space<vmem_shared>>)
      tpu.yield
    }) : () -> ()
    %add3A_21 = arith.constant 384 : i32
    %add3A_22 = arith.addi %mul3A_2, %add3A_21 : i32
    %run_scoped3A_23 = arith.constant 0 : i32
    "tpu.region"() ({
      %run_scoped3A_227 = tpu.sem_alloc : memref<!tpu.dma_semaphore, #tpu.memory_space<semaphore_mem>>
      %dma_start3A_228 = arith.constant 0 : i32
      %dma_start3A_229 = arith.constant 0 : i32
      %dma_start3A_230 = tpu.memref_slice %arg10[%run_scoped3A_23, %dma_start3A_228, %dma_start3A_229] : memref<8x64x128xbf16, #tpu.memory_space<vmem>> -> memref<1x64x128xbf16, #tpu.memory_space<vmem>>
      %dma_start3A_231 = tpu.memref_squeeze %dma_start3A_230 : memref<1x64x128xbf16, #tpu.memory_space<vmem>> -> memref<64x128xbf16, #tpu.memory_space<vmem>>
      %dma_start3A_232 = arith.constant 0 : i32
      %dma_start3A_233 = tpu.memref_slice %arg11[%add3A_22, %dma_start3A_232] : memref<10112x128xbf16, #tpu.memory_space<vmem_shared>> -> memref<64x128xbf16, #tpu.memory_space<vmem_shared>>
      %dma_start3A_234 = arith.constant 0 : i32
      %dma_start3A_235 = tpu.memref_slice %arg11[%add3A_22, %dma_start3A_234] : memref<10112x128xbf16, #tpu.memory_space<vmem_shared>> -> memref<64x128xbf16, #tpu.memory_space<vmem_shared>>
      %dma_start3A_236 = arith.constant 0 : i32
      %dma_start3A_237 = arith.constant 0 : i32
      %dma_start3A_238 = tpu.memref_slice %arg10[%run_scoped3A_23, %dma_start3A_236, %dma_start3A_237] : memref<8x64x128xbf16, #tpu.memory_space<vmem>> -> memref<1x64x128xbf16, #tpu.memory_space<vmem>>
      %dma_start3A_239 = tpu.memref_squeeze %dma_start3A_238 : memref<1x64x128xbf16, #tpu.memory_space<vmem>> -> memref<64x128xbf16, #tpu.memory_space<vmem>>
      tpu.enqueue_dma source(%dma_start3A_239 : memref<64x128xbf16, #tpu.memory_space<vmem>>) target(%dma_start3A_235 : memref<64x128xbf16, #tpu.memory_space<vmem_shared>>) target_semaphore(%run_scoped3A_227 : memref<!tpu.dma_semaphore, #tpu.memory_space<semaphore_mem>>)
      %dma_wait3A_240 = arith.constant 0 : i32
      %dma_wait3A_241 = arith.constant 0 : i32
      %dma_wait3A_242 = tpu.memref_slice %arg10[%run_scoped3A_23, %dma_wait3A_240, %dma_wait3A_241] : memref<8x64x128xbf16, #tpu.memory_space<vmem>> -> memref<1x64x128xbf16, #tpu.memory_space<vmem>>
      %dma_wait3A_243 = tpu.memref_squeeze %dma_wait3A_242 : memref<1x64x128xbf16, #tpu.memory_space<vmem>> -> memref<64x128xbf16, #tpu.memory_space<vmem>>
      %dma_wait3A_244 = arith.constant 0 : i32
      %dma_wait3A_245 = tpu.memref_slice %arg11[%add3A_22, %dma_wait3A_244] : memref<10112x128xbf16, #tpu.memory_space<vmem_shared>> -> memref<64x128xbf16, #tpu.memory_space<vmem_shared>>
      %dma_wait3A_246 = arith.constant 0 : i32
      %dma_wait3A_247 = tpu.memref_slice %arg11[%add3A_22, %dma_wait3A_246] : memref<10112x128xbf16, #tpu.memory_space<vmem_shared>> -> memref<64x128xbf16, #tpu.memory_space<vmem_shared>>
      %dma_wait3A_248 = arith.constant 0 : i32
      %dma_wait3A_249 = arith.constant 0 : i32
      %dma_wait3A_250 = tpu.memref_slice %arg10[%run_scoped3A_23, %dma_wait3A_248, %dma_wait3A_249] : memref<8x64x128xbf16, #tpu.memory_space<vmem>> -> memref<1x64x128xbf16, #tpu.memory_space<vmem>>
      %dma_wait3A_251 = tpu.memref_squeeze %dma_wait3A_250 : memref<1x64x128xbf16, #tpu.memory_space<vmem>> -> memref<64x128xbf16, #tpu.memory_space<vmem>>
      tpu.wait_dma2 semaphore(%run_scoped3A_227 : memref<!tpu.dma_semaphore, #tpu.memory_space<semaphore_mem>>) src(%dma_wait3A_251 : memref<64x128xbf16, #tpu.memory_space<vmem>>) dst(%dma_wait3A_247 : memref<64x128xbf16, #tpu.memory_space<vmem_shared>>)
      tpu.yield
    }) : () -> ()
    %add3A_24 = arith.constant 448 : i32
    %add3A_25 = arith.addi %mul3A_2, %add3A_24 : i32
    %run_scoped3A_26 = arith.constant 0 : i32
    "tpu.region"() ({
      %run_scoped3A_227 = tpu.sem_alloc : memref<!tpu.dma_semaphore, #tpu.memory_space<semaphore_mem>>
      %dma_start3A_228 = arith.constant 0 : i32
      %dma_start3A_229 = arith.constant 0 : i32
      %dma_start3A_230 = tpu.memref_slice %arg10[%run_scoped3A_26, %dma_start3A_228, %dma_start3A_229] : memref<8x64x128xbf16, #tpu.memory_space<vmem>> -> memref<1x64x128xbf16, #tpu.memory_space<vmem>>
      %dma_start3A_231 = tpu.memref_squeeze %dma_start3A_230 : memref<1x64x128xbf16, #tpu.memory_space<vmem>> -> memref<64x128xbf16, #tpu.memory_space<vmem>>
      %dma_start3A_232 = arith.constant 0 : i32
      %dma_start3A_233 = tpu.memref_slice %arg11[%add3A_25, %dma_start3A_232] : memref<10112x128xbf16, #tpu.memory_space<vmem_shared>> -> memref<64x128xbf16, #tpu.memory_space<vmem_shared>>
      %dma_start3A_234 = arith.constant 0 : i32
      %dma_start3A_235 = tpu.memref_slice %arg11[%add3A_25, %dma_start3A_234] : memref<10112x128xbf16, #tpu.memory_space<vmem_shared>> -> memref<64x128xbf16, #tpu.memory_space<vmem_shared>>
      %dma_start3A_236 = arith.constant 0 : i32
      %dma_start3A_237 = arith.constant 0 : i32
      %dma_start3A_238 = tpu.memref_slice %arg10[%run_scoped3A_26, %dma_start3A_236, %dma_start3A_237] : memref<8x64x128xbf16, #tpu.memory_space<vmem>> -> memref<1x64x128xbf16, #tpu.memory_space<vmem>>
      %dma_start3A_239 = tpu.memref_squeeze %dma_start3A_238 : memref<1x64x128xbf16, #tpu.memory_space<vmem>> -> memref<64x128xbf16, #tpu.memory_space<vmem>>
      tpu.enqueue_dma source(%dma_start3A_239 : memref<64x128xbf16, #tpu.memory_space<vmem>>) target(%dma_start3A_235 : memref<64x128xbf16, #tpu.memory_space<vmem_shared>>) target_semaphore(%run_scoped3A_227 : memref<!tpu.dma_semaphore, #tpu.memory_space<semaphore_mem>>)
      %dma_wait3A_240 = arith.constant 0 : i32
      %dma_wait3A_241 = arith.constant 0 : i32
      %dma_wait3A_242 = tpu.memref_slice %arg10[%run_scoped3A_26, %dma_wait3A_240, %dma_wait3A_241] : memref<8x64x128xbf16, #tpu.memory_space<vmem>> -> memref<1x64x128xbf16, #tpu.memory_space<vmem>>
      %dma_wait3A_243 = tpu.memref_squeeze %dma_wait3A_242 : memref<1x64x128xbf16, #tpu.memory_space<vmem>> -> memref<64x128xbf16, #tpu.memory_space<vmem>>
      %dma_wait3A_244 = arith.constant 0 : i32
      %dma_wait3A_245 = tpu.memref_slice %arg11[%add3A_25, %dma_wait3A_244] : memref<10112x128xbf16, #tpu.memory_space<vmem_shared>> -> memref<64x128xbf16, #tpu.memory_space<vmem_shared>>
      %dma_wait3A_246 = arith.constant 0 : i32
      %dma_wait3A_247 = tpu.memref_slice %arg11[%add3A_25, %dma_wait3A_246] : memref<10112x128xbf16, #tpu.memory_space<vmem_shared>> -> memref<64x128xbf16, #tpu.memory_space<vmem_shared>>
      %dma_wait3A_248 = arith.constant 0 : i32
      %dma_wait3A_249 = arith.constant 0 : i32
      %dma_wait3A_250 = tpu.memref_slice %arg10[%run_scoped3A_26, %dma_wait3A_248, %dma_wait3A_249] : memref<8x64x128xbf16, #tpu.memory_space<vmem>> -> memref<1x64x128xbf16, #tpu.memory_space<vmem>>
      %dma_wait3A_251 = tpu.memref_squeeze %dma_wait3A_250 : memref<1x64x128xbf16, #tpu.memory_space<vmem>> -> memref<64x128xbf16, #tpu.memory_space<vmem>>
      tpu.wait_dma2 semaphore(%run_scoped3A_227 : memref<!tpu.dma_semaphore, #tpu.memory_space<semaphore_mem>>) src(%dma_wait3A_251 : memref<64x128xbf16, #tpu.memory_space<vmem>>) dst(%dma_wait3A_247 : memref<64x128xbf16, #tpu.memory_space<vmem_shared>>)
      tpu.yield
    }) : () -> ()
    %add3A_27 = arith.constant 512 : i32
    %add3A_28 = arith.addi %mul3A_2, %add3A_27 : i32
    %run_scoped3A_29 = arith.constant 0 : i32
    "tpu.region"() ({
      %run_scoped3A_227 = tpu.sem_alloc : memref<!tpu.dma_semaphore, #tpu.memory_space<semaphore_mem>>
      %dma_start3A_228 = arith.constant 0 : i32
      %dma_start3A_229 = arith.constant 0 : i32
      %dma_start3A_230 = tpu.memref_slice %arg10[%run_scoped3A_29, %dma_start3A_228, %dma_start3A_229] : memref<8x64x128xbf16, #tpu.memory_space<vmem>> -> memref<1x64x128xbf16, #tpu.memory_space<vmem>>
      %dma_start3A_231 = tpu.memref_squeeze %dma_start3A_230 : memref<1x64x128xbf16, #tpu.memory_space<vmem>> -> memref<64x128xbf16, #tpu.memory_space<vmem>>
      %dma_start3A_232 = arith.constant 0 : i32
      %dma_start3A_233 = tpu.memref_slice %arg11[%add3A_28, %dma_start3A_232] : memref<10112x128xbf16, #tpu.memory_space<vmem_shared>> -> memref<64x128xbf16, #tpu.memory_space<vmem_shared>>
      %dma_start3A_234 = arith.constant 0 : i32
      %dma_start3A_235 = tpu.memref_slice %arg11[%add3A_28, %dma_start3A_234] : memref<10112x128xbf16, #tpu.memory_space<vmem_shared>> -> memref<64x128xbf16, #tpu.memory_space<vmem_shared>>
      %dma_start3A_236 = arith.constant 0 : i32
      %dma_start3A_237 = arith.constant 0 : i32
      %dma_start3A_238 = tpu.memref_slice %arg10[%run_scoped3A_29, %dma_start3A_236, %dma_start3A_237] : memref<8x64x128xbf16, #tpu.memory_space<vmem>> -> memref<1x64x128xbf16, #tpu.memory_space<vmem>>
      %dma_start3A_239 = tpu.memref_squeeze %dma_start3A_238 : memref<1x64x128xbf16, #tpu.memory_space<vmem>> -> memref<64x128xbf16, #tpu.memory_space<vmem>>
      tpu.enqueue_dma source(%dma_start3A_239 : memref<64x128xbf16, #tpu.memory_space<vmem>>) target(%dma_start3A_235 : memref<64x128xbf16, #tpu.memory_space<vmem_shared>>) target_semaphore(%run_scoped3A_227 : memref<!tpu.dma_semaphore, #tpu.memory_space<semaphore_mem>>)
      %dma_wait3A_240 = arith.constant 0 : i32
      %dma_wait3A_241 = arith.constant 0 : i32
      %dma_wait3A_242 = tpu.memref_slice %arg10[%run_scoped3A_29, %dma_wait3A_240, %dma_wait3A_241] : memref<8x64x128xbf16, #tpu.memory_space<vmem>> -> memref<1x64x128xbf16, #tpu.memory_space<vmem>>
      %dma_wait3A_243 = tpu.memref_squeeze %dma_wait3A_242 : memref<1x64x128xbf16, #tpu.memory_space<vmem>> -> memref<64x128xbf16, #tpu.memory_space<vmem>>
      %dma_wait3A_244 = arith.constant 0 : i32
      %dma_wait3A_245 = tpu.memref_slice %arg11[%add3A_28, %dma_wait3A_244] : memref<10112x128xbf16, #tpu.memory_space<vmem_shared>> -> memref<64x128xbf16, #tpu.memory_space<vmem_shared>>
      %dma_wait3A_246 = arith.constant 0 : i32
      %dma_wait3A_247 = tpu.memref_slice %arg11[%add3A_28, %dma_wait3A_246] : memref<10112x128xbf16, #tpu.memory_space<vmem_shared>> -> memref<64x128xbf16, #tpu.memory_space<vmem_shared>>
      %dma_wait3A_248 = arith.constant 0 : i32
      %dma_wait3A_249 = arith.constant 0 : i32
      %dma_wait3A_250 = tpu.memref_slice %arg10[%run_scoped3A_29, %dma_wait3A_248, %dma_wait3A_249] : memref<8x64x128xbf16, #tpu.memory_space<vmem>> -> memref<1x64x128xbf16, #tpu.memory_space<vmem>>
      %dma_wait3A_251 = tpu.memref_squeeze %dma_wait3A_250 : memref<1x64x128xbf16, #tpu.memory_space<vmem>> -> memref<64x128xbf16, #tpu.memory_space<vmem>>
      tpu.wait_dma2 semaphore(%run_scoped3A_227 : memref<!tpu.dma_semaphore, #tpu.memory_space<semaphore_mem>>) src(%dma_wait3A_251 : memref<64x128xbf16, #tpu.memory_space<vmem>>) dst(%dma_wait3A_247 : memref<64x128xbf16, #tpu.memory_space<vmem_shared>>)
      tpu.yield
    }) : () -> ()
    %add3A_30 = arith.constant 576 : i32
    %add3A_31 = arith.addi %mul3A_2, %add3A_30 : i32
    %run_scoped3A_32 = arith.constant 0 : i32
    "tpu.region"() ({
      %run_scoped3A_227 = tpu.sem_alloc : memref<!tpu.dma_semaphore, #tpu.memory_space<semaphore_mem>>
      %dma_start3A_228 = arith.constant 0 : i32
      %dma_start3A_229 = arith.constant 0 : i32
      %dma_start3A_230 = tpu.memref_slice %arg10[%run_scoped3A_32, %dma_start3A_228, %dma_start3A_229] : memref<8x64x128xbf16, #tpu.memory_space<vmem>> -> memref<1x64x128xbf16, #tpu.memory_space<vmem>>
      %dma_start3A_231 = tpu.memref_squeeze %dma_start3A_230 : memref<1x64x128xbf16, #tpu.memory_space<vmem>> -> memref<64x128xbf16, #tpu.memory_space<vmem>>
      %dma_start3A_232 = arith.constant 0 : i32
      %dma_start3A_233 = arith.constant 0 : i32
      %dma_start3A_234 = tpu.memref_slice %dma_start3A_231[%dma_start3A_232, %dma_start3A_233] : memref<64x128xbf16, #tpu.memory_space<vmem>> -> memref<56x128xbf16, #tpu.memory_space<vmem>>
      %dma_start3A_235 = arith.constant 0 : i32
      %dma_start3A_236 = tpu.memref_slice %arg11[%add3A_31, %dma_start3A_235] : memref<10112x128xbf16, #tpu.memory_space<vmem_shared>> -> memref<56x128xbf16, #tpu.memory_space<vmem_shared>>
      %dma_start3A_237 = arith.constant 0 : i32
      %dma_start3A_238 = tpu.memref_slice %arg11[%add3A_31, %dma_start3A_237] : memref<10112x128xbf16, #tpu.memory_space<vmem_shared>> -> memref<56x128xbf16, #tpu.memory_space<vmem_shared>>
      %dma_start3A_239 = arith.constant 0 : i32
      %dma_start3A_240 = arith.constant 0 : i32
      %dma_start3A_241 = tpu.memref_slice %arg10[%run_scoped3A_32, %dma_start3A_239, %dma_start3A_240] : memref<8x64x128xbf16, #tpu.memory_space<vmem>> -> memref<1x64x128xbf16, #tpu.memory_space<vmem>>
      %dma_start3A_242 = tpu.memref_squeeze %dma_start3A_241 : memref<1x64x128xbf16, #tpu.memory_space<vmem>> -> memref<64x128xbf16, #tpu.memory_space<vmem>>
      %dma_start3A_243 = arith.constant 0 : i32
      %dma_start3A_244 = arith.constant 0 : i32
      %dma_start3A_245 = tpu.memref_slice %dma_start3A_242[%dma_start3A_243, %dma_start3A_244] : memref<64x128xbf16, #tpu.memory_space<vmem>> -> memref<56x128xbf16, #tpu.memory_space<vmem>>
      tpu.enqueue_dma source(%dma_start3A_245 : memref<56x128xbf16, #tpu.memory_space<vmem>>) target(%dma_start3A_238 : memref<56x128xbf16, #tpu.memory_space<vmem_shared>>) target_semaphore(%run_scoped3A_227 : memref<!tpu.dma_semaphore, #tpu.memory_space<semaphore_mem>>)
      %dma_wait3A_246 = arith.constant 0 : i32
      %dma_wait3A_247 = arith.constant 0 : i32
      %dma_wait3A_248 = tpu.memref_slice %arg10[%run_scoped3A_32, %dma_wait3A_246, %dma_wait3A_247] : memref<8x64x128xbf16, #tpu.memory_space<vmem>> -> memref<1x64x128xbf16, #tpu.memory_space<vmem>>
      %dma_wait3A_249 = tpu.memref_squeeze %dma_wait3A_248 : memref<1x64x128xbf16, #tpu.memory_space<vmem>> -> memref<64x128xbf16, #tpu.memory_space<vmem>>
      %dma_wait3A_250 = arith.constant 0 : i32
      %dma_wait3A_251 = arith.constant 0 : i32
      %dma_wait3A_252 = tpu.memref_slice %dma_wait3A_249[%dma_wait3A_250, %dma_wait3A_251] : memref<64x128xbf16, #tpu.memory_space<vmem>> -> memref<56x128xbf16, #tpu.memory_space<vmem>>
      %dma_wait3A_253 = arith.constant 0 : i32
      %dma_wait3A_254 = tpu.memref_slice %arg11[%add3A_31, %dma_wait3A_253] : memref<10112x128xbf16, #tpu.memory_space<vmem_shared>> -> memref<56x128xbf16, #tpu.memory_space<vmem_shared>>
      %dma_wait3A_255 = arith.constant 0 : i32
      %dma_wait3A_256 = tpu.memref_slice %arg11[%add3A_31, %dma_wait3A_255] : memref<10112x128xbf16, #tpu.memory_space<vmem_shared>> -> memref<56x128xbf16, #tpu.memory_space<vmem_shared>>
      %dma_wait3A_257 = arith.constant 0 : i32
      %dma_wait3A_258 = arith.constant 0 : i32
      %dma_wait3A_259 = tpu.memref_slice %arg10[%run_scoped3A_32, %dma_wait3A_257, %dma_wait3A_258] : memref<8x64x128xbf16, #tpu.memory_space<vmem>> -> memref<1x64x128xbf16, #tpu.memory_space<vmem>>
      %dma_wait3A_260 = tpu.memref_squeeze %dma_wait3A_259 : memref<1x64x128xbf16, #tpu.memory_space<vmem>> -> memref<64x128xbf16, #tpu.memory_space<vmem>>
      %dma_wait3A_261 = arith.constant 0 : i32
      %dma_wait3A_262 = arith.constant 0 : i32
      %dma_wait3A_263 = tpu.memref_slice %dma_wait3A_260[%dma_wait3A_261, %dma_wait3A_262] : memref<64x128xbf16, #tpu.memory_space<vmem>> -> memref<56x128xbf16, #tpu.memory_space<vmem>>
      tpu.wait_dma2 semaphore(%run_scoped3A_227 : memref<!tpu.dma_semaphore, #tpu.memory_space<semaphore_mem>>) src(%dma_wait3A_263 : memref<56x128xbf16, #tpu.memory_space<vmem>>) dst(%dma_wait3A_256 : memref<56x128xbf16, #tpu.memory_space<vmem_shared>>)
      tpu.yield
    }) : () -> ()
    %broadcast_in_dim3A = arith.constant 0.000000e+00 : f32
    %broadcast_in_dim3A_33 = vector.broadcast %broadcast_in_dim3A : f32 to vector<16xf32>
    %scan3A = arith.constant 0 : i32
    %scan3A_34 = arith.constant 0 : i32
    %scan3A_35 = arith.constant 632 : i32
    %scan3A_36 = arith.addi %scan3A_34, %scan3A_35 : i32
    %scan3A_37 = arith.constant 1 : i32
    scf.for %scan3A_227 = %scan3A_34 to %scan3A_36 step %scan3A_37  : i32 {
      %mul3A_228 = arith.constant 16 : i32
      %mul3A_229 = arith.muli %scan3A_227, %mul3A_228 : i32
      %swap3A = arith.index_cast %mul3A_229 : i32 to index
      %swap3A_230 = tpu.vector_load %arg13[%swap3A] {strides = array<i32>} : memref<10112xf32, #tpu.memory_space<vmem>>, vector<16xf32>,
      tpu.vector_store %arg13[%swap3A], %broadcast_in_dim3A_33 {strides = array<i32>} : memref<10112xf32, #tpu.memory_space<vmem>>, vector<16xf32>,
    }
    %scan3A_38 = arith.constant 632 : i32
    %barrier3A = arith.constant 0 : index
    tpu.barrier barrier_id(%barrier3A)
    %mul3A_39 = arith.constant 160 : i32
    %mul3A_40 = arith.muli %add3A, %mul3A_39 : i32
    %mul3A_41 = arith.constant 64 : i32
    %mul3A_42 = arith.muli %mul3A_40, %mul3A_41 : i32
    "tpu.region"() ({
      %run_scoped3A_227 = tpu.sem_alloc : memref<!tpu.dma_semaphore, #tpu.memory_space<semaphore_mem>>
      %dma_start3A_228 = tpu.memref_slice %arg3[%mul3A_42] : memref<327680xi32, #tpu.memory_space<hbm>> -> memref<10240xi32, #tpu.memory_space<hbm>>
      %dma_start3A_229 = tpu.memref_slice %arg3[%mul3A_42] : memref<327680xi32, #tpu.memory_space<hbm>> -> memref<10240xi32, #tpu.memory_space<hbm>>
      tpu.enqueue_dma source(%dma_start3A_229 : memref<10240xi32, #tpu.memory_space<hbm>>) target(%arg8 : memref<10240xi32, #tpu.memory_space<vmem>>) target_semaphore(%run_scoped3A_227 : memref<!tpu.dma_semaphore, #tpu.memory_space<semaphore_mem>>)
      %dma_wait3A_230 = tpu.memref_slice %arg3[%mul3A_42] : memref<327680xi32, #tpu.memory_space<hbm>> -> memref<10240xi32, #tpu.memory_space<hbm>>
      %dma_wait3A_231 = tpu.memref_slice %arg3[%mul3A_42] : memref<327680xi32, #tpu.memory_space<hbm>> -> memref<10240xi32, #tpu.memory_space<hbm>>
      tpu.wait_dma2 semaphore(%run_scoped3A_227 : memref<!tpu.dma_semaphore, #tpu.memory_space<semaphore_mem>>) src(%dma_wait3A_231 : memref<10240xi32, #tpu.memory_space<hbm>>) dst(%arg8 : memref<10240xi32, #tpu.memory_space<vmem>>)
      tpu.yield
    }) : () -> ()
    %mul3A_43 = arith.constant 160 : i32
    %mul3A_44 = arith.muli %add3A, %mul3A_43 : i32
    "tpu.region"() ({
      %run_scoped3A_227 = tpu.sem_alloc : memref<!tpu.dma_semaphore, #tpu.memory_space<semaphore_mem>>
      %dma_start3A_228 = arith.constant 0 : i32
      %dma_start3A_229 = tpu.memref_slice %arg4[%mul3A_44, %dma_start3A_228] : memref<5120x64xi32, #tpu.memory_space<hbm>> -> memref<160x64xi32, #tpu.memory_space<hbm>>
      %dma_start3A_230 = arith.constant 0 : i32
      %dma_start3A_231 = tpu.memref_slice %arg4[%mul3A_44, %dma_start3A_230] : memref<5120x64xi32, #tpu.memory_space<hbm>> -> memref<160x64xi32, #tpu.memory_space<hbm>>
      tpu.enqueue_dma source(%dma_start3A_231 : memref<160x64xi32, #tpu.memory_space<hbm>>) target(%arg9 : memref<160x64xi32, #tpu.memory_space<vmem>>) target_semaphore(%run_scoped3A_227 : memref<!tpu.dma_semaphore, #tpu.memory_space<semaphore_mem>>)
      %dma_wait3A_232 = arith.constant 0 : i32
      %dma_wait3A_233 = tpu.memref_slice %arg4[%mul3A_44, %dma_wait3A_232] : memref<5120x64xi32, #tpu.memory_space<hbm>> -> memref<160x64xi32, #tpu.memory_space<hbm>>
      %dma_wait3A_234 = arith.constant 0 : i32
      %dma_wait3A_235 = tpu.memref_slice %arg4[%mul3A_44, %dma_wait3A_234] : memref<5120x64xi32, #tpu.memory_space<hbm>> -> memref<160x64xi32, #tpu.memory_space<hbm>>
      tpu.wait_dma2 semaphore(%run_scoped3A_227 : memref<!tpu.dma_semaphore, #tpu.memory_space<semaphore_mem>>) src(%dma_wait3A_235 : memref<160x64xi32, #tpu.memory_space<hbm>>) dst(%arg9 : memref<160x64xi32, #tpu.memory_space<vmem>>)
      tpu.yield
    }) : () -> ()
    %dma_start3A = arith.constant 0 : i32
    %dma_start3A_45 = arith.constant 0 : i32
    %dma_start3A_46 = arith.constant 0 : i32
    %dma_start3A_47 = tpu.memref_slice %arg10[%dma_start3A, %dma_start3A_45, %dma_start3A_46] : memref<8x64x128xbf16, #tpu.memory_space<vmem>> -> memref<1x64x128xbf16, #tpu.memory_space<vmem>>
    %dma_start3A_48 = tpu.memref_squeeze %dma_start3A_47 : memref<1x64x128xbf16, #tpu.memory_space<vmem>> -> memref<64x128xbf16, #tpu.memory_space<vmem>>
    %dma_start3A_49 = arith.constant 0 : i32
    %dma_start3A_50 = tpu.memref_slice %arg8[%dma_start3A_49] : memref<10240xi32, #tpu.memory_space<vmem>> -> memref<64xi32, #tpu.memory_space<vmem>>
    %dma_start3A_51 = arith.constant 0 : i32
    %dma_start3A_52 = arith.constant 0 : i32
    %dma_start3A_53 = tpu.memref_slice %arg2[%dma_start3A_51, %dma_start3A_52] : memref<10000x128xbf16, #tpu.memory_space<hbm>> -> memref<10000x128xbf16, #tpu.memory_space<hbm>>
    tpu.enqueue_indirect_dma source(%dma_start3A_53 : memref<10000x128xbf16, #tpu.memory_space<hbm>>) target(%dma_start3A_48 : memref<64x128xbf16, #tpu.memory_space<vmem>>) offsets(%dma_start3A_50 : memref<64xi32, #tpu.memory_space<vmem>>) semaphore(%arg12 : memref<!tpu.dma_semaphore, #tpu.memory_space<semaphore_mem>>)
    %dma_start3A_54 = arith.constant 1 : i32
    %dma_start3A_55 = arith.constant 0 : i32
    %dma_start3A_56 = arith.constant 0 : i32
    %dma_start3A_57 = tpu.memref_slice %arg10[%dma_start3A_54, %dma_start3A_55, %dma_start3A_56] : memref<8x64x128xbf16, #tpu.memory_space<vmem>> -> memref<1x64x128xbf16, #tpu.memory_space<vmem>>
    %dma_start3A_58 = tpu.memref_squeeze %dma_start3A_57 : memref<1x64x128xbf16, #tpu.memory_space<vmem>> -> memref<64x128xbf16, #tpu.memory_space<vmem>>
    %dma_start3A_59 = arith.constant 64 : i32
    %dma_start3A_60 = tpu.memref_slice %arg8[%dma_start3A_59] : memref<10240xi32, #tpu.memory_space<vmem>> -> memref<64xi32, #tpu.memory_space<vmem>>
    %dma_start3A_61 = arith.constant 0 : i32
    %dma_start3A_62 = arith.constant 0 : i32
    %dma_start3A_63 = tpu.memref_slice %arg2[%dma_start3A_61, %dma_start3A_62] : memref<10000x128xbf16, #tpu.memory_space<hbm>> -> memref<10000x128xbf16, #tpu.memory_space<hbm>>
    tpu.enqueue_indirect_dma source(%dma_start3A_63 : memref<10000x128xbf16, #tpu.memory_space<hbm>>) target(%dma_start3A_58 : memref<64x128xbf16, #tpu.memory_space<vmem>>) offsets(%dma_start3A_60 : memref<64xi32, #tpu.memory_space<vmem>>) semaphore(%arg12 : memref<!tpu.dma_semaphore, #tpu.memory_space<semaphore_mem>>)
    %dma_start3A_64 = arith.constant 2 : i32
    %dma_start3A_65 = arith.constant 0 : i32
    %dma_start3A_66 = arith.constant 0 : i32
    %dma_start3A_67 = tpu.memref_slice %arg10[%dma_start3A_64, %dma_start3A_65, %dma_start3A_66] : memref<8x64x128xbf16, #tpu.memory_space<vmem>> -> memref<1x64x128xbf16, #tpu.memory_space<vmem>>
    %dma_start3A_68 = tpu.memref_squeeze %dma_start3A_67 : memref<1x64x128xbf16, #tpu.memory_space<vmem>> -> memref<64x128xbf16, #tpu.memory_space<vmem>>
    %dma_start3A_69 = arith.constant 128 : i32
    %dma_start3A_70 = tpu.memref_slice %arg8[%dma_start3A_69] : memref<10240xi32, #tpu.memory_space<vmem>> -> memref<64xi32, #tpu.memory_space<vmem>>
    %dma_start3A_71 = arith.constant 0 : i32
    %dma_start3A_72 = arith.constant 0 : i32
    %dma_start3A_73 = tpu.memref_slice %arg2[%dma_start3A_71, %dma_start3A_72] : memref<10000x128xbf16, #tpu.memory_space<hbm>> -> memref<10000x128xbf16, #tpu.memory_space<hbm>>
    tpu.enqueue_indirect_dma source(%dma_start3A_73 : memref<10000x128xbf16, #tpu.memory_space<hbm>>) target(%dma_start3A_68 : memref<64x128xbf16, #tpu.memory_space<vmem>>) offsets(%dma_start3A_70 : memref<64xi32, #tpu.memory_space<vmem>>) semaphore(%arg12 : memref<!tpu.dma_semaphore, #tpu.memory_space<semaphore_mem>>)
    %dma_start3A_74 = arith.constant 3 : i32
    %dma_start3A_75 = arith.constant 0 : i32
    %dma_start3A_76 = arith.constant 0 : i32
    %dma_start3A_77 = tpu.memref_slice %arg10[%dma_start3A_74, %dma_start3A_75, %dma_start3A_76] : memref<8x64x128xbf16, #tpu.memory_space<vmem>> -> memref<1x64x128xbf16, #tpu.memory_space<vmem>>
    %dma_start3A_78 = tpu.memref_squeeze %dma_start3A_77 : memref<1x64x128xbf16, #tpu.memory_space<vmem>> -> memref<64x128xbf16, #tpu.memory_space<vmem>>
    %dma_start3A_79 = arith.constant 192 : i32
    %dma_start3A_80 = tpu.memref_slice %arg8[%dma_start3A_79] : memref<10240xi32, #tpu.memory_space<vmem>> -> memref<64xi32, #tpu.memory_space<vmem>>
    %dma_start3A_81 = arith.constant 0 : i32
    %dma_start3A_82 = arith.constant 0 : i32
    %dma_start3A_83 = tpu.memref_slice %arg2[%dma_start3A_81, %dma_start3A_82] : memref<10000x128xbf16, #tpu.memory_space<hbm>> -> memref<10000x128xbf16, #tpu.memory_space<hbm>>
    tpu.enqueue_indirect_dma source(%dma_start3A_83 : memref<10000x128xbf16, #tpu.memory_space<hbm>>) target(%dma_start3A_78 : memref<64x128xbf16, #tpu.memory_space<vmem>>) offsets(%dma_start3A_80 : memref<64xi32, #tpu.memory_space<vmem>>) semaphore(%arg12 : memref<!tpu.dma_semaphore, #tpu.memory_space<semaphore_mem>>)
    %dma_start3A_84 = arith.constant 4 : i32
    %dma_start3A_85 = arith.constant 0 : i32
    %dma_start3A_86 = arith.constant 0 : i32
    %dma_start3A_87 = tpu.memref_slice %arg10[%dma_start3A_84, %dma_start3A_85, %dma_start3A_86] : memref<8x64x128xbf16, #tpu.memory_space<vmem>> -> memref<1x64x128xbf16, #tpu.memory_space<vmem>>
    %dma_start3A_88 = tpu.memref_squeeze %dma_start3A_87 : memref<1x64x128xbf16, #tpu.memory_space<vmem>> -> memref<64x128xbf16, #tpu.memory_space<vmem>>
    %dma_start3A_89 = arith.constant 256 : i32
    %dma_start3A_90 = tpu.memref_slice %arg8[%dma_start3A_89] : memref<10240xi32, #tpu.memory_space<vmem>> -> memref<64xi32, #tpu.memory_space<vmem>>
    %dma_start3A_91 = arith.constant 0 : i32
    %dma_start3A_92 = arith.constant 0 : i32
    %dma_start3A_93 = tpu.memref_slice %arg2[%dma_start3A_91, %dma_start3A_92] : memref<10000x128xbf16, #tpu.memory_space<hbm>> -> memref<10000x128xbf16, #tpu.memory_space<hbm>>
    tpu.enqueue_indirect_dma source(%dma_start3A_93 : memref<10000x128xbf16, #tpu.memory_space<hbm>>) target(%dma_start3A_88 : memref<64x128xbf16, #tpu.memory_space<vmem>>) offsets(%dma_start3A_90 : memref<64xi32, #tpu.memory_space<vmem>>) semaphore(%arg12 : memref<!tpu.dma_semaphore, #tpu.memory_space<semaphore_mem>>)
    %dma_start3A_94 = arith.constant 5 : i32
    %dma_start3A_95 = arith.constant 0 : i32
    %dma_start3A_96 = arith.constant 0 : i32
    %dma_start3A_97 = tpu.memref_slice %arg10[%dma_start3A_94, %dma_start3A_95, %dma_start3A_96] : memref<8x64x128xbf16, #tpu.memory_space<vmem>> -> memref<1x64x128xbf16, #tpu.memory_space<vmem>>
    %dma_start3A_98 = tpu.memref_squeeze %dma_start3A_97 : memref<1x64x128xbf16, #tpu.memory_space<vmem>> -> memref<64x128xbf16, #tpu.memory_space<vmem>>
    %dma_start3A_99 = arith.constant 320 : i32
    %dma_start3A_100 = tpu.memref_slice %arg8[%dma_start3A_99] : memref<10240xi32, #tpu.memory_space<vmem>> -> memref<64xi32, #tpu.memory_space<vmem>>
    %dma_start3A_101 = arith.constant 0 : i32
    %dma_start3A_102 = arith.constant 0 : i32
    %dma_start3A_103 = tpu.memref_slice %arg2[%dma_start3A_101, %dma_start3A_102] : memref<10000x128xbf16, #tpu.memory_space<hbm>> -> memref<10000x128xbf16, #tpu.memory_space<hbm>>
    tpu.enqueue_indirect_dma source(%dma_start3A_103 : memref<10000x128xbf16, #tpu.memory_space<hbm>>) target(%dma_start3A_98 : memref<64x128xbf16, #tpu.memory_space<vmem>>) offsets(%dma_start3A_100 : memref<64xi32, #tpu.memory_space<vmem>>) semaphore(%arg12 : memref<!tpu.dma_semaphore, #tpu.memory_space<semaphore_mem>>)
    %dma_start3A_104 = arith.constant 6 : i32
    %dma_start3A_105 = arith.constant 0 : i32
    %dma_start3A_106 = arith.constant 0 : i32
    %dma_start3A_107 = tpu.memref_slice %arg10[%dma_start3A_104, %dma_start3A_105, %dma_start3A_106] : memref<8x64x128xbf16, #tpu.memory_space<vmem>> -> memref<1x64x128xbf16, #tpu.memory_space<vmem>>
    %dma_start3A_108 = tpu.memref_squeeze %dma_start3A_107 : memref<1x64x128xbf16, #tpu.memory_space<vmem>> -> memref<64x128xbf16, #tpu.memory_space<vmem>>
    %dma_start3A_109 = arith.constant 384 : i32
    %dma_start3A_110 = tpu.memref_slice %arg8[%dma_start3A_109] : memref<10240xi32, #tpu.memory_space<vmem>> -> memref<64xi32, #tpu.memory_space<vmem>>
    %dma_start3A_111 = arith.constant 0 : i32
    %dma_start3A_112 = arith.constant 0 : i32
    %dma_start3A_113 = tpu.memref_slice %arg2[%dma_start3A_111, %dma_start3A_112] : memref<10000x128xbf16, #tpu.memory_space<hbm>> -> memref<10000x128xbf16, #tpu.memory_space<hbm>>
    tpu.enqueue_indirect_dma source(%dma_start3A_113 : memref<10000x128xbf16, #tpu.memory_space<hbm>>) target(%dma_start3A_108 : memref<64x128xbf16, #tpu.memory_space<vmem>>) offsets(%dma_start3A_110 : memref<64xi32, #tpu.memory_space<vmem>>) semaphore(%arg12 : memref<!tpu.dma_semaphore, #tpu.memory_space<semaphore_mem>>)
    %broadcast_in_dim3A_114 = arith.constant 1.000000e+00 : f32
    %broadcast_in_dim3A_115 = vector.broadcast %broadcast_in_dim3A_114 : f32 to vector<16xf32>
    %scan3A_116 = arith.constant 0 : i32
    %scan3A_117 = arith.constant 0 : i32
    %scan3A_118 = arith.constant 20 : i32
    %scan3A_119 = arith.addi %scan3A_117, %scan3A_118 : i32
    %scan3A_120 = arith.constant 1 : i32
    scf.for %scan3A_227 = %scan3A_117 to %scan3A_119 step %scan3A_120  : i32 {
      %mul3A_228 = arith.constant 8 : i32
      %mul3A_229 = arith.muli %mul3A_228, %scan3A_227 : i32
      %add3A_230 = arith.constant 0 : i32
      %add3A_231 = arith.addi %mul3A_229, %add3A_230 : i32
      %dma_wait3A_232 = arith.constant 0 : i32
      %dma_wait3A_233 = arith.constant 0 : i32
      %dma_wait3A_234 = arith.constant 0 : i32
      %dma_wait3A_235 = tpu.memref_slice %arg10[%dma_wait3A_232, %dma_wait3A_233, %dma_wait3A_234] : memref<8x64x128xbf16, #tpu.memory_space<vmem>> -> memref<1x64x128xbf16, #tpu.memory_space<vmem>>
      %dma_wait3A_236 = tpu.memref_squeeze %dma_wait3A_235 : memref<1x64x128xbf16, #tpu.memory_space<vmem>> -> memref<64x128xbf16, #tpu.memory_space<vmem>>
      %dma_wait3A_237 = arith.constant 0 : i32
      %dma_wait3A_238 = arith.constant 0 : i32
      %dma_wait3A_239 = tpu.memref_slice %arg2[%dma_wait3A_237, %dma_wait3A_238] : memref<10000x128xbf16, #tpu.memory_space<hbm>> -> memref<64x128xbf16, #tpu.memory_space<hbm>>
      %dma_wait3A_240 = arith.constant 0 : i32
      %dma_wait3A_241 = arith.constant 0 : i32
      %dma_wait3A_242 = tpu.memref_slice %arg10[%dma_wait3A_232, %dma_wait3A_240, %dma_wait3A_241] : memref<8x64x128xbf16, #tpu.memory_space<vmem>> -> memref<1x64x128xbf16, #tpu.memory_space<vmem>>
      %dma_wait3A_243 = tpu.memref_squeeze %dma_wait3A_242 : memref<1x64x128xbf16, #tpu.memory_space<vmem>> -> memref<64x128xbf16, #tpu.memory_space<vmem>>
      %dma_wait3A_244 = arith.constant 0 : i32
      %dma_wait3A_245 = arith.constant 0 : i32
      %dma_wait3A_246 = tpu.memref_slice %arg2[%dma_wait3A_244, %dma_wait3A_245] : memref<10000x128xbf16, #tpu.memory_space<hbm>> -> memref<64x128xbf16, #tpu.memory_space<hbm>>
      tpu.wait_dma2 semaphore(%arg12 : memref<!tpu.dma_semaphore, #tpu.memory_space<semaphore_mem>>) src(%dma_wait3A_246 : memref<64x128xbf16, #tpu.memory_space<hbm>>) dst(%dma_wait3A_243 : memref<64x128xbf16, #tpu.memory_space<vmem>>)
      %add3A_247 = arith.constant 8 : i32
      %add3A_248 = arith.addi %add3A_231, %add3A_247 : i32
      %sub3A = arith.constant 1 : i32
      %sub3A_249 = arith.subi %add3A_248, %sub3A : i32
      %jit3A = arith.constant 160 : i32
      %eq3A = arith.constant 0 : i32
      %eq3A_250 = arith.cmpi eq, %jit3A, %eq3A : i32
      %jit3A_251 = arith.constant 1 : i32
      %select_n3A = arith.select %eq3A_250, %jit3A_251, %jit3A : i32
      %rem3A = arith.remsi %sub3A_249, %select_n3A : i32
      %ne3A = arith.constant 0 : i32
      %ne3A_252 = arith.cmpi ne, %rem3A, %ne3A : i32
      %lt3A = arith.constant 0 : i32
      %lt3A_253 = arith.cmpi slt, %rem3A, %lt3A : i32
      %lt3A_254 = arith.constant 0 : i32
      %lt3A_255 = arith.cmpi slt, %select_n3A, %lt3A_254 : i32
      %ne3A_256 = arith.xori %lt3A_253, %lt3A_255 : i1
      %and3A = arith.andi %ne3A_256, %ne3A_252 : i1
      %add3A_257 = arith.addi %rem3A, %select_n3A : i32
      %select_n3A_258 = arith.select %and3A, %add3A_257, %rem3A : i32
      %add3A_259 = arith.constant 8 : i32
      %add3A_260 = arith.addi %add3A_231, %add3A_259 : i32
      %sub3A_261 = arith.constant 1 : i32
      %sub3A_262 = arith.subi %add3A_260, %sub3A_261 : i32
      %jit3A_263 = arith.constant 8 : i32
      %eq3A_264 = arith.constant 0 : i32
      %eq3A_265 = arith.cmpi eq, %jit3A_263, %eq3A_264 : i32
      %jit3A_266 = arith.constant 1 : i32
      %select_n3A_267 = arith.select %eq3A_265, %jit3A_266, %jit3A_263 : i32
      %rem3A_268 = arith.remsi %sub3A_262, %select_n3A_267 : i32
      %ne3A_269 = arith.constant 0 : i32
      %ne3A_270 = arith.cmpi ne, %rem3A_268, %ne3A_269 : i32
      %lt3A_271 = arith.constant 0 : i32
      %lt3A_272 = arith.cmpi slt, %rem3A_268, %lt3A_271 : i32
      %lt3A_273 = arith.constant 0 : i32
      %lt3A_274 = arith.cmpi slt, %select_n3A_267, %lt3A_273 : i32
      %ne3A_275 = arith.xori %lt3A_272, %lt3A_274 : i1
      %and3A_276 = arith.andi %ne3A_275, %ne3A_270 : i1
      %add3A_277 = arith.addi %rem3A_268, %select_n3A_267 : i32
      %select_n3A_278 = arith.select %and3A_276, %add3A_277, %rem3A_268 : i32
      %mul3A_279 = arith.constant 64 : i32
      %mul3A_280 = arith.muli %select_n3A_258, %mul3A_279 : i32
      %dma_start3A_281 = arith.constant 0 : i32
      %dma_start3A_282 = arith.constant 0 : i32
      %dma_start3A_283 = tpu.memref_slice %arg10[%select_n3A_278, %dma_start3A_281, %dma_start3A_282] : memref<8x64x128xbf16, #tpu.memory_space<vmem>> -> memref<1x64x128xbf16, #tpu.memory_space<vmem>>
      %dma_start3A_284 = tpu.memref_squeeze %dma_start3A_283 : memref<1x64x128xbf16, #tpu.memory_space<vmem>> -> memref<64x128xbf16, #tpu.memory_space<vmem>>
      %dma_start3A_285 = tpu.memref_slice %arg8[%mul3A_280] : memref<10240xi32, #tpu.memory_space<vmem>> -> memref<64xi32, #tpu.memory_space<vmem>>
      %dma_start3A_286 = arith.constant 0 : i32
      %dma_start3A_287 = arith.constant 0 : i32
      %dma_start3A_288 = tpu.memref_slice %arg2[%dma_start3A_286, %dma_start3A_287] : memref<10000x128xbf16, #tpu.memory_space<hbm>> -> memref<10000x128xbf16, #tpu.memory_space<hbm>>
      tpu.enqueue_indirect_dma source(%dma_start3A_288 : memref<10000x128xbf16, #tpu.memory_space<hbm>>) target(%dma_start3A_284 : memref<64x128xbf16, #tpu.memory_space<vmem>>) offsets(%dma_start3A_285 : memref<64xi32, #tpu.memory_space<vmem>>) semaphore(%arg12 : memref<!tpu.dma_semaphore, #tpu.memory_space<semaphore_mem>>)
      %run_scoped3A_289 = arith.constant 0 : i32
      "tpu.region"() ({
        %run_scoped3A_875 = tpu.sem_alloc : memref<!tpu.dma_semaphore, #tpu.memory_space<semaphore_mem>>
        %dma_start3A_876 = arith.constant 0 : i32
        %dma_start3A_877 = arith.constant 0 : i32
        %dma_start3A_878 = tpu.memref_slice %arg10[%run_scoped3A_289, %dma_start3A_876, %dma_start3A_877] : memref<8x64x128xbf16, #tpu.memory_space<vmem>> -> memref<1x64x128xbf16, #tpu.memory_space<vmem>>
        %dma_start3A_879 = tpu.memref_squeeze %dma_start3A_878 : memref<1x64x128xbf16, #tpu.memory_space<vmem>> -> memref<64x128xbf16, #tpu.memory_space<vmem>>
        %dma_start3A_880 = arith.constant 0 : i32
        %dma_start3A_881 = tpu.memref_slice %arg9[%add3A_231, %dma_start3A_880] : memref<160x64xi32, #tpu.memory_space<vmem>> -> memref<1x64xi32, #tpu.memory_space<vmem>>
        %dma_start3A_882 = tpu.memref_squeeze %dma_start3A_881 : memref<1x64xi32, #tpu.memory_space<vmem>> -> memref<64xi32, #tpu.memory_space<vmem>>
        %dma_start3A_883 = arith.constant 0 : i32
        %dma_start3A_884 = arith.constant 0 : i32
        %dma_start3A_885 = tpu.memref_slice %arg11[%dma_start3A_883, %dma_start3A_884] : memref<10112x128xbf16, #tpu.memory_space<vmem_shared>> -> memref<10112x128xbf16, #tpu.memory_space<vmem_shared>>
        tpu.enqueue_indirect_dma source(%dma_start3A_879 : memref<64x128xbf16, #tpu.memory_space<vmem>>) target(%dma_start3A_885 : memref<10112x128xbf16, #tpu.memory_space<vmem_shared>>) offsets(%dma_start3A_882 : memref<64xi32, #tpu.memory_space<vmem>>) semaphore(%run_scoped3A_875 : memref<!tpu.dma_semaphore, #tpu.memory_space<semaphore_mem>>) {add = true}
        %dma_wait3A_886 = arith.constant 0 : i32
        %dma_wait3A_887 = arith.constant 0 : i32
        %dma_wait3A_888 = tpu.memref_slice %arg10[%run_scoped3A_289, %dma_wait3A_886, %dma_wait3A_887] : memref<8x64x128xbf16, #tpu.memory_space<vmem>> -> memref<1x64x128xbf16, #tpu.memory_space<vmem>>
        %dma_wait3A_889 = tpu.memref_squeeze %dma_wait3A_888 : memref<1x64x128xbf16, #tpu.memory_space<vmem>> -> memref<64x128xbf16, #tpu.memory_space<vmem>>
        %dma_wait3A_890 = arith.constant 0 : i32
        %dma_wait3A_891 = tpu.memref_slice %arg9[%add3A_231, %dma_wait3A_890] : memref<160x64xi32, #tpu.memory_space<vmem>> -> memref<1x64xi32, #tpu.memory_space<vmem>>
        %dma_wait3A_892 = tpu.memref_squeeze %dma_wait3A_891 : memref<1x64xi32, #tpu.memory_space<vmem>> -> memref<64xi32, #tpu.memory_space<vmem>>
        %dma_wait3A_893 = arith.constant 0 : i32
        %dma_wait3A_894 = arith.constant 0 : i32
        %dma_wait3A_895 = tpu.memref_slice %arg11[%dma_wait3A_893, %dma_wait3A_894] : memref<10112x128xbf16, #tpu.memory_space<vmem_shared>> -> memref<10112x128xbf16, #tpu.memory_space<vmem_shared>>
        tpu.wait_indirect_dma semaphore(%run_scoped3A_875 : memref<!tpu.dma_semaphore, #tpu.memory_space<semaphore_mem>>) src(%dma_wait3A_889 : memref<64x128xbf16, #tpu.memory_space<vmem>>) dst(%dma_wait3A_895 : memref<10112x128xbf16, #tpu.memory_space<vmem_shared>>)
        tpu.yield
      }) : () -> ()
      %get3A = arith.index_cast %add3A_231 : i32 to index
      %get3A_290 = arith.constant 0 : index
      %get3A_291 = tpu.vector_load %arg9[%get3A, %get3A_290] {strides = array<i32>} : memref<160x64xi32, #tpu.memory_space<vmem>>, vector<16xi32>,
      tpu.vector_store_idx %arg13[%get3A_291], %broadcast_in_dim3A_115 {add = true} : memref<10112xf32, #tpu.memory_space<vmem>>[vector<16xi32>], vector<16xf32>,
      %get3A_292 = arith.index_cast %add3A_231 : i32 to index
      %get3A_293 = arith.constant 16 : index
      %get3A_294 = tpu.vector_load %arg9[%get3A_292, %get3A_293] {strides = array<i32>} : memref<160x64xi32, #tpu.memory_space<vmem>>, vector<16xi32>,
      tpu.vector_store_idx %arg13[%get3A_294], %broadcast_in_dim3A_115 {add = true} : memref<10112xf32, #tpu.memory_space<vmem>>[vector<16xi32>], vector<16xf32>,
      %get3A_295 = arith.index_cast %add3A_231 : i32 to index
      %get3A_296 = arith.constant 32 : index
      %get3A_297 = tpu.vector_load %arg9[%get3A_295, %get3A_296] {strides = array<i32>} : memref<160x64xi32, #tpu.memory_space<vmem>>, vector<16xi32>,
      tpu.vector_store_idx %arg13[%get3A_297], %broadcast_in_dim3A_115 {add = true} : memref<10112xf32, #tpu.memory_space<vmem>>[vector<16xi32>], vector<16xf32>,
      %get3A_298 = arith.index_cast %add3A_231 : i32 to index
      %get3A_299 = arith.constant 48 : index
      %get3A_300 = tpu.vector_load %arg9[%get3A_298, %get3A_299] {strides = array<i32>} : memref<160x64xi32, #tpu.memory_space<vmem>>, vector<16xi32>,
      tpu.vector_store_idx %arg13[%get3A_300], %broadcast_in_dim3A_115 {add = true} : memref<10112xf32, #tpu.memory_space<vmem>>[vector<16xi32>], vector<16xf32>,
      %mul3A_301 = arith.constant 8 : i32
      %mul3A_302 = arith.muli %mul3A_301, %scan3A_227 : i32
      %add3A_303 = arith.constant 1 : i32
      %add3A_304 = arith.addi %mul3A_302, %add3A_303 : i32
      %dma_wait3A_305 = arith.constant 1 : i32
      %dma_wait3A_306 = arith.constant 0 : i32
      %dma_wait3A_307 = arith.constant 0 : i32
      %dma_wait3A_308 = tpu.memref_slice %arg10[%dma_wait3A_305, %dma_wait3A_306, %dma_wait3A_307] : memref<8x64x128xbf16, #tpu.memory_space<vmem>> -> memref<1x64x128xbf16, #tpu.memory_space<vmem>>
      %dma_wait3A_309 = tpu.memref_squeeze %dma_wait3A_308 : memref<1x64x128xbf16, #tpu.memory_space<vmem>> -> memref<64x128xbf16, #tpu.memory_space<vmem>>
      %dma_wait3A_310 = arith.constant 0 : i32
      %dma_wait3A_311 = arith.constant 0 : i32
      %dma_wait3A_312 = tpu.memref_slice %arg2[%dma_wait3A_310, %dma_wait3A_311] : memref<10000x128xbf16, #tpu.memory_space<hbm>> -> memref<64x128xbf16, #tpu.memory_space<hbm>>
      %dma_wait3A_313 = arith.constant 0 : i32
      %dma_wait3A_314 = arith.constant 0 : i32
      %dma_wait3A_315 = tpu.memref_slice %arg10[%dma_wait3A_305, %dma_wait3A_313, %dma_wait3A_314] : memref<8x64x128xbf16, #tpu.memory_space<vmem>> -> memref<1x64x128xbf16, #tpu.memory_space<vmem>>
      %dma_wait3A_316 = tpu.memref_squeeze %dma_wait3A_315 : memref<1x64x128xbf16, #tpu.memory_space<vmem>> -> memref<64x128xbf16, #tpu.memory_space<vmem>>
      %dma_wait3A_317 = arith.constant 0 : i32
      %dma_wait3A_318 = arith.constant 0 : i32
      %dma_wait3A_319 = tpu.memref_slice %arg2[%dma_wait3A_317, %dma_wait3A_318] : memref<10000x128xbf16, #tpu.memory_space<hbm>> -> memref<64x128xbf16, #tpu.memory_space<hbm>>
      tpu.wait_dma2 semaphore(%arg12 : memref<!tpu.dma_semaphore, #tpu.memory_space<semaphore_mem>>) src(%dma_wait3A_319 : memref<64x128xbf16, #tpu.memory_space<hbm>>) dst(%dma_wait3A_316 : memref<64x128xbf16, #tpu.memory_space<vmem>>)
      %add3A_320 = arith.constant 8 : i32
      %add3A_321 = arith.addi %add3A_304, %add3A_320 : i32
      %sub3A_322 = arith.constant 1 : i32
      %sub3A_323 = arith.subi %add3A_321, %sub3A_322 : i32
      %jit3A_324 = arith.constant 160 : i32
      %eq3A_325 = arith.constant 0 : i32
      %eq3A_326 = arith.cmpi eq, %jit3A_324, %eq3A_325 : i32
      %jit3A_327 = arith.constant 1 : i32
      %select_n3A_328 = arith.select %eq3A_326, %jit3A_327, %jit3A_324 : i32
      %rem3A_329 = arith.remsi %sub3A_323, %select_n3A_328 : i32
      %ne3A_330 = arith.constant 0 : i32
      %ne3A_331 = arith.cmpi ne, %rem3A_329, %ne3A_330 : i32
      %lt3A_332 = arith.constant 0 : i32
      %lt3A_333 = arith.cmpi slt, %rem3A_329, %lt3A_332 : i32
      %lt3A_334 = arith.constant 0 : i32
      %lt3A_335 = arith.cmpi slt, %select_n3A_328, %lt3A_334 : i32
      %ne3A_336 = arith.xori %lt3A_333, %lt3A_335 : i1
      %and3A_337 = arith.andi %ne3A_336, %ne3A_331 : i1
      %add3A_338 = arith.addi %rem3A_329, %select_n3A_328 : i32
      %select_n3A_339 = arith.select %and3A_337, %add3A_338, %rem3A_329 : i32
      %add3A_340 = arith.constant 8 : i32
      %add3A_341 = arith.addi %add3A_304, %add3A_340 : i32
      %sub3A_342 = arith.constant 1 : i32
      %sub3A_343 = arith.subi %add3A_341, %sub3A_342 : i32
      %jit3A_344 = arith.constant 8 : i32
      %eq3A_345 = arith.constant 0 : i32
      %eq3A_346 = arith.cmpi eq, %jit3A_344, %eq3A_345 : i32
      %jit3A_347 = arith.constant 1 : i32
      %select_n3A_348 = arith.select %eq3A_346, %jit3A_347, %jit3A_344 : i32
      %rem3A_349 = arith.remsi %sub3A_343, %select_n3A_348 : i32
      %ne3A_350 = arith.constant 0 : i32
      %ne3A_351 = arith.cmpi ne, %rem3A_349, %ne3A_350 : i32
      %lt3A_352 = arith.constant 0 : i32
      %lt3A_353 = arith.cmpi slt, %rem3A_349, %lt3A_352 : i32
      %lt3A_354 = arith.constant 0 : i32
      %lt3A_355 = arith.cmpi slt, %select_n3A_348, %lt3A_354 : i32
      %ne3A_356 = arith.xori %lt3A_353, %lt3A_355 : i1
      %and3A_357 = arith.andi %ne3A_356, %ne3A_351 : i1
      %add3A_358 = arith.addi %rem3A_349, %select_n3A_348 : i32
      %select_n3A_359 = arith.select %and3A_357, %add3A_358, %rem3A_349 : i32
      %mul3A_360 = arith.constant 64 : i32
      %mul3A_361 = arith.muli %select_n3A_339, %mul3A_360 : i32
      %dma_start3A_362 = arith.constant 0 : i32
      %dma_start3A_363 = arith.constant 0 : i32
      %dma_start3A_364 = tpu.memref_slice %arg10[%select_n3A_359, %dma_start3A_362, %dma_start3A_363] : memref<8x64x128xbf16, #tpu.memory_space<vmem>> -> memref<1x64x128xbf16, #tpu.memory_space<vmem>>
      %dma_start3A_365 = tpu.memref_squeeze %dma_start3A_364 : memref<1x64x128xbf16, #tpu.memory_space<vmem>> -> memref<64x128xbf16, #tpu.memory_space<vmem>>
      %dma_start3A_366 = tpu.memref_slice %arg8[%mul3A_361] : memref<10240xi32, #tpu.memory_space<vmem>> -> memref<64xi32, #tpu.memory_space<vmem>>
      %dma_start3A_367 = arith.constant 0 : i32
      %dma_start3A_368 = arith.constant 0 : i32
      %dma_start3A_369 = tpu.memref_slice %arg2[%dma_start3A_367, %dma_start3A_368] : memref<10000x128xbf16, #tpu.memory_space<hbm>> -> memref<10000x128xbf16, #tpu.memory_space<hbm>>
      tpu.enqueue_indirect_dma source(%dma_start3A_369 : memref<10000x128xbf16, #tpu.memory_space<hbm>>) target(%dma_start3A_365 : memref<64x128xbf16, #tpu.memory_space<vmem>>) offsets(%dma_start3A_366 : memref<64xi32, #tpu.memory_space<vmem>>) semaphore(%arg12 : memref<!tpu.dma_semaphore, #tpu.memory_space<semaphore_mem>>)
      %run_scoped3A_370 = arith.constant 1 : i32
      "tpu.region"() ({
        %run_scoped3A_875 = tpu.sem_alloc : memref<!tpu.dma_semaphore, #tpu.memory_space<semaphore_mem>>
        %dma_start3A_876 = arith.constant 0 : i32
        %dma_start3A_877 = arith.constant 0 : i32
        %dma_start3A_878 = tpu.memref_slice %arg10[%run_scoped3A_370, %dma_start3A_876, %dma_start3A_877] : memref<8x64x128xbf16, #tpu.memory_space<vmem>> -> memref<1x64x128xbf16, #tpu.memory_space<vmem>>
        %dma_start3A_879 = tpu.memref_squeeze %dma_start3A_878 : memref<1x64x128xbf16, #tpu.memory_space<vmem>> -> memref<64x128xbf16, #tpu.memory_space<vmem>>
        %dma_start3A_880 = arith.constant 0 : i32
        %dma_start3A_881 = tpu.memref_slice %arg9[%add3A_304, %dma_start3A_880] : memref<160x64xi32, #tpu.memory_space<vmem>> -> memref<1x64xi32, #tpu.memory_space<vmem>>
        %dma_start3A_882 = tpu.memref_squeeze %dma_start3A_881 : memref<1x64xi32, #tpu.memory_space<vmem>> -> memref<64xi32, #tpu.memory_space<vmem>>
        %dma_start3A_883 = arith.constant 0 : i32
        %dma_start3A_884 = arith.constant 0 : i32
        %dma_start3A_885 = tpu.memref_slice %arg11[%dma_start3A_883, %dma_start3A_884] : memref<10112x128xbf16, #tpu.memory_space<vmem_shared>> -> memref<10112x128xbf16, #tpu.memory_space<vmem_shared>>
        tpu.enqueue_indirect_dma source(%dma_start3A_879 : memref<64x128xbf16, #tpu.memory_space<vmem>>) target(%dma_start3A_885 : memref<10112x128xbf16, #tpu.memory_space<vmem_shared>>) offsets(%dma_start3A_882 : memref<64xi32, #tpu.memory_space<vmem>>) semaphore(%run_scoped3A_875 : memref<!tpu.dma_semaphore, #tpu.memory_space<semaphore_mem>>) {add = true}
        %dma_wait3A_886 = arith.constant 0 : i32
        %dma_wait3A_887 = arith.constant 0 : i32
        %dma_wait3A_888 = tpu.memref_slice %arg10[%run_scoped3A_370, %dma_wait3A_886, %dma_wait3A_887] : memref<8x64x128xbf16, #tpu.memory_space<vmem>> -> memref<1x64x128xbf16, #tpu.memory_space<vmem>>
        %dma_wait3A_889 = tpu.memref_squeeze %dma_wait3A_888 : memref<1x64x128xbf16, #tpu.memory_space<vmem>> -> memref<64x128xbf16, #tpu.memory_space<vmem>>
        %dma_wait3A_890 = arith.constant 0 : i32
        %dma_wait3A_891 = tpu.memref_slice %arg9[%add3A_304, %dma_wait3A_890] : memref<160x64xi32, #tpu.memory_space<vmem>> -> memref<1x64xi32, #tpu.memory_space<vmem>>
        %dma_wait3A_892 = tpu.memref_squeeze %dma_wait3A_891 : memref<1x64xi32, #tpu.memory_space<vmem>> -> memref<64xi32, #tpu.memory_space<vmem>>
        %dma_wait3A_893 = arith.constant 0 : i32
        %dma_wait3A_894 = arith.constant 0 : i32
        %dma_wait3A_895 = tpu.memref_slice %arg11[%dma_wait3A_893, %dma_wait3A_894] : memref<10112x128xbf16, #tpu.memory_space<vmem_shared>> -> memref<10112x128xbf16, #tpu.memory_space<vmem_shared>>
        tpu.wait_indirect_dma semaphore(%run_scoped3A_875 : memref<!tpu.dma_semaphore, #tpu.memory_space<semaphore_mem>>) src(%dma_wait3A_889 : memref<64x128xbf16, #tpu.memory_space<vmem>>) dst(%dma_wait3A_895 : memref<10112x128xbf16, #tpu.memory_space<vmem_shared>>)
        tpu.yield
      }) : () -> ()
      %get3A_371 = arith.index_cast %add3A_304 : i32 to index
      %get3A_372 = arith.constant 0 : index
      %get3A_373 = tpu.vector_load %arg9[%get3A_371, %get3A_372] {strides = array<i32>} : memref<160x64xi32, #tpu.memory_space<vmem>>, vector<16xi32>,
      tpu.vector_store_idx %arg13[%get3A_373], %broadcast_in_dim3A_115 {add = true} : memref<10112xf32, #tpu.memory_space<vmem>>[vector<16xi32>], vector<16xf32>,
      %get3A_374 = arith.index_cast %add3A_304 : i32 to index
      %get3A_375 = arith.constant 16 : index
      %get3A_376 = tpu.vector_load %arg9[%get3A_374, %get3A_375] {strides = array<i32>} : memref<160x64xi32, #tpu.memory_space<vmem>>, vector<16xi32>,
      tpu.vector_store_idx %arg13[%get3A_376], %broadcast_in_dim3A_115 {add = true} : memref<10112xf32, #tpu.memory_space<vmem>>[vector<16xi32>], vector<16xf32>,
      %get3A_377 = arith.index_cast %add3A_304 : i32 to index
      %get3A_378 = arith.constant 32 : index
      %get3A_379 = tpu.vector_load %arg9[%get3A_377, %get3A_378] {strides = array<i32>} : memref<160x64xi32, #tpu.memory_space<vmem>>, vector<16xi32>,
      tpu.vector_store_idx %arg13[%get3A_379], %broadcast_in_dim3A_115 {add = true} : memref<10112xf32, #tpu.memory_space<vmem>>[vector<16xi32>], vector<16xf32>,
      %get3A_380 = arith.index_cast %add3A_304 : i32 to index
      %get3A_381 = arith.constant 48 : index
      %get3A_382 = tpu.vector_load %arg9[%get3A_380, %get3A_381] {strides = array<i32>} : memref<160x64xi32, #tpu.memory_space<vmem>>, vector<16xi32>,
      tpu.vector_store_idx %arg13[%get3A_382], %broadcast_in_dim3A_115 {add = true} : memref<10112xf32, #tpu.memory_space<vmem>>[vector<16xi32>], vector<16xf32>,
      %mul3A_383 = arith.constant 8 : i32
      %mul3A_384 = arith.muli %mul3A_383, %scan3A_227 : i32
      %add3A_385 = arith.constant 2 : i32
      %add3A_386 = arith.addi %mul3A_384, %add3A_385 : i32
      %dma_wait3A_387 = arith.constant 2 : i32
      %dma_wait3A_388 = arith.constant 0 : i32
      %dma_wait3A_389 = arith.constant 0 : i32
      %dma_wait3A_390 = tpu.memref_slice %arg10[%dma_wait3A_387, %dma_wait3A_388, %dma_wait3A_389] : memref<8x64x128xbf16, #tpu.memory_space<vmem>> -> memref<1x64x128xbf16, #tpu.memory_space<vmem>>
      %dma_wait3A_391 = tpu.memref_squeeze %dma_wait3A_390 : memref<1x64x128xbf16, #tpu.memory_space<vmem>> -> memref<64x128xbf16, #tpu.memory_space<vmem>>
      %dma_wait3A_392 = arith.constant 0 : i32
      %dma_wait3A_393 = arith.constant 0 : i32
      %dma_wait3A_394 = tpu.memref_slice %arg2[%dma_wait3A_392, %dma_wait3A_393] : memref<10000x128xbf16, #tpu.memory_space<hbm>> -> memref<64x128xbf16, #tpu.memory_space<hbm>>
      %dma_wait3A_395 = arith.constant 0 : i32
      %dma_wait3A_396 = arith.constant 0 : i32
      %dma_wait3A_397 = tpu.memref_slice %arg10[%dma_wait3A_387, %dma_wait3A_395, %dma_wait3A_396] : memref<8x64x128xbf16, #tpu.memory_space<vmem>> -> memref<1x64x128xbf16, #tpu.memory_space<vmem>>
      %dma_wait3A_398 = tpu.memref_squeeze %dma_wait3A_397 : memref<1x64x128xbf16, #tpu.memory_space<vmem>> -> memref<64x128xbf16, #tpu.memory_space<vmem>>
      %dma_wait3A_399 = arith.constant 0 : i32
      %dma_wait3A_400 = arith.constant 0 : i32
      %dma_wait3A_401 = tpu.memref_slice %arg2[%dma_wait3A_399, %dma_wait3A_400] : memref<10000x128xbf16, #tpu.memory_space<hbm>> -> memref<64x128xbf16, #tpu.memory_space<hbm>>
      tpu.wait_dma2 semaphore(%arg12 : memref<!tpu.dma_semaphore, #tpu.memory_space<semaphore_mem>>) src(%dma_wait3A_401 : memref<64x128xbf16, #tpu.memory_space<hbm>>) dst(%dma_wait3A_398 : memref<64x128xbf16, #tpu.memory_space<vmem>>)
      %add3A_402 = arith.constant 8 : i32
      %add3A_403 = arith.addi %add3A_386, %add3A_402 : i32
      %sub3A_404 = arith.constant 1 : i32
      %sub3A_405 = arith.subi %add3A_403, %sub3A_404 : i32
      %jit3A_406 = arith.constant 160 : i32
      %eq3A_407 = arith.constant 0 : i32
      %eq3A_408 = arith.cmpi eq, %jit3A_406, %eq3A_407 : i32
      %jit3A_409 = arith.constant 1 : i32
      %select_n3A_410 = arith.select %eq3A_408, %jit3A_409, %jit3A_406 : i32
      %rem3A_411 = arith.remsi %sub3A_405, %select_n3A_410 : i32
      %ne3A_412 = arith.constant 0 : i32
      %ne3A_413 = arith.cmpi ne, %rem3A_411, %ne3A_412 : i32
      %lt3A_414 = arith.constant 0 : i32
      %lt3A_415 = arith.cmpi slt, %rem3A_411, %lt3A_414 : i32
      %lt3A_416 = arith.constant 0 : i32
      %lt3A_417 = arith.cmpi slt, %select_n3A_410, %lt3A_416 : i32
      %ne3A_418 = arith.xori %lt3A_415, %lt3A_417 : i1
      %and3A_419 = arith.andi %ne3A_418, %ne3A_413 : i1
      %add3A_420 = arith.addi %rem3A_411, %select_n3A_410 : i32
      %select_n3A_421 = arith.select %and3A_419, %add3A_420, %rem3A_411 : i32
      %add3A_422 = arith.constant 8 : i32
      %add3A_423 = arith.addi %add3A_386, %add3A_422 : i32
      %sub3A_424 = arith.constant 1 : i32
      %sub3A_425 = arith.subi %add3A_423, %sub3A_424 : i32
      %jit3A_426 = arith.constant 8 : i32
      %eq3A_427 = arith.constant 0 : i32
      %eq3A_428 = arith.cmpi eq, %jit3A_426, %eq3A_427 : i32
      %jit3A_429 = arith.constant 1 : i32
      %select_n3A_430 = arith.select %eq3A_428, %jit3A_429, %jit3A_426 : i32
      %rem3A_431 = arith.remsi %sub3A_425, %select_n3A_430 : i32
      %ne3A_432 = arith.constant 0 : i32
      %ne3A_433 = arith.cmpi ne, %rem3A_431, %ne3A_432 : i32
      %lt3A_434 = arith.constant 0 : i32
      %lt3A_435 = arith.cmpi slt, %rem3A_431, %lt3A_434 : i32
      %lt3A_436 = arith.constant 0 : i32
      %lt3A_437 = arith.cmpi slt, %select_n3A_430, %lt3A_436 : i32
      %ne3A_438 = arith.xori %lt3A_435, %lt3A_437 : i1
      %and3A_439 = arith.andi %ne3A_438, %ne3A_433 : i1
      %add3A_440 = arith.addi %rem3A_431, %select_n3A_430 : i32
      %select_n3A_441 = arith.select %and3A_439, %add3A_440, %rem3A_431 : i32
      %mul3A_442 = arith.constant 64 : i32
      %mul3A_443 = arith.muli %select_n3A_421, %mul3A_442 : i32
      %dma_start3A_444 = arith.constant 0 : i32
      %dma_start3A_445 = arith.constant 0 : i32
      %dma_start3A_446 = tpu.memref_slice %arg10[%select_n3A_441, %dma_start3A_444, %dma_start3A_445] : memref<8x64x128xbf16, #tpu.memory_space<vmem>> -> memref<1x64x128xbf16, #tpu.memory_space<vmem>>
      %dma_start3A_447 = tpu.memref_squeeze %dma_start3A_446 : memref<1x64x128xbf16, #tpu.memory_space<vmem>> -> memref<64x128xbf16, #tpu.memory_space<vmem>>
      %dma_start3A_448 = tpu.memref_slice %arg8[%mul3A_443] : memref<10240xi32, #tpu.memory_space<vmem>> -> memref<64xi32, #tpu.memory_space<vmem>>
      %dma_start3A_449 = arith.constant 0 : i32
      %dma_start3A_450 = arith.constant 0 : i32
      %dma_start3A_451 = tpu.memref_slice %arg2[%dma_start3A_449, %dma_start3A_450] : memref<10000x128xbf16, #tpu.memory_space<hbm>> -> memref<10000x128xbf16, #tpu.memory_space<hbm>>
      tpu.enqueue_indirect_dma source(%dma_start3A_451 : memref<10000x128xbf16, #tpu.memory_space<hbm>>) target(%dma_start3A_447 : memref<64x128xbf16, #tpu.memory_space<vmem>>) offsets(%dma_start3A_448 : memref<64xi32, #tpu.memory_space<vmem>>) semaphore(%arg12 : memref<!tpu.dma_semaphore, #tpu.memory_space<semaphore_mem>>)
      %run_scoped3A_452 = arith.constant 2 : i32
      "tpu.region"() ({
        %run_scoped3A_875 = tpu.sem_alloc : memref<!tpu.dma_semaphore, #tpu.memory_space<semaphore_mem>>
        %dma_start3A_876 = arith.constant 0 : i32
        %dma_start3A_877 = arith.constant 0 : i32
        %dma_start3A_878 = tpu.memref_slice %arg10[%run_scoped3A_452, %dma_start3A_876, %dma_start3A_877] : memref<8x64x128xbf16, #tpu.memory_space<vmem>> -> memref<1x64x128xbf16, #tpu.memory_space<vmem>>
        %dma_start3A_879 = tpu.memref_squeeze %dma_start3A_878 : memref<1x64x128xbf16, #tpu.memory_space<vmem>> -> memref<64x128xbf16, #tpu.memory_space<vmem>>
        %dma_start3A_880 = arith.constant 0 : i32
        %dma_start3A_881 = tpu.memref_slice %arg9[%add3A_386, %dma_start3A_880] : memref<160x64xi32, #tpu.memory_space<vmem>> -> memref<1x64xi32, #tpu.memory_space<vmem>>
        %dma_start3A_882 = tpu.memref_squeeze %dma_start3A_881 : memref<1x64xi32, #tpu.memory_space<vmem>> -> memref<64xi32, #tpu.memory_space<vmem>>
        %dma_start3A_883 = arith.constant 0 : i32
        %dma_start3A_884 = arith.constant 0 : i32
        %dma_start3A_885 = tpu.memref_slice %arg11[%dma_start3A_883, %dma_start3A_884] : memref<10112x128xbf16, #tpu.memory_space<vmem_shared>> -> memref<10112x128xbf16, #tpu.memory_space<vmem_shared>>
        tpu.enqueue_indirect_dma source(%dma_start3A_879 : memref<64x128xbf16, #tpu.memory_space<vmem>>) target(%dma_start3A_885 : memref<10112x128xbf16, #tpu.memory_space<vmem_shared>>) offsets(%dma_start3A_882 : memref<64xi32, #tpu.memory_space<vmem>>) semaphore(%run_scoped3A_875 : memref<!tpu.dma_semaphore, #tpu.memory_space<semaphore_mem>>) {add = true}
        %dma_wait3A_886 = arith.constant 0 : i32
        %dma_wait3A_887 = arith.constant 0 : i32
        %dma_wait3A_888 = tpu.memref_slice %arg10[%run_scoped3A_452, %dma_wait3A_886, %dma_wait3A_887] : memref<8x64x128xbf16, #tpu.memory_space<vmem>> -> memref<1x64x128xbf16, #tpu.memory_space<vmem>>
        %dma_wait3A_889 = tpu.memref_squeeze %dma_wait3A_888 : memref<1x64x128xbf16, #tpu.memory_space<vmem>> -> memref<64x128xbf16, #tpu.memory_space<vmem>>
        %dma_wait3A_890 = arith.constant 0 : i32
        %dma_wait3A_891 = tpu.memref_slice %arg9[%add3A_386, %dma_wait3A_890] : memref<160x64xi32, #tpu.memory_space<vmem>> -> memref<1x64xi32, #tpu.memory_space<vmem>>
        %dma_wait3A_892 = tpu.memref_squeeze %dma_wait3A_891 : memref<1x64xi32, #tpu.memory_space<vmem>> -> memref<64xi32, #tpu.memory_space<vmem>>
        %dma_wait3A_893 = arith.constant 0 : i32
        %dma_wait3A_894 = arith.constant 0 : i32
        %dma_wait3A_895 = tpu.memref_slice %arg11[%dma_wait3A_893, %dma_wait3A_894] : memref<10112x128xbf16, #tpu.memory_space<vmem_shared>> -> memref<10112x128xbf16, #tpu.memory_space<vmem_shared>>
        tpu.wait_indirect_dma semaphore(%run_scoped3A_875 : memref<!tpu.dma_semaphore, #tpu.memory_space<semaphore_mem>>) src(%dma_wait3A_889 : memref<64x128xbf16, #tpu.memory_space<vmem>>) dst(%dma_wait3A_895 : memref<10112x128xbf16, #tpu.memory_space<vmem_shared>>)
        tpu.yield
      }) : () -> ()
      %get3A_453 = arith.index_cast %add3A_386 : i32 to index
      %get3A_454 = arith.constant 0 : index
      %get3A_455 = tpu.vector_load %arg9[%get3A_453, %get3A_454] {strides = array<i32>} : memref<160x64xi32, #tpu.memory_space<vmem>>, vector<16xi32>,
      tpu.vector_store_idx %arg13[%get3A_455], %broadcast_in_dim3A_115 {add = true} : memref<10112xf32, #tpu.memory_space<vmem>>[vector<16xi32>], vector<16xf32>,
      %get3A_456 = arith.index_cast %add3A_386 : i32 to index
      %get3A_457 = arith.constant 16 : index
      %get3A_458 = tpu.vector_load %arg9[%get3A_456, %get3A_457] {strides = array<i32>} : memref<160x64xi32, #tpu.memory_space<vmem>>, vector<16xi32>,
      tpu.vector_store_idx %arg13[%get3A_458], %broadcast_in_dim3A_115 {add = true} : memref<10112xf32, #tpu.memory_space<vmem>>[vector<16xi32>], vector<16xf32>,
      %get3A_459 = arith.index_cast %add3A_386 : i32 to index
      %get3A_460 = arith.constant 32 : index
      %get3A_461 = tpu.vector_load %arg9[%get3A_459, %get3A_460] {strides = array<i32>} : memref<160x64xi32, #tpu.memory_space<vmem>>, vector<16xi32>,
      tpu.vector_store_idx %arg13[%get3A_461], %broadcast_in_dim3A_115 {add = true} : memref<10112xf32, #tpu.memory_space<vmem>>[vector<16xi32>], vector<16xf32>,
      %get3A_462 = arith.index_cast %add3A_386 : i32 to index
      %get3A_463 = arith.constant 48 : index
      %get3A_464 = tpu.vector_load %arg9[%get3A_462, %get3A_463] {strides = array<i32>} : memref<160x64xi32, #tpu.memory_space<vmem>>, vector<16xi32>,
      tpu.vector_store_idx %arg13[%get3A_464], %broadcast_in_dim3A_115 {add = true} : memref<10112xf32, #tpu.memory_space<vmem>>[vector<16xi32>], vector<16xf32>,
      %mul3A_465 = arith.constant 8 : i32
      %mul3A_466 = arith.muli %mul3A_465, %scan3A_227 : i32
      %add3A_467 = arith.constant 3 : i32
      %add3A_468 = arith.addi %mul3A_466, %add3A_467 : i32
      %dma_wait3A_469 = arith.constant 3 : i32
      %dma_wait3A_470 = arith.constant 0 : i32
      %dma_wait3A_471 = arith.constant 0 : i32
      %dma_wait3A_472 = tpu.memref_slice %arg10[%dma_wait3A_469, %dma_wait3A_470, %dma_wait3A_471] : memref<8x64x128xbf16, #tpu.memory_space<vmem>> -> memref<1x64x128xbf16, #tpu.memory_space<vmem>>
      %dma_wait3A_473 = tpu.memref_squeeze %dma_wait3A_472 : memref<1x64x128xbf16, #tpu.memory_space<vmem>> -> memref<64x128xbf16, #tpu.memory_space<vmem>>
      %dma_wait3A_474 = arith.constant 0 : i32
      %dma_wait3A_475 = arith.constant 0 : i32
      %dma_wait3A_476 = tpu.memref_slice %arg2[%dma_wait3A_474, %dma_wait3A_475] : memref<10000x128xbf16, #tpu.memory_space<hbm>> -> memref<64x128xbf16, #tpu.memory_space<hbm>>
      %dma_wait3A_477 = arith.constant 0 : i32
      %dma_wait3A_478 = arith.constant 0 : i32
      %dma_wait3A_479 = tpu.memref_slice %arg10[%dma_wait3A_469, %dma_wait3A_477, %dma_wait3A_478] : memref<8x64x128xbf16, #tpu.memory_space<vmem>> -> memref<1x64x128xbf16, #tpu.memory_space<vmem>>
      %dma_wait3A_480 = tpu.memref_squeeze %dma_wait3A_479 : memref<1x64x128xbf16, #tpu.memory_space<vmem>> -> memref<64x128xbf16, #tpu.memory_space<vmem>>
      %dma_wait3A_481 = arith.constant 0 : i32
      %dma_wait3A_482 = arith.constant 0 : i32
      %dma_wait3A_483 = tpu.memref_slice %arg2[%dma_wait3A_481, %dma_wait3A_482] : memref<10000x128xbf16, #tpu.memory_space<hbm>> -> memref<64x128xbf16, #tpu.memory_space<hbm>>
      tpu.wait_dma2 semaphore(%arg12 : memref<!tpu.dma_semaphore, #tpu.memory_space<semaphore_mem>>) src(%dma_wait3A_483 : memref<64x128xbf16, #tpu.memory_space<hbm>>) dst(%dma_wait3A_480 : memref<64x128xbf16, #tpu.memory_space<vmem>>)
      %add3A_484 = arith.constant 8 : i32
      %add3A_485 = arith.addi %add3A_468, %add3A_484 : i32
      %sub3A_486 = arith.constant 1 : i32
      %sub3A_487 = arith.subi %add3A_485, %sub3A_486 : i32
      %jit3A_488 = arith.constant 160 : i32
      %eq3A_489 = arith.constant 0 : i32
      %eq3A_490 = arith.cmpi eq, %jit3A_488, %eq3A_489 : i32
      %jit3A_491 = arith.constant 1 : i32
      %select_n3A_492 = arith.select %eq3A_490, %jit3A_491, %jit3A_488 : i32
      %rem3A_493 = arith.remsi %sub3A_487, %select_n3A_492 : i32
      %ne3A_494 = arith.constant 0 : i32
      %ne3A_495 = arith.cmpi ne, %rem3A_493, %ne3A_494 : i32
      %lt3A_496 = arith.constant 0 : i32
      %lt3A_497 = arith.cmpi slt, %rem3A_493, %lt3A_496 : i32
      %lt3A_498 = arith.constant 0 : i32
      %lt3A_499 = arith.cmpi slt, %select_n3A_492, %lt3A_498 : i32
      %ne3A_500 = arith.xori %lt3A_497, %lt3A_499 : i1
      %and3A_501 = arith.andi %ne3A_500, %ne3A_495 : i1
      %add3A_502 = arith.addi %rem3A_493, %select_n3A_492 : i32
      %select_n3A_503 = arith.select %and3A_501, %add3A_502, %rem3A_493 : i32
      %add3A_504 = arith.constant 8 : i32
      %add3A_505 = arith.addi %add3A_468, %add3A_504 : i32
      %sub3A_506 = arith.constant 1 : i32
      %sub3A_507 = arith.subi %add3A_505, %sub3A_506 : i32
      %jit3A_508 = arith.constant 8 : i32
      %eq3A_509 = arith.constant 0 : i32
      %eq3A_510 = arith.cmpi eq, %jit3A_508, %eq3A_509 : i32
      %jit3A_511 = arith.constant 1 : i32
      %select_n3A_512 = arith.select %eq3A_510, %jit3A_511, %jit3A_508 : i32
      %rem3A_513 = arith.remsi %sub3A_507, %select_n3A_512 : i32
      %ne3A_514 = arith.constant 0 : i32
      %ne3A_515 = arith.cmpi ne, %rem3A_513, %ne3A_514 : i32
      %lt3A_516 = arith.constant 0 : i32
      %lt3A_517 = arith.cmpi slt, %rem3A_513, %lt3A_516 : i32
      %lt3A_518 = arith.constant 0 : i32
      %lt3A_519 = arith.cmpi slt, %select_n3A_512, %lt3A_518 : i32
      %ne3A_520 = arith.xori %lt3A_517, %lt3A_519 : i1
      %and3A_521 = arith.andi %ne3A_520, %ne3A_515 : i1
      %add3A_522 = arith.addi %rem3A_513, %select_n3A_512 : i32
      %select_n3A_523 = arith.select %and3A_521, %add3A_522, %rem3A_513 : i32
      %mul3A_524 = arith.constant 64 : i32
      %mul3A_525 = arith.muli %select_n3A_503, %mul3A_524 : i32
      %dma_start3A_526 = arith.constant 0 : i32
      %dma_start3A_527 = arith.constant 0 : i32
      %dma_start3A_528 = tpu.memref_slice %arg10[%select_n3A_523, %dma_start3A_526, %dma_start3A_527] : memref<8x64x128xbf16, #tpu.memory_space<vmem>> -> memref<1x64x128xbf16, #tpu.memory_space<vmem>>
      %dma_start3A_529 = tpu.memref_squeeze %dma_start3A_528 : memref<1x64x128xbf16, #tpu.memory_space<vmem>> -> memref<64x128xbf16, #tpu.memory_space<vmem>>
      %dma_start3A_530 = tpu.memref_slice %arg8[%mul3A_525] : memref<10240xi32, #tpu.memory_space<vmem>> -> memref<64xi32, #tpu.memory_space<vmem>>
      %dma_start3A_531 = arith.constant 0 : i32
      %dma_start3A_532 = arith.constant 0 : i32
      %dma_start3A_533 = tpu.memref_slice %arg2[%dma_start3A_531, %dma_start3A_532] : memref<10000x128xbf16, #tpu.memory_space<hbm>> -> memref<10000x128xbf16, #tpu.memory_space<hbm>>
      tpu.enqueue_indirect_dma source(%dma_start3A_533 : memref<10000x128xbf16, #tpu.memory_space<hbm>>) target(%dma_start3A_529 : memref<64x128xbf16, #tpu.memory_space<vmem>>) offsets(%dma_start3A_530 : memref<64xi32, #tpu.memory_space<vmem>>) semaphore(%arg12 : memref<!tpu.dma_semaphore, #tpu.memory_space<semaphore_mem>>)
      %run_scoped3A_534 = arith.constant 3 : i32
      "tpu.region"() ({
        %run_scoped3A_875 = tpu.sem_alloc : memref<!tpu.dma_semaphore, #tpu.memory_space<semaphore_mem>>
        %dma_start3A_876 = arith.constant 0 : i32
        %dma_start3A_877 = arith.constant 0 : i32
        %dma_start3A_878 = tpu.memref_slice %arg10[%run_scoped3A_534, %dma_start3A_876, %dma_start3A_877] : memref<8x64x128xbf16, #tpu.memory_space<vmem>> -> memref<1x64x128xbf16, #tpu.memory_space<vmem>>
        %dma_start3A_879 = tpu.memref_squeeze %dma_start3A_878 : memref<1x64x128xbf16, #tpu.memory_space<vmem>> -> memref<64x128xbf16, #tpu.memory_space<vmem>>
        %dma_start3A_880 = arith.constant 0 : i32
        %dma_start3A_881 = tpu.memref_slice %arg9[%add3A_468, %dma_start3A_880] : memref<160x64xi32, #tpu.memory_space<vmem>> -> memref<1x64xi32, #tpu.memory_space<vmem>>
        %dma_start3A_882 = tpu.memref_squeeze %dma_start3A_881 : memref<1x64xi32, #tpu.memory_space<vmem>> -> memref<64xi32, #tpu.memory_space<vmem>>
        %dma_start3A_883 = arith.constant 0 : i32
        %dma_start3A_884 = arith.constant 0 : i32
        %dma_start3A_885 = tpu.memref_slice %arg11[%dma_start3A_883, %dma_start3A_884] : memref<10112x128xbf16, #tpu.memory_space<vmem_shared>> -> memref<10112x128xbf16, #tpu.memory_space<vmem_shared>>
        tpu.enqueue_indirect_dma source(%dma_start3A_879 : memref<64x128xbf16, #tpu.memory_space<vmem>>) target(%dma_start3A_885 : memref<10112x128xbf16, #tpu.memory_space<vmem_shared>>) offsets(%dma_start3A_882 : memref<64xi32, #tpu.memory_space<vmem>>) semaphore(%run_scoped3A_875 : memref<!tpu.dma_semaphore, #tpu.memory_space<semaphore_mem>>) {add = true}
        %dma_wait3A_886 = arith.constant 0 : i32
        %dma_wait3A_887 = arith.constant 0 : i32
        %dma_wait3A_888 = tpu.memref_slice %arg10[%run_scoped3A_534, %dma_wait3A_886, %dma_wait3A_887] : memref<8x64x128xbf16, #tpu.memory_space<vmem>> -> memref<1x64x128xbf16, #tpu.memory_space<vmem>>
        %dma_wait3A_889 = tpu.memref_squeeze %dma_wait3A_888 : memref<1x64x128xbf16, #tpu.memory_space<vmem>> -> memref<64x128xbf16, #tpu.memory_space<vmem>>
        %dma_wait3A_890 = arith.constant 0 : i32
        %dma_wait3A_891 = tpu.memref_slice %arg9[%add3A_468, %dma_wait3A_890] : memref<160x64xi32, #tpu.memory_space<vmem>> -> memref<1x64xi32, #tpu.memory_space<vmem>>
        %dma_wait3A_892 = tpu.memref_squeeze %dma_wait3A_891 : memref<1x64xi32, #tpu.memory_space<vmem>> -> memref<64xi32, #tpu.memory_space<vmem>>
        %dma_wait3A_893 = arith.constant 0 : i32
        %dma_wait3A_894 = arith.constant 0 : i32
        %dma_wait3A_895 = tpu.memref_slice %arg11[%dma_wait3A_893, %dma_wait3A_894] : memref<10112x128xbf16, #tpu.memory_space<vmem_shared>> -> memref<10112x128xbf16, #tpu.memory_space<vmem_shared>>
        tpu.wait_indirect_dma semaphore(%run_scoped3A_875 : memref<!tpu.dma_semaphore, #tpu.memory_space<semaphore_mem>>) src(%dma_wait3A_889 : memref<64x128xbf16, #tpu.memory_space<vmem>>) dst(%dma_wait3A_895 : memref<10112x128xbf16, #tpu.memory_space<vmem_shared>>)
        tpu.yield
      }) : () -> ()
      %get3A_535 = arith.index_cast %add3A_468 : i32 to index
      %get3A_536 = arith.constant 0 : index
      %get3A_537 = tpu.vector_load %arg9[%get3A_535, %get3A_536] {strides = array<i32>} : memref<160x64xi32, #tpu.memory_space<vmem>>, vector<16xi32>,
      tpu.vector_store_idx %arg13[%get3A_537], %broadcast_in_dim3A_115 {add = true} : memref<10112xf32, #tpu.memory_space<vmem>>[vector<16xi32>], vector<16xf32>,
      %get3A_538 = arith.index_cast %add3A_468 : i32 to index
      %get3A_539 = arith.constant 16 : index
      %get3A_540 = tpu.vector_load %arg9[%get3A_538, %get3A_539] {strides = array<i32>} : memref<160x64xi32, #tpu.memory_space<vmem>>, vector<16xi32>,
      tpu.vector_store_idx %arg13[%get3A_540], %broadcast_in_dim3A_115 {add = true} : memref<10112xf32, #tpu.memory_space<vmem>>[vector<16xi32>], vector<16xf32>,
      %get3A_541 = arith.index_cast %add3A_468 : i32 to index
      %get3A_542 = arith.constant 32 : index
      %get3A_543 = tpu.vector_load %arg9[%get3A_541, %get3A_542] {strides = array<i32>} : memref<160x64xi32, #tpu.memory_space<vmem>>, vector<16xi32>,
      tpu.vector_store_idx %arg13[%get3A_543], %broadcast_in_dim3A_115 {add = true} : memref<10112xf32, #tpu.memory_space<vmem>>[vector<16xi32>], vector<16xf32>,
      %get3A_544 = arith.index_cast %add3A_468 : i32 to index
      %get3A_545 = arith.constant 48 : index
      %get3A_546 = tpu.vector_load %arg9[%get3A_544, %get3A_545] {strides = array<i32>} : memref<160x64xi32, #tpu.memory_space<vmem>>, vector<16xi32>,
      tpu.vector_store_idx %arg13[%get3A_546], %broadcast_in_dim3A_115 {add = true} : memref<10112xf32, #tpu.memory_space<vmem>>[vector<16xi32>], vector<16xf32>,
      %mul3A_547 = arith.constant 8 : i32
      %mul3A_548 = arith.muli %mul3A_547, %scan3A_227 : i32
      %add3A_549 = arith.constant 4 : i32
      %add3A_550 = arith.addi %mul3A_548, %add3A_549 : i32
      %dma_wait3A_551 = arith.constant 4 : i32
      %dma_wait3A_552 = arith.constant 0 : i32
      %dma_wait3A_553 = arith.constant 0 : i32
      %dma_wait3A_554 = tpu.memref_slice %arg10[%dma_wait3A_551, %dma_wait3A_552, %dma_wait3A_553] : memref<8x64x128xbf16, #tpu.memory_space<vmem>> -> memref<1x64x128xbf16, #tpu.memory_space<vmem>>
      %dma_wait3A_555 = tpu.memref_squeeze %dma_wait3A_554 : memref<1x64x128xbf16, #tpu.memory_space<vmem>> -> memref<64x128xbf16, #tpu.memory_space<vmem>>
      %dma_wait3A_556 = arith.constant 0 : i32
      %dma_wait3A_557 = arith.constant 0 : i32
      %dma_wait3A_558 = tpu.memref_slice %arg2[%dma_wait3A_556, %dma_wait3A_557] : memref<10000x128xbf16, #tpu.memory_space<hbm>> -> memref<64x128xbf16, #tpu.memory_space<hbm>>
      %dma_wait3A_559 = arith.constant 0 : i32
      %dma_wait3A_560 = arith.constant 0 : i32
      %dma_wait3A_561 = tpu.memref_slice %arg10[%dma_wait3A_551, %dma_wait3A_559, %dma_wait3A_560] : memref<8x64x128xbf16, #tpu.memory_space<vmem>> -> memref<1x64x128xbf16, #tpu.memory_space<vmem>>
      %dma_wait3A_562 = tpu.memref_squeeze %dma_wait3A_561 : memref<1x64x128xbf16, #tpu.memory_space<vmem>> -> memref<64x128xbf16, #tpu.memory_space<vmem>>
      %dma_wait3A_563 = arith.constant 0 : i32
      %dma_wait3A_564 = arith.constant 0 : i32
      %dma_wait3A_565 = tpu.memref_slice %arg2[%dma_wait3A_563, %dma_wait3A_564] : memref<10000x128xbf16, #tpu.memory_space<hbm>> -> memref<64x128xbf16, #tpu.memory_space<hbm>>
      tpu.wait_dma2 semaphore(%arg12 : memref<!tpu.dma_semaphore, #tpu.memory_space<semaphore_mem>>) src(%dma_wait3A_565 : memref<64x128xbf16, #tpu.memory_space<hbm>>) dst(%dma_wait3A_562 : memref<64x128xbf16, #tpu.memory_space<vmem>>)
      %add3A_566 = arith.constant 8 : i32
      %add3A_567 = arith.addi %add3A_550, %add3A_566 : i32
      %sub3A_568 = arith.constant 1 : i32
      %sub3A_569 = arith.subi %add3A_567, %sub3A_568 : i32
      %jit3A_570 = arith.constant 160 : i32
      %eq3A_571 = arith.constant 0 : i32
      %eq3A_572 = arith.cmpi eq, %jit3A_570, %eq3A_571 : i32
      %jit3A_573 = arith.constant 1 : i32
      %select_n3A_574 = arith.select %eq3A_572, %jit3A_573, %jit3A_570 : i32
      %rem3A_575 = arith.remsi %sub3A_569, %select_n3A_574 : i32
      %ne3A_576 = arith.constant 0 : i32
      %ne3A_577 = arith.cmpi ne, %rem3A_575, %ne3A_576 : i32
      %lt3A_578 = arith.constant 0 : i32
      %lt3A_579 = arith.cmpi slt, %rem3A_575, %lt3A_578 : i32
      %lt3A_580 = arith.constant 0 : i32
      %lt3A_581 = arith.cmpi slt, %select_n3A_574, %lt3A_580 : i32
      %ne3A_582 = arith.xori %lt3A_579, %lt3A_581 : i1
      %and3A_583 = arith.andi %ne3A_582, %ne3A_577 : i1
      %add3A_584 = arith.addi %rem3A_575, %select_n3A_574 : i32
      %select_n3A_585 = arith.select %and3A_583, %add3A_584, %rem3A_575 : i32
      %add3A_586 = arith.constant 8 : i32
      %add3A_587 = arith.addi %add3A_550, %add3A_586 : i32
      %sub3A_588 = arith.constant 1 : i32
      %sub3A_589 = arith.subi %add3A_587, %sub3A_588 : i32
      %jit3A_590 = arith.constant 8 : i32
      %eq3A_591 = arith.constant 0 : i32
      %eq3A_592 = arith.cmpi eq, %jit3A_590, %eq3A_591 : i32
      %jit3A_593 = arith.constant 1 : i32
      %select_n3A_594 = arith.select %eq3A_592, %jit3A_593, %jit3A_590 : i32
      %rem3A_595 = arith.remsi %sub3A_589, %select_n3A_594 : i32
      %ne3A_596 = arith.constant 0 : i32
      %ne3A_597 = arith.cmpi ne, %rem3A_595, %ne3A_596 : i32
      %lt3A_598 = arith.constant 0 : i32
      %lt3A_599 = arith.cmpi slt, %rem3A_595, %lt3A_598 : i32
      %lt3A_600 = arith.constant 0 : i32
      %lt3A_601 = arith.cmpi slt, %select_n3A_594, %lt3A_600 : i32
      %ne3A_602 = arith.xori %lt3A_599, %lt3A_601 : i1
      %and3A_603 = arith.andi %ne3A_602, %ne3A_597 : i1
      %add3A_604 = arith.addi %rem3A_595, %select_n3A_594 : i32
      %select_n3A_605 = arith.select %and3A_603, %add3A_604, %rem3A_595 : i32
      %mul3A_606 = arith.constant 64 : i32
      %mul3A_607 = arith.muli %select_n3A_585, %mul3A_606 : i32
      %dma_start3A_608 = arith.constant 0 : i32
      %dma_start3A_609 = arith.constant 0 : i32
      %dma_start3A_610 = tpu.memref_slice %arg10[%select_n3A_605, %dma_start3A_608, %dma_start3A_609] : memref<8x64x128xbf16, #tpu.memory_space<vmem>> -> memref<1x64x128xbf16, #tpu.memory_space<vmem>>
      %dma_start3A_611 = tpu.memref_squeeze %dma_start3A_610 : memref<1x64x128xbf16, #tpu.memory_space<vmem>> -> memref<64x128xbf16, #tpu.memory_space<vmem>>
      %dma_start3A_612 = tpu.memref_slice %arg8[%mul3A_607] : memref<10240xi32, #tpu.memory_space<vmem>> -> memref<64xi32, #tpu.memory_space<vmem>>
      %dma_start3A_613 = arith.constant 0 : i32
      %dma_start3A_614 = arith.constant 0 : i32
      %dma_start3A_615 = tpu.memref_slice %arg2[%dma_start3A_613, %dma_start3A_614] : memref<10000x128xbf16, #tpu.memory_space<hbm>> -> memref<10000x128xbf16, #tpu.memory_space<hbm>>
      tpu.enqueue_indirect_dma source(%dma_start3A_615 : memref<10000x128xbf16, #tpu.memory_space<hbm>>) target(%dma_start3A_611 : memref<64x128xbf16, #tpu.memory_space<vmem>>) offsets(%dma_start3A_612 : memref<64xi32, #tpu.memory_space<vmem>>) semaphore(%arg12 : memref<!tpu.dma_semaphore, #tpu.memory_space<semaphore_mem>>)
      %run_scoped3A_616 = arith.constant 4 : i32
      "tpu.region"() ({
        %run_scoped3A_875 = tpu.sem_alloc : memref<!tpu.dma_semaphore, #tpu.memory_space<semaphore_mem>>
        %dma_start3A_876 = arith.constant 0 : i32
        %dma_start3A_877 = arith.constant 0 : i32
        %dma_start3A_878 = tpu.memref_slice %arg10[%run_scoped3A_616, %dma_start3A_876, %dma_start3A_877] : memref<8x64x128xbf16, #tpu.memory_space<vmem>> -> memref<1x64x128xbf16, #tpu.memory_space<vmem>>
        %dma_start3A_879 = tpu.memref_squeeze %dma_start3A_878 : memref<1x64x128xbf16, #tpu.memory_space<vmem>> -> memref<64x128xbf16, #tpu.memory_space<vmem>>
        %dma_start3A_880 = arith.constant 0 : i32
        %dma_start3A_881 = tpu.memref_slice %arg9[%add3A_550, %dma_start3A_880] : memref<160x64xi32, #tpu.memory_space<vmem>> -> memref<1x64xi32, #tpu.memory_space<vmem>>
        %dma_start3A_882 = tpu.memref_squeeze %dma_start3A_881 : memref<1x64xi32, #tpu.memory_space<vmem>> -> memref<64xi32, #tpu.memory_space<vmem>>
        %dma_start3A_883 = arith.constant 0 : i32
        %dma_start3A_884 = arith.constant 0 : i32
        %dma_start3A_885 = tpu.memref_slice %arg11[%dma_start3A_883, %dma_start3A_884] : memref<10112x128xbf16, #tpu.memory_space<vmem_shared>> -> memref<10112x128xbf16, #tpu.memory_space<vmem_shared>>
        tpu.enqueue_indirect_dma source(%dma_start3A_879 : memref<64x128xbf16, #tpu.memory_space<vmem>>) target(%dma_start3A_885 : memref<10112x128xbf16, #tpu.memory_space<vmem_shared>>) offsets(%dma_start3A_882 : memref<64xi32, #tpu.memory_space<vmem>>) semaphore(%run_scoped3A_875 : memref<!tpu.dma_semaphore, #tpu.memory_space<semaphore_mem>>) {add = true}
        %dma_wait3A_886 = arith.constant 0 : i32
        %dma_wait3A_887 = arith.constant 0 : i32
        %dma_wait3A_888 = tpu.memref_slice %arg10[%run_scoped3A_616, %dma_wait3A_886, %dma_wait3A_887] : memref<8x64x128xbf16, #tpu.memory_space<vmem>> -> memref<1x64x128xbf16, #tpu.memory_space<vmem>>
        %dma_wait3A_889 = tpu.memref_squeeze %dma_wait3A_888 : memref<1x64x128xbf16, #tpu.memory_space<vmem>> -> memref<64x128xbf16, #tpu.memory_space<vmem>>
        %dma_wait3A_890 = arith.constant 0 : i32
        %dma_wait3A_891 = tpu.memref_slice %arg9[%add3A_550, %dma_wait3A_890] : memref<160x64xi32, #tpu.memory_space<vmem>> -> memref<1x64xi32, #tpu.memory_space<vmem>>
        %dma_wait3A_892 = tpu.memref_squeeze %dma_wait3A_891 : memref<1x64xi32, #tpu.memory_space<vmem>> -> memref<64xi32, #tpu.memory_space<vmem>>
        %dma_wait3A_893 = arith.constant 0 : i32
        %dma_wait3A_894 = arith.constant 0 : i32
        %dma_wait3A_895 = tpu.memref_slice %arg11[%dma_wait3A_893, %dma_wait3A_894] : memref<10112x128xbf16, #tpu.memory_space<vmem_shared>> -> memref<10112x128xbf16, #tpu.memory_space<vmem_shared>>
        tpu.wait_indirect_dma semaphore(%run_scoped3A_875 : memref<!tpu.dma_semaphore, #tpu.memory_space<semaphore_mem>>) src(%dma_wait3A_889 : memref<64x128xbf16, #tpu.memory_space<vmem>>) dst(%dma_wait3A_895 : memref<10112x128xbf16, #tpu.memory_space<vmem_shared>>)
        tpu.yield
      }) : () -> ()
      %get3A_617 = arith.index_cast %add3A_550 : i32 to index
      %get3A_618 = arith.constant 0 : index
      %get3A_619 = tpu.vector_load %arg9[%get3A_617, %get3A_618] {strides = array<i32>} : memref<160x64xi32, #tpu.memory_space<vmem>>, vector<16xi32>,
      tpu.vector_store_idx %arg13[%get3A_619], %broadcast_in_dim3A_115 {add = true} : memref<10112xf32, #tpu.memory_space<vmem>>[vector<16xi32>], vector<16xf32>,
      %get3A_620 = arith.index_cast %add3A_550 : i32 to index
      %get3A_621 = arith.constant 16 : index
      %get3A_622 = tpu.vector_load %arg9[%get3A_620, %get3A_621] {strides = array<i32>} : memref<160x64xi32, #tpu.memory_space<vmem>>, vector<16xi32>,
      tpu.vector_store_idx %arg13[%get3A_622], %broadcast_in_dim3A_115 {add = true} : memref<10112xf32, #tpu.memory_space<vmem>>[vector<16xi32>], vector<16xf32>,
      %get3A_623 = arith.index_cast %add3A_550 : i32 to index
      %get3A_624 = arith.constant 32 : index
      %get3A_625 = tpu.vector_load %arg9[%get3A_623, %get3A_624] {strides = array<i32>} : memref<160x64xi32, #tpu.memory_space<vmem>>, vector<16xi32>,
      tpu.vector_store_idx %arg13[%get3A_625], %broadcast_in_dim3A_115 {add = true} : memref<10112xf32, #tpu.memory_space<vmem>>[vector<16xi32>], vector<16xf32>,
      %get3A_626 = arith.index_cast %add3A_550 : i32 to index
      %get3A_627 = arith.constant 48 : index
      %get3A_628 = tpu.vector_load %arg9[%get3A_626, %get3A_627] {strides = array<i32>} : memref<160x64xi32, #tpu.memory_space<vmem>>, vector<16xi32>,
      tpu.vector_store_idx %arg13[%get3A_628], %broadcast_in_dim3A_115 {add = true} : memref<10112xf32, #tpu.memory_space<vmem>>[vector<16xi32>], vector<16xf32>,
      %mul3A_629 = arith.constant 8 : i32
      %mul3A_630 = arith.muli %mul3A_629, %scan3A_227 : i32
      %add3A_631 = arith.constant 5 : i32
      %add3A_632 = arith.addi %mul3A_630, %add3A_631 : i32
      %dma_wait3A_633 = arith.constant 5 : i32
      %dma_wait3A_634 = arith.constant 0 : i32
      %dma_wait3A_635 = arith.constant 0 : i32
      %dma_wait3A_636 = tpu.memref_slice %arg10[%dma_wait3A_633, %dma_wait3A_634, %dma_wait3A_635] : memref<8x64x128xbf16, #tpu.memory_space<vmem>> -> memref<1x64x128xbf16, #tpu.memory_space<vmem>>
      %dma_wait3A_637 = tpu.memref_squeeze %dma_wait3A_636 : memref<1x64x128xbf16, #tpu.memory_space<vmem>> -> memref<64x128xbf16, #tpu.memory_space<vmem>>
      %dma_wait3A_638 = arith.constant 0 : i32
      %dma_wait3A_639 = arith.constant 0 : i32
      %dma_wait3A_640 = tpu.memref_slice %arg2[%dma_wait3A_638, %dma_wait3A_639] : memref<10000x128xbf16, #tpu.memory_space<hbm>> -> memref<64x128xbf16, #tpu.memory_space<hbm>>
      %dma_wait3A_641 = arith.constant 0 : i32
      %dma_wait3A_642 = arith.constant 0 : i32
      %dma_wait3A_643 = tpu.memref_slice %arg10[%dma_wait3A_633, %dma_wait3A_641, %dma_wait3A_642] : memref<8x64x128xbf16, #tpu.memory_space<vmem>> -> memref<1x64x128xbf16, #tpu.memory_space<vmem>>
      %dma_wait3A_644 = tpu.memref_squeeze %dma_wait3A_643 : memref<1x64x128xbf16, #tpu.memory_space<vmem>> -> memref<64x128xbf16, #tpu.memory_space<vmem>>
      %dma_wait3A_645 = arith.constant 0 : i32
      %dma_wait3A_646 = arith.constant 0 : i32
      %dma_wait3A_647 = tpu.memref_slice %arg2[%dma_wait3A_645, %dma_wait3A_646] : memref<10000x128xbf16, #tpu.memory_space<hbm>> -> memref<64x128xbf16, #tpu.memory_space<hbm>>
      tpu.wait_dma2 semaphore(%arg12 : memref<!tpu.dma_semaphore, #tpu.memory_space<semaphore_mem>>) src(%dma_wait3A_647 : memref<64x128xbf16, #tpu.memory_space<hbm>>) dst(%dma_wait3A_644 : memref<64x128xbf16, #tpu.memory_space<vmem>>)
      %add3A_648 = arith.constant 8 : i32
      %add3A_649 = arith.addi %add3A_632, %add3A_648 : i32
      %sub3A_650 = arith.constant 1 : i32
      %sub3A_651 = arith.subi %add3A_649, %sub3A_650 : i32
      %jit3A_652 = arith.constant 160 : i32
      %eq3A_653 = arith.constant 0 : i32
      %eq3A_654 = arith.cmpi eq, %jit3A_652, %eq3A_653 : i32
      %jit3A_655 = arith.constant 1 : i32
      %select_n3A_656 = arith.select %eq3A_654, %jit3A_655, %jit3A_652 : i32
      %rem3A_657 = arith.remsi %sub3A_651, %select_n3A_656 : i32
      %ne3A_658 = arith.constant 0 : i32
      %ne3A_659 = arith.cmpi ne, %rem3A_657, %ne3A_658 : i32
      %lt3A_660 = arith.constant 0 : i32
      %lt3A_661 = arith.cmpi slt, %rem3A_657, %lt3A_660 : i32
      %lt3A_662 = arith.constant 0 : i32
      %lt3A_663 = arith.cmpi slt, %select_n3A_656, %lt3A_662 : i32
      %ne3A_664 = arith.xori %lt3A_661, %lt3A_663 : i1
      %and3A_665 = arith.andi %ne3A_664, %ne3A_659 : i1
      %add3A_666 = arith.addi %rem3A_657, %select_n3A_656 : i32
      %select_n3A_667 = arith.select %and3A_665, %add3A_666, %rem3A_657 : i32
      %add3A_668 = arith.constant 8 : i32
      %add3A_669 = arith.addi %add3A_632, %add3A_668 : i32
      %sub3A_670 = arith.constant 1 : i32
      %sub3A_671 = arith.subi %add3A_669, %sub3A_670 : i32
      %jit3A_672 = arith.constant 8 : i32
      %eq3A_673 = arith.constant 0 : i32
      %eq3A_674 = arith.cmpi eq, %jit3A_672, %eq3A_673 : i32
      %jit3A_675 = arith.constant 1 : i32
      %select_n3A_676 = arith.select %eq3A_674, %jit3A_675, %jit3A_672 : i32
      %rem3A_677 = arith.remsi %sub3A_671, %select_n3A_676 : i32
      %ne3A_678 = arith.constant 0 : i32
      %ne3A_679 = arith.cmpi ne, %rem3A_677, %ne3A_678 : i32
      %lt3A_680 = arith.constant 0 : i32
      %lt3A_681 = arith.cmpi slt, %rem3A_677, %lt3A_680 : i32
      %lt3A_682 = arith.constant 0 : i32
      %lt3A_683 = arith.cmpi slt, %select_n3A_676, %lt3A_682 : i32
      %ne3A_684 = arith.xori %lt3A_681, %lt3A_683 : i1
      %and3A_685 = arith.andi %ne3A_684, %ne3A_679 : i1
      %add3A_686 = arith.addi %rem3A_677, %select_n3A_676 : i32
      %select_n3A_687 = arith.select %and3A_685, %add3A_686, %rem3A_677 : i32
      %mul3A_688 = arith.constant 64 : i32
      %mul3A_689 = arith.muli %select_n3A_667, %mul3A_688 : i32
      %dma_start3A_690 = arith.constant 0 : i32
      %dma_start3A_691 = arith.constant 0 : i32
      %dma_start3A_692 = tpu.memref_slice %arg10[%select_n3A_687, %dma_start3A_690, %dma_start3A_691] : memref<8x64x128xbf16, #tpu.memory_space<vmem>> -> memref<1x64x128xbf16, #tpu.memory_space<vmem>>
      %dma_start3A_693 = tpu.memref_squeeze %dma_start3A_692 : memref<1x64x128xbf16, #tpu.memory_space<vmem>> -> memref<64x128xbf16, #tpu.memory_space<vmem>>
      %dma_start3A_694 = tpu.memref_slice %arg8[%mul3A_689] : memref<10240xi32, #tpu.memory_space<vmem>> -> memref<64xi32, #tpu.memory_space<vmem>>
      %dma_start3A_695 = arith.constant 0 : i32
      %dma_start3A_696 = arith.constant 0 : i32
      %dma_start3A_697 = tpu.memref_slice %arg2[%dma_start3A_695, %dma_start3A_696] : memref<10000x128xbf16, #tpu.memory_space<hbm>> -> memref<10000x128xbf16, #tpu.memory_space<hbm>>
      tpu.enqueue_indirect_dma source(%dma_start3A_697 : memref<10000x128xbf16, #tpu.memory_space<hbm>>) target(%dma_start3A_693 : memref<64x128xbf16, #tpu.memory_space<vmem>>) offsets(%dma_start3A_694 : memref<64xi32, #tpu.memory_space<vmem>>) semaphore(%arg12 : memref<!tpu.dma_semaphore, #tpu.memory_space<semaphore_mem>>)
      %run_scoped3A_698 = arith.constant 5 : i32
      "tpu.region"() ({
        %run_scoped3A_875 = tpu.sem_alloc : memref<!tpu.dma_semaphore, #tpu.memory_space<semaphore_mem>>
        %dma_start3A_876 = arith.constant 0 : i32
        %dma_start3A_877 = arith.constant 0 : i32
        %dma_start3A_878 = tpu.memref_slice %arg10[%run_scoped3A_698, %dma_start3A_876, %dma_start3A_877] : memref<8x64x128xbf16, #tpu.memory_space<vmem>> -> memref<1x64x128xbf16, #tpu.memory_space<vmem>>
        %dma_start3A_879 = tpu.memref_squeeze %dma_start3A_878 : memref<1x64x128xbf16, #tpu.memory_space<vmem>> -> memref<64x128xbf16, #tpu.memory_space<vmem>>
        %dma_start3A_880 = arith.constant 0 : i32
        %dma_start3A_881 = tpu.memref_slice %arg9[%add3A_632, %dma_start3A_880] : memref<160x64xi32, #tpu.memory_space<vmem>> -> memref<1x64xi32, #tpu.memory_space<vmem>>
        %dma_start3A_882 = tpu.memref_squeeze %dma_start3A_881 : memref<1x64xi32, #tpu.memory_space<vmem>> -> memref<64xi32, #tpu.memory_space<vmem>>
        %dma_start3A_883 = arith.constant 0 : i32
        %dma_start3A_884 = arith.constant 0 : i32
        %dma_start3A_885 = tpu.memref_slice %arg11[%dma_start3A_883, %dma_start3A_884] : memref<10112x128xbf16, #tpu.memory_space<vmem_shared>> -> memref<10112x128xbf16, #tpu.memory_space<vmem_shared>>
        tpu.enqueue_indirect_dma source(%dma_start3A_879 : memref<64x128xbf16, #tpu.memory_space<vmem>>) target(%dma_start3A_885 : memref<10112x128xbf16, #tpu.memory_space<vmem_shared>>) offsets(%dma_start3A_882 : memref<64xi32, #tpu.memory_space<vmem>>) semaphore(%run_scoped3A_875 : memref<!tpu.dma_semaphore, #tpu.memory_space<semaphore_mem>>) {add = true}
        %dma_wait3A_886 = arith.constant 0 : i32
        %dma_wait3A_887 = arith.constant 0 : i32
        %dma_wait3A_888 = tpu.memref_slice %arg10[%run_scoped3A_698, %dma_wait3A_886, %dma_wait3A_887] : memref<8x64x128xbf16, #tpu.memory_space<vmem>> -> memref<1x64x128xbf16, #tpu.memory_space<vmem>>
        %dma_wait3A_889 = tpu.memref_squeeze %dma_wait3A_888 : memref<1x64x128xbf16, #tpu.memory_space<vmem>> -> memref<64x128xbf16, #tpu.memory_space<vmem>>
        %dma_wait3A_890 = arith.constant 0 : i32
        %dma_wait3A_891 = tpu.memref_slice %arg9[%add3A_632, %dma_wait3A_890] : memref<160x64xi32, #tpu.memory_space<vmem>> -> memref<1x64xi32, #tpu.memory_space<vmem>>
        %dma_wait3A_892 = tpu.memref_squeeze %dma_wait3A_891 : memref<1x64xi32, #tpu.memory_space<vmem>> -> memref<64xi32, #tpu.memory_space<vmem>>
        %dma_wait3A_893 = arith.constant 0 : i32
        %dma_wait3A_894 = arith.constant 0 : i32
        %dma_wait3A_895 = tpu.memref_slice %arg11[%dma_wait3A_893, %dma_wait3A_894] : memref<10112x128xbf16, #tpu.memory_space<vmem_shared>> -> memref<10112x128xbf16, #tpu.memory_space<vmem_shared>>
        tpu.wait_indirect_dma semaphore(%run_scoped3A_875 : memref<!tpu.dma_semaphore, #tpu.memory_space<semaphore_mem>>) src(%dma_wait3A_889 : memref<64x128xbf16, #tpu.memory_space<vmem>>) dst(%dma_wait3A_895 : memref<10112x128xbf16, #tpu.memory_space<vmem_shared>>)
        tpu.yield
      }) : () -> ()
      %get3A_699 = arith.index_cast %add3A_632 : i32 to index
      %get3A_700 = arith.constant 0 : index
      %get3A_701 = tpu.vector_load %arg9[%get3A_699, %get3A_700] {strides = array<i32>} : memref<160x64xi32, #tpu.memory_space<vmem>>, vector<16xi32>,
      tpu.vector_store_idx %arg13[%get3A_701], %broadcast_in_dim3A_115 {add = true} : memref<10112xf32, #tpu.memory_space<vmem>>[vector<16xi32>], vector<16xf32>,
      %get3A_702 = arith.index_cast %add3A_632 : i32 to index
      %get3A_703 = arith.constant 16 : index
      %get3A_704 = tpu.vector_load %arg9[%get3A_702, %get3A_703] {strides = array<i32>} : memref<160x64xi32, #tpu.memory_space<vmem>>, vector<16xi32>,
      tpu.vector_store_idx %arg13[%get3A_704], %broadcast_in_dim3A_115 {add = true} : memref<10112xf32, #tpu.memory_space<vmem>>[vector<16xi32>], vector<16xf32>,
      %get3A_705 = arith.index_cast %add3A_632 : i32 to index
      %get3A_706 = arith.constant 32 : index
      %get3A_707 = tpu.vector_load %arg9[%get3A_705, %get3A_706] {strides = array<i32>} : memref<160x64xi32, #tpu.memory_space<vmem>>, vector<16xi32>,
      tpu.vector_store_idx %arg13[%get3A_707], %broadcast_in_dim3A_115 {add = true} : memref<10112xf32, #tpu.memory_space<vmem>>[vector<16xi32>], vector<16xf32>,
      %get3A_708 = arith.index_cast %add3A_632 : i32 to index
      %get3A_709 = arith.constant 48 : index
      %get3A_710 = tpu.vector_load %arg9[%get3A_708, %get3A_709] {strides = array<i32>} : memref<160x64xi32, #tpu.memory_space<vmem>>, vector<16xi32>,
      tpu.vector_store_idx %arg13[%get3A_710], %broadcast_in_dim3A_115 {add = true} : memref<10112xf32, #tpu.memory_space<vmem>>[vector<16xi32>], vector<16xf32>,
      %mul3A_711 = arith.constant 8 : i32
      %mul3A_712 = arith.muli %mul3A_711, %scan3A_227 : i32
      %add3A_713 = arith.constant 6 : i32
      %add3A_714 = arith.addi %mul3A_712, %add3A_713 : i32
      %dma_wait3A_715 = arith.constant 6 : i32
      %dma_wait3A_716 = arith.constant 0 : i32
      %dma_wait3A_717 = arith.constant 0 : i32
      %dma_wait3A_718 = tpu.memref_slice %arg10[%dma_wait3A_715, %dma_wait3A_716, %dma_wait3A_717] : memref<8x64x128xbf16, #tpu.memory_space<vmem>> -> memref<1x64x128xbf16, #tpu.memory_space<vmem>>
      %dma_wait3A_719 = tpu.memref_squeeze %dma_wait3A_718 : memref<1x64x128xbf16, #tpu.memory_space<vmem>> -> memref<64x128xbf16, #tpu.memory_space<vmem>>
      %dma_wait3A_720 = arith.constant 0 : i32
      %dma_wait3A_721 = arith.constant 0 : i32
      %dma_wait3A_722 = tpu.memref_slice %arg2[%dma_wait3A_720, %dma_wait3A_721] : memref<10000x128xbf16, #tpu.memory_space<hbm>> -> memref<64x128xbf16, #tpu.memory_space<hbm>>
      %dma_wait3A_723 = arith.constant 0 : i32
      %dma_wait3A_724 = arith.constant 0 : i32
      %dma_wait3A_725 = tpu.memref_slice %arg10[%dma_wait3A_715, %dma_wait3A_723, %dma_wait3A_724] : memref<8x64x128xbf16, #tpu.memory_space<vmem>> -> memref<1x64x128xbf16, #tpu.memory_space<vmem>>
      %dma_wait3A_726 = tpu.memref_squeeze %dma_wait3A_725 : memref<1x64x128xbf16, #tpu.memory_space<vmem>> -> memref<64x128xbf16, #tpu.memory_space<vmem>>
      %dma_wait3A_727 = arith.constant 0 : i32
      %dma_wait3A_728 = arith.constant 0 : i32
      %dma_wait3A_729 = tpu.memref_slice %arg2[%dma_wait3A_727, %dma_wait3A_728] : memref<10000x128xbf16, #tpu.memory_space<hbm>> -> memref<64x128xbf16, #tpu.memory_space<hbm>>
      tpu.wait_dma2 semaphore(%arg12 : memref<!tpu.dma_semaphore, #tpu.memory_space<semaphore_mem>>) src(%dma_wait3A_729 : memref<64x128xbf16, #tpu.memory_space<hbm>>) dst(%dma_wait3A_726 : memref<64x128xbf16, #tpu.memory_space<vmem>>)
      %add3A_730 = arith.constant 8 : i32
      %add3A_731 = arith.addi %add3A_714, %add3A_730 : i32
      %sub3A_732 = arith.constant 1 : i32
      %sub3A_733 = arith.subi %add3A_731, %sub3A_732 : i32
      %jit3A_734 = arith.constant 160 : i32
      %eq3A_735 = arith.constant 0 : i32
      %eq3A_736 = arith.cmpi eq, %jit3A_734, %eq3A_735 : i32
      %jit3A_737 = arith.constant 1 : i32
      %select_n3A_738 = arith.select %eq3A_736, %jit3A_737, %jit3A_734 : i32
      %rem3A_739 = arith.remsi %sub3A_733, %select_n3A_738 : i32
      %ne3A_740 = arith.constant 0 : i32
      %ne3A_741 = arith.cmpi ne, %rem3A_739, %ne3A_740 : i32
      %lt3A_742 = arith.constant 0 : i32
      %lt3A_743 = arith.cmpi slt, %rem3A_739, %lt3A_742 : i32
      %lt3A_744 = arith.constant 0 : i32
      %lt3A_745 = arith.cmpi slt, %select_n3A_738, %lt3A_744 : i32
      %ne3A_746 = arith.xori %lt3A_743, %lt3A_745 : i1
      %and3A_747 = arith.andi %ne3A_746, %ne3A_741 : i1
      %add3A_748 = arith.addi %rem3A_739, %select_n3A_738 : i32
      %select_n3A_749 = arith.select %and3A_747, %add3A_748, %rem3A_739 : i32
      %add3A_750 = arith.constant 8 : i32
      %add3A_751 = arith.addi %add3A_714, %add3A_750 : i32
      %sub3A_752 = arith.constant 1 : i32
      %sub3A_753 = arith.subi %add3A_751, %sub3A_752 : i32
      %jit3A_754 = arith.constant 8 : i32
      %eq3A_755 = arith.constant 0 : i32
      %eq3A_756 = arith.cmpi eq, %jit3A_754, %eq3A_755 : i32
      %jit3A_757 = arith.constant 1 : i32
      %select_n3A_758 = arith.select %eq3A_756, %jit3A_757, %jit3A_754 : i32
      %rem3A_759 = arith.remsi %sub3A_753, %select_n3A_758 : i32
      %ne3A_760 = arith.constant 0 : i32
      %ne3A_761 = arith.cmpi ne, %rem3A_759, %ne3A_760 : i32
      %lt3A_762 = arith.constant 0 : i32
      %lt3A_763 = arith.cmpi slt, %rem3A_759, %lt3A_762 : i32
      %lt3A_764 = arith.constant 0 : i32
      %lt3A_765 = arith.cmpi slt, %select_n3A_758, %lt3A_764 : i32
      %ne3A_766 = arith.xori %lt3A_763, %lt3A_765 : i1
      %and3A_767 = arith.andi %ne3A_766, %ne3A_761 : i1
      %add3A_768 = arith.addi %rem3A_759, %select_n3A_758 : i32
      %select_n3A_769 = arith.select %and3A_767, %add3A_768, %rem3A_759 : i32
      %mul3A_770 = arith.constant 64 : i32
      %mul3A_771 = arith.muli %select_n3A_749, %mul3A_770 : i32
      %dma_start3A_772 = arith.constant 0 : i32
      %dma_start3A_773 = arith.constant 0 : i32
      %dma_start3A_774 = tpu.memref_slice %arg10[%select_n3A_769, %dma_start3A_772, %dma_start3A_773] : memref<8x64x128xbf16, #tpu.memory_space<vmem>> -> memref<1x64x128xbf16, #tpu.memory_space<vmem>>
      %dma_start3A_775 = tpu.memref_squeeze %dma_start3A_774 : memref<1x64x128xbf16, #tpu.memory_space<vmem>> -> memref<64x128xbf16, #tpu.memory_space<vmem>>
      %dma_start3A_776 = tpu.memref_slice %arg8[%mul3A_771] : memref<10240xi32, #tpu.memory_space<vmem>> -> memref<64xi32, #tpu.memory_space<vmem>>
      %dma_start3A_777 = arith.constant 0 : i32
      %dma_start3A_778 = arith.constant 0 : i32
      %dma_start3A_779 = tpu.memref_slice %arg2[%dma_start3A_777, %dma_start3A_778] : memref<10000x128xbf16, #tpu.memory_space<hbm>> -> memref<10000x128xbf16, #tpu.memory_space<hbm>>
      tpu.enqueue_indirect_dma source(%dma_start3A_779 : memref<10000x128xbf16, #tpu.memory_space<hbm>>) target(%dma_start3A_775 : memref<64x128xbf16, #tpu.memory_space<vmem>>) offsets(%dma_start3A_776 : memref<64xi32, #tpu.memory_space<vmem>>) semaphore(%arg12 : memref<!tpu.dma_semaphore, #tpu.memory_space<semaphore_mem>>)
      %run_scoped3A_780 = arith.constant 6 : i32
      "tpu.region"() ({
        %run_scoped3A_875 = tpu.sem_alloc : memref<!tpu.dma_semaphore, #tpu.memory_space<semaphore_mem>>
        %dma_start3A_876 = arith.constant 0 : i32
        %dma_start3A_877 = arith.constant 0 : i32
        %dma_start3A_878 = tpu.memref_slice %arg10[%run_scoped3A_780, %dma_start3A_876, %dma_start3A_877] : memref<8x64x128xbf16, #tpu.memory_space<vmem>> -> memref<1x64x128xbf16, #tpu.memory_space<vmem>>
        %dma_start3A_879 = tpu.memref_squeeze %dma_start3A_878 : memref<1x64x128xbf16, #tpu.memory_space<vmem>> -> memref<64x128xbf16, #tpu.memory_space<vmem>>
        %dma_start3A_880 = arith.constant 0 : i32
        %dma_start3A_881 = tpu.memref_slice %arg9[%add3A_714, %dma_start3A_880] : memref<160x64xi32, #tpu.memory_space<vmem>> -> memref<1x64xi32, #tpu.memory_space<vmem>>
        %dma_start3A_882 = tpu.memref_squeeze %dma_start3A_881 : memref<1x64xi32, #tpu.memory_space<vmem>> -> memref<64xi32, #tpu.memory_space<vmem>>
        %dma_start3A_883 = arith.constant 0 : i32
        %dma_start3A_884 = arith.constant 0 : i32
        %dma_start3A_885 = tpu.memref_slice %arg11[%dma_start3A_883, %dma_start3A_884] : memref<10112x128xbf16, #tpu.memory_space<vmem_shared>> -> memref<10112x128xbf16, #tpu.memory_space<vmem_shared>>
        tpu.enqueue_indirect_dma source(%dma_start3A_879 : memref<64x128xbf16, #tpu.memory_space<vmem>>) target(%dma_start3A_885 : memref<10112x128xbf16, #tpu.memory_space<vmem_shared>>) offsets(%dma_start3A_882 : memref<64xi32, #tpu.memory_space<vmem>>) semaphore(%run_scoped3A_875 : memref<!tpu.dma_semaphore, #tpu.memory_space<semaphore_mem>>) {add = true}
        %dma_wait3A_886 = arith.constant 0 : i32
        %dma_wait3A_887 = arith.constant 0 : i32
        %dma_wait3A_888 = tpu.memref_slice %arg10[%run_scoped3A_780, %dma_wait3A_886, %dma_wait3A_887] : memref<8x64x128xbf16, #tpu.memory_space<vmem>> -> memref<1x64x128xbf16, #tpu.memory_space<vmem>>
        %dma_wait3A_889 = tpu.memref_squeeze %dma_wait3A_888 : memref<1x64x128xbf16, #tpu.memory_space<vmem>> -> memref<64x128xbf16, #tpu.memory_space<vmem>>
        %dma_wait3A_890 = arith.constant 0 : i32
        %dma_wait3A_891 = tpu.memref_slice %arg9[%add3A_714, %dma_wait3A_890] : memref<160x64xi32, #tpu.memory_space<vmem>> -> memref<1x64xi32, #tpu.memory_space<vmem>>
        %dma_wait3A_892 = tpu.memref_squeeze %dma_wait3A_891 : memref<1x64xi32, #tpu.memory_space<vmem>> -> memref<64xi32, #tpu.memory_space<vmem>>
        %dma_wait3A_893 = arith.constant 0 : i32
        %dma_wait3A_894 = arith.constant 0 : i32
        %dma_wait3A_895 = tpu.memref_slice %arg11[%dma_wait3A_893, %dma_wait3A_894] : memref<10112x128xbf16, #tpu.memory_space<vmem_shared>> -> memref<10112x128xbf16, #tpu.memory_space<vmem_shared>>
        tpu.wait_indirect_dma semaphore(%run_scoped3A_875 : memref<!tpu.dma_semaphore, #tpu.memory_space<semaphore_mem>>) src(%dma_wait3A_889 : memref<64x128xbf16, #tpu.memory_space<vmem>>) dst(%dma_wait3A_895 : memref<10112x128xbf16, #tpu.memory_space<vmem_shared>>)
        tpu.yield
      }) : () -> ()
      %get3A_781 = arith.index_cast %add3A_714 : i32 to index
      %get3A_782 = arith.constant 0 : index
      %get3A_783 = tpu.vector_load %arg9[%get3A_781, %get3A_782] {strides = array<i32>} : memref<160x64xi32, #tpu.memory_space<vmem>>, vector<16xi32>,
      tpu.vector_store_idx %arg13[%get3A_783], %broadcast_in_dim3A_115 {add = true} : memref<10112xf32, #tpu.memory_space<vmem>>[vector<16xi32>], vector<16xf32>,
      %get3A_784 = arith.index_cast %add3A_714 : i32 to index
      %get3A_785 = arith.constant 16 : index
      %get3A_786 = tpu.vector_load %arg9[%get3A_784, %get3A_785] {strides = array<i32>} : memref<160x64xi32, #tpu.memory_space<vmem>>, vector<16xi32>,
      tpu.vector_store_idx %arg13[%get3A_786], %broadcast_in_dim3A_115 {add = true} : memref<10112xf32, #tpu.memory_space<vmem>>[vector<16xi32>], vector<16xf32>,
      %get3A_787 = arith.index_cast %add3A_714 : i32 to index
      %get3A_788 = arith.constant 32 : index
      %get3A_789 = tpu.vector_load %arg9[%get3A_787, %get3A_788] {strides = array<i32>} : memref<160x64xi32, #tpu.memory_space<vmem>>, vector<16xi32>,
      tpu.vector_store_idx %arg13[%get3A_789], %broadcast_in_dim3A_115 {add = true} : memref<10112xf32, #tpu.memory_space<vmem>>[vector<16xi32>], vector<16xf32>,
      %get3A_790 = arith.index_cast %add3A_714 : i32 to index
      %get3A_791 = arith.constant 48 : index
      %get3A_792 = tpu.vector_load %arg9[%get3A_790, %get3A_791] {strides = array<i32>} : memref<160x64xi32, #tpu.memory_space<vmem>>, vector<16xi32>,
      tpu.vector_store_idx %arg13[%get3A_792], %broadcast_in_dim3A_115 {add = true} : memref<10112xf32, #tpu.memory_space<vmem>>[vector<16xi32>], vector<16xf32>,
      %mul3A_793 = arith.constant 8 : i32
      %mul3A_794 = arith.muli %mul3A_793, %scan3A_227 : i32
      %add3A_795 = arith.constant 7 : i32
      %add3A_796 = arith.addi %mul3A_794, %add3A_795 : i32
      %dma_wait3A_797 = arith.constant 7 : i32
      %dma_wait3A_798 = arith.constant 0 : i32
      %dma_wait3A_799 = arith.constant 0 : i32
      %dma_wait3A_800 = tpu.memref_slice %arg10[%dma_wait3A_797, %dma_wait3A_798, %dma_wait3A_799] : memref<8x64x128xbf16, #tpu.memory_space<vmem>> -> memref<1x64x128xbf16, #tpu.memory_space<vmem>>
      %dma_wait3A_801 = tpu.memref_squeeze %dma_wait3A_800 : memref<1x64x128xbf16, #tpu.memory_space<vmem>> -> memref<64x128xbf16, #tpu.memory_space<vmem>>
      %dma_wait3A_802 = arith.constant 0 : i32
      %dma_wait3A_803 = arith.constant 0 : i32
      %dma_wait3A_804 = tpu.memref_slice %arg2[%dma_wait3A_802, %dma_wait3A_803] : memref<10000x128xbf16, #tpu.memory_space<hbm>> -> memref<64x128xbf16, #tpu.memory_space<hbm>>
      %dma_wait3A_805 = arith.constant 0 : i32
      %dma_wait3A_806 = arith.constant 0 : i32
      %dma_wait3A_807 = tpu.memref_slice %arg10[%dma_wait3A_797, %dma_wait3A_805, %dma_wait3A_806] : memref<8x64x128xbf16, #tpu.memory_space<vmem>> -> memref<1x64x128xbf16, #tpu.memory_space<vmem>>
      %dma_wait3A_808 = tpu.memref_squeeze %dma_wait3A_807 : memref<1x64x128xbf16, #tpu.memory_space<vmem>> -> memref<64x128xbf16, #tpu.memory_space<vmem>>
      %dma_wait3A_809 = arith.constant 0 : i32
      %dma_wait3A_810 = arith.constant 0 : i32
      %dma_wait3A_811 = tpu.memref_slice %arg2[%dma_wait3A_809, %dma_wait3A_810] : memref<10000x128xbf16, #tpu.memory_space<hbm>> -> memref<64x128xbf16, #tpu.memory_space<hbm>>
      tpu.wait_dma2 semaphore(%arg12 : memref<!tpu.dma_semaphore, #tpu.memory_space<semaphore_mem>>) src(%dma_wait3A_811 : memref<64x128xbf16, #tpu.memory_space<hbm>>) dst(%dma_wait3A_808 : memref<64x128xbf16, #tpu.memory_space<vmem>>)
      %add3A_812 = arith.constant 8 : i32
      %add3A_813 = arith.addi %add3A_796, %add3A_812 : i32
      %sub3A_814 = arith.constant 1 : i32
      %sub3A_815 = arith.subi %add3A_813, %sub3A_814 : i32
      %jit3A_816 = arith.constant 160 : i32
      %eq3A_817 = arith.constant 0 : i32
      %eq3A_818 = arith.cmpi eq, %jit3A_816, %eq3A_817 : i32
      %jit3A_819 = arith.constant 1 : i32
      %select_n3A_820 = arith.select %eq3A_818, %jit3A_819, %jit3A_816 : i32
      %rem3A_821 = arith.remsi %sub3A_815, %select_n3A_820 : i32
      %ne3A_822 = arith.constant 0 : i32
      %ne3A_823 = arith.cmpi ne, %rem3A_821, %ne3A_822 : i32
      %lt3A_824 = arith.constant 0 : i32
      %lt3A_825 = arith.cmpi slt, %rem3A_821, %lt3A_824 : i32
      %lt3A_826 = arith.constant 0 : i32
      %lt3A_827 = arith.cmpi slt, %select_n3A_820, %lt3A_826 : i32
      %ne3A_828 = arith.xori %lt3A_825, %lt3A_827 : i1
      %and3A_829 = arith.andi %ne3A_828, %ne3A_823 : i1
      %add3A_830 = arith.addi %rem3A_821, %select_n3A_820 : i32
      %select_n3A_831 = arith.select %and3A_829, %add3A_830, %rem3A_821 : i32
      %add3A_832 = arith.constant 8 : i32
      %add3A_833 = arith.addi %add3A_796, %add3A_832 : i32
      %sub3A_834 = arith.constant 1 : i32
      %sub3A_835 = arith.subi %add3A_833, %sub3A_834 : i32
      %jit3A_836 = arith.constant 8 : i32
      %eq3A_837 = arith.constant 0 : i32
      %eq3A_838 = arith.cmpi eq, %jit3A_836, %eq3A_837 : i32
      %jit3A_839 = arith.constant 1 : i32
      %select_n3A_840 = arith.select %eq3A_838, %jit3A_839, %jit3A_836 : i32
      %rem3A_841 = arith.remsi %sub3A_835, %select_n3A_840 : i32
      %ne3A_842 = arith.constant 0 : i32
      %ne3A_843 = arith.cmpi ne, %rem3A_841, %ne3A_842 : i32
      %lt3A_844 = arith.constant 0 : i32
      %lt3A_845 = arith.cmpi slt, %rem3A_841, %lt3A_844 : i32
      %lt3A_846 = arith.constant 0 : i32
      %lt3A_847 = arith.cmpi slt, %select_n3A_840, %lt3A_846 : i32
      %ne3A_848 = arith.xori %lt3A_845, %lt3A_847 : i1
      %and3A_849 = arith.andi %ne3A_848, %ne3A_843 : i1
      %add3A_850 = arith.addi %rem3A_841, %select_n3A_840 : i32
      %select_n3A_851 = arith.select %and3A_849, %add3A_850, %rem3A_841 : i32
      %mul3A_852 = arith.constant 64 : i32
      %mul3A_853 = arith.muli %select_n3A_831, %mul3A_852 : i32
      %dma_start3A_854 = arith.constant 0 : i32
      %dma_start3A_855 = arith.constant 0 : i32
      %dma_start3A_856 = tpu.memref_slice %arg10[%select_n3A_851, %dma_start3A_854, %dma_start3A_855] : memref<8x64x128xbf16, #tpu.memory_space<vmem>> -> memref<1x64x128xbf16, #tpu.memory_space<vmem>>
      %dma_start3A_857 = tpu.memref_squeeze %dma_start3A_856 : memref<1x64x128xbf16, #tpu.memory_space<vmem>> -> memref<64x128xbf16, #tpu.memory_space<vmem>>
      %dma_start3A_858 = tpu.memref_slice %arg8[%mul3A_853] : memref<10240xi32, #tpu.memory_space<vmem>> -> memref<64xi32, #tpu.memory_space<vmem>>
      %dma_start3A_859 = arith.constant 0 : i32
      %dma_start3A_860 = arith.constant 0 : i32
      %dma_start3A_861 = tpu.memref_slice %arg2[%dma_start3A_859, %dma_start3A_860] : memref<10000x128xbf16, #tpu.memory_space<hbm>> -> memref<10000x128xbf16, #tpu.memory_space<hbm>>
      tpu.enqueue_indirect_dma source(%dma_start3A_861 : memref<10000x128xbf16, #tpu.memory_space<hbm>>) target(%dma_start3A_857 : memref<64x128xbf16, #tpu.memory_space<vmem>>) offsets(%dma_start3A_858 : memref<64xi32, #tpu.memory_space<vmem>>) semaphore(%arg12 : memref<!tpu.dma_semaphore, #tpu.memory_space<semaphore_mem>>)
      %run_scoped3A_862 = arith.constant 7 : i32
      "tpu.region"() ({
        %run_scoped3A_875 = tpu.sem_alloc : memref<!tpu.dma_semaphore, #tpu.memory_space<semaphore_mem>>
        %dma_start3A_876 = arith.constant 0 : i32
        %dma_start3A_877 = arith.constant 0 : i32
        %dma_start3A_878 = tpu.memref_slice %arg10[%run_scoped3A_862, %dma_start3A_876, %dma_start3A_877] : memref<8x64x128xbf16, #tpu.memory_space<vmem>> -> memref<1x64x128xbf16, #tpu.memory_space<vmem>>
        %dma_start3A_879 = tpu.memref_squeeze %dma_start3A_878 : memref<1x64x128xbf16, #tpu.memory_space<vmem>> -> memref<64x128xbf16, #tpu.memory_space<vmem>>
        %dma_start3A_880 = arith.constant 0 : i32
        %dma_start3A_881 = tpu.memref_slice %arg9[%add3A_796, %dma_start3A_880] : memref<160x64xi32, #tpu.memory_space<vmem>> -> memref<1x64xi32, #tpu.memory_space<vmem>>
        %dma_start3A_882 = tpu.memref_squeeze %dma_start3A_881 : memref<1x64xi32, #tpu.memory_space<vmem>> -> memref<64xi32, #tpu.memory_space<vmem>>
        %dma_start3A_883 = arith.constant 0 : i32
        %dma_start3A_884 = arith.constant 0 : i32
        %dma_start3A_885 = tpu.memref_slice %arg11[%dma_start3A_883, %dma_start3A_884] : memref<10112x128xbf16, #tpu.memory_space<vmem_shared>> -> memref<10112x128xbf16, #tpu.memory_space<vmem_shared>>
        tpu.enqueue_indirect_dma source(%dma_start3A_879 : memref<64x128xbf16, #tpu.memory_space<vmem>>) target(%dma_start3A_885 : memref<10112x128xbf16, #tpu.memory_space<vmem_shared>>) offsets(%dma_start3A_882 : memref<64xi32, #tpu.memory_space<vmem>>) semaphore(%run_scoped3A_875 : memref<!tpu.dma_semaphore, #tpu.memory_space<semaphore_mem>>) {add = true}
        %dma_wait3A_886 = arith.constant 0 : i32
        %dma_wait3A_887 = arith.constant 0 : i32
        %dma_wait3A_888 = tpu.memref_slice %arg10[%run_scoped3A_862, %dma_wait3A_886, %dma_wait3A_887] : memref<8x64x128xbf16, #tpu.memory_space<vmem>> -> memref<1x64x128xbf16, #tpu.memory_space<vmem>>
        %dma_wait3A_889 = tpu.memref_squeeze %dma_wait3A_888 : memref<1x64x128xbf16, #tpu.memory_space<vmem>> -> memref<64x128xbf16, #tpu.memory_space<vmem>>
        %dma_wait3A_890 = arith.constant 0 : i32
        %dma_wait3A_891 = tpu.memref_slice %arg9[%add3A_796, %dma_wait3A_890] : memref<160x64xi32, #tpu.memory_space<vmem>> -> memref<1x64xi32, #tpu.memory_space<vmem>>
        %dma_wait3A_892 = tpu.memref_squeeze %dma_wait3A_891 : memref<1x64xi32, #tpu.memory_space<vmem>> -> memref<64xi32, #tpu.memory_space<vmem>>
        %dma_wait3A_893 = arith.constant 0 : i32
        %dma_wait3A_894 = arith.constant 0 : i32
        %dma_wait3A_895 = tpu.memref_slice %arg11[%dma_wait3A_893, %dma_wait3A_894] : memref<10112x128xbf16, #tpu.memory_space<vmem_shared>> -> memref<10112x128xbf16, #tpu.memory_space<vmem_shared>>
        tpu.wait_indirect_dma semaphore(%run_scoped3A_875 : memref<!tpu.dma_semaphore, #tpu.memory_space<semaphore_mem>>) src(%dma_wait3A_889 : memref<64x128xbf16, #tpu.memory_space<vmem>>) dst(%dma_wait3A_895 : memref<10112x128xbf16, #tpu.memory_space<vmem_shared>>)
        tpu.yield
      }) : () -> ()
      %get3A_863 = arith.index_cast %add3A_796 : i32 to index
      %get3A_864 = arith.constant 0 : index
      %get3A_865 = tpu.vector_load %arg9[%get3A_863, %get3A_864] {strides = array<i32>} : memref<160x64xi32, #tpu.memory_space<vmem>>, vector<16xi32>,
      tpu.vector_store_idx %arg13[%get3A_865], %broadcast_in_dim3A_115 {add = true} : memref<10112xf32, #tpu.memory_space<vmem>>[vector<16xi32>], vector<16xf32>,
      %get3A_866 = arith.index_cast %add3A_796 : i32 to index
      %get3A_867 = arith.constant 16 : index
      %get3A_868 = tpu.vector_load %arg9[%get3A_866, %get3A_867] {strides = array<i32>} : memref<160x64xi32, #tpu.memory_space<vmem>>, vector<16xi32>,
      tpu.vector_store_idx %arg13[%get3A_868], %broadcast_in_dim3A_115 {add = true} : memref<10112xf32, #tpu.memory_space<vmem>>[vector<16xi32>], vector<16xf32>,
      %get3A_869 = arith.index_cast %add3A_796 : i32 to index
      %get3A_870 = arith.constant 32 : index
      %get3A_871 = tpu.vector_load %arg9[%get3A_869, %get3A_870] {strides = array<i32>} : memref<160x64xi32, #tpu.memory_space<vmem>>, vector<16xi32>,
      tpu.vector_store_idx %arg13[%get3A_871], %broadcast_in_dim3A_115 {add = true} : memref<10112xf32, #tpu.memory_space<vmem>>[vector<16xi32>], vector<16xf32>,
      %get3A_872 = arith.index_cast %add3A_796 : i32 to index
      %get3A_873 = arith.constant 48 : index
      %get3A_874 = tpu.vector_load %arg9[%get3A_872, %get3A_873] {strides = array<i32>} : memref<160x64xi32, #tpu.memory_space<vmem>>, vector<16xi32>,
      tpu.vector_store_idx %arg13[%get3A_874], %broadcast_in_dim3A_115 {add = true} : memref<10112xf32, #tpu.memory_space<vmem>>[vector<16xi32>], vector<16xf32>,
    }
    %scan3A_121 = arith.constant 20 : i32
    %dma_wait3A = arith.constant 0 : i32
    %dma_wait3A_122 = arith.constant 0 : i32
    %dma_wait3A_123 = arith.constant 0 : i32
    %dma_wait3A_124 = tpu.memref_slice %arg10[%dma_wait3A, %dma_wait3A_122, %dma_wait3A_123] : memref<8x64x128xbf16, #tpu.memory_space<vmem>> -> memref<1x64x128xbf16, #tpu.memory_space<vmem>>
    %dma_wait3A_125 = tpu.memref_squeeze %dma_wait3A_124 : memref<1x64x128xbf16, #tpu.memory_space<vmem>> -> memref<64x128xbf16, #tpu.memory_space<vmem>>
    %dma_wait3A_126 = arith.constant 0 : i32
    %dma_wait3A_127 = arith.constant 0 : i32
    %dma_wait3A_128 = tpu.memref_slice %arg2[%dma_wait3A_126, %dma_wait3A_127] : memref<10000x128xbf16, #tpu.memory_space<hbm>> -> memref<64x128xbf16, #tpu.memory_space<hbm>>
    %dma_wait3A_129 = arith.constant 0 : i32
    %dma_wait3A_130 = arith.constant 0 : i32
    %dma_wait3A_131 = tpu.memref_slice %arg10[%dma_wait3A, %dma_wait3A_129, %dma_wait3A_130] : memref<8x64x128xbf16, #tpu.memory_space<vmem>> -> memref<1x64x128xbf16, #tpu.memory_space<vmem>>
    %dma_wait3A_132 = tpu.memref_squeeze %dma_wait3A_131 : memref<1x64x128xbf16, #tpu.memory_space<vmem>> -> memref<64x128xbf16, #tpu.memory_space<vmem>>
    %dma_wait3A_133 = arith.constant 0 : i32
    %dma_wait3A_134 = arith.constant 0 : i32
    %dma_wait3A_135 = tpu.memref_slice %arg2[%dma_wait3A_133, %dma_wait3A_134] : memref<10000x128xbf16, #tpu.memory_space<hbm>> -> memref<64x128xbf16, #tpu.memory_space<hbm>>
    tpu.wait_dma2 semaphore(%arg12 : memref<!tpu.dma_semaphore, #tpu.memory_space<semaphore_mem>>) src(%dma_wait3A_135 : memref<64x128xbf16, #tpu.memory_space<hbm>>) dst(%dma_wait3A_132 : memref<64x128xbf16, #tpu.memory_space<vmem>>)
    %dma_wait3A_136 = arith.constant 1 : i32
    %dma_wait3A_137 = arith.constant 0 : i32
    %dma_wait3A_138 = arith.constant 0 : i32
    %dma_wait3A_139 = tpu.memref_slice %arg10[%dma_wait3A_136, %dma_wait3A_137, %dma_wait3A_138] : memref<8x64x128xbf16, #tpu.memory_space<vmem>> -> memref<1x64x128xbf16, #tpu.memory_space<vmem>>
    %dma_wait3A_140 = tpu.memref_squeeze %dma_wait3A_139 : memref<1x64x128xbf16, #tpu.memory_space<vmem>> -> memref<64x128xbf16, #tpu.memory_space<vmem>>
    %dma_wait3A_141 = arith.constant 0 : i32
    %dma_wait3A_142 = arith.constant 0 : i32
    %dma_wait3A_143 = tpu.memref_slice %arg2[%dma_wait3A_141, %dma_wait3A_142] : memref<10000x128xbf16, #tpu.memory_space<hbm>> -> memref<64x128xbf16, #tpu.memory_space<hbm>>
    %dma_wait3A_144 = arith.constant 0 : i32
    %dma_wait3A_145 = arith.constant 0 : i32
    %dma_wait3A_146 = tpu.memref_slice %arg10[%dma_wait3A_136, %dma_wait3A_144, %dma_wait3A_145] : memref<8x64x128xbf16, #tpu.memory_space<vmem>> -> memref<1x64x128xbf16, #tpu.memory_space<vmem>>
    %dma_wait3A_147 = tpu.memref_squeeze %dma_wait3A_146 : memref<1x64x128xbf16, #tpu.memory_space<vmem>> -> memref<64x128xbf16, #tpu.memory_space<vmem>>
    %dma_wait3A_148 = arith.constant 0 : i32
    %dma_wait3A_149 = arith.constant 0 : i32
    %dma_wait3A_150 = tpu.memref_slice %arg2[%dma_wait3A_148, %dma_wait3A_149] : memref<10000x128xbf16, #tpu.memory_space<hbm>> -> memref<64x128xbf16, #tpu.memory_space<hbm>>
    tpu.wait_dma2 semaphore(%arg12 : memref<!tpu.dma_semaphore, #tpu.memory_space<semaphore_mem>>) src(%dma_wait3A_150 : memref<64x128xbf16, #tpu.memory_space<hbm>>) dst(%dma_wait3A_147 : memref<64x128xbf16, #tpu.memory_space<vmem>>)
    %dma_wait3A_151 = arith.constant 2 : i32
    %dma_wait3A_152 = arith.constant 0 : i32
    %dma_wait3A_153 = arith.constant 0 : i32
    %dma_wait3A_154 = tpu.memref_slice %arg10[%dma_wait3A_151, %dma_wait3A_152, %dma_wait3A_153] : memref<8x64x128xbf16, #tpu.memory_space<vmem>> -> memref<1x64x128xbf16, #tpu.memory_space<vmem>>
    %dma_wait3A_155 = tpu.memref_squeeze %dma_wait3A_154 : memref<1x64x128xbf16, #tpu.memory_space<vmem>> -> memref<64x128xbf16, #tpu.memory_space<vmem>>
    %dma_wait3A_156 = arith.constant 0 : i32
    %dma_wait3A_157 = arith.constant 0 : i32
    %dma_wait3A_158 = tpu.memref_slice %arg2[%dma_wait3A_156, %dma_wait3A_157] : memref<10000x128xbf16, #tpu.memory_space<hbm>> -> memref<64x128xbf16, #tpu.memory_space<hbm>>
    %dma_wait3A_159 = arith.constant 0 : i32
    %dma_wait3A_160 = arith.constant 0 : i32
    %dma_wait3A_161 = tpu.memref_slice %arg10[%dma_wait3A_151, %dma_wait3A_159, %dma_wait3A_160] : memref<8x64x128xbf16, #tpu.memory_space<vmem>> -> memref<1x64x128xbf16, #tpu.memory_space<vmem>>
    %dma_wait3A_162 = tpu.memref_squeeze %dma_wait3A_161 : memref<1x64x128xbf16, #tpu.memory_space<vmem>> -> memref<64x128xbf16, #tpu.memory_space<vmem>>
    %dma_wait3A_163 = arith.constant 0 : i32
    %dma_wait3A_164 = arith.constant 0 : i32
    %dma_wait3A_165 = tpu.memref_slice %arg2[%dma_wait3A_163, %dma_wait3A_164] : memref<10000x128xbf16, #tpu.memory_space<hbm>> -> memref<64x128xbf16, #tpu.memory_space<hbm>>
    tpu.wait_dma2 semaphore(%arg12 : memref<!tpu.dma_semaphore, #tpu.memory_space<semaphore_mem>>) src(%dma_wait3A_165 : memref<64x128xbf16, #tpu.memory_space<hbm>>) dst(%dma_wait3A_162 : memref<64x128xbf16, #tpu.memory_space<vmem>>)
    %dma_wait3A_166 = arith.constant 3 : i32
    %dma_wait3A_167 = arith.constant 0 : i32
    %dma_wait3A_168 = arith.constant 0 : i32
    %dma_wait3A_169 = tpu.memref_slice %arg10[%dma_wait3A_166, %dma_wait3A_167, %dma_wait3A_168] : memref<8x64x128xbf16, #tpu.memory_space<vmem>> -> memref<1x64x128xbf16, #tpu.memory_space<vmem>>
    %dma_wait3A_170 = tpu.memref_squeeze %dma_wait3A_169 : memref<1x64x128xbf16, #tpu.memory_space<vmem>> -> memref<64x128xbf16, #tpu.memory_space<vmem>>
    %dma_wait3A_171 = arith.constant 0 : i32
    %dma_wait3A_172 = arith.constant 0 : i32
    %dma_wait3A_173 = tpu.memref_slice %arg2[%dma_wait3A_171, %dma_wait3A_172] : memref<10000x128xbf16, #tpu.memory_space<hbm>> -> memref<64x128xbf16, #tpu.memory_space<hbm>>
    %dma_wait3A_174 = arith.constant 0 : i32
    %dma_wait3A_175 = arith.constant 0 : i32
    %dma_wait3A_176 = tpu.memref_slice %arg10[%dma_wait3A_166, %dma_wait3A_174, %dma_wait3A_175] : memref<8x64x128xbf16, #tpu.memory_space<vmem>> -> memref<1x64x128xbf16, #tpu.memory_space<vmem>>
    %dma_wait3A_177 = tpu.memref_squeeze %dma_wait3A_176 : memref<1x64x128xbf16, #tpu.memory_space<vmem>> -> memref<64x128xbf16, #tpu.memory_space<vmem>>
    %dma_wait3A_178 = arith.constant 0 : i32
    %dma_wait3A_179 = arith.constant 0 : i32
    %dma_wait3A_180 = tpu.memref_slice %arg2[%dma_wait3A_178, %dma_wait3A_179] : memref<10000x128xbf16, #tpu.memory_space<hbm>> -> memref<64x128xbf16, #tpu.memory_space<hbm>>
    tpu.wait_dma2 semaphore(%arg12 : memref<!tpu.dma_semaphore, #tpu.memory_space<semaphore_mem>>) src(%dma_wait3A_180 : memref<64x128xbf16, #tpu.memory_space<hbm>>) dst(%dma_wait3A_177 : memref<64x128xbf16, #tpu.memory_space<vmem>>)
    %dma_wait3A_181 = arith.constant 4 : i32
    %dma_wait3A_182 = arith.constant 0 : i32
    %dma_wait3A_183 = arith.constant 0 : i32
    %dma_wait3A_184 = tpu.memref_slice %arg10[%dma_wait3A_181, %dma_wait3A_182, %dma_wait3A_183] : memref<8x64x128xbf16, #tpu.memory_space<vmem>> -> memref<1x64x128xbf16, #tpu.memory_space<vmem>>
    %dma_wait3A_185 = tpu.memref_squeeze %dma_wait3A_184 : memref<1x64x128xbf16, #tpu.memory_space<vmem>> -> memref<64x128xbf16, #tpu.memory_space<vmem>>
    %dma_wait3A_186 = arith.constant 0 : i32
    %dma_wait3A_187 = arith.constant 0 : i32
    %dma_wait3A_188 = tpu.memref_slice %arg2[%dma_wait3A_186, %dma_wait3A_187] : memref<10000x128xbf16, #tpu.memory_space<hbm>> -> memref<64x128xbf16, #tpu.memory_space<hbm>>
    %dma_wait3A_189 = arith.constant 0 : i32
    %dma_wait3A_190 = arith.constant 0 : i32
    %dma_wait3A_191 = tpu.memref_slice %arg10[%dma_wait3A_181, %dma_wait3A_189, %dma_wait3A_190] : memref<8x64x128xbf16, #tpu.memory_space<vmem>> -> memref<1x64x128xbf16, #tpu.memory_space<vmem>>
    %dma_wait3A_192 = tpu.memref_squeeze %dma_wait3A_191 : memref<1x64x128xbf16, #tpu.memory_space<vmem>> -> memref<64x128xbf16, #tpu.memory_space<vmem>>
    %dma_wait3A_193 = arith.constant 0 : i32
    %dma_wait3A_194 = arith.constant 0 : i32
    %dma_wait3A_195 = tpu.memref_slice %arg2[%dma_wait3A_193, %dma_wait3A_194] : memref<10000x128xbf16, #tpu.memory_space<hbm>> -> memref<64x128xbf16, #tpu.memory_space<hbm>>
    tpu.wait_dma2 semaphore(%arg12 : memref<!tpu.dma_semaphore, #tpu.memory_space<semaphore_mem>>) src(%dma_wait3A_195 : memref<64x128xbf16, #tpu.memory_space<hbm>>) dst(%dma_wait3A_192 : memref<64x128xbf16, #tpu.memory_space<vmem>>)
    %dma_wait3A_196 = arith.constant 5 : i32
    %dma_wait3A_197 = arith.constant 0 : i32
    %dma_wait3A_198 = arith.constant 0 : i32
    %dma_wait3A_199 = tpu.memref_slice %arg10[%dma_wait3A_196, %dma_wait3A_197, %dma_wait3A_198] : memref<8x64x128xbf16, #tpu.memory_space<vmem>> -> memref<1x64x128xbf16, #tpu.memory_space<vmem>>
    %dma_wait3A_200 = tpu.memref_squeeze %dma_wait3A_199 : memref<1x64x128xbf16, #tpu.memory_space<vmem>> -> memref<64x128xbf16, #tpu.memory_space<vmem>>
    %dma_wait3A_201 = arith.constant 0 : i32
    %dma_wait3A_202 = arith.constant 0 : i32
    %dma_wait3A_203 = tpu.memref_slice %arg2[%dma_wait3A_201, %dma_wait3A_202] : memref<10000x128xbf16, #tpu.memory_space<hbm>> -> memref<64x128xbf16, #tpu.memory_space<hbm>>
    %dma_wait3A_204 = arith.constant 0 : i32
    %dma_wait3A_205 = arith.constant 0 : i32
    %dma_wait3A_206 = tpu.memref_slice %arg10[%dma_wait3A_196, %dma_wait3A_204, %dma_wait3A_205] : memref<8x64x128xbf16, #tpu.memory_space<vmem>> -> memref<1x64x128xbf16, #tpu.memory_space<vmem>>
    %dma_wait3A_207 = tpu.memref_squeeze %dma_wait3A_206 : memref<1x64x128xbf16, #tpu.memory_space<vmem>> -> memref<64x128xbf16, #tpu.memory_space<vmem>>
    %dma_wait3A_208 = arith.constant 0 : i32
    %dma_wait3A_209 = arith.constant 0 : i32
    %dma_wait3A_210 = tpu.memref_slice %arg2[%dma_wait3A_208, %dma_wait3A_209] : memref<10000x128xbf16, #tpu.memory_space<hbm>> -> memref<64x128xbf16, #tpu.memory_space<hbm>>
    tpu.wait_dma2 semaphore(%arg12 : memref<!tpu.dma_semaphore, #tpu.memory_space<semaphore_mem>>) src(%dma_wait3A_210 : memref<64x128xbf16, #tpu.memory_space<hbm>>) dst(%dma_wait3A_207 : memref<64x128xbf16, #tpu.memory_space<vmem>>)
    %dma_wait3A_211 = arith.constant 6 : i32
    %dma_wait3A_212 = arith.constant 0 : i32
    %dma_wait3A_213 = arith.constant 0 : i32
    %dma_wait3A_214 = tpu.memref_slice %arg10[%dma_wait3A_211, %dma_wait3A_212, %dma_wait3A_213] : memref<8x64x128xbf16, #tpu.memory_space<vmem>> -> memref<1x64x128xbf16, #tpu.memory_space<vmem>>
    %dma_wait3A_215 = tpu.memref_squeeze %dma_wait3A_214 : memref<1x64x128xbf16, #tpu.memory_space<vmem>> -> memref<64x128xbf16, #tpu.memory_space<vmem>>
    %dma_wait3A_216 = arith.constant 0 : i32
    %dma_wait3A_217 = arith.constant 0 : i32
    %dma_wait3A_218 = tpu.memref_slice %arg2[%dma_wait3A_216, %dma_wait3A_217] : memref<10000x128xbf16, #tpu.memory_space<hbm>> -> memref<64x128xbf16, #tpu.memory_space<hbm>>
    %dma_wait3A_219 = arith.constant 0 : i32
    %dma_wait3A_220 = arith.constant 0 : i32
    %dma_wait3A_221 = tpu.memref_slice %arg10[%dma_wait3A_211, %dma_wait3A_219, %dma_wait3A_220] : memref<8x64x128xbf16, #tpu.memory_space<vmem>> -> memref<1x64x128xbf16, #tpu.memory_space<vmem>>
    %dma_wait3A_222 = tpu.memref_squeeze %dma_wait3A_221 : memref<1x64x128xbf16, #tpu.memory_space<vmem>> -> memref<64x128xbf16, #tpu.memory_space<vmem>>
    %dma_wait3A_223 = arith.constant 0 : i32
    %dma_wait3A_224 = arith.constant 0 : i32
    %dma_wait3A_225 = tpu.memref_slice %arg2[%dma_wait3A_223, %dma_wait3A_224] : memref<10000x128xbf16, #tpu.memory_space<hbm>> -> memref<64x128xbf16, #tpu.memory_space<hbm>>
    tpu.wait_dma2 semaphore(%arg12 : memref<!tpu.dma_semaphore, #tpu.memory_space<semaphore_mem>>) src(%dma_wait3A_225 : memref<64x128xbf16, #tpu.memory_space<hbm>>) dst(%dma_wait3A_222 : memref<64x128xbf16, #tpu.memory_space<vmem>>)
    %barrier3A_226 = arith.constant 0 : index
    tpu.barrier barrier_id(%barrier3A_226)
    "tpu.region"() ({
      %run_scoped3A_227 = tpu.sem_alloc : memref<!tpu.dma_semaphore, #tpu.memory_space<semaphore_mem>>
      %dma_start3A_228 = arith.constant 0 : i32
      %dma_start3A_229 = tpu.memref_slice %arg6[%arg0, %mul3A_2, %dma_start3A_228] : memref<2x10112x128xbf16, #tpu.memory_space<hbm>> -> memref<1x632x128xbf16, #tpu.memory_space<hbm>>
      %dma_start3A_230 = tpu.memref_squeeze %dma_start3A_229 : memref<1x632x128xbf16, #tpu.memory_space<hbm>> -> memref<632x128xbf16, #tpu.memory_space<hbm>>
      %dma_start3A_231 = arith.constant 0 : i32
      %dma_start3A_232 = tpu.memref_slice %arg11[%mul3A_2, %dma_start3A_231] : memref<10112x128xbf16, #tpu.memory_space<vmem_shared>> -> memref<632x128xbf16, #tpu.memory_space<vmem_shared>>
      tpu.enqueue_dma source(%dma_start3A_232 : memref<632x128xbf16, #tpu.memory_space<vmem_shared>>) target(%dma_start3A_230 : memref<632x128xbf16, #tpu.memory_space<hbm>>) target_semaphore(%run_scoped3A_227 : memref<!tpu.dma_semaphore, #tpu.memory_space<semaphore_mem>>)
      %dma_wait3A_233 = arith.constant 0 : i32
      %dma_wait3A_234 = tpu.memref_slice %arg6[%arg0, %mul3A_2, %dma_wait3A_233] : memref<2x10112x128xbf16, #tpu.memory_space<hbm>> -> memref<1x632x128xbf16, #tpu.memory_space<hbm>>
      %dma_wait3A_235 = tpu.memref_squeeze %dma_wait3A_234 : memref<1x632x128xbf16, #tpu.memory_space<hbm>> -> memref<632x128xbf16, #tpu.memory_space<hbm>>
      %dma_wait3A_236 = arith.constant 0 : i32
      %dma_wait3A_237 = tpu.memref_slice %arg11[%mul3A_2, %dma_wait3A_236] : memref<10112x128xbf16, #tpu.memory_space<vmem_shared>> -> memref<632x128xbf16, #tpu.memory_space<vmem_shared>>
      tpu.wait_dma2 semaphore(%run_scoped3A_227 : memref<!tpu.dma_semaphore, #tpu.memory_space<semaphore_mem>>) src(%dma_wait3A_237 : memref<632x128xbf16, #tpu.memory_space<vmem_shared>>) dst(%dma_wait3A_235 : memref<632x128xbf16, #tpu.memory_space<hbm>>)
      tpu.yield
    }) : () -> ()
    "tpu.region"() ({
      %run_scoped3A_227 = tpu.sem_alloc : memref<!tpu.dma_semaphore, #tpu.memory_space<semaphore_mem>>
      %dma_start3A_228 = arith.constant 0 : i32
      %dma_start3A_229 = tpu.memref_slice %arg7[%add3A, %dma_start3A_228] : memref<32x10112xf32, #tpu.memory_space<hbm>> -> memref<1x10112xf32, #tpu.memory_space<hbm>>
      %dma_start3A_230 = tpu.memref_squeeze %dma_start3A_229 : memref<1x10112xf32, #tpu.memory_space<hbm>> -> memref<10112xf32, #tpu.memory_space<hbm>>
      %dma_start3A_231 = arith.constant 0 : i32
      %dma_start3A_232 = tpu.memref_slice %arg7[%add3A, %dma_start3A_231] : memref<32x10112xf32, #tpu.memory_space<hbm>> -> memref<1x10112xf32, #tpu.memory_space<hbm>>
      %dma_start3A_233 = tpu.memref_squeeze %dma_start3A_232 : memref<1x10112xf32, #tpu.memory_space<hbm>> -> memref<10112xf32, #tpu.memory_space<hbm>>
      tpu.enqueue_dma source(%arg13 : memref<10112xf32, #tpu.memory_space<vmem>>) target(%dma_start3A_233 : memref<10112xf32, #tpu.memory_space<hbm>>) target_semaphore(%run_scoped3A_227 : memref<!tpu.dma_semaphore, #tpu.memory_space<semaphore_mem>>)
      %dma_wait3A_234 = arith.constant 0 : i32
      %dma_wait3A_235 = tpu.memref_slice %arg7[%add3A, %dma_wait3A_234] : memref<32x10112xf32, #tpu.memory_space<hbm>> -> memref<1x10112xf32, #tpu.memory_space<hbm>>
      %dma_wait3A_236 = tpu.memref_squeeze %dma_wait3A_235 : memref<1x10112xf32, #tpu.memory_space<hbm>> -> memref<10112xf32, #tpu.memory_space<hbm>>
      %dma_wait3A_237 = arith.constant 0 : i32
      %dma_wait3A_238 = tpu.memref_slice %arg7[%add3A, %dma_wait3A_237] : memref<32x10112xf32, #tpu.memory_space<hbm>> -> memref<1x10112xf32, #tpu.memory_space<hbm>>
      %dma_wait3A_239 = tpu.memref_squeeze %dma_wait3A_238 : memref<1x10112xf32, #tpu.memory_space<hbm>> -> memref<10112xf32, #tpu.memory_space<hbm>>
      tpu.wait_dma2 semaphore(%run_scoped3A_227 : memref<!tpu.dma_semaphore, #tpu.memory_space<semaphore_mem>>) src(%arg13 : memref<10112xf32, #tpu.memory_space<vmem>>) dst(%dma_wait3A_239 : memref<10112xf32, #tpu.memory_space<hbm>>)
      tpu.yield
    }) : () -> ()
    return
  }
}

module attributes {stable_mosaic.version = 14 : i64} {
  func.func @body(%arg0: i32, %arg1: memref<2000x128xf32, #tpu.memory_space<vmem>>, %arg2: memref<2x2000x128xbf16, #tpu.memory_space<vmem>>, %arg3: memref<2000x32xf32, #tpu.memory_space<vmem>>, %arg4: memref<128x128xf32, #tpu.memory_space<vmem>>, %arg5: memref<128x128xf32, #tpu.memory_space<vmem>>, %arg6: memref<1x128xf32, #tpu.memory_space<vmem>>, %arg7: memref<128x32xf32, #tpu.memory_space<vmem>>, %arg8: memref<128x32xf32, #tpu.memory_space<vmem>>, %arg9: memref<1x32xf32, #tpu.memory_space<vmem>>, %arg10: memref<2000x32xf32, #tpu.memory_space<vmem>>, %arg11: memref<2000x32xf32, #tpu.memory_space<vmem>>, %arg12: memref<2000x8xf32, #tpu.memory_space<vmem>>) attributes {dimension_semantics = [#tpu.dimension_semantics<arbitrary>], iteration_bounds = array<i64: 5>, scalar_prefetch = 0 : i64, scratch_operands = 0 : i64, tpu.core_type = #tpu.core_type<tc>, window_params = [{transform_indices = @transform_0, window_bounds = array<i64: 2000, 128>}, {transform_indices = @transform_1, window_bounds = array<i64: 2, 2000, 128>}, {transform_indices = @transform_2, window_bounds = array<i64: 2000, 32>}, {pipeline_mode = #tpu.pipeline_mode<synchronous>, transform_indices = @transform_3, window_bounds = array<i64: 128, 128>}, {pipeline_mode = #tpu.pipeline_mode<synchronous>, transform_indices = @transform_4, window_bounds = array<i64: 128, 128>}, {pipeline_mode = #tpu.pipeline_mode<synchronous>, transform_indices = @transform_5, window_bounds = array<i64: 1, 128>}, {pipeline_mode = #tpu.pipeline_mode<synchronous>, transform_indices = @transform_6, window_bounds = array<i64: 128, 32>}, {pipeline_mode = #tpu.pipeline_mode<synchronous>, transform_indices = @transform_7, window_bounds = array<i64: 128, 32>}, {pipeline_mode = #tpu.pipeline_mode<synchronous>, transform_indices = @transform_8, window_bounds = array<i64: 1, 32>}, {transform_indices = @transform_9, window_bounds = array<i64: 2000, 32>}, {transform_indices = @transform_10, window_bounds = array<i64: 2000, 32>}, {transform_indices = @transform_11, window_bounds = array<i64: 2000, 8>}]} {
    %get3A = arith.constant 0 : index
    %get3A_0 = arith.constant 0 : index
    %get3A_1 = arith.constant 0 : index
    %get3A_2 = vector.load %arg2[%get3A, %get3A_0, %get3A_1] : memref<2x2000x128xbf16, #tpu.memory_space<vmem>>, vector<1x2000x128xbf16>
    %get3A_3 = vector.shape_cast %get3A_2 : vector<1x2000x128xbf16> to vector<2000x128xbf16>
    %convert_element_type3A = arith.extf %get3A_3 : vector<2000x128xbf16> to vector<2000x128xf32>
    %get3A_4 = arith.constant 1 : index
    %get3A_5 = arith.constant 0 : index
    %get3A_6 = arith.constant 0 : index
    %get3A_7 = vector.load %arg2[%get3A_4, %get3A_5, %get3A_6] : memref<2x2000x128xbf16, #tpu.memory_space<vmem>>, vector<1x2000x128xbf16>
    %get3A_8 = vector.shape_cast %get3A_7 : vector<1x2000x128xbf16> to vector<2000x128xbf16>
    %convert_element_type3A_9 = arith.extf %get3A_8 : vector<2000x128xbf16> to vector<2000x128xf32>
    %add3A = arith.addf %convert_element_type3A, %convert_element_type3A_9 : vector<2000x128xf32>
    %get3A_10 = arith.constant 0 : index
    %get3A_11 = arith.constant 0 : index
    %get3A_12 = vector.load %arg3[%get3A_10, %get3A_11] : memref<2000x32xf32, #tpu.memory_space<vmem>>, vector<2000x32xf32>
    %reduce_sum3A = arith.constant dense<0.000000e+00> : vector<2000xf32>
    %reduce_sum3A_13 = vector.multi_reduction <add>, %get3A_12, %reduce_sum3A [1] : vector<2000x32xf32> to vector<2000xf32>
    %broadcast_in_dim3A = vector.shape_cast %reduce_sum3A_13 : vector<2000xf32> to vector<2000x1xf32>
    %max3A = arith.constant 1.000000e+00 : f32
    %max3A_14 = vector.broadcast %max3A : f32 to vector<2000x1xf32>
    %max3A_15 = arith.maximumf %broadcast_in_dim3A, %max3A_14 : vector<2000x1xf32>
    %div3A = arith.constant 1.000000e+00 : f32
    %div3A_16 = vector.broadcast %div3A : f32 to vector<2000x1xf32>
    %div3A_17 = arith.divf %div3A_16, %max3A_15 : vector<2000x1xf32>
    %mul3A = vector.broadcast %div3A_17 : vector<2000x1xf32> to vector<2000x128xf32>
    %mul3A_18 = arith.mulf %add3A, %mul3A : vector<2000x128xf32>
    %get3A_19 = arith.constant 0 : index
    %get3A_20 = arith.constant 0 : index
    %get3A_21 = vector.load %arg1[%get3A_19, %get3A_20] : memref<2000x128xf32, #tpu.memory_space<vmem>>, vector<2000x128xf32>
    %get3A_22 = arith.constant 0 : index
    %get3A_23 = arith.constant 0 : index
    %get3A_24 = vector.load %arg4[%get3A_22, %get3A_23] : memref<128x128xf32, #tpu.memory_space<vmem>>, vector<128x128xf32>
    %dot_general3A = arith.constant dense<0.000000e+00> : vector<2000x128xf32>
    %dot_general3A_25 = tpu.matmul %get3A_21, %get3A_24, %dot_general3A {dimension_numbers = #tpu.dot_dimension_numbers<[1], [0], [0], [1], [0, 0, 1, 1], [], []>, transpose_lhs_hint = false} : vector<2000x128xf32>, vector<128x128xf32>, vector<2000x128xf32> -> vector<2000x128xf32>
    %get3A_26 = arith.constant 0 : index
    %get3A_27 = arith.constant 0 : index
    %get3A_28 = vector.load %arg5[%get3A_26, %get3A_27] : memref<128x128xf32, #tpu.memory_space<vmem>>, vector<128x128xf32>
    %dot_general3A_29 = arith.constant dense<0.000000e+00> : vector<2000x128xf32>
    %dot_general3A_30 = tpu.matmul %mul3A_18, %get3A_28, %dot_general3A_29 {dimension_numbers = #tpu.dot_dimension_numbers<[1], [0], [0], [1], [0, 0, 1, 1], [], []>, transpose_lhs_hint = false} : vector<2000x128xf32>, vector<128x128xf32>, vector<2000x128xf32> -> vector<2000x128xf32>
    %add3A_31 = arith.addf %dot_general3A_25, %dot_general3A_30 : vector<2000x128xf32>
    %get3A_32 = arith.constant 0 : index
    %get3A_33 = arith.constant 0 : index
    %get3A_34 = vector.load %arg6[%get3A_32, %get3A_33] : memref<1x128xf32, #tpu.memory_space<vmem>>, vector<1x128xf32>
    %add3A_35 = vector.broadcast %get3A_34 : vector<1x128xf32> to vector<2000x128xf32>
    %add3A_36 = arith.addf %add3A_31, %add3A_35 : vector<2000x128xf32>
    %max3A_37 = arith.constant 0.000000e+00 : f32
    %max3A_38 = vector.broadcast %max3A_37 : f32 to vector<2000x128xf32>
    %max3A_39 = arith.maximumf %add3A_36, %max3A_38 : vector<2000x128xf32>
    %get3A_40 = arith.constant 0 : index
    %get3A_41 = arith.constant 0 : index
    %get3A_42 = vector.load %arg8[%get3A_40, %get3A_41] : memref<128x32xf32, #tpu.memory_space<vmem>>, vector<128x32xf32>
    %dot_general3A_43 = arith.constant dense<0.000000e+00> : vector<2000x32xf32>
    %dot_general3A_44 = tpu.matmul %max3A_39, %get3A_42, %dot_general3A_43 {dimension_numbers = #tpu.dot_dimension_numbers<[1], [0], [0], [1], [0, 0, 1, 1], [], []>, transpose_lhs_hint = false} : vector<2000x128xf32>, vector<128x32xf32>, vector<2000x32xf32> -> vector<2000x32xf32>
    %swap3A = arith.constant 0 : index
    %swap3A_45 = arith.constant 0 : index
    %swap3A_46 = vector.load %arg10[%swap3A, %swap3A_45] : memref<2000x32xf32, #tpu.memory_space<vmem>>, vector<2000x32xf32>
    tpu.vector_store %arg10[%swap3A, %swap3A_45], %dot_general3A_44 {strides = array<i32>} : memref<2000x32xf32, #tpu.memory_space<vmem>>, vector<2000x32xf32>,
    %get3A_47 = arith.constant 0 : index
    %get3A_48 = arith.constant 0 : index
    %get3A_49 = vector.load %arg7[%get3A_47, %get3A_48] : memref<128x32xf32, #tpu.memory_space<vmem>>, vector<128x32xf32>
    %dot_general3A_50 = arith.constant dense<0.000000e+00> : vector<2000x32xf32>
    %dot_general3A_51 = tpu.matmul %max3A_39, %get3A_49, %dot_general3A_50 {dimension_numbers = #tpu.dot_dimension_numbers<[1], [0], [0], [1], [0, 0, 1, 1], [], []>, transpose_lhs_hint = false} : vector<2000x128xf32>, vector<128x32xf32>, vector<2000x32xf32> -> vector<2000x32xf32>
    %get3A_52 = arith.constant 0 : index
    %get3A_53 = arith.constant 0 : index
    %get3A_54 = vector.load %arg9[%get3A_52, %get3A_53] : memref<1x32xf32, #tpu.memory_space<vmem>>, vector<1x32xf32>
    %add3A_55 = vector.broadcast %get3A_54 : vector<1x32xf32> to vector<2000x32xf32>
    %add3A_56 = arith.addf %dot_general3A_51, %add3A_55 : vector<2000x32xf32>
    %swap3A_57 = arith.constant 0 : index
    %swap3A_58 = arith.constant 0 : index
    %swap3A_59 = vector.load %arg11[%swap3A_57, %swap3A_58] : memref<2000x32xf32, #tpu.memory_space<vmem>>, vector<2000x32xf32>
    tpu.vector_store %arg11[%swap3A_57, %swap3A_58], %add3A_56 {strides = array<i32>} : memref<2000x32xf32, #tpu.memory_space<vmem>>, vector<2000x32xf32>,
    %broadcast_in_dim3A_60 = vector.shape_cast %div3A_17 : vector<2000x1xf32> to vector<2000x1xf32>
    %broadcast_in_dim3A_61 = vector.broadcast %broadcast_in_dim3A_60 : vector<2000x1xf32> to vector<2000x8xf32>
    %swap3A_62 = arith.constant 0 : index
    %swap3A_63 = arith.constant 0 : index
    %swap3A_64 = vector.load %arg12[%swap3A_62, %swap3A_63] : memref<2000x8xf32, #tpu.memory_space<vmem>>, vector<2000x8xf32>
    tpu.vector_store %arg12[%swap3A_62, %swap3A_63], %broadcast_in_dim3A_61 {strides = array<i32>} : memref<2000x8xf32, #tpu.memory_space<vmem>>, vector<2000x8xf32>,
    return
  }
  func.func @transform_0(%arg0: i32) -> (i32, i32) {
    %c0_i32 = arith.constant 0 : i32
    %c0_i32_0 = arith.constant 0 : i32
    return %arg0, %c0_i32 : i32, i32
  }
  func.func @transform_1(%arg0: i32) -> (i32, i32, i32) {
    %c0_i32 = arith.constant 0 : i32
    %c0_i32_0 = arith.constant 0 : i32
    %c0_i32_1 = arith.constant 0 : i32
    return %c0_i32, %arg0, %c0_i32_0 : i32, i32, i32
  }
  func.func @transform_2(%arg0: i32) -> (i32, i32) {
    %c0_i32 = arith.constant 0 : i32
    %c0_i32_0 = arith.constant 0 : i32
    return %arg0, %c0_i32 : i32, i32
  }
  func.func @transform_3(%arg0: i32) -> (i32, i32) {
    %c0_i32 = arith.constant 0 : i32
    %c0_i32_0 = arith.constant 0 : i32
    %c0_i32_1 = arith.constant 0 : i32
    return %c0_i32, %c0_i32_0 : i32, i32
  }
  func.func @transform_4(%arg0: i32) -> (i32, i32) {
    %c0_i32 = arith.constant 0 : i32
    %c0_i32_0 = arith.constant 0 : i32
    %c0_i32_1 = arith.constant 0 : i32
    return %c0_i32, %c0_i32_0 : i32, i32
  }
  func.func @transform_5(%arg0: i32) -> (i32, i32) {
    %c0_i32 = arith.constant 0 : i32
    %c0_i32_0 = arith.constant 0 : i32
    %c0_i32_1 = arith.constant 0 : i32
    return %c0_i32, %c0_i32_0 : i32, i32
  }
  func.func @transform_6(%arg0: i32) -> (i32, i32) {
    %c0_i32 = arith.constant 0 : i32
    %c0_i32_0 = arith.constant 0 : i32
    %c0_i32_1 = arith.constant 0 : i32
    return %c0_i32, %c0_i32_0 : i32, i32
  }
  func.func @transform_7(%arg0: i32) -> (i32, i32) {
    %c0_i32 = arith.constant 0 : i32
    %c0_i32_0 = arith.constant 0 : i32
    %c0_i32_1 = arith.constant 0 : i32
    return %c0_i32, %c0_i32_0 : i32, i32
  }
  func.func @transform_8(%arg0: i32) -> (i32, i32) {
    %c0_i32 = arith.constant 0 : i32
    %c0_i32_0 = arith.constant 0 : i32
    %c0_i32_1 = arith.constant 0 : i32
    return %c0_i32, %c0_i32_0 : i32, i32
  }
  func.func @transform_9(%arg0: i32) -> (i32, i32) {
    %c0_i32 = arith.constant 0 : i32
    %c0_i32_0 = arith.constant 0 : i32
    return %arg0, %c0_i32 : i32, i32
  }
  func.func @transform_10(%arg0: i32) -> (i32, i32) {
    %c0_i32 = arith.constant 0 : i32
    %c0_i32_0 = arith.constant 0 : i32
    return %arg0, %c0_i32 : i32, i32
  }
  func.func @transform_11(%arg0: i32) -> (i32, i32) {
    %c0_i32 = arith.constant 0 : i32
    %c0_i32_0 = arith.constant 0 : i32
    return %arg0, %c0_i32 : i32, i32
  }
}

module attributes {stable_mosaic.version = 14 : i64} {
  func.func @body(%arg0: i32, %arg1: memref<2000x32xf32, #tpu.memory_space<vmem>>, %arg2: memref<2x2000x32xf32, #tpu.memory_space<vmem>>, %arg3: memref<2000x8xf32, #tpu.memory_space<vmem>>, %arg4: memref<2000x32xf32, #tpu.memory_space<vmem>>) attributes {dimension_semantics = [#tpu.dimension_semantics<arbitrary>], iteration_bounds = array<i64: 5>, scalar_prefetch = 0 : i64, scratch_operands = 0 : i64, tpu.core_type = #tpu.core_type<tc>, window_params = [{transform_indices = @transform_0, window_bounds = array<i64: 2000, 32>}, {transform_indices = @transform_1, window_bounds = array<i64: 2, 2000, 32>}, {transform_indices = @transform_2, window_bounds = array<i64: 2000, 8>}, {transform_indices = @transform_3, window_bounds = array<i64: 2000, 32>}]} {
    %get3A = arith.constant 0 : index
    %get3A_0 = arith.constant 0 : index
    %get3A_1 = arith.constant 0 : index
    %get3A_2 = vector.load %arg2[%get3A, %get3A_0, %get3A_1] : memref<2x2000x32xf32, #tpu.memory_space<vmem>>, vector<1x2000x32xf32>
    %get3A_3 = vector.shape_cast %get3A_2 : vector<1x2000x32xf32> to vector<2000x32xf32>
    %get3A_4 = arith.constant 1 : index
    %get3A_5 = arith.constant 0 : index
    %get3A_6 = arith.constant 0 : index
    %get3A_7 = vector.load %arg2[%get3A_4, %get3A_5, %get3A_6] : memref<2x2000x32xf32, #tpu.memory_space<vmem>>, vector<1x2000x32xf32>
    %get3A_8 = vector.shape_cast %get3A_7 : vector<1x2000x32xf32> to vector<2000x32xf32>
    %add3A = arith.addf %get3A_3, %get3A_8 : vector<2000x32xf32>
    %get3A_9 = arith.constant 0 : index
    %get3A_10 = arith.constant 0 : index
    %get3A_11 = vector.load %arg1[%get3A_9, %get3A_10] : memref<2000x32xf32, #tpu.memory_space<vmem>>, vector<2000x32xf32>
    %get3A_12 = arith.constant 0 : index
    %get3A_13 = arith.constant 0 : index
    %get3A_14 = vector.load %arg3[%get3A_12, %get3A_13] : memref<2000x8xf32, #tpu.memory_space<vmem>>, vector<2000x1xf32>
    %mul3A = vector.broadcast %get3A_14 : vector<2000x1xf32> to vector<2000x32xf32>
    %mul3A_15 = arith.mulf %add3A, %mul3A : vector<2000x32xf32>
    %add3A_16 = arith.addf %get3A_11, %mul3A_15 : vector<2000x32xf32>
    %swap3A = arith.constant 0 : index
    %swap3A_17 = arith.constant 0 : index
    %swap3A_18 = vector.load %arg4[%swap3A, %swap3A_17] : memref<2000x32xf32, #tpu.memory_space<vmem>>, vector<2000x32xf32>
    tpu.vector_store %arg4[%swap3A, %swap3A_17], %add3A_16 {strides = array<i32>} : memref<2000x32xf32, #tpu.memory_space<vmem>>, vector<2000x32xf32>,
    return
  }
  func.func @transform_0(%arg0: i32) -> (i32, i32) {
    %c0_i32 = arith.constant 0 : i32
    %c0_i32_0 = arith.constant 0 : i32
    return %arg0, %c0_i32 : i32, i32
  }
  func.func @transform_1(%arg0: i32) -> (i32, i32, i32) {
    %c0_i32 = arith.constant 0 : i32
    %c0_i32_0 = arith.constant 0 : i32
    %c0_i32_1 = arith.constant 0 : i32
    return %c0_i32, %arg0, %c0_i32_0 : i32, i32, i32
  }
  func.func @transform_2(%arg0: i32) -> (i32, i32) {
    %c0_i32 = arith.constant 0 : i32
    %c0_i32_0 = arith.constant 0 : i32
    return %arg0, %c0_i32 : i32, i32
  }
  func.func @transform_3(%arg0: i32) -> (i32, i32) {
    %c0_i32 = arith.constant 0 : i32
    %c0_i32_0 = arith.constant 0 : i32
    return %arg0, %c0_i32 : i32, i32
  }
}

</mosaic_0001>

<sc_bundles>
// kernel: kernel.6.cloned.1.call-start
scs
__scs_entry_jumppad:
0x0: {  	(pc) =	sbr.rel $0x88, $3  }
0x1: {  	(tag) =	ssettag $0x0;
	lr =	simm.s32 $0x1  }
0x2: {  	[smem:$0x3F99] =	sst lr;
	_ =	strace $0xD0000000  }
0x3: {  	_ = 	snop  }
0x4: {  	_ = 	snop  }
0x5: {  	_ = 	snop  }
0x6: {  	_ = 	snop  }
0x7: {  	_ = 	snop  }
__scs_overlays_trampoline_lowered:
0x8: {  	[smem:$0x3FA8] =	sst s0  }
0x9: {  	[smem:$0x3FA9] =	sst s1  }
0xa: {  	[smem:$0x3FAA] =	sst s2  }
0xb: {  	[smem:$0x3FAB] =	sst s3  }
0xc: {  	[smem:$0x3FAC] =	sst s4  }
0xd: {  	[smem:$0x3FAD] =	sst s5  }
0xe: {  	[smem:$0x3FAE] =	sst s6  }
0xf: {  	[smem:$0x3FAF] =	sst s7  }
0x10: {  	[smem:$0x3FB0] =	sst s8  }
0x11: {  	[smem:$0x3FB1] =	sst s9;
	s0 =	simm.s32 @!p0 $0x0  }
0x12: {  	s1 =	sld [smem:$0x3F97];
	s0 =	simm.s32 @p0 $0x1  }
0x13: {  	[smem:$0x3FB2] =	sst s0;
	s0 =	simm.s32 @!p1 $0x0  }
0x14: {  	s2 =	sld [smem:$0x3F96];
	s0 =	simm.s32 @p1 $0x1  }
0x15: {  	[smem:$0x3FB3] =	sst s0;
	s0 =	simm.s32 @!p2 $0x0  }
0x16: {  	s3 =	sld [smem:$0x3FDB];
	s0 =	simm.s32 @p2 $0x1  }
0x17: {  	s4 =	simm.s32 $0x1BF5;
	[smem:$0x3FB5] =	sst s0  }
0x18: {  	s0 =	sld [smem:$0x3F98];
	_ =	swait.ge [sflag:s4], $0x0  }
0x19: {  	s7 =	sld [smem:$0x3F99]  }
0x1a: {  	s8 =	sadd.s32 $0xFFFFE003, lr  }
0x1b: {  	s9 =	sadd.s32 $0xFFFFFEF7, lr;
	s5 =	simm.s32 $0xFFFFFFFF;
	p2 =	slt.u32 s8, $0xFFFFF086  }
0x1c: {  	p1 =	slt.u32 s9, $0xF7A;
	s5 =	simm.s32 @!p2 $0x0  }
0x1d: {  	s5 =	simm.s32 @p1 $0x1;
	p0 =	seq.s32 s7, s2  }
0x1e: {  	s7 =	smul.u32 @!p0 $0xF7A, s2;
	p2 =	seq.s32 @!p0 s5, $0x0  }
0x1f: {  	s9 =	smul.u32 $0xF7A, s1;
	s8 =	simm.s32 @!p0 $0x1BF5;
	p2 =	por !p2, p0  }
0x20: {  	[sflag:s8] =	ssyncset.s32 @!p0 $0xFFFFF086;
	s6 =	sadd.s32 @!p0 s3, s7;
	s7 =	simm.s32 @!p0 $0x108  }
0x21: {  	s3 =	sadd.s32 s3, s9;
	s6 =	sadd.s32 @!p0 $0x88, s6;
	s7 =	simm.s32 @p2 $0x1082  }
0x22: {  	[simem:s7], [sflag:s8] =	dma.local @!p0 [hbm:s6], $0xF7A  }
0x23: {  	s9 =	sor.u32 $0xD0000000, s2;
	s6 =	simm.s32 $0x108;
	_ =	swait.ge @!p0 [sflag:s8], $0x0  }
0x24: {  	s3 =	sadd.s32 $0x88, s3;
	s6 =	simm.s32 @!p1 $0x1082;
	[sflag:s4] =	ssyncset.s32 $0xFFFFF086  }
0x25: {  	[simem:s6], [sflag:s4] =	dma.local [hbm:s3], $0xF7A  }
0x26: {  	[smem:$0x3F99] =	sst s1;
	(tag) =	ssettag s2;
	_ =	strace s9  }
0x27: {  	s1 =	sld [smem:$0x3FA9]  }
0x28: {  	s2 =	sld [smem:$0x3FAA]  }
0x29: {  	s4 =	sld [smem:$0x3FAC]  }
0x2a: {  	p0 =	seq.s32 s5, $0x0;
	s5 =	sld [smem:$0x3FAD]  }
0x2b: {  	s6 =	sld [smem:$0x3FAE]  }
0x2c: {  	s7 =	sld [smem:$0x3FAF]  }
0x2d: {  	s3 =	simm.s32 $0x108;
	s8 =	sld [smem:$0x3FB0]  }
0x2e: {  	s3 =	simm.s32 @!p0 $0x1082;
	s9 =	sld [smem:$0x3FB1]  }
0x2f: {  	lr =	sadd.s32 s0, s3;
	s0 =	sld [smem:$0x3FA8]  }
0x30: {  	s3 =	sld [smem:$0x3FAB]  }
0x31: {  	[smem:$0x3FB4] =	sst s10  }
0x32: {  	s10 =	sld [smem:$0x3FB2];
	_ =	sdelay $0x3  }
0x33: {  	p0 =	seq.s32 s10, $0x1;
	s10 =	sld [smem:$0x3FB4];
	_ =	sdelay $0x3  }
0x34: {  	[smem:$0x3FB4] =	sst s10  }
0x35: {  	s10 =	sld [smem:$0x3FB3];
	_ =	sdelay $0x3  }
0x36: {  	p1 =	seq.s32 s10, $0x1;
	s10 =	sld [smem:$0x3FB4];
	_ =	sdelay $0x3  }
0x37: {  	[smem:$0x3FB4] =	sst s10  }
0x38: {  	s10 =	sld [smem:$0x3FB5]  }
0x39: {  	_ = 	snop;
	(pc) =	sbr.ind lr, $3  }
0x3a: {  	_ = 	snop  }
0x3b: {  	_ = 	snop  }
0x3c: {  	p2 =	seq.s32 s10, $0x1;
	s10 =	sld [smem:$0x3FB4]  }
0x3d: {  	_ =	shalt  }
0x3e: {  	_ =	shalt  }
0x3f: {  	_ =	shalt  }
0x40: {  	_ =	shalt  }
0x41: {  	_ =	shalt  }
0x42: {  	_ =	shalt  }
0x43: {  	_ =	shalt  }
0x44: {  	_ =	shalt  }
0x45: {  	_ =	shalt  }
0x46: {  	_ =	shalt  }
0x47: {  	_ =	shalt  }
0x48: {  	_ =	shalt  }
0x49: {  	_ =	shalt  }
0x4a: {  	_ =	shalt  }
0x4b: {  	_ =	shalt  }
0x4c: {  	_ =	shalt  }
0x4d: {  	_ =	shalt  }
0x4e: {  	_ =	shalt  }
0x4f: {  	_ =	shalt  }
0x50: {  	_ =	shalt  }
0x51: {  	_ =	shalt  }
0x52: {  	_ =	shalt  }
0x53: {  	_ =	shalt  }
0x54: {  	_ =	shalt  }
0x55: {  	_ =	shalt  }
0x56: {  	_ =	shalt  }
0x57: {  	_ =	shalt  }
0x58: {  	_ =	shalt  }
0x59: {  	_ =	shalt  }
0x5a: {  	_ =	shalt  }
0x5b: {  	_ =	shalt  }
0x5c: {  	_ =	shalt  }
0x5d: {  	_ =	shalt  }
0x5e: {  	_ =	shalt  }
0x5f: {  	_ =	shalt  }
0x60: {  	_ =	shalt  }
0x61: {  	_ =	shalt  }
0x62: {  	_ =	shalt  }
0x63: {  	_ =	shalt  }
0x64: {  	_ =	shalt  }
0x65: {  	_ =	shalt  }
0x66: {  	_ =	shalt  }
0x67: {  	_ =	shalt  }
0x68: {  	_ =	shalt  }
0x69: {  	_ =	shalt  }
0x6a: {  	_ =	shalt  }
0x6b: {  	_ =	shalt  }
0x6c: {  	_ =	shalt  }
0x6d: {  	_ =	shalt  }
0x6e: {  	_ =	shalt  }
0x6f: {  	_ =	shalt  }
0x70: {  	_ =	shalt  }
0x71: {  	_ =	shalt  }
0x72: {  	_ =	shalt  }
0x73: {  	_ =	shalt  }
0x74: {  	_ =	shalt  }
0x75: {  	_ =	shalt  }
0x76: {  	_ =	shalt  }
0x77: {  	_ =	shalt  }
0x78: {  	_ =	shalt  }
0x79: {  	_ =	shalt  }
0x7a: {  	_ =	shalt  }
0x7b: {  	_ =	shalt  }
0x7c: {  	_ =	shalt  }
0x7d: {  	_ =	shalt  }
0x7e: {  	_ =	shalt  }
0x7f: {  	_ =	shalt  }
0x80: {  	_ =	shalt  }
0x81: {  	_ =	shalt  }
0x82: {  	_ =	shalt  }
0x83: {  	_ =	shalt  }
0x84: {  	_ =	shalt  }
0x85: {  	_ =	shalt  }
0x86: {  	_ =	shalt  }
0x87: {  	_ =	shalt  }
.Lfunc_end0:
.L_simem_size_0:
called_computation_lowered:
.L_overlay_start_0:
0x88: {  	s2 =	sld [smem:$0x3FD9]  }
0x89: {  	s3 =	sld [smem:$0x3FFE];
	_ =	sdelay $0x1  }
0x8a: {  	s1 =	srdreg.scid  }
0x8b: {  	s0 =	sand.u32 $0x1, s1  }
0x8c: {  	s17 =	sshll.u32 s0, $0xA;
	s2 =	sadd.s32 s3, s2  }
0x8d: {  	s2 =	sadd.s32 s2, s17  }
0x8e: {  	[smem:$0x3FC0] =	sst s2  }
0x8f: {  	_ = 	snop  }
0x90: {  	s2 =	sld [smem:$0x3FD0];
	(tm) =	ssettm $0x1  }
0x91: {  	s18 =	sld [smem:$0x3FFB];
	_ =	sdelay $0x3  }
0x92: {  	_ =	strace s18  }
0x93: {  	s3 =	sld [smem:$0x3FFC];
	_ =	sdelay $0x3  }
0x94: {  	_ =	strace s3  }
0x95: {  	s3 =	sld [smem:$0x3FFD];
	_ =	sdelay $0x3  }
0x96: {  	_ =	strace s3  }
0x97: {  	_ =	strace $0x8FFFFFFF  }
0x98: {  	s19 =	sld [smem:$0x3FDB];
	_ =	sdelay $0x1  }
0x99: {  	s4 =	simm.s32 $_scs_section_size  }
0x9a: {  	s5 =	simm.s32 $_size__tile_overlayer_lowered;
	s6 =	simm.s32 $_tile_overlayer_lowered  }
0x9b: {  	s22 =	simm.s32 $0x1BFF;
	s21 =	sshll.u32 s6, $0x1;
	s3 =	sadd.s32 s4, s19  }
0x9c: {  	s7 =	simm.s32 $0x0;
	s20 =	sshll.u32 s5, $0x1;
	s5 =	sadd.s32 s21, s3  }
0x9d: {  	[timem:s7], [sflag:s22] =	dma.local [hbm:s5], s20  }
0x9e: {  	_ =	swait.ge [sflag:s22], s20  }
0x9f: {  	s4 =	ssub.s32 $0x0, s20;
	[sflag:s22] =	ssyncset.done $0x0  }
0xa0: {  	[sflag:s22] =	ssyncadd.s32 s4;
	_ =	sdelay $0x1  }
0xa1: {  	s23 =	simm.s32 $0x1B8B  }
0xa2: {  	_ =	swait.ge [sflag:s23], $0x1  }
0xa3: {  	[sflag:s23] =	ssyncset.done $0x0  }
0xa4: {  	s25 =	simm.s32 $0x1B8E;
	s24 =	sld [smem:$0x3FFE];
	[sflag:s23] =	ssyncadd.s32 $0xFFFFFFFF  }
0xa5: {  	s26 =	simm.s32 $execute0_lowered;
	[smem:$0x3FD2] =	sst s25  }
0xa6: {  	s5 =	sshll.u32 s26, $0x1;
	_ =	strace $0x80000046;
	[dreg:$0x1] =	wrdreg $0xFFFFFFFF  }
0xa7: {  	s28 =	simm.s32 $_size_execute0_lowered;
	s3 =	sadd.s32 s3, s5;
	[dreg:$0x0] =	wrdreg $0x0  }
0xa8: {  	s5 =	sshll.u32 s28, $0x1;
	[dreg:$0x2] =	wrdreg s3  }
0xa9: {  	[dreg:$0x3] =	wrdreg s5  }
0xaa: {  	[dreg:$0x4] =	wrdreg $0xC0  }
0xab: {  	_ =	task [dreg:s7], $0x5FFFF  }
0xac: {  	[dreg:$0x1] =	wrdreg $0xFFFFFFFF  }
0xad: {  	[dreg:$0x0] =	wrdreg $0x60  }
0xae: {  	[dreg:$0x2] =	wrdreg s24  }
0xaf: {  	[dreg:$0x3] =	wrdreg s2  }
0xb0: {  	[dreg:$0x4] =	wrdreg $0xD0000  }
0xb1: {  	[dreg:$0x5] =	wrdreg $0x9  }
0xb2: {  	_ =	task.clear_ibuf [dreg:s7], $0x6FFFF;
	_ =	strace $0x90000046  }
0xb3: {  	s29 =	simm.s32 $0x9;
	_ =	strace $0x80000048  }
0xb4: {  	_ =	swait.ge [sflag:s29], $0x1  }
0xb5: {  	[sflag:s29] =	ssyncadd.s32 $0xFFFFFFFF  }
0xb6: {  	_ =	strace $0x90000048  }
0xb7: {  	_ =	sfence  }
0xb8: {  	s30 =	sld [smem:$0x0];
	_ =	sdelay $0x2  }
0xb9: {  	s31 =	sshll.u32 s1, $0xD;
	s1 =	sshrl.u32 s1, $0x2  }
0xba: {  	s3 =	sand.u32 $0x4000, s31;
	s1 =	sadd.s32 s1, s30  }
0xbb: {  	s0 =	sor.u32 s3, s0;
	s1 =	sshll.u32 s1, $0x11  }
0xbc: {  	s0 =	sor.u32 s1, s0  }
0xbd: {  	s0 =	sadd.s32 $0x8F2B, s0  }
0xbe: {  	[sflag:s0] =	ssyncadd.remote.s32 $0x1  }
0xbf: {  	_ =	sfence.sel $0xFFFF  }
0xc0: {  	[dreg:$0x0] =	wrdreg $0xFFFFFFFF;
	(pc) =	sbr.abs _section_cstart, $3  }
0xc1: {  	[dreg:$0x1] =	wrdreg $0xFFFFFFFF  }
0xc2: {  	_ =	task.clear_ibuf [dreg:s7], $0x2FFFF;
	_ =	strace $0x9FFFFFFF  }
0xc3: {  	(tm) =	ssettm $0x7FFFFFFF  }
tec
execute0_lowered:
.L_overlay_start_1:
0x0: {  	(tag) =	ssettag $0x1  }
0x1: {  	s0 =	rddreg [dreg:$0x0]  }
0x2: {  	s1 =	rddreg [dreg:$0x1]  }
0x3: {  	s2 =	rddreg [dreg:$0x2]  }
0x4: {  	s3 =	srdreg.scid;
	s10 =	stileid.u32;
	s28 =	simm.s32 $0x7000  }
0x5: {  	s30 =	simm.s32 $0x8000;
	s29 =	simm.s32 $0xB000;
	s31 =	simm.s32 $0x1  }
0x6: {  	s5 =	sand.u32 $0x1, s3;
	s3 =	simm.s32 $0x0;
	s6 =	smul.u32 $0x13C00, s10  }
0x7: {  	s21 =	sadd.s32 $0x15600, s0;
	s4 =	sshll.u32 s5, $0x4;
	[smem:$0x7FF] =	sst s3  }
0x8: {  	s8 =	smul.u32 $0x13C000, s5;
	s5 =	ssub.s32 $0x2, s5;
	s7 =	sor.u32 s10, s4  }
0x9: {  	_ =	strace $0x80000047;
	s4 =	sadd.s32 $0x1C00, s0;
	s10 =	smul.u32 $0x27800, s10  }
0xa: {  	[dreg:$0x4] =	wrdreg s21;
	s23 =	sshrl.u32 s5, $0x1;
	s21 =	simm.s32 $0x5000  }
0xb: {  	s9 =	smul.u32 $0x500, s7;
	s8 =	sadd.s32 s6, s8;
	s6 =	sshrl.u32 s6, $0x1  }
0xc: {  	s5 =	ssub.s32 s5, s23;
	s7 =	smul.u32 $0x4F0, s7;
	s23 =	simm.s32 $0xA000  }
0xd: {  	s8 =	sshrl.u32 s8, $0x4;
	s22 =	sshrl.u32 s10, $0x2;
	s6 =	sadd.s32 s6, s2  }
0xe: {  	s20 =	smax.u32 s5, $0x1;
	s5 =	simm.s32 $0x0;
	s17 =	sadd.s32 s9, s0  }
0xf: {  	s0 =	sadd.s32 s8, s0;
	s8 =	sadd.s32 s22, s2;
	s19 =	sadd.s32 s1, s7  }
0x10: {  	s22 =	simm.s32 $0x2;
	s1 =	simm.s32 $0xC000;
	s24 =	sadd.s32 $0x1000, s8  }
0x11: {  	s25 =	sadd.s32 $0x2000, s8;
	s26 =	sadd.s32 $0x3000, s8;
	s10 =	sadd.s32 $0x4000, s8  }
0x12: {  	s11 =	sadd.s32 $0x5000, s8;
	s12 =	sadd.s32 $0x6000, s8;
	s13 =	sadd.s32 $0x7000, s8  }
0x13: {  	s14 =	sadd.s32 $0x8000, s8;
	s15 =	sadd.s32 $0x9000, s8;
	[dreg:$0x5] =	wrdreg s24  }
0x14: {  	s16 =	sadd.s32 $0x15800, s17;
	s17 =	sadd.s32 $0x1F800, s17;
	[dreg:$0x6] =	wrdreg s25  }
0x15: {  	s18 =	sadd.s32 $0x29800, s0;
	s0 =	simm.s32 $0x9000;
	[dreg:$0x7] =	wrdreg s26  }
0x16: {  	v0 =	vimm.f32 $0.0e+00;
	v1 =	vimm.f32 $1.000000000e+00;
	s24 =	simm.s32 $0x40;
	s25 =	simm.s32 $0x6000;
	s26 =	simm.s32 $0x16E00  }
.LBB2_1:
0x17: {  	s7 =	rddreg [dreg:$0x4]  }
0x18: {  	[tilespmem:s21], [sflag:$0x2] =	stream.linear.gather [hbm4b:s7+s3], $0x1000, $0x38;
	[tilespmem:$0x19580] =	vst v63  }
0x19: {  	_ =	swait.ge [sflag:s22], $0x1000  }
0x1a: {  	[sflag:s22] =	ssyncset.done $0x0  }
0x1b: {  	[sflag:s22] =	ssyncadd.s32 $0xFFFFF000  }
0x1c: {  	[spmem:s6] =	stream.linear.scatter [tilespmem:s21], [sflag:$0x2], $0x1000, $0x38;
	[tilespmem:$0x19580] =	vst v63  }
0x1d: {  	_ =	swait.ge [sflag:s22], $0x1000  }
0x1e: {  	[sflag:s22] =	ssyncset.done $0x0  }
0x1f: {  	s9 =	rddreg [dreg:$0x5];
	[sflag:s22] =	ssyncadd.s32 $0xFFFFF000  }
0x20: {  	[spmem:s9] =	stream.linear.scatter [tilespmem:s21], [sflag:$0x2], $0x1000, $0x38;
	[tilespmem:$0x19580] =	vst v63  }
0x21: {  	_ =	swait.ge [sflag:s22], $0x1000  }
0x22: {  	[sflag:s22] =	ssyncset.done $0x0  }
0x23: {  	s8 =	rddreg [dreg:$0x6];
	[sflag:s22] =	ssyncadd.s32 $0xFFFFF000  }
0x24: {  	[spmem:s8] =	stream.linear.scatter [tilespmem:s21], [sflag:$0x2], $0x1000, $0x38;
	[tilespmem:$0x19580] =	vst v63  }
0x25: {  	_ =	swait.ge [sflag:s22], $0x1000  }
0x26: {  	[sflag:s22] =	ssyncset.done $0x0  }
0x27: {  	s9 =	rddreg [dreg:$0x7];
	[sflag:s22] =	ssyncadd.s32 $0xFFFFF000  }
0x28: {  	[spmem:s9] =	stream.linear.scatter [tilespmem:s21], [sflag:$0x2], $0x1000, $0x38;
	[tilespmem:$0x19580] =	vst v63  }
0x29: {  	_ =	swait.ge [sflag:s22], $0x1000  }
0x2a: {  	[sflag:s22] =	ssyncset.done $0x0  }
0x2b: {  	[sflag:s22] =	ssyncadd.s32 $0xFFFFF000  }
0x2c: {  	[spmem:s10] =	stream.linear.scatter [tilespmem:s21], [sflag:$0x2], $0x1000, $0x38;
	[tilespmem:$0x19580] =	vst v63  }
0x2d: {  	_ =	swait.ge [sflag:s22], $0x1000  }
0x2e: {  	[sflag:s22] =	ssyncset.done $0x0  }
0x2f: {  	[sflag:s22] =	ssyncadd.s32 $0xFFFFF000  }
0x30: {  	[spmem:s11] =	stream.linear.scatter [tilespmem:s21], [sflag:$0x2], $0x1000, $0x38;
	[tilespmem:$0x19580] =	vst v63  }
0x31: {  	_ =	swait.ge [sflag:s22], $0x1000  }
0x32: {  	[sflag:s22] =	ssyncset.done $0x0  }
0x33: {  	[sflag:s22] =	ssyncadd.s32 $0xFFFFF000  }
0x34: {  	[spmem:s12] =	stream.linear.scatter [tilespmem:s21], [sflag:$0x2], $0x1000, $0x38;
	[tilespmem:$0x19580] =	vst v63  }
0x35: {  	_ =	swait.ge [sflag:s22], $0x1000  }
0x36: {  	[sflag:s22] =	ssyncset.done $0x0  }
0x37: {  	[sflag:s22] =	ssyncadd.s32 $0xFFFFF000  }
0x38: {  	[spmem:s13] =	stream.linear.scatter [tilespmem:s21], [sflag:$0x2], $0x1000, $0x38;
	[tilespmem:$0x19580] =	vst v63  }
0x39: {  	_ =	swait.ge [sflag:s22], $0x1000  }
0x3a: {  	[sflag:s22] =	ssyncset.done $0x0  }
0x3b: {  	[sflag:s22] =	ssyncadd.s32 $0xFFFFF000  }
0x3c: {  	[spmem:s14] =	stream.linear.scatter [tilespmem:s21], [sflag:$0x2], $0x1000, $0x38;
	[tilespmem:$0x19580] =	vst v63  }
0x3d: {  	_ =	swait.ge [sflag:s22], $0x1000  }
0x3e: {  	[sflag:s22] =	ssyncset.done $0x0  }
0x3f: {  	[sflag:s22] =	ssyncadd.s32 $0xFFFFF000  }
0x40: {  	[spmem:s15] =	stream.linear.scatter [tilespmem:s21], [sflag:$0x2], $0xE00, $0x38;
	[tilespmem:$0x19580] =	vst v63  }
0x41: {  	_ =	swait.ge [sflag:s22], $0xE00  }
0x42: {  	[sflag:s22] =	ssyncset.done $0x0  }
0x43: {  	s7 =	simm.s32 $0x40;
	s8 =	simm.s32 $0x0;
	[sflag:s22] =	ssyncadd.s32 $0xFFFFF200  }
.LBB2_2:
0x44: {  	p0 =	sne.s32 s7, $0x9DC0;
	[tilespmem:s8+$0x16E00] =	vst v0;
	s8 =	smov.u32 s7;
	s7 =	sadd.s32 $0x40, s7  }
.Ltmp0:
0x45: {  	(pc) =	sbr.rel @p0 .LBB2_2-.Ltmp0, $2  }
0x46: {  	_ =	sdelay $0x2  }
0x47: {  	s8 =	sshra.s32 s8, $0x2  }
0x48: {  	[tilespmem:s8+$0x16E00] =	vst v0  }
0x49: {  	[bflag:$0x0] =	sbarrier.arrive $0xFFFF  }
0x4a: {  	[tilespmem:s3], [sflag:$0x2] =	stream.linear.gather [hbm4b:s16+s3], $0x2800, $0x38;
	[tilespmem:$0x19580] =	vst v63  }
0x4b: {  	_ =	swait.ge [sflag:s22], $0x2800  }
0x4c: {  	[sflag:s22] =	ssyncset.done $0x0  }
0x4d: {  	s7 =	simm.s32 $0x2800;
	[sflag:s22] =	ssyncadd.s32 $0xFFFFD800  }
0x4e: {  	[tilespmem:s7], [sflag:$0x2] =	stream.linear.gather [hbm4b:s17+s3], $0x2800, $0x38;
	[tilespmem:$0x19580] =	vst v63  }
0x4f: {  	_ =	swait.ge [sflag:s22], $0x2800  }
0x50: {  	[sflag:s22] =	ssyncset.done $0x0  }
0x51: {  	[sflag:s22] =	ssyncadd.s32 $0xFFFFD800  }
0x52: {  	[tilespmem:s21], [sflag:$0x1] =	stream.indirect.gather [hbm4b:s4+s24], $0x40, s3, s24, $0xb8;
	[tilespmem:$0x19580] =	vst v63  }
0x53: {  	_ = 	snop  }
0x54: {  	[tilespmem:s25], [sflag:$0x1] =	stream.indirect.gather [hbm4b:s4+s24], $0x40, s24, s24, $0xb8;
	[tilespmem:$0x19580] =	vst v63  }
0x55: {  	s9 =	simm.s32 $0x80  }
0x56: {  	[tilespmem:s28], [sflag:$0x1] =	stream.indirect.gather [hbm4b:s4+s24], $0x40, s9, s24, $0xb8;
	[tilespmem:$0x19580] =	vst v63  }
0x57: {  	s8 =	simm.s32 $0xC0  }
0x58: {  	[tilespmem:s30], [sflag:$0x1] =	stream.indirect.gather [hbm4b:s4+s24], $0x40, s8, s24, $0xb8;
	[tilespmem:$0x19580] =	vst v63  }
0x59: {  	s9 =	simm.s32 $0x100  }
0x5a: {  	[tilespmem:s0], [sflag:$0x1] =	stream.indirect.gather [hbm4b:s4+s24], $0x40, s9, s24, $0xb8;
	[tilespmem:$0x19580] =	vst v63  }
0x5b: {  	s8 =	simm.s32 $0x140  }
0x5c: {  	[tilespmem:s23], [sflag:$0x1] =	stream.indirect.gather [hbm4b:s4+s24], $0x40, s8, s24, $0xb8;
	[tilespmem:$0x19580] =	vst v63  }
0x5d: {  	s7 =	simm.s32 $0xE00;
	s9 =	simm.s32 $0x180  }
0x5e: {  	[tilespmem:s29], [sflag:$0x1] =	stream.indirect.gather [hbm4b:s4+s24], $0x40, s9, s24, $0xb8;
	[tilespmem:$0x19580] =	vst v63  }
.LBB2_4:
0x5f: {  	_ =	swait.ge [sflag:s31], $0x1000  }
0x60: {  	s8 =	sshra.s32 s7, $0x2;
	[sflag:s31] =	ssyncset.done $0x0  }
0x61: {  	s9 =	sadd.s32 $0xFFFFFE40, s8;
	[sflag:s31] =	ssyncadd.s32 $0xFFFFF000  }
0x62: {  	[tilespmem:s1], [sflag:$0x1] =	stream.indirect.gather [hbm4b:s4+s24], $0x40, s9, s24, $0xb8;
	[tilespmem:$0x19580] =	vst v63  }
0x63: {  	s9 =	sadd.s32 $0x2480, s8  }
0x64: {  	[spmem:s2] =	stream.indirect.scatter.add.bf16 [tilespmem:s21], [sflag:$0x2], $0x40, s9, s24, $0xb8;
	[tilespmem:$0x19580] =	vst v63  }
0x65: {  	_ =	swait.ge [sflag:s22], $0x1000  }
0x66: {  	[sflag:s22] =	ssyncset.done $0x0  }
0x67: {  	[sflag:s22] =	ssyncadd.s32 $0xFFFFF000  }
0x68: {  	v2 =	vld [tilespmem:s8+$0x2480];
	_ =	sdelay $0x7  }
0x69: {  	[tilespmem:v2+s26+$0x0] =	vst.idx.add.f32.msk $0xffff, v1  }
0x6a: {  	v2 =	vld [tilespmem:s8+$0x2490];
	_ =	sdelay $0x7  }
0x6b: {  	[tilespmem:v2+s26+$0x0] =	vst.idx.add.f32.msk $0xffff, v1  }
0x6c: {  	v2 =	vld [tilespmem:s8+$0x24A0];
	_ =	sdelay $0x7  }
0x6d: {  	[tilespmem:v2+s26+$0x0] =	vst.idx.add.f32.msk $0xffff, v1  }
0x6e: {  	v2 =	vld [tilespmem:s8+$0x24B0];
	_ =	sdelay $0x7  }
0x6f: {  	[tilespmem:v2+s26+$0x0] =	vst.idx.add.f32.msk $0xffff, v1  }
0x70: {  	p0 =	seq.s32 s7, $0xA600;
	s9 =	sadd.s32 $0xFFFFFA00, s7;
	_ =	swait.ge [sflag:s31], $0x1000  }
0x71: {  	s9 =	simm.s32 @p0 $0x0;
	[sflag:s31] =	ssyncset.done $0x0  }
0x72: {  	s9 =	sshra.s32 s9, $0x2;
	[sflag:s31] =	ssyncadd.s32 $0xFFFFF000  }
0x73: {  	[tilespmem:s21], [sflag:$0x1] =	stream.indirect.gather [hbm4b:s4+s24], $0x40, s9, s24, $0xb8;
	[tilespmem:$0x19580] =	vst v63  }
0x74: {  	s9 =	sadd.s32 $0x24C0, s8  }
0x75: {  	[spmem:s2] =	stream.indirect.scatter.add.bf16 [tilespmem:s25], [sflag:$0x2], $0x40, s9, s24, $0xb8;
	[tilespmem:$0x19580] =	vst v63  }
0x76: {  	_ =	swait.ge [sflag:s22], $0x1000  }
0x77: {  	[sflag:s22] =	ssyncset.done $0x0  }
0x78: {  	[sflag:s22] =	ssyncadd.s32 $0xFFFFF000  }
0x79: {  	v2 =	vld [tilespmem:s8+$0x24C0];
	_ =	sdelay $0x7  }
0x7a: {  	[tilespmem:v2+s26+$0x0] =	vst.idx.add.f32.msk $0xffff, v1  }
0x7b: {  	v2 =	vld [tilespmem:s8+$0x24D0];
	_ =	sdelay $0x7  }
0x7c: {  	[tilespmem:v2+s26+$0x0] =	vst.idx.add.f32.msk $0xffff, v1  }
0x7d: {  	v2 =	vld [tilespmem:s8+$0x24E0];
	_ =	sdelay $0x7  }
0x7e: {  	[tilespmem:v2+s26+$0x0] =	vst.idx.add.f32.msk $0xffff, v1  }
0x7f: {  	v2 =	vld [tilespmem:s8+$0x24F0];
	_ =	sdelay $0x7  }
0x80: {  	[tilespmem:v2+s26+$0x0] =	vst.idx.add.f32.msk $0xffff, v1  }
0x81: {  	s9 =	sadd.s32 $0xFFFFFB00, s7;
	_ =	swait.ge [sflag:s31], $0x1000  }
0x82: {  	s9 =	simm.s32 @p0 $0x100;
	[sflag:s31] =	ssyncset.done $0x0  }
0x83: {  	s9 =	sshra.s32 s9, $0x2;
	[sflag:s31] =	ssyncadd.s32 $0xFFFFF000  }
0x84: {  	[tilespmem:s25], [sflag:$0x1] =	stream.indirect.gather [hbm4b:s4+s24], $0x40, s9, s24, $0xb8;
	[tilespmem:$0x19580] =	vst v63  }
0x85: {  	s9 =	sadd.s32 $0x2500, s8  }
0x86: {  	[spmem:s2] =	stream.indirect.scatter.add.bf16 [tilespmem:s28], [sflag:$0x2], $0x40, s9, s24, $0xb8;
	[tilespmem:$0x19580] =	vst v63  }
0x87: {  	_ =	swait.ge [sflag:s22], $0x1000  }
0x88: {  	[sflag:s22] =	ssyncset.done $0x0  }
0x89: {  	[sflag:s22] =	ssyncadd.s32 $0xFFFFF000  }
0x8a: {  	v2 =	vld [tilespmem:s8+$0x2500];
	_ =	sdelay $0x7  }
0x8b: {  	[tilespmem:v2+s26+$0x0] =	vst.idx.add.f32.msk $0xffff, v1  }
0x8c: {  	v2 =	vld [tilespmem:s8+$0x2510];
	_ =	sdelay $0x7  }
0x8d: {  	[tilespmem:v2+s26+$0x0] =	vst.idx.add.f32.msk $0xffff, v1  }
0x8e: {  	v2 =	vld [tilespmem:s8+$0x2520];
	_ =	sdelay $0x7  }
0x8f: {  	[tilespmem:v2+s26+$0x0] =	vst.idx.add.f32.msk $0xffff, v1  }
0x90: {  	v2 =	vld [tilespmem:s8+$0x2530];
	_ =	sdelay $0x7  }
0x91: {  	[tilespmem:v2+s26+$0x0] =	vst.idx.add.f32.msk $0xffff, v1  }
0x92: {  	s9 =	sadd.s32 $0xFFFFFC00, s7;
	_ =	swait.ge [sflag:s31], $0x1000  }
0x93: {  	s9 =	simm.s32 @p0 $0x200;
	[sflag:s31] =	ssyncset.done $0x0  }
0x94: {  	s9 =	sshra.s32 s9, $0x2;
	[sflag:s31] =	ssyncadd.s32 $0xFFFFF000  }
0x95: {  	[tilespmem:s28], [sflag:$0x1] =	stream.indirect.gather [hbm4b:s4+s24], $0x40, s9, s24, $0xb8;
	[tilespmem:$0x19580] =	vst v63  }
0x96: {  	s9 =	sadd.s32 $0x2540, s8  }
0x97: {  	[spmem:s2] =	stream.indirect.scatter.add.bf16 [tilespmem:s30], [sflag:$0x2], $0x40, s9, s24, $0xb8;
	[tilespmem:$0x19580] =	vst v63  }
0x98: {  	_ =	swait.ge [sflag:s22], $0x1000  }
0x99: {  	[sflag:s22] =	ssyncset.done $0x0  }
0x9a: {  	[sflag:s22] =	ssyncadd.s32 $0xFFFFF000  }
0x9b: {  	v2 =	vld [tilespmem:s8+$0x2540];
	_ =	sdelay $0x7  }
0x9c: {  	[tilespmem:v2+s26+$0x0] =	vst.idx.add.f32.msk $0xffff, v1  }
0x9d: {  	v2 =	vld [tilespmem:s8+$0x2550];
	_ =	sdelay $0x7  }
0x9e: {  	[tilespmem:v2+s26+$0x0] =	vst.idx.add.f32.msk $0xffff, v1  }
0x9f: {  	v2 =	vld [tilespmem:s8+$0x2560];
	_ =	sdelay $0x7  }
0xa0: {  	[tilespmem:v2+s26+$0x0] =	vst.idx.add.f32.msk $0xffff, v1  }
0xa1: {  	v2 =	vld [tilespmem:s8+$0x2570];
	_ =	sdelay $0x7  }
0xa2: {  	[tilespmem:v2+s26+$0x0] =	vst.idx.add.f32.msk $0xffff, v1  }
0xa3: {  	s9 =	sadd.s32 $0xFFFFFD00, s7;
	_ =	swait.ge [sflag:s31], $0x1000  }
0xa4: {  	s9 =	simm.s32 @p0 $0x300;
	[sflag:s31] =	ssyncset.done $0x0  }
0xa5: {  	s9 =	sshra.s32 s9, $0x2;
	[sflag:s31] =	ssyncadd.s32 $0xFFFFF000  }
0xa6: {  	[tilespmem:s30], [sflag:$0x1] =	stream.indirect.gather [hbm4b:s4+s24], $0x40, s9, s24, $0xb8;
	[tilespmem:$0x19580] =	vst v63  }
0xa7: {  	s9 =	sadd.s32 $0x2580, s8  }
0xa8: {  	[spmem:s2] =	stream.indirect.scatter.add.bf16 [tilespmem:s0], [sflag:$0x2], $0x40, s9, s24, $0xb8;
	[tilespmem:$0x19580] =	vst v63  }
0xa9: {  	_ =	swait.ge [sflag:s22], $0x1000  }
0xaa: {  	[sflag:s22] =	ssyncset.done $0x0  }
0xab: {  	[sflag:s22] =	ssyncadd.s32 $0xFFFFF000  }
0xac: {  	v2 =	vld [tilespmem:s8+$0x2580];
	_ =	sdelay $0x7  }
0xad: {  	[tilespmem:v2+s26+$0x0] =	vst.idx.add.f32.msk $0xffff, v1  }
0xae: {  	v2 =	vld [tilespmem:s8+$0x2590];
	_ =	sdelay $0x7  }
0xaf: {  	[tilespmem:v2+s26+$0x0] =	vst.idx.add.f32.msk $0xffff, v1  }
0xb0: {  	v2 =	vld [tilespmem:s8+$0x25A0];
	_ =	sdelay $0x7  }
0xb1: {  	[tilespmem:v2+s26+$0x0] =	vst.idx.add.f32.msk $0xffff, v1  }
0xb2: {  	v2 =	vld [tilespmem:s8+$0x25B0];
	_ =	sdelay $0x7  }
0xb3: {  	[tilespmem:v2+s26+$0x0] =	vst.idx.add.f32.msk $0xffff, v1  }
0xb4: {  	s9 =	sadd.s32 $0xFFFFFE00, s7;
	_ =	swait.ge [sflag:s31], $0x1000  }
0xb5: {  	s9 =	simm.s32 @p0 $0x400;
	[sflag:s31] =	ssyncset.done $0x0  }
0xb6: {  	s9 =	sshra.s32 s9, $0x2;
	[sflag:s31] =	ssyncadd.s32 $0xFFFFF000  }
0xb7: {  	[tilespmem:s0], [sflag:$0x1] =	stream.indirect.gather [hbm4b:s4+s24], $0x40, s9, s24, $0xb8;
	[tilespmem:$0x19580] =	vst v63  }
0xb8: {  	s9 =	sadd.s32 $0x25C0, s8  }
0xb9: {  	[spmem:s2] =	stream.indirect.scatter.add.bf16 [tilespmem:s23], [sflag:$0x2], $0x40, s9, s24, $0xb8;
	[tilespmem:$0x19580] =	vst v63  }
0xba: {  	_ =	swait.ge [sflag:s22], $0x1000  }
0xbb: {  	[sflag:s22] =	ssyncset.done $0x0  }
0xbc: {  	[sflag:s22] =	ssyncadd.s32 $0xFFFFF000  }
0xbd: {  	v2 =	vld [tilespmem:s8+$0x25C0];
	_ =	sdelay $0x7  }
0xbe: {  	[tilespmem:v2+s26+$0x0] =	vst.idx.add.f32.msk $0xffff, v1  }
0xbf: {  	v2 =	vld [tilespmem:s8+$0x25D0];
	_ =	sdelay $0x7  }
0xc0: {  	[tilespmem:v2+s26+$0x0] =	vst.idx.add.f32.msk $0xffff, v1  }
0xc1: {  	v2 =	vld [tilespmem:s8+$0x25E0];
	_ =	sdelay $0x7  }
0xc2: {  	[tilespmem:v2+s26+$0x0] =	vst.idx.add.f32.msk $0xffff, v1  }
0xc3: {  	v2 =	vld [tilespmem:s8+$0x25F0];
	_ =	sdelay $0x7  }
0xc4: {  	[tilespmem:v2+s26+$0x0] =	vst.idx.add.f32.msk $0xffff, v1  }
0xc5: {  	s9 =	sadd.s32 $0xFFFFFF00, s7;
	_ =	swait.ge [sflag:s31], $0x1000  }
0xc6: {  	s9 =	simm.s32 @p0 $0x500;
	[sflag:s31] =	ssyncset.done $0x0  }
0xc7: {  	s9 =	sshra.s32 s9, $0x2;
	[sflag:s31] =	ssyncadd.s32 $0xFFFFF000  }
0xc8: {  	[tilespmem:s23], [sflag:$0x1] =	stream.indirect.gather [hbm4b:s4+s24], $0x40, s9, s24, $0xb8;
	[tilespmem:$0x19580] =	vst v63  }
0xc9: {  	s9 =	sadd.s32 $0x2600, s8  }
0xca: {  	[spmem:s2] =	stream.indirect.scatter.add.bf16 [tilespmem:s29], [sflag:$0x2], $0x40, s9, s24, $0xb8;
	[tilespmem:$0x19580] =	vst v63  }
0xcb: {  	_ =	swait.ge [sflag:s22], $0x1000  }
0xcc: {  	[sflag:s22] =	ssyncset.done $0x0  }
0xcd: {  	[sflag:s22] =	ssyncadd.s32 $0xFFFFF000  }
0xce: {  	v2 =	vld [tilespmem:s8+$0x2600];
	_ =	sdelay $0x7  }
0xcf: {  	[tilespmem:v2+s26+$0x0] =	vst.idx.add.f32.msk $0xffff, v1  }
0xd0: {  	v2 =	vld [tilespmem:s8+$0x2610];
	_ =	sdelay $0x7  }
0xd1: {  	[tilespmem:v2+s26+$0x0] =	vst.idx.add.f32.msk $0xffff, v1  }
0xd2: {  	v2 =	vld [tilespmem:s8+$0x2620];
	_ =	sdelay $0x7  }
0xd3: {  	[tilespmem:v2+s26+$0x0] =	vst.idx.add.f32.msk $0xffff, v1  }
0xd4: {  	v2 =	vld [tilespmem:s8+$0x2630];
	_ =	sdelay $0x7  }
0xd5: {  	[tilespmem:v2+s26+$0x0] =	vst.idx.add.f32.msk $0xffff, v1  }
0xd6: {  	s9 =	smov.u32 s7;
	_ =	swait.ge [sflag:s31], $0x1000  }
0xd7: {  	s9 =	simm.s32 @p0 $0x600;
	[sflag:s31] =	ssyncset.done $0x0  }
0xd8: {  	s9 =	sshra.s32 s9, $0x2;
	[sflag:s31] =	ssyncadd.s32 $0xFFFFF000  }
0xd9: {  	[tilespmem:s29], [sflag:$0x1] =	stream.indirect.gather [hbm4b:s4+s24], $0x40, s9, s24, $0xb8;
	[tilespmem:$0x19580] =	vst v63  }
0xda: {  	s9 =	sadd.s32 $0x2640, s8  }
0xdb: {  	[spmem:s2] =	stream.indirect.scatter.add.bf16 [tilespmem:s1], [sflag:$0x2], $0x40, s9, s24, $0xb8;
	[tilespmem:$0x19580] =	vst v63  }
0xdc: {  	_ =	swait.ge [sflag:s22], $0x1000  }
0xdd: {  	[sflag:s22] =	ssyncset.done $0x0  }
0xde: {  	[sflag:s22] =	ssyncadd.s32 $0xFFFFF000  }
0xdf: {  	v2 =	vld [tilespmem:s8+$0x2640];
	_ =	sdelay $0x7  }
0xe0: {  	[tilespmem:v2+s26+$0x0] =	vst.idx.add.f32.msk $0xffff, v1  }
0xe1: {  	v2 =	vld [tilespmem:s8+$0x2650];
	_ =	sdelay $0x7  }
0xe2: {  	[tilespmem:v2+s26+$0x0] =	vst.idx.add.f32.msk $0xffff, v1  }
0xe3: {  	v2 =	vld [tilespmem:s8+$0x2660];
	_ =	sdelay $0x7  }
0xe4: {  	[tilespmem:v2+s26+$0x0] =	vst.idx.add.f32.msk $0xffff, v1  }
0xe5: {  	v2 =	vld [tilespmem:s8+$0x2670];
	_ =	sdelay $0x2  }
0xe6: {  	p0 =	sne.s32 s7, $0xA600  }
.Ltmp1:
0xe7: {  	_ = 	snop;
	(pc) =	sbr.rel @p0 .LBB2_4-.Ltmp1, $2  }
0xe8: {  	_ =	sdelay $0x2  }
0xe9: {  	s7 =	sadd.s32 $0x800, s7;
	[tilespmem:v2+s26+$0x0] =	vst.idx.add.f32.msk $0xffff, v1  }
0xea: {  	_ =	swait.ge [sflag:s31], $0x1000  }
0xeb: {  	[sflag:s31] =	ssyncset.done $0x0  }
0xec: {  	[sflag:s31] =	ssyncadd.s32 $0xFFFFF000  }
0xed: {  	_ =	swait.ge [sflag:s31], $0x1000  }
0xee: {  	[sflag:s31] =	ssyncset.done $0x0  }
0xef: {  	[sflag:s31] =	ssyncadd.s32 $0xFFFFF000  }
0xf0: {  	_ =	swait.ge [sflag:s31], $0x1000  }
0xf1: {  	[sflag:s31] =	ssyncset.done $0x0  }
0xf2: {  	[sflag:s31] =	ssyncadd.s32 $0xFFFFF000  }
0xf3: {  	_ =	swait.ge [sflag:s31], $0x1000  }
0xf4: {  	[sflag:s31] =	ssyncset.done $0x0  }
0xf5: {  	[sflag:s31] =	ssyncadd.s32 $0xFFFFF000  }
0xf6: {  	_ =	swait.ge [sflag:s31], $0x1000  }
0xf7: {  	[sflag:s31] =	ssyncset.done $0x0  }
0xf8: {  	[sflag:s31] =	ssyncadd.s32 $0xFFFFF000  }
0xf9: {  	_ =	swait.ge [sflag:s31], $0x1000  }
0xfa: {  	[sflag:s31] =	ssyncset.done $0x0  }
0xfb: {  	[sflag:s31] =	ssyncadd.s32 $0xFFFFF000  }
0xfc: {  	_ =	swait.ge [sflag:s31], $0x1000  }
0xfd: {  	s7 =	stileid.u32;
	[sflag:s31] =	ssyncset.done $0x0  }
0xfe: {  	s7 =	sshll.u32 s7, $0x6;
	[sflag:s31] =	ssyncadd.s32 $0xFFFFF000  }
0xff: {  	s8 =	sshrl.u32 s6, $0x3;
	s7 =	sor.u32 $0x1C02, s7;
	[bflag:$0x0] =	sbarrier.arrive $0xFFFF  }
0x100: {  	[hbm:s18], [sflag:s7] =	dma.local [spmem:s8], $0x13C0  }
0x101: {  	s5 =	sadd.s32 $0x1, s5;
	_ =	swait.ge [sflag:s22], $0x13C0  }
0x102: {  	p0 =	sne.s32 s5, s20;
	[sflag:s22] =	ssyncset.done $0x0  }
.Ltmp2:
0x103: {  	[sflag:s22] =	ssyncadd.s32 $0xFFFFEC40;
	(pc) =	sbr.rel @p0 .LBB2_1-.Ltmp2, $4  }
0x104: {  	[hbm4b:s19+s3] =	stream.linear.scatter [tilespmem:s26], [sflag:$0x2], $0x2780, $0x38;
	[tilespmem:$0x19580] =	vst v63  }
0x105: {  	_ =	swait.ge [sflag:s22], $0x2780  }
0x106: {  	[sflag:s22] =	ssyncset.done $0x0  }
0x107: {  	[sflag:s22] =	ssyncadd.s32 $0xFFFFD880  }
0x108: {  	_ =	sfence.sel $0x180000  }
0x109: {  	[bflag:$0x0] =	sbarrier.arrive $0xFFFF  }
0x10a: {  	_ =	strace $0x90000047  }
0x10b: {  	s0 =	stileid.u32;
	[bflag:$0x2] =	sbarrier.arrive $0xFFFF  }
0x10c: {  	p0 =	sne.s32 s0, $0x0;
	s0 =	rddreg [dreg:$0x3]  }
0x10d: {  	s0 =	sadd.s32 @!p0 $0x100000, s0  }
0x10e: {  	[sflag:s0] =	ssyncadd.tile.s32 @!p0 $0x1;
	_ =	shalt  }
.Lfunc_end2:
_tile_overlayer_lowered:
.L_overlay_start_2:
0x10f: {  	(tag) =	ssettag $0x2  }
0x110: {  	s0 =	rddreg [dreg:$0x0];
	s2 =	stileid.u32  }
0x111: {  	s1 =	rddreg [dreg:$0x1];
	p0 =	sne.s32 s2, $0x0  }
0x112: {  	s3 =	rddreg [dreg:$0x2];
	[bflag:$0x3] =	sbarrier.arrive $0xFFFF;
	s2 =	simm.s32 @!p0 $0x1C02  }
0x113: {  	[timem:s3], [sflag:s2] =	dma.local @!p0 [hbm:s0], s1  }
0x114: {  	s0 =	simm.s32 @!p0 $0x2  }
0x115: {  	_ =	swait.ge @!p0 [sflag:s0], s1  }
0x116: {  	s1 =	ssub.s32 @!p0 $0x0, s1;
	[sflag:s0] =	ssyncset.done @!p0 $0x0  }
0x117: {  	[sflag:s0] =	ssyncadd.s32 @!p0 s1  }
0x118: {  	[bflag:$0x3] =	sbarrier.arrive $0xFFFF  }
0x119: {  	_ =	shalt  }

// kernel: kernel.9.cloned.1.call-start
scs
__scs_entry_jumppad:
0x0: {  	(pc) =	sbr.rel $0x88, $3  }
0x1: {  	(tag) =	ssettag $0x0;
	lr =	simm.s32 $0x1  }
0x2: {  	[smem:$0x3F99] =	sst lr;
	_ =	strace $0xD0000000  }
0x3: {  	_ = 	snop  }
0x4: {  	_ = 	snop  }
0x5: {  	_ = 	snop  }
0x6: {  	_ = 	snop  }
0x7: {  	_ = 	snop  }
__scs_overlays_trampoline_lowered:
0x8: {  	[smem:$0x3FA8] =	sst s0  }
0x9: {  	[smem:$0x3FA9] =	sst s1  }
0xa: {  	[smem:$0x3FAA] =	sst s2  }
0xb: {  	[smem:$0x3FAB] =	sst s3  }
0xc: {  	[smem:$0x3FAC] =	sst s4  }
0xd: {  	[smem:$0x3FAD] =	sst s5  }
0xe: {  	[smem:$0x3FAE] =	sst s6  }
0xf: {  	[smem:$0x3FAF] =	sst s7  }
0x10: {  	[smem:$0x3FB0] =	sst s8  }
0x11: {  	[smem:$0x3FB1] =	sst s9;
	s0 =	simm.s32 @!p0 $0x0  }
0x12: {  	s1 =	sld [smem:$0x3F97];
	s0 =	simm.s32 @p0 $0x1  }
0x13: {  	[smem:$0x3FB2] =	sst s0;
	s0 =	simm.s32 @!p1 $0x0  }
0x14: {  	s2 =	sld [smem:$0x3F96];
	s0 =	simm.s32 @p1 $0x1  }
0x15: {  	[smem:$0x3FB3] =	sst s0;
	s0 =	simm.s32 @!p2 $0x0  }
0x16: {  	s3 =	sld [smem:$0x3FDB];
	s0 =	simm.s32 @p2 $0x1  }
0x17: {  	s4 =	simm.s32 $0x1BF5;
	[smem:$0x3FB5] =	sst s0  }
0x18: {  	s0 =	sld [smem:$0x3F98];
	_ =	swait.ge [sflag:s4], $0x0  }
0x19: {  	s7 =	sld [smem:$0x3F99]  }
0x1a: {  	s8 =	sadd.s32 $0xFFFFE003, lr  }
0x1b: {  	s9 =	sadd.s32 $0xFFFFFEF7, lr;
	s5 =	simm.s32 $0xFFFFFFFF;
	p2 =	slt.u32 s8, $0xFFFFF086  }
0x1c: {  	p1 =	slt.u32 s9, $0xF7A;
	s5 =	simm.s32 @!p2 $0x0  }
0x1d: {  	s5 =	simm.s32 @p1 $0x1;
	p0 =	seq.s32 s7, s2  }
0x1e: {  	s7 =	smul.u32 @!p0 $0xF7A, s2;
	p2 =	seq.s32 @!p0 s5, $0x0  }
0x1f: {  	s9 =	smul.u32 $0xF7A, s1;
	s8 =	simm.s32 @!p0 $0x1BF5;
	p2 =	por !p2, p0  }
0x20: {  	[sflag:s8] =	ssyncset.s32 @!p0 $0xFFFFF086;
	s6 =	sadd.s32 @!p0 s3, s7;
	s7 =	simm.s32 @!p0 $0x108  }
0x21: {  	s3 =	sadd.s32 s3, s9;
	s6 =	sadd.s32 @!p0 $0x88, s6;
	s7 =	simm.s32 @p2 $0x1082  }
0x22: {  	[simem:s7], [sflag:s8] =	dma.local @!p0 [hbm:s6], $0xF7A  }
0x23: {  	s9 =	sor.u32 $0xD0000000, s2;
	s6 =	simm.s32 $0x108;
	_ =	swait.ge @!p0 [sflag:s8], $0x0  }
0x24: {  	s3 =	sadd.s32 $0x88, s3;
	s6 =	simm.s32 @!p1 $0x1082;
	[sflag:s4] =	ssyncset.s32 $0xFFFFF086  }
0x25: {  	[simem:s6], [sflag:s4] =	dma.local [hbm:s3], $0xF7A  }
0x26: {  	[smem:$0x3F99] =	sst s1;
	(tag) =	ssettag s2;
	_ =	strace s9  }
0x27: {  	s1 =	sld [smem:$0x3FA9]  }
0x28: {  	s2 =	sld [smem:$0x3FAA]  }
0x29: {  	s4 =	sld [smem:$0x3FAC]  }
0x2a: {  	p0 =	seq.s32 s5, $0x0;
	s5 =	sld [smem:$0x3FAD]  }
0x2b: {  	s6 =	sld [smem:$0x3FAE]  }
0x2c: {  	s7 =	sld [smem:$0x3FAF]  }
0x2d: {  	s3 =	simm.s32 $0x108;
	s8 =	sld [smem:$0x3FB0]  }
0x2e: {  	s3 =	simm.s32 @!p0 $0x1082;
	s9 =	sld [smem:$0x3FB1]  }
0x2f: {  	lr =	sadd.s32 s0, s3;
	s0 =	sld [smem:$0x3FA8]  }
0x30: {  	s3 =	sld [smem:$0x3FAB]  }
0x31: {  	[smem:$0x3FB4] =	sst s10  }
0x32: {  	s10 =	sld [smem:$0x3FB2];
	_ =	sdelay $0x3  }
0x33: {  	p0 =	seq.s32 s10, $0x1;
	s10 =	sld [smem:$0x3FB4];
	_ =	sdelay $0x3  }
0x34: {  	[smem:$0x3FB4] =	sst s10  }
0x35: {  	s10 =	sld [smem:$0x3FB3];
	_ =	sdelay $0x3  }
0x36: {  	p1 =	seq.s32 s10, $0x1;
	s10 =	sld [smem:$0x3FB4];
	_ =	sdelay $0x3  }
0x37: {  	[smem:$0x3FB4] =	sst s10  }
0x38: {  	s10 =	sld [smem:$0x3FB5]  }
0x39: {  	_ = 	snop;
	(pc) =	sbr.ind lr, $3  }
0x3a: {  	_ = 	snop  }
0x3b: {  	_ = 	snop  }
0x3c: {  	p2 =	seq.s32 s10, $0x1;
	s10 =	sld [smem:$0x3FB4]  }
0x3d: {  	_ =	shalt  }
0x3e: {  	_ =	shalt  }
0x3f: {  	_ =	shalt  }
0x40: {  	_ =	shalt  }
0x41: {  	_ =	shalt  }
0x42: {  	_ =	shalt  }
0x43: {  	_ =	shalt  }
0x44: {  	_ =	shalt  }
0x45: {  	_ =	shalt  }
0x46: {  	_ =	shalt  }
0x47: {  	_ =	shalt  }
0x48: {  	_ =	shalt  }
0x49: {  	_ =	shalt  }
0x4a: {  	_ =	shalt  }
0x4b: {  	_ =	shalt  }
0x4c: {  	_ =	shalt  }
0x4d: {  	_ =	shalt  }
0x4e: {  	_ =	shalt  }
0x4f: {  	_ =	shalt  }
0x50: {  	_ =	shalt  }
0x51: {  	_ =	shalt  }
0x52: {  	_ =	shalt  }
0x53: {  	_ =	shalt  }
0x54: {  	_ =	shalt  }
0x55: {  	_ =	shalt  }
0x56: {  	_ =	shalt  }
0x57: {  	_ =	shalt  }
0x58: {  	_ =	shalt  }
0x59: {  	_ =	shalt  }
0x5a: {  	_ =	shalt  }
0x5b: {  	_ =	shalt  }
0x5c: {  	_ =	shalt  }
0x5d: {  	_ =	shalt  }
0x5e: {  	_ =	shalt  }
0x5f: {  	_ =	shalt  }
0x60: {  	_ =	shalt  }
0x61: {  	_ =	shalt  }
0x62: {  	_ =	shalt  }
0x63: {  	_ =	shalt  }
0x64: {  	_ =	shalt  }
0x65: {  	_ =	shalt  }
0x66: {  	_ =	shalt  }
0x67: {  	_ =	shalt  }
0x68: {  	_ =	shalt  }
0x69: {  	_ =	shalt  }
0x6a: {  	_ =	shalt  }
0x6b: {  	_ =	shalt  }
0x6c: {  	_ =	shalt  }
0x6d: {  	_ =	shalt  }
0x6e: {  	_ =	shalt  }
0x6f: {  	_ =	shalt  }
0x70: {  	_ =	shalt  }
0x71: {  	_ =	shalt  }
0x72: {  	_ =	shalt  }
0x73: {  	_ =	shalt  }
0x74: {  	_ =	shalt  }
0x75: {  	_ =	shalt  }
0x76: {  	_ =	shalt  }
0x77: {  	_ =	shalt  }
0x78: {  	_ =	shalt  }
0x79: {  	_ =	shalt  }
0x7a: {  	_ =	shalt  }
0x7b: {  	_ =	shalt  }
0x7c: {  	_ =	shalt  }
0x7d: {  	_ =	shalt  }
0x7e: {  	_ =	shalt  }
0x7f: {  	_ =	shalt  }
0x80: {  	_ =	shalt  }
0x81: {  	_ =	shalt  }
0x82: {  	_ =	shalt  }
0x83: {  	_ =	shalt  }
0x84: {  	_ =	shalt  }
0x85: {  	_ =	shalt  }
0x86: {  	_ =	shalt  }
0x87: {  	_ =	shalt  }
.Lfunc_end0:
.L_simem_size_0:
called_computation.1_lowered:
.L_overlay_start_0:
0x88: {  	s2 =	sld [smem:$0x3FD9]  }
0x89: {  	s3 =	sld [smem:$0x3FFE];
	_ =	sdelay $0x1  }
0x8a: {  	s1 =	srdreg.scid  }
0x8b: {  	s0 =	sand.u32 $0x1, s1  }
0x8c: {  	s17 =	sshll.u32 s0, $0xA;
	s2 =	sadd.s32 s3, s2  }
0x8d: {  	s2 =	sadd.s32 s2, s17  }
0x8e: {  	[smem:$0x3FC0] =	sst s2  }
0x8f: {  	_ = 	snop  }
0x90: {  	s2 =	sld [smem:$0x3FD0];
	(tm) =	ssettm $0x1  }
0x91: {  	s18 =	sld [smem:$0x3FFB];
	_ =	sdelay $0x3  }
0x92: {  	_ =	strace s18  }
0x93: {  	s3 =	sld [smem:$0x3FFC];
	_ =	sdelay $0x3  }
0x94: {  	_ =	strace s3  }
0x95: {  	s3 =	sld [smem:$0x3FFD];
	_ =	sdelay $0x3  }
0x96: {  	_ =	strace s3  }
0x97: {  	_ =	strace $0x8FFFFFFF  }
0x98: {  	s19 =	sld [smem:$0x3FDB];
	_ =	sdelay $0x1  }
0x99: {  	s4 =	simm.s32 $_scs_section_size  }
0x9a: {  	s5 =	simm.s32 $_size__tile_overlayer_lowered;
	s6 =	simm.s32 $_tile_overlayer_lowered  }
0x9b: {  	s22 =	simm.s32 $0x1BFF;
	s21 =	sshll.u32 s6, $0x1;
	s3 =	sadd.s32 s4, s19  }
0x9c: {  	s7 =	simm.s32 $0x0;
	s20 =	sshll.u32 s5, $0x1;
	s5 =	sadd.s32 s21, s3  }
0x9d: {  	[timem:s7], [sflag:s22] =	dma.local [hbm:s5], s20  }
0x9e: {  	_ =	swait.ge [sflag:s22], s20  }
0x9f: {  	s4 =	ssub.s32 $0x0, s20;
	[sflag:s22] =	ssyncset.done $0x0  }
0xa0: {  	[sflag:s22] =	ssyncadd.s32 s4;
	_ =	sdelay $0x1  }
0xa1: {  	s23 =	simm.s32 $0x1B8B  }
0xa2: {  	_ =	swait.ge [sflag:s23], $0x1  }
0xa3: {  	[sflag:s23] =	ssyncset.done $0x0  }
0xa4: {  	s25 =	simm.s32 $0x1B8E;
	s24 =	sld [smem:$0x3FFE];
	[sflag:s23] =	ssyncadd.s32 $0xFFFFFFFF  }
0xa5: {  	s26 =	simm.s32 $execute0_lowered;
	[smem:$0x3FD2] =	sst s25  }
0xa6: {  	s5 =	sshll.u32 s26, $0x1;
	_ =	strace $0x80000049;
	[dreg:$0x1] =	wrdreg $0xFFFFFFFF  }
0xa7: {  	s28 =	simm.s32 $_size_execute0_lowered;
	s3 =	sadd.s32 s3, s5;
	[dreg:$0x0] =	wrdreg $0x0  }
0xa8: {  	s5 =	sshll.u32 s28, $0x1;
	[dreg:$0x2] =	wrdreg s3  }
0xa9: {  	[dreg:$0x3] =	wrdreg s5  }
0xaa: {  	[dreg:$0x4] =	wrdreg $0xC0  }
0xab: {  	_ =	task [dreg:s7], $0x5FFFF  }
0xac: {  	[dreg:$0x1] =	wrdreg $0xFFFFFFFF  }
0xad: {  	[dreg:$0x0] =	wrdreg $0x60  }
0xae: {  	[dreg:$0x2] =	wrdreg s2  }
0xaf: {  	[dreg:$0x3] =	wrdreg s24  }
0xb0: {  	[dreg:$0x4] =	wrdreg $0xD0000  }
0xb1: {  	[dreg:$0x5] =	wrdreg $0x9  }
0xb2: {  	_ =	task.clear_ibuf [dreg:s7], $0x6FFFF;
	_ =	strace $0x90000049  }
0xb3: {  	s29 =	simm.s32 $0x9;
	_ =	strace $0x8000004B  }
0xb4: {  	_ =	swait.ge [sflag:s29], $0x1  }
0xb5: {  	[sflag:s29] =	ssyncadd.s32 $0xFFFFFFFF  }
0xb6: {  	_ =	strace $0x9000004B  }
0xb7: {  	_ =	sfence  }
0xb8: {  	s30 =	sld [smem:$0x0];
	_ =	sdelay $0x2  }
0xb9: {  	s31 =	sshll.u32 s1, $0xD;
	s1 =	sshrl.u32 s1, $0x2  }
0xba: {  	s3 =	sand.u32 $0x4000, s31;
	s1 =	sadd.s32 s1, s30  }
0xbb: {  	s0 =	sor.u32 s3, s0;
	s1 =	sshll.u32 s1, $0x11  }
0xbc: {  	s0 =	sor.u32 s1, s0  }
0xbd: {  	s0 =	sadd.s32 $0x8F2B, s0  }
0xbe: {  	[sflag:s0] =	ssyncadd.remote.s32 $0x1  }
0xbf: {  	_ =	sfence.sel $0xFFFF  }
0xc0: {  	[dreg:$0x0] =	wrdreg $0xFFFFFFFF;
	(pc) =	sbr.abs _section_cstart, $3  }
0xc1: {  	[dreg:$0x1] =	wrdreg $0xFFFFFFFF  }
0xc2: {  	_ =	task.clear_ibuf [dreg:s7], $0x2FFFF;
	_ =	strace $0x9FFFFFFF  }
0xc3: {  	(tm) =	ssettm $0x7FFFFFFF  }
tec
execute0_lowered:
.L_overlay_start_1:
0x0: {  	(tag) =	ssettag $0x1  }
0x1: {  	s1 =	rddreg [dreg:$0x0]  }
0x2: {  	s0 =	srdreg.scid;
	s5 =	rddreg [dreg:$0x1]  }
0x3: {  	s8 =	stileid.u32;
	s3 =	rddreg [dreg:$0x2];
	s4 =	simm.s32 $0x0  }
0x4: {  	s15 =	simm.s32 $0x5000;
	s16 =	simm.s32 $0x2;
	s18 =	simm.s32 $0x80  }
0x5: {  	s19 =	simm.s32 $0x6000;
	s21 =	simm.s32 $0x7000;
	s23 =	simm.s32 $0x8000  }
0x6: {  	s25 =	simm.s32 $0x9000;
	s28 =	simm.s32 $0xA000;
	s30 =	simm.s32 $0xB000  }
0x7: {  	s31 =	simm.s32 $0x1;
	s17 =	simm.s32 $0x0;
	s0 =	sand.u32 $0x1, s0  }
0x8: {  	s6 =	smul.u32 $0x4F00, s8;
	[smem:$0x7FF] =	sst s4;
	s9 =	sadd.s32 $0x1C00, s5  }
0x9: {  	s2 =	sshll.u32 s0, $0x4;
	s7 =	smul.u32 $0x4F000, s0;
	_ =	strace $0x8000004A  }
0xa: {  	s0 =	ssub.s32 $0x2, s0;
	s2 =	sor.u32 s8, s2;
	s8 =	smul.u32 $0x13C00, s8  }
0xb: {  	[dreg:$0x4] =	wrdreg s9;
	s26 =	sshrl.u32 s0, $0x1;
	s2 =	smul.u32 $0x500, s2  }
0xc: {  	s7 =	sadd.s32 s6, s7;
	s0 =	ssub.s32 s0, s26;
	s6 =	sadd.s32 s6, s3  }
0xd: {  	s7 =	sshrl.u32 s7, $0x3;
	s8 =	sshrl.u32 s8, $0x2;
	s14 =	smax.u32 s0, $0x1  }
0xe: {  	s2 =	sadd.s32 s2, s5;
	s5 =	sadd.s32 s7, s5;
	s10 =	sadd.s32 s8, s3  }
0xf: {  	s29 =	sadd.s32 $0x1000, s10;
	s8 =	sadd.s32 $0x2000, s10;
	s9 =	sadd.s32 $0x3000, s10  }
0x10: {  	s10 =	sadd.s32 $0x4000, s10;
	s11 =	sadd.s32 $0x15800, s2;
	s12 =	sadd.s32 $0x1F800, s2  }
0x11: {  	s13 =	sadd.s32 $0x29800, s5;
	s2 =	simm.s32 $0xC000;
	[dreg:$0x5] =	wrdreg s29  }
.LBB2_1:
0x12: {  	s0 =	rddreg [dreg:$0x4]  }
0x13: {  	[tilespmem:s15], [sflag:$0x2] =	stream.linear.gather [hbm4b:s0+s4], $0x1000, $0x38;
	[tilespmem:$0x11F00] =	vst v63  }
0x14: {  	_ =	swait.ge [sflag:s16], $0x1000  }
0x15: {  	[sflag:s16] =	ssyncset.done $0x0  }
0x16: {  	[sflag:s16] =	ssyncadd.s32 $0xFFFFF000  }
0x17: {  	[spmem:s6] =	stream.linear.scatter [tilespmem:s15], [sflag:$0x2], $0x1000, $0x38;
	[tilespmem:$0x11F00] =	vst v63  }
0x18: {  	_ =	swait.ge [sflag:s16], $0x1000  }
0x19: {  	[sflag:s16] =	ssyncset.done $0x0  }
0x1a: {  	s26 =	rddreg [dreg:$0x5];
	[sflag:s16] =	ssyncadd.s32 $0xFFFFF000  }
0x1b: {  	[spmem:s26] =	stream.linear.scatter [tilespmem:s15], [sflag:$0x2], $0x1000, $0x38;
	[tilespmem:$0x11F00] =	vst v63  }
0x1c: {  	_ =	swait.ge [sflag:s16], $0x1000  }
0x1d: {  	[sflag:s16] =	ssyncset.done $0x0  }
0x1e: {  	[sflag:s16] =	ssyncadd.s32 $0xFFFFF000  }
0x1f: {  	[spmem:s8] =	stream.linear.scatter [tilespmem:s15], [sflag:$0x2], $0x1000, $0x38;
	[tilespmem:$0x11F00] =	vst v63  }
0x20: {  	_ =	swait.ge [sflag:s16], $0x1000  }
0x21: {  	[sflag:s16] =	ssyncset.done $0x0  }
0x22: {  	[sflag:s16] =	ssyncadd.s32 $0xFFFFF000  }
0x23: {  	[spmem:s9] =	stream.linear.scatter [tilespmem:s15], [sflag:$0x2], $0x1000, $0x38;
	[tilespmem:$0x11F00] =	vst v63  }
0x24: {  	_ =	swait.ge [sflag:s16], $0x1000  }
0x25: {  	[sflag:s16] =	ssyncset.done $0x0  }
0x26: {  	[sflag:s16] =	ssyncadd.s32 $0xFFFFF000  }
0x27: {  	[spmem:s10] =	stream.linear.scatter [tilespmem:s15], [sflag:$0x2], $0xF00, $0x38;
	[tilespmem:$0x11F00] =	vst v63  }
0x28: {  	_ =	swait.ge [sflag:s16], $0xF00  }
0x29: {  	[sflag:s16] =	ssyncset.done $0x0  }
0x2a: {  	[sflag:s16] =	ssyncadd.s32 $0xFFFFF100  }
0x2b: {  	[bflag:$0x0] =	sbarrier.arrive $0xFFFF  }
0x2c: {  	[tilespmem:s4], [sflag:$0x2] =	stream.linear.gather [hbm4b:s11+s4], $0x2800, $0x38;
	[tilespmem:$0x11F00] =	vst v63  }
0x2d: {  	_ =	swait.ge [sflag:s16], $0x2800  }
0x2e: {  	[sflag:s16] =	ssyncset.done $0x0  }
0x2f: {  	s29 =	simm.s32 $0x2800;
	[sflag:s16] =	ssyncadd.s32 $0xFFFFD800  }
0x30: {  	[tilespmem:s29], [sflag:$0x2] =	stream.linear.gather [hbm4b:s12+s4], $0x2800, $0x38;
	[tilespmem:$0x11F00] =	vst v63  }
0x31: {  	_ =	swait.ge [sflag:s16], $0x2800  }
0x32: {  	[sflag:s16] =	ssyncset.done $0x0  }
0x33: {  	[sflag:s16] =	ssyncadd.s32 $0xFFFFD800  }
0x34: {  	[tilespmem:s15], [sflag:$0x1] =	stream.indirect.gather [hbm4b:s1+s18], $0x20, s4, s18, $0xb8;
	[tilespmem:$0x11F00] =	vst v63  }
0x35: {  	_ = 	snop  }
0x36: {  	[tilespmem:s19], [sflag:$0x1] =	stream.indirect.gather [hbm4b:s1+s18], $0x20, s18, s18, $0xb8;
	[tilespmem:$0x11F00] =	vst v63  }
0x37: {  	s5 =	simm.s32 $0x100  }
0x38: {  	[tilespmem:s21], [sflag:$0x1] =	stream.indirect.gather [hbm4b:s1+s18], $0x20, s5, s18, $0xb8;
	[tilespmem:$0x11F00] =	vst v63  }
0x39: {  	s7 =	simm.s32 $0x180  }
0x3a: {  	[tilespmem:s23], [sflag:$0x1] =	stream.indirect.gather [hbm4b:s1+s18], $0x20, s7, s18, $0xb8;
	[tilespmem:$0x11F00] =	vst v63  }
0x3b: {  	s20 =	simm.s32 $0x200  }
0x3c: {  	[tilespmem:s25], [sflag:$0x1] =	stream.indirect.gather [hbm4b:s1+s18], $0x20, s20, s18, $0xb8;
	[tilespmem:$0x11F00] =	vst v63  }
0x3d: {  	s22 =	simm.s32 $0x280  }
0x3e: {  	[tilespmem:s28], [sflag:$0x1] =	stream.indirect.gather [hbm4b:s1+s18], $0x20, s22, s18, $0xb8;
	[tilespmem:$0x11F00] =	vst v63  }
0x3f: {  	s24 =	simm.s32 $0x300  }
0x40: {  	[tilespmem:s30], [sflag:$0x1] =	stream.indirect.gather [hbm4b:s1+s18], $0x20, s24, s18, $0xb8;
	[tilespmem:$0x11F00] =	vst v63  }
0x41: {  	_ =	swait.ge [sflag:s31], $0x1000  }
0x42: {  	[sflag:s31] =	ssyncset.done $0x0  }
0x43: {  	s26 =	simm.s32 $0x380;
	[sflag:s31] =	ssyncadd.s32 $0xFFFFF000  }
0x44: {  	[tilespmem:s2], [sflag:$0x1] =	stream.indirect.gather [hbm4b:s1+s18], $0x20, s26, s18, $0xb8;
	[tilespmem:$0x11F00] =	vst v63  }
0x45: {  	s29 =	simm.s32 $0x2800  }
0x46: {  	[spmem:s3] =	stream.indirect.scatter.add.f32 [tilespmem:s15], [sflag:$0x2], $0x20, s29, s18, $0xb8;
	[tilespmem:$0x11F00] =	vst v63  }
0x47: {  	_ =	swait.ge [sflag:s16], $0x1000  }
0x48: {  	[sflag:s16] =	ssyncset.done $0x0  }
0x49: {  	[sflag:s16] =	ssyncadd.s32 $0xFFFFF000  }
0x4a: {  	p0 =	por $0x0, $0x0;
	s0 =	simm.s32 $0x1000;
	_ =	swait.ge [sflag:s31], $0x1000  }
0x4b: {  	s0 =	simm.s32 @p0 $0x0;
	[sflag:s31] =	ssyncset.done $0x0  }
0x4c: {  	s0 =	sshra.s32 s0, $0x2;
	[sflag:s31] =	ssyncadd.s32 $0xFFFFF000  }
0x4d: {  	[tilespmem:s15], [sflag:$0x1] =	stream.indirect.gather [hbm4b:s1+s18], $0x20, s0, s18, $0xb8;
	[tilespmem:$0x11F00] =	vst v63  }
0x4e: {  	s5 =	simm.s32 $0x2880  }
0x4f: {  	[spmem:s3] =	stream.indirect.scatter.add.f32 [tilespmem:s19], [sflag:$0x2], $0x20, s5, s18, $0xb8;
	[tilespmem:$0x11F00] =	vst v63  }
0x50: {  	_ =	swait.ge [sflag:s16], $0x1000  }
0x51: {  	[sflag:s16] =	ssyncset.done $0x0  }
0x52: {  	[sflag:s16] =	ssyncadd.s32 $0xFFFFF000  }
0x53: {  	s0 =	simm.s32 $0x1200;
	_ =	swait.ge [sflag:s31], $0x1000  }
0x54: {  	s0 =	simm.s32 @p0 $0x200;
	[sflag:s31] =	ssyncset.done $0x0  }
0x55: {  	s0 =	sshra.s32 s0, $0x2;
	[sflag:s31] =	ssyncadd.s32 $0xFFFFF000  }
0x56: {  	[tilespmem:s19], [sflag:$0x1] =	stream.indirect.gather [hbm4b:s1+s18], $0x20, s0, s18, $0xb8;
	[tilespmem:$0x11F00] =	vst v63  }
0x57: {  	s7 =	simm.s32 $0x2900  }
0x58: {  	[spmem:s3] =	stream.indirect.scatter.add.f32 [tilespmem:s21], [sflag:$0x2], $0x20, s7, s18, $0xb8;
	[tilespmem:$0x11F00] =	vst v63  }
0x59: {  	_ =	swait.ge [sflag:s16], $0x1000  }
0x5a: {  	[sflag:s16] =	ssyncset.done $0x0  }
0x5b: {  	[sflag:s16] =	ssyncadd.s32 $0xFFFFF000  }
0x5c: {  	s0 =	simm.s32 $0x1400;
	_ =	swait.ge [sflag:s31], $0x1000  }
0x5d: {  	s0 =	simm.s32 @p0 $0x400;
	[sflag:s31] =	ssyncset.done $0x0  }
0x5e: {  	s0 =	sshra.s32 s0, $0x2;
	[sflag:s31] =	ssyncadd.s32 $0xFFFFF000  }
0x5f: {  	[tilespmem:s21], [sflag:$0x1] =	stream.indirect.gather [hbm4b:s1+s18], $0x20, s0, s18, $0xb8;
	[tilespmem:$0x11F00] =	vst v63  }
0x60: {  	s20 =	simm.s32 $0x2980  }
0x61: {  	[spmem:s3] =	stream.indirect.scatter.add.f32 [tilespmem:s23], [sflag:$0x2], $0x20, s20, s18, $0xb8;
	[tilespmem:$0x11F00] =	vst v63  }
0x62: {  	_ =	swait.ge [sflag:s16], $0x1000  }
0x63: {  	[sflag:s16] =	ssyncset.done $0x0  }
0x64: {  	[sflag:s16] =	ssyncadd.s32 $0xFFFFF000  }
0x65: {  	s0 =	simm.s32 $0x1600;
	_ =	swait.ge [sflag:s31], $0x1000  }
0x66: {  	s0 =	simm.s32 @p0 $0x600;
	[sflag:s31] =	ssyncset.done $0x0  }
0x67: {  	s0 =	sshra.s32 s0, $0x2;
	[sflag:s31] =	ssyncadd.s32 $0xFFFFF000  }
0x68: {  	[tilespmem:s23], [sflag:$0x1] =	stream.indirect.gather [hbm4b:s1+s18], $0x20, s0, s18, $0xb8;
	[tilespmem:$0x11F00] =	vst v63  }
0x69: {  	s22 =	simm.s32 $0x2A00  }
0x6a: {  	[spmem:s3] =	stream.indirect.scatter.add.f32 [tilespmem:s25], [sflag:$0x2], $0x20, s22, s18, $0xb8;
	[tilespmem:$0x11F00] =	vst v63  }
0x6b: {  	_ =	swait.ge [sflag:s16], $0x1000  }
0x6c: {  	[sflag:s16] =	ssyncset.done $0x0  }
0x6d: {  	[sflag:s16] =	ssyncadd.s32 $0xFFFFF000  }
0x6e: {  	s0 =	simm.s32 $0x1800;
	_ =	swait.ge [sflag:s31], $0x1000  }
0x6f: {  	s0 =	simm.s32 @p0 $0x800;
	[sflag:s31] =	ssyncset.done $0x0  }
0x70: {  	s0 =	sshra.s32 s0, $0x2;
	[sflag:s31] =	ssyncadd.s32 $0xFFFFF000  }
0x71: {  	[tilespmem:s25], [sflag:$0x1] =	stream.indirect.gather [hbm4b:s1+s18], $0x20, s0, s18, $0xb8;
	[tilespmem:$0x11F00] =	vst v63  }
0x72: {  	s24 =	simm.s32 $0x2A80  }
0x73: {  	[spmem:s3] =	stream.indirect.scatter.add.f32 [tilespmem:s28], [sflag:$0x2], $0x20, s24, s18, $0xb8;
	[tilespmem:$0x11F00] =	vst v63  }
0x74: {  	_ =	swait.ge [sflag:s16], $0x1000  }
0x75: {  	[sflag:s16] =	ssyncset.done $0x0  }
0x76: {  	[sflag:s16] =	ssyncadd.s32 $0xFFFFF000  }
0x77: {  	s0 =	simm.s32 $0x1A00;
	_ =	swait.ge [sflag:s31], $0x1000  }
0x78: {  	s0 =	simm.s32 @p0 $0xA00;
	[sflag:s31] =	ssyncset.done $0x0  }
0x79: {  	s0 =	sshra.s32 s0, $0x2;
	[sflag:s31] =	ssyncadd.s32 $0xFFFFF000  }
0x7a: {  	[tilespmem:s28], [sflag:$0x1] =	stream.indirect.gather [hbm4b:s1+s18], $0x20, s0, s18, $0xb8;
	[tilespmem:$0x11F00] =	vst v63  }
0x7b: {  	s26 =	simm.s32 $0x2B00  }
0x7c: {  	[spmem:s3] =	stream.indirect.scatter.add.f32 [tilespmem:s30], [sflag:$0x2], $0x20, s26, s18, $0xb8;
	[tilespmem:$0x11F00] =	vst v63  }
0x7d: {  	_ =	swait.ge [sflag:s16], $0x1000  }
0x7e: {  	[sflag:s16] =	ssyncset.done $0x0  }
0x7f: {  	[sflag:s16] =	ssyncadd.s32 $0xFFFFF000  }
0x80: {  	s0 =	simm.s32 $0x1C00;
	_ =	swait.ge [sflag:s31], $0x1000  }
0x81: {  	s0 =	simm.s32 @p0 $0xC00;
	[sflag:s31] =	ssyncset.done $0x0  }
0x82: {  	s0 =	sshra.s32 s0, $0x2;
	[sflag:s31] =	ssyncadd.s32 $0xFFFFF000  }
0x83: {  	[tilespmem:s30], [sflag:$0x1] =	stream.indirect.gather [hbm4b:s1+s18], $0x20, s0, s18, $0xb8;
	[tilespmem:$0x11F00] =	vst v63  }
0x84: {  	s29 =	simm.s32 $0x2B80  }
0x85: {  	[spmem:s3] =	stream.indirect.scatter.add.f32 [tilespmem:s2], [sflag:$0x2], $0x20, s29, s18, $0xb8;
	[tilespmem:$0x11F00] =	vst v63  }
0x86: {  	_ =	swait.ge [sflag:s16], $0x1000  }
0x87: {  	s20 =	simm.s32 $0x2C00;
	[sflag:s16] =	ssyncset.done $0x0  }
.LBB2_2:
0x88: {  	p0 =	sne.s32 s20, $0xAC00  }
0x89: {  	[sflag:s16] =	ssyncadd.s32 $0xFFFFF000;
	s0 =	smov.u32 s20;
	s20 =	sadd.s32 $0x1000, s20  }
0x8a: {  	_ = 	snop  }
0x8b: {  	_ =	swait.ge [sflag:s31], $0x1000  }
0x8c: {  	s22 =	sshra.s32 s0, $0x2;
	[sflag:s31] =	ssyncset.done $0x0  }
0x8d: {  	s5 =	sadd.s32 $0xFFFFFC80, s22;
	[sflag:s31] =	ssyncadd.s32 $0xFFFFF000  }
0x8e: {  	[tilespmem:s2], [sflag:$0x1] =	stream.indirect.gather [hbm4b:s1+s18], $0x20, s5, s18, $0xb8;
	[tilespmem:$0x11F00] =	vst v63  }
0x8f: {  	s5 =	sadd.s32 $0x2100, s22  }
0x90: {  	[spmem:s3] =	stream.indirect.scatter.add.f32 [tilespmem:s15], [sflag:$0x2], $0x20, s5, s18, $0xb8;
	[tilespmem:$0x11F00] =	vst v63  }
0x91: {  	_ =	swait.ge [sflag:s16], $0x1000  }
0x92: {  	s24 =	sadd.s32 $0xFFFFFE00, s0;
	[sflag:s16] =	ssyncset.done $0x0  }
0x93: {  	s29 =	sadd.s32 $0xFFFFFA00, s0;
	s26 =	sadd.s32 $0xFFFFFC00, s0;
	[sflag:s16] =	ssyncadd.s32 $0xFFFFF000  }
0x94: {  	p1 =	seq.s32 s0, $0xAC00;
	s5 =	sadd.s32 $0xFFFFF400, s0;
	_ =	swait.ge [sflag:s31], $0x1000  }
0x95: {  	s29 =	simm.s32 @p1 $0x600;
	s5 =	simm.s32 @p1 $0x0;
	[sflag:s31] =	ssyncset.done $0x0  }
0x96: {  	s26 =	simm.s32 @p1 $0x800;
	s5 =	sshra.s32 s5, $0x2;
	[sflag:s31] =	ssyncadd.s32 $0xFFFFF000  }
0x97: {  	[tilespmem:s15], [sflag:$0x1] =	stream.indirect.gather [hbm4b:s1+s18], $0x20, s5, s18, $0xb8;
	[tilespmem:$0x11F00] =	vst v63  }
0x98: {  	s5 =	smov.u32 s0  }
0x99: {  	s7 =	sadd.s32 $0x2180, s22;
	s24 =	simm.s32 @p1 $0xA00;
	s5 =	simm.s32 @p1 $0xC00  }
0x9a: {  	[spmem:s3] =	stream.indirect.scatter.add.f32 [tilespmem:s19], [sflag:$0x2], $0x20, s7, s18, $0xb8;
	[tilespmem:$0x11F00] =	vst v63  }
0x9b: {  	_ =	swait.ge [sflag:s16], $0x1000  }
0x9c: {  	[sflag:s16] =	ssyncset.done $0x0  }
0x9d: {  	[sflag:s16] =	ssyncadd.s32 $0xFFFFF000  }
0x9e: {  	s7 =	sadd.s32 $0xFFFFF600, s0;
	_ =	swait.ge [sflag:s31], $0x1000  }
0x9f: {  	s7 =	simm.s32 @p1 $0x200;
	[sflag:s31] =	ssyncset.done $0x0  }
0xa0: {  	s7 =	sshra.s32 s7, $0x2;
	[sflag:s31] =	ssyncadd.s32 $0xFFFFF000  }
0xa1: {  	[tilespmem:s19], [sflag:$0x1] =	stream.indirect.gather [hbm4b:s1+s18], $0x20, s7, s18, $0xb8;
	[tilespmem:$0x11F00] =	vst v63  }
0xa2: {  	s7 =	sadd.s32 $0x2200, s22  }
0xa3: {  	[spmem:s3] =	stream.indirect.scatter.add.f32 [tilespmem:s21], [sflag:$0x2], $0x20, s7, s18, $0xb8;
	[tilespmem:$0x11F00] =	vst v63  }
0xa4: {  	_ =	swait.ge [sflag:s16], $0x1000  }
0xa5: {  	[sflag:s16] =	ssyncset.done $0x0  }
0xa6: {  	[sflag:s16] =	ssyncadd.s32 $0xFFFFF000  }
0xa7: {  	s0 =	sadd.s32 $0xFFFFF800, s0;
	_ =	swait.ge [sflag:s31], $0x1000  }
0xa8: {  	s0 =	simm.s32 @p1 $0x400;
	[sflag:s31] =	ssyncset.done $0x0  }
0xa9: {  	s0 =	sshra.s32 s0, $0x2;
	[sflag:s31] =	ssyncadd.s32 $0xFFFFF000  }
0xaa: {  	[tilespmem:s21], [sflag:$0x1] =	stream.indirect.gather [hbm4b:s1+s18], $0x20, s0, s18, $0xb8;
	[tilespmem:$0x11F00] =	vst v63  }
0xab: {  	s0 =	sadd.s32 $0x2280, s22  }
0xac: {  	[spmem:s3] =	stream.indirect.scatter.add.f32 [tilespmem:s23], [sflag:$0x2], $0x20, s0, s18, $0xb8;
	[tilespmem:$0x11F00] =	vst v63  }
0xad: {  	_ =	swait.ge [sflag:s16], $0x1000  }
0xae: {  	[sflag:s16] =	ssyncset.done $0x0  }
0xaf: {  	[sflag:s16] =	ssyncadd.s32 $0xFFFFF000  }
0xb0: {  	_ =	swait.ge [sflag:s31], $0x1000  }
0xb1: {  	[sflag:s31] =	ssyncset.done $0x0  }
0xb2: {  	s0 =	sshra.s32 s29, $0x2;
	[sflag:s31] =	ssyncadd.s32 $0xFFFFF000  }
0xb3: {  	[tilespmem:s23], [sflag:$0x1] =	stream.indirect.gather [hbm4b:s1+s18], $0x20, s0, s18, $0xb8;
	[tilespmem:$0x11F00] =	vst v63  }
0xb4: {  	s0 =	sadd.s32 $0x2300, s22  }
0xb5: {  	[spmem:s3] =	stream.indirect.scatter.add.f32 [tilespmem:s25], [sflag:$0x2], $0x20, s0, s18, $0xb8;
	[tilespmem:$0x11F00] =	vst v63  }
0xb6: {  	_ =	swait.ge [sflag:s16], $0x1000  }
0xb7: {  	[sflag:s16] =	ssyncset.done $0x0  }
0xb8: {  	[sflag:s16] =	ssyncadd.s32 $0xFFFFF000  }
0xb9: {  	_ =	swait.ge [sflag:s31], $0x1000  }
0xba: {  	[sflag:s31] =	ssyncset.done $0x0  }
0xbb: {  	s0 =	sshra.s32 s26, $0x2;
	[sflag:s31] =	ssyncadd.s32 $0xFFFFF000  }
0xbc: {  	[tilespmem:s25], [sflag:$0x1] =	stream.indirect.gather [hbm4b:s1+s18], $0x20, s0, s18, $0xb8;
	[tilespmem:$0x11F00] =	vst v63  }
0xbd: {  	s0 =	sadd.s32 $0x2380, s22  }
0xbe: {  	[spmem:s3] =	stream.indirect.scatter.add.f32 [tilespmem:s28], [sflag:$0x2], $0x20, s0, s18, $0xb8;
	[tilespmem:$0x11F00] =	vst v63  }
0xbf: {  	_ =	swait.ge [sflag:s16], $0x1000  }
0xc0: {  	[sflag:s16] =	ssyncset.done $0x0  }
0xc1: {  	[sflag:s16] =	ssyncadd.s32 $0xFFFFF000  }
0xc2: {  	_ =	swait.ge [sflag:s31], $0x1000  }
0xc3: {  	[sflag:s31] =	ssyncset.done $0x0  }
0xc4: {  	s0 =	sshra.s32 s24, $0x2;
	[sflag:s31] =	ssyncadd.s32 $0xFFFFF000  }
0xc5: {  	[tilespmem:s28], [sflag:$0x1] =	stream.indirect.gather [hbm4b:s1+s18], $0x20, s0, s18, $0xb8;
	[tilespmem:$0x11F00] =	vst v63  }
0xc6: {  	s0 =	sadd.s32 $0x2400, s22  }
0xc7: {  	[spmem:s3] =	stream.indirect.scatter.add.f32 [tilespmem:s30], [sflag:$0x2], $0x20, s0, s18, $0xb8;
	[tilespmem:$0x11F00] =	vst v63  }
0xc8: {  	_ =	swait.ge [sflag:s16], $0x1000  }
0xc9: {  	[sflag:s16] =	ssyncset.done $0x0  }
0xca: {  	[sflag:s16] =	ssyncadd.s32 $0xFFFFF000  }
0xcb: {  	_ =	swait.ge [sflag:s31], $0x1000  }
0xcc: {  	[sflag:s31] =	ssyncset.done $0x0  }
0xcd: {  	s0 =	sshra.s32 s5, $0x2;
	[sflag:s31] =	ssyncadd.s32 $0xFFFFF000  }
0xce: {  	[tilespmem:s30], [sflag:$0x1] =	stream.indirect.gather [hbm4b:s1+s18], $0x20, s0, s18, $0xb8;
	[tilespmem:$0x11F00] =	vst v63  }
.Ltmp0:
0xcf: {  	_ = 	snop;
	(pc) =	sbr.rel @p0 .LBB2_2-.Ltmp0, $4  }
0xd0: {  	s0 =	sadd.s32 $0x2480, s22  }
0xd1: {  	[spmem:s3] =	stream.indirect.scatter.add.f32 [tilespmem:s2], [sflag:$0x2], $0x20, s0, s18, $0xb8;
	[tilespmem:$0x11F00] =	vst v63  }
0xd2: {  	_ =	swait.ge [sflag:s16], $0x1000  }
0xd3: {  	[sflag:s16] =	ssyncset.done $0x0  }
0xd4: {  	[sflag:s16] =	ssyncadd.s32 $0xFFFFF000  }
0xd5: {  	_ =	swait.ge [sflag:s31], $0x1000  }
0xd6: {  	[sflag:s31] =	ssyncset.done $0x0  }
0xd7: {  	[sflag:s31] =	ssyncadd.s32 $0xFFFFF000  }
0xd8: {  	_ =	swait.ge [sflag:s31], $0x1000  }
0xd9: {  	[sflag:s31] =	ssyncset.done $0x0  }
0xda: {  	[sflag:s31] =	ssyncadd.s32 $0xFFFFF000  }
0xdb: {  	_ =	swait.ge [sflag:s31], $0x1000  }
0xdc: {  	[sflag:s31] =	ssyncset.done $0x0  }
0xdd: {  	[sflag:s31] =	ssyncadd.s32 $0xFFFFF000  }
0xde: {  	_ =	swait.ge [sflag:s31], $0x1000  }
0xdf: {  	[sflag:s31] =	ssyncset.done $0x0  }
0xe0: {  	[sflag:s31] =	ssyncadd.s32 $0xFFFFF000  }
0xe1: {  	_ =	swait.ge [sflag:s31], $0x1000  }
0xe2: {  	[sflag:s31] =	ssyncset.done $0x0  }
0xe3: {  	[sflag:s31] =	ssyncadd.s32 $0xFFFFF000  }
0xe4: {  	_ =	swait.ge [sflag:s31], $0x1000  }
0xe5: {  	[sflag:s31] =	ssyncset.done $0x0  }
0xe6: {  	[sflag:s31] =	ssyncadd.s32 $0xFFFFF000  }
0xe7: {  	s0 =	stileid.u32;
	_ =	swait.ge [sflag:s31], $0x1000  }
0xe8: {  	s5 =	sshrl.u32 s6, $0x3;
	s17 =	sadd.s32 $0x1, s17;
	[sflag:s31] =	ssyncset.done $0x0  }
0xe9: {  	s0 =	sshll.u32 s0, $0x6;
	p0 =	sne.s32 s17, s14;
	[sflag:s31] =	ssyncadd.s32 $0xFFFFF000  }
.Ltmp1:
0xea: {  	s0 =	sor.u32 $0x1C02, s0;
	[bflag:$0x0] =	sbarrier.arrive $0xFFFF;
	(pc) =	sbr.rel @p0 .LBB2_1-.Ltmp1, $4  }
0xeb: {  	[hbm:s13], [sflag:s0] =	dma.local [spmem:s5], $0x9E0  }
0xec: {  	_ =	swait.ge [sflag:s16], $0x9E0  }
0xed: {  	[sflag:s16] =	ssyncset.done $0x0  }
0xee: {  	[sflag:s16] =	ssyncadd.s32 $0xFFFFF620  }
0xef: {  	_ =	sfence.sel $0x180000  }
0xf0: {  	[bflag:$0x0] =	sbarrier.arrive $0xFFFF  }
0xf1: {  	_ =	strace $0x9000004A  }
0xf2: {  	s0 =	stileid.u32;
	[bflag:$0x2] =	sbarrier.arrive $0xFFFF  }
0xf3: {  	p0 =	sne.s32 s0, $0x0;
	s0 =	rddreg [dreg:$0x3]  }
0xf4: {  	s0 =	sadd.s32 @!p0 $0x100000, s0  }
0xf5: {  	[sflag:s0] =	ssyncadd.tile.s32 @!p0 $0x1;
	_ =	shalt  }
.Lfunc_end2:
_tile_overlayer_lowered:
.L_overlay_start_2:
0xf6: {  	(tag) =	ssettag $0x2  }
0xf7: {  	s0 =	rddreg [dreg:$0x0];
	s2 =	stileid.u32  }
0xf8: {  	s1 =	rddreg [dreg:$0x1];
	p0 =	sne.s32 s2, $0x0  }
0xf9: {  	s3 =	rddreg [dreg:$0x2];
	[bflag:$0x3] =	sbarrier.arrive $0xFFFF;
	s2 =	simm.s32 @!p0 $0x1C02  }
0xfa: {  	[timem:s3], [sflag:s2] =	dma.local @!p0 [hbm:s0], s1  }
0xfb: {  	s0 =	simm.s32 @!p0 $0x2  }
0xfc: {  	_ =	swait.ge @!p0 [sflag:s0], s1  }
0xfd: {  	s1 =	ssub.s32 @!p0 $0x0, s1;
	[sflag:s0] =	ssyncset.done @!p0 $0x0  }
0xfe: {  	[sflag:s0] =	ssyncadd.s32 @!p0 s1  }
0xff: {  	[bflag:$0x3] =	sbarrier.arrive $0xFFFF  }
0x100: {  	_ =	shalt  }

</sc_bundles>
